<compile_context>
chip_gen: v7x
topology: tpu7x:2x2x1
jax: 0.10.2.dev20260603
libtpu: 0.0.44.dev20260713+nightly
codegen_flags: <defaults>
</compile_context>

<pallas_src>
import functools

import jax
import jax.numpy as jnp
from jax import lax
from jax.experimental import pallas as pl
from jax.experimental.pallas import tpu as pltpu
from jax.experimental.pallas import tpu_sc as plsc

_NC = 2
_NS = 16
_NW = _NC * _NS
_L = 16
_C = 128
_BB = 2560


def _edge_body(E, hst_ref, hen_ref, dp_ref, a_ref, b_ref, c_ref,
               be1_ref, we2_ref, be2_ref, winf_ref, binf_ref, w_ref):
    gid = pl.program_id(0)

    @pl.when(gid * _BB < E)
    def _():
        dp = dp_ref[...].reshape(_BB // _C, _C)
        sel = (lax.broadcasted_iota(jnp.int32, (_BB, _BB // _C), 0) // _C
               == lax.broadcasted_iota(jnp.int32, (_BB, _BB // _C), 1)
               ).astype(jnp.float32)
        dbc = jnp.dot(sel, dp, preferred_element_type=jnp.float32)
        lmask = (lax.broadcasted_iota(jnp.int32, (_BB, _C), 0) % _C
                 == lax.broadcasted_iota(jnp.int32, (_BB, _C), 1))
        dist = jnp.sum(jnp.where(lmask, dbc, 0.0), axis=1, keepdims=True)

        z1 = (jnp.dot(hst_ref[...].astype(jnp.bfloat16), a_ref[...],
                      preferred_element_type=jnp.float32)
              + jnp.dot(hen_ref[...].astype(jnp.bfloat16), b_ref[...],
                        preferred_element_type=jnp.float32)
              + dist * c_ref[...] + be1_ref[...])
        s1 = z1 * jax.nn.sigmoid(z1)
        z2 = jnp.dot(s1.astype(jnp.bfloat16), we2_ref[...],
                     preferred_element_type=jnp.float32) + be2_ref[...]
        m = z2 * jax.nn.sigmoid(z2)
        e = jax.nn.sigmoid(jnp.sum(m * winf_ref[...], axis=1, keepdims=True)
                           + binf_ref[...])
        w_ref[...] = e * m

    @pl.when(gid * _BB >= E)
    def _():
        w_ref[...] = jnp.zeros_like(w_ref)


def _node_body(h_ref, p_ref, u_ref, v_ref, bh1_ref, wh2_ref, bh2_ref, out_ref):
    h = h_ref[...]
    m = p_ref[0] + p_ref[1]
    z = (jnp.dot(h.astype(jnp.bfloat16), u_ref[...],
                 preferred_element_type=jnp.float32)
         + jnp.dot(m.astype(jnp.bfloat16), v_ref[...],
                   preferred_element_type=jnp.float32)
         + bh1_ref[...])
    s = z * jax.nn.sigmoid(z)
    out_ref[...] = h + jnp.dot(s.astype(jnp.bfloat16), wh2_ref[...],
                               preferred_element_type=jnp.float32) + bh2_ref[...]


@functools.cache
def _make_edge_call(E, E_pad, D):
    grid = E_pad // _BB
    full = lambda i: (0, 0)
    return pl.pallas_call(
        functools.partial(_edge_body, E),
        grid=(grid,),
        in_specs=[
            pl.BlockSpec((_BB, D), lambda i: (i, 0)),
            pl.BlockSpec((_BB, D), lambda i: (i, 0)),
            pl.BlockSpec((_BB // _C, 1, _C), lambda i: (i, 0, 0)),
            pl.BlockSpec((D, D), full),
            pl.BlockSpec((D, D), full),
            pl.BlockSpec((1, D), full),
            pl.BlockSpec((1, D), full),
            pl.BlockSpec((D, D), full),
            pl.BlockSpec((1, D), full),
            pl.BlockSpec((1, D), full),
            pl.BlockSpec((1, 1), full),
        ],
        out_specs=pl.BlockSpec((_BB, D), lambda i: (i, 0)),
        out_shape=jax.ShapeDtypeStruct((E_pad, D), jnp.float32),
    )


@functools.cache
def _make_node_call(N, D):
    bn = 1000
    grid = N // bn
    full = lambda i: (0, 0)
    return pl.pallas_call(
        _node_body,
        grid=(grid,),
        in_specs=[
            pl.BlockSpec((bn, D), lambda i: (i, 0)),
            pl.BlockSpec((_NC, bn, D), lambda i: (0, i, 0)),
            pl.BlockSpec((D, D), full),
            pl.BlockSpec((D, D), full),
            pl.BlockSpec((1, D), full),
            pl.BlockSpec((D, D), full),
            pl.BlockSpec((1, D), full),
        ],
        out_specs=pl.BlockSpec((bn, D), lambda i: (i, 0)),
        out_shape=jax.ShapeDtypeStruct((N, D), jnp.float32),
    )


def _sc_dist(st16, en16, xf_v):
    a = st16 * 4
    b = en16 * 4
    dx = plsc.load_gather(xf_v, [a]) - plsc.load_gather(xf_v, [b])
    dy = plsc.load_gather(xf_v, [a + 1]) - plsc.load_gather(xf_v, [b + 1])
    dz = plsc.load_gather(xf_v, [a + 2]) - plsc.load_gather(xf_v, [b + 2])
    d2 = dx * dx + dy * dy + dz * dz
    i = jnp.full((_L,), 0x5F3759DF, jnp.int32) - lax.shift_right_logical(
        plsc.bitcast(d2, jnp.int32), 1)
    r = plsc.bitcast(i, jnp.float32)
    r = r * (1.5 - 0.5 * d2 * r * r)
    r = r * (1.5 - 0.5 * d2 * r * r)
    r = r * (1.5 - 0.5 * d2 * r * r)
    return jnp.where(d2 > 0.0, d2 * r, 0.0)


@functools.cache
def _make_dist_call(N, E_pad):
    K = E_pad // (_NW * _C)
    n_chunks = E_pad // _C
    mesh = plsc.VectorSubcoreMesh(core_axis_name="c", subcore_axis_name="s",
                                  num_cores=_NC, num_subcores=_NS)
    f32 = jnp.float32

    @functools.partial(
        pl.kernel,
        out_type=jax.ShapeDtypeStruct((n_chunks, 1, _C), f32),
        mesh=mesh,
        scratch_types=[
            pltpu.VMEM((K, 1, _C), jnp.int32),
            pltpu.VMEM((K, 1, _C), jnp.int32),
            pltpu.VMEM((4 * N,), f32),
            pltpu.VMEM((1, _C), f32),
        ],
        compiler_params=pltpu.CompilerParams(needs_layout_passes=False),
    )
    def dist(xf_hbm, st_hbm, en_hbm, dp_out, st_v, en_v, xf_v, db):
        wid = lax.axis_index("c") * _NS + lax.axis_index("s")
        cbase = wid * K
        pltpu.sync_copy(st_hbm.at[pl.ds(cbase, K)], st_v)
        pltpu.sync_copy(en_hbm.at[pl.ds(cbase, K)], en_v)
        pltpu.sync_copy(xf_hbm, xf_v)

        def body(j, carry):
            for g in range(_C // _L):
                sl = pl.ds(g * _L, _L)
                db[0, sl] = _sc_dist(st_v[j, 0, sl], en_v[j, 0, sl], xf_v)
            pltpu.sync_copy(db, dp_out.at[cbase + j])
            return carry

        lax.fori_loop(0, K, body, 0)

    return dist


_C2 = 64
_G = 8


@functools.cache
def _make_gather_call(N_pad, D, E_pad):
    K2 = E_pad // (_NW * _C2)
    NG = K2 // _G
    rows_pt = N_pad // _NS
    mesh = plsc.VectorSubcoreMesh(core_axis_name="c", subcore_axis_name="s",
                                  num_cores=_NC, num_subcores=_NS)
    f32 = jnp.float32

    @functools.partial(
        pl.kernel,
        out_type=(
            jax.ShapeDtypeStruct((E_pad, D), f32),
            jax.ShapeDtypeStruct((E_pad, D), f32),
        ),
        mesh=mesh,
        scratch_types=[
            pltpu.VMEM_SHARED((N_pad, D), f32),
            pltpu.VMEM((_G, 1, _C2), jnp.int32),
            pltpu.VMEM((_G, 1, _C2), jnp.int32),
            pltpu.VMEM((2, _C2, D), f32),
            pltpu.VMEM((2, _C2, D), f32),
            pltpu.SemaphoreType.DMA,
            pltpu.SemaphoreType.DMA,
            pltpu.SemaphoreType.DMA,
            pltpu.SemaphoreType.DMA,
        ],
    )
    def gather(h_hbm, st_hbm, en_hbm, hst_out, hen_out,
               h_sh, st_r, en_r, hbs, hbe, s0a, s0b, s1a, s1b):
        sid = lax.axis_index("s")
        wid = lax.axis_index("c") * _NS + sid
        cbase = wid * K2
        r0 = sid * rows_pt
        pltpu.sync_copy(h_hbm.at[pl.ds(r0, rows_pt)],
                        h_sh.at[pl.ds(r0, rows_pt)])
        plsc.subcore_barrier()
        ss = (s0a, s1a)
        se = (s0b, s1b)

        def start(r, b):
            pltpu.async_copy(h_sh.at[st_r.at[r, 0]], hbs.at[b], ss[b])
            pltpu.async_copy(h_sh.at[en_r.at[r, 0]], hbe.at[b], se[b])

        def drain(b):
            pltpu.make_async_copy(h_sh.at[st_r.at[0, 0]], hbs.at[b], ss[b]).wait()
            pltpu.make_async_copy(h_sh.at[en_r.at[0, 0]], hbe.at[b], se[b]).wait()

        def body(g, carry):
            pltpu.sync_copy(st_hbm.at[pl.ds(cbase + g * _G, _G)], st_r)
            pltpu.sync_copy(en_hbm.at[pl.ds(cbase + g * _G, _G)], en_r)
            start(0, 0)
            for b in range(_G):
                if b + 1 < _G:
                    start(b + 1, (b + 1) % 2)
                drain(b % 2)
                row0 = (cbase + g * _G + b) * _C2
                pltpu.sync_copy(hbs.at[b % 2], hst_out.at[pl.ds(row0, _C2)])
                pltpu.sync_copy(hbe.at[b % 2], hen_out.at[pl.ds(row0, _C2)])
            return carry

        lax.fori_loop(0, NG, body, 0)

    return gather


@functools.cache
def _make_scatter_call(N_pad, D, E_pad):
    K = E_pad // (_NW * _C)
    rows_pt = N_pad // _NS
    mesh = plsc.VectorSubcoreMesh(core_axis_name="c", subcore_axis_name="s",
                                  num_cores=_NC, num_subcores=_NS)
    f32 = jnp.float32

    @functools.partial(
        pl.kernel,
        out_type=jax.ShapeDtypeStruct((_NC, N_pad, D), f32),
        mesh=mesh,
        scratch_types=[
            pltpu.VMEM_SHARED((N_pad, D), f32),
            pltpu.VMEM((K, 1, _C), jnp.int32),
            pltpu.VMEM((2, _C, D), f32),
            pltpu.SemaphoreType.DMA,
            pltpu.SemaphoreType.DMA,
        ],
    )
    def scatter(w_hbm, st_hbm, zeros_hbm, out_hbm, shared, st_v, wbuf, r0s, r1s):
        cid = lax.axis_index("c")
        sid = lax.axis_index("s")
        r0 = sid * rows_pt
        pltpu.sync_copy(zeros_hbm.at[pl.ds(r0, rows_pt)],
                        shared.at[pl.ds(r0, rows_pt)])
        plsc.subcore_barrier()
        cbase = (cid * _NS + sid) * K
        pltpu.sync_copy(st_hbm.at[pl.ds(cbase, K)], st_v)
        rs = (r0s, r1s)

        def startw(j, b):
            pltpu.async_copy(w_hbm.at[pl.ds((cbase + j) * _C, _C)],
                             wbuf.at[b], rs[b])

        def drainw(b):
            pltpu.make_async_copy(w_hbm.at[pl.ds(0, _C)], wbuf.at[b],
                                  rs[b]).wait()

        startw(0, 0)

        def body(i, carry):
            for b in (0, 1):
                j = 2 * i + b
                startw(jnp.minimum(j + 1, K - 1), 1 - b)
                drainw(b)
                pltpu.sync_copy(wbuf.at[b], shared.at[st_v.at[j, 0]], add=True)
            return carry

        lax.fori_loop(0, K // 2, body, 0)
        drainw(0)
        plsc.subcore_barrier()
        pltpu.sync_copy(shared.at[pl.ds(r0, rows_pt)],
                        out_hbm.at[cid].at[pl.ds(r0, rows_pt)])

    return scatter


def kernel(x, h, edges, We1, be1, We2, be2, Winf, binf, Wh1, bh1, Wh2, bh2):
    N, D = h.shape
    E = edges.shape[0]
    cpw = _C * 8
    per_w = -(-E // (_NW * cpw)) * cpw
    E_pad = per_w * _NW

    st = edges[:, 0]
    en = edges[:, 1]
    pad = E_pad - E
    st3 = jnp.pad(st, (0, pad)).reshape(-1, 1, _C)
    en3 = jnp.pad(en, (0, pad)).reshape(-1, 1, _C)
    xf = jnp.pad(x, ((0, 0), (0, 4 - x.shape[1]))).reshape(-1)

    n_pad = -(-N // (_NS * 8)) * _NS * 8
    hp = jnp.pad(h, ((0, n_pad - N), (0, 0)))
    st64 = st3.reshape(-1, 1, _C2)
    en64 = en3.reshape(-1, 1, _C2)
    dp = _make_dist_call(N, E_pad)(xf, st3, en3)
    hst, hen = _make_gather_call(n_pad, D, E_pad)(hp, st64, en64)

    bf16 = jnp.bfloat16
    w = _make_edge_call(E, E_pad, D)(
        hst, hen, dp,
        We1[:D].astype(bf16), We1[D:2 * D].astype(bf16),
        We1[2 * D].reshape(1, D),
        be1.reshape(1, D), We2.astype(bf16), be2.reshape(1, D),
        Winf.reshape(1, D), binf.reshape(1, 1))

    p = _make_scatter_call(n_pad, D, E_pad)(
        w, st3, jnp.zeros((n_pad, D), jnp.float32))

    return _make_node_call(N, D)(
        h, p, Wh1[:D].astype(bf16), Wh1[D:].astype(bf16),
        bh1.reshape(1, D), Wh2.astype(bf16), bh2.reshape(1, D))

# --- scband reference (transcript-rebuilt; emitter-appended) ---
"""Pipeline reference for scband-conv-egnn-29686813950281 (READ-ONLY COPY).

The authoritative reference and input builder live on the scoring server;
editing this copy changes nothing except your own understanding.
"""

import jax, jax.numpy as jnp
import numpy as np

N = 10000
E = 320000
D = 128

def silu(v):
    return v * jax.nn.sigmoid(v)

def setup_inputs(seed: int = 0):
    key = jax.random.key(seed)
    ks = jax.random.split(key, 16)
    x = jax.random.normal(ks[0], (N, 3), dtype=jnp.float32)
    h = jax.random.normal(ks[1], (N, D), dtype=jnp.float32)
    st = jax.random.randint(ks[2], (E,), 0, N)
    off = jax.random.randint(ks[3], (E,), 1, N)
    en = (st + off) % N  # avoid self-loops so dist>0 (norm grad well-defined)
    edges = jnp.stack([st, en], axis=1).astype(jnp.int32)
    s = 0.05
    We1 = jax.random.normal(ks[4], (2 * D + 1, D), dtype=jnp.float32) * s
    be1 = jnp.zeros((D,), jnp.float32)
    We2 = jax.random.normal(ks[5], (D, D), dtype=jnp.float32) * s
    be2 = jnp.zeros((D,), jnp.float32)
    Winf = jax.random.normal(ks[6], (D, 1), dtype=jnp.float32) * s
    binf = jnp.zeros((1,), jnp.float32)
    Wh1 = jax.random.normal(ks[7], (2 * D, D), dtype=jnp.float32) * s
    bh1 = jnp.zeros((D,), jnp.float32)
    Wh2 = jax.random.normal(ks[8], (D, D), dtype=jnp.float32) * s
    bh2 = jnp.zeros((D,), jnp.float32)
    return {"x": x, "h": h, "edges": edges, "We1": We1, "be1": be1, "We2": We2, "be2": be2, "Winf": Winf, "binf": binf, "Wh1": Wh1, "bh1": bh1, "Wh2": Wh2, "bh2": bh2}

def reference(x, h, edges, We1, be1, We2, be2, Winf, binf, Wh1, bh1, Wh2, bh2):
    e_st = edges[:, 0]
    e_end = edges[:, 1]
    diff = x[e_st] - x[e_end]
    dists = jnp.linalg.norm(diff, axis=1).reshape(-1, 1)
    tmp = jnp.concatenate([h[e_st], h[e_end], dists], axis=1)
    m_ij = silu(silu(tmp @ We1 + be1) @ We2 + be2)
    e_ij = jax.nn.sigmoid(m_ij @ Winf + binf)
    m_i = jax.ops.segment_sum(e_ij * m_ij, e_st, num_segments=N)
    t2 = jnp.concatenate([h, m_i], axis=1)
    h_new = h + (silu(t2 @ Wh1 + bh1) @ Wh2 + bh2)
    return h_new

if __name__ == "__main__":
    import jax
    _d = setup_inputs()
    print(jax.jit(kernel)(*tuple(_d.values())))

</pallas_src>

<mosaic_0001>
#map = affine_map<(d0, d1) -> (0, 0)>
#map1 = affine_map<(d0, d1) -> (0, 0, 0)>
module attributes {stable_mosaic.version = 14 : i64} {
  func.func @gather(%arg0: i32, %arg1: i32, %arg2: memref<10112x128xf32, #tpu.memory_space<hbm>>, %arg3: memref<5120x1x64xi32, #tpu.memory_space<hbm>>, %arg4: memref<5120x1x64xi32, #tpu.memory_space<hbm>>, %arg5: memref<327680x128xf32, #tpu.memory_space<hbm>>, %arg6: memref<327680x128xf32, #tpu.memory_space<hbm>>, %arg7: memref<10112x128xf32, #tpu.memory_space<vmem_shared>>, %arg8: memref<8x1x64xi32, #tpu.memory_space<vmem>>, %arg9: memref<8x1x64xi32, #tpu.memory_space<vmem>>, %arg10: memref<2x64x128xf32, #tpu.memory_space<vmem>>, %arg11: memref<2x64x128xf32, #tpu.memory_space<vmem>>, %arg12: memref<!tpu.dma_semaphore, #tpu.memory_space<semaphore_mem>>, %arg13: memref<!tpu.dma_semaphore, #tpu.memory_space<semaphore_mem>>, %arg14: memref<!tpu.dma_semaphore, #tpu.memory_space<semaphore_mem>>, %arg15: memref<!tpu.dma_semaphore, #tpu.memory_space<semaphore_mem>>) attributes {dimension_semantics = [#tpu.dimension_semantics<core_parallel>, #tpu.dimension_semantics<subcore_parallel>], iteration_bounds = array<i64: 2, 16>, scalar_prefetch = 0 : i64, scratch_operands = 9 : i64, tpu.core_type = #tpu.core_type<sc_vector_subcore>, window_params = [{transform_indices = #map}, {transform_indices = #map1}, {transform_indices = #map1}, {transform_indices = #map}, {transform_indices = #map}]} {
    %mul3A = arith.constant 16 : i32
    %mul3A_0 = arith.muli %arg0, %mul3A : i32
    %add3A = arith.addi %mul3A_0, %arg1 : i32
    %mul3A_1 = arith.constant 160 : i32
    %mul3A_2 = arith.muli %add3A, %mul3A_1 : i32
    %mul3A_3 = arith.constant 632 : i32
    %mul3A_4 = arith.muli %arg1, %mul3A_3 : i32
    "tpu.region"() ({
      %run_scoped3A = tpu.sem_alloc : memref<!tpu.dma_semaphore, #tpu.memory_space<semaphore_mem>>
      %dma_start3A = arith.constant 0 : i32
      %dma_start3A_10 = tpu.memref_slice %arg7[%mul3A_4, %dma_start3A] : memref<10112x128xf32, #tpu.memory_space<vmem_shared>> -> memref<632x128xf32, #tpu.memory_space<vmem_shared>>
      %dma_start3A_11 = arith.constant 0 : i32
      %dma_start3A_12 = tpu.memref_slice %arg2[%mul3A_4, %dma_start3A_11] : memref<10112x128xf32, #tpu.memory_space<hbm>> -> memref<632x128xf32, #tpu.memory_space<hbm>>
      tpu.enqueue_dma source(%dma_start3A_12 : memref<632x128xf32, #tpu.memory_space<hbm>>) target(%dma_start3A_10 : memref<632x128xf32, #tpu.memory_space<vmem_shared>>) target_semaphore(%run_scoped3A : memref<!tpu.dma_semaphore, #tpu.memory_space<semaphore_mem>>)
      %dma_wait3A = arith.constant 0 : i32
      %dma_wait3A_13 = tpu.memref_slice %arg7[%mul3A_4, %dma_wait3A] : memref<10112x128xf32, #tpu.memory_space<vmem_shared>> -> memref<632x128xf32, #tpu.memory_space<vmem_shared>>
      %dma_wait3A_14 = arith.constant 0 : i32
      %dma_wait3A_15 = tpu.memref_slice %arg2[%mul3A_4, %dma_wait3A_14] : memref<10112x128xf32, #tpu.memory_space<hbm>> -> memref<632x128xf32, #tpu.memory_space<hbm>>
      tpu.wait_dma2 semaphore(%run_scoped3A : memref<!tpu.dma_semaphore, #tpu.memory_space<semaphore_mem>>) src(%dma_wait3A_15 : memref<632x128xf32, #tpu.memory_space<hbm>>) dst(%dma_wait3A_13 : memref<632x128xf32, #tpu.memory_space<vmem_shared>>)
      tpu.yield
    }) : () -> ()
    %barrier3A = arith.constant 0 : index
    tpu.barrier barrier_id(%barrier3A)
    %scan3A = arith.constant 0 : i32
    %scan3A_5 = arith.constant 0 : i32
    %scan3A_6 = arith.constant 20 : i32
    %scan3A_7 = arith.addi %scan3A_5, %scan3A_6 : i32
    %scan3A_8 = arith.constant 1 : i32
    scf.for %scan3A_10 = %scan3A_5 to %scan3A_7 step %scan3A_8  : i32 {
      %mul3A_11 = arith.constant 8 : i32
      %mul3A_12 = arith.muli %scan3A_10, %mul3A_11 : i32
      %add3A_13 = arith.addi %mul3A_2, %mul3A_12 : i32
      "tpu.region"() ({
        %run_scoped3A_502 = tpu.sem_alloc : memref<!tpu.dma_semaphore, #tpu.memory_space<semaphore_mem>>
        %dma_start3A_503 = arith.constant 0 : i32
        %dma_start3A_504 = arith.constant 0 : i32
        %dma_start3A_505 = tpu.memref_slice %arg3[%add3A_13, %dma_start3A_503, %dma_start3A_504] : memref<5120x1x64xi32, #tpu.memory_space<hbm>> -> memref<8x1x64xi32, #tpu.memory_space<hbm>>
        %dma_start3A_506 = arith.constant 0 : i32
        %dma_start3A_507 = arith.constant 0 : i32
        %dma_start3A_508 = tpu.memref_slice %arg3[%add3A_13, %dma_start3A_506, %dma_start3A_507] : memref<5120x1x64xi32, #tpu.memory_space<hbm>> -> memref<8x1x64xi32, #tpu.memory_space<hbm>>
        tpu.enqueue_dma source(%dma_start3A_508 : memref<8x1x64xi32, #tpu.memory_space<hbm>>) target(%arg8 : memref<8x1x64xi32, #tpu.memory_space<vmem>>) target_semaphore(%run_scoped3A_502 : memref<!tpu.dma_semaphore, #tpu.memory_space<semaphore_mem>>)
        %dma_wait3A_509 = arith.constant 0 : i32
        %dma_wait3A_510 = arith.constant 0 : i32
        %dma_wait3A_511 = tpu.memref_slice %arg3[%add3A_13, %dma_wait3A_509, %dma_wait3A_510] : memref<5120x1x64xi32, #tpu.memory_space<hbm>> -> memref<8x1x64xi32, #tpu.memory_space<hbm>>
        %dma_wait3A_512 = arith.constant 0 : i32
        %dma_wait3A_513 = arith.constant 0 : i32
        %dma_wait3A_514 = tpu.memref_slice %arg3[%add3A_13, %dma_wait3A_512, %dma_wait3A_513] : memref<5120x1x64xi32, #tpu.memory_space<hbm>> -> memref<8x1x64xi32, #tpu.memory_space<hbm>>
        tpu.wait_dma2 semaphore(%run_scoped3A_502 : memref<!tpu.dma_semaphore, #tpu.memory_space<semaphore_mem>>) src(%dma_wait3A_514 : memref<8x1x64xi32, #tpu.memory_space<hbm>>) dst(%arg8 : memref<8x1x64xi32, #tpu.memory_space<vmem>>)
        tpu.yield
      }) : () -> ()
      %mul3A_14 = arith.constant 8 : i32
      %mul3A_15 = arith.muli %scan3A_10, %mul3A_14 : i32
      %add3A_16 = arith.addi %mul3A_2, %mul3A_15 : i32
      "tpu.region"() ({
        %run_scoped3A_502 = tpu.sem_alloc : memref<!tpu.dma_semaphore, #tpu.memory_space<semaphore_mem>>
        %dma_start3A_503 = arith.constant 0 : i32
        %dma_start3A_504 = arith.constant 0 : i32
        %dma_start3A_505 = tpu.memref_slice %arg4[%add3A_16, %dma_start3A_503, %dma_start3A_504] : memref<5120x1x64xi32, #tpu.memory_space<hbm>> -> memref<8x1x64xi32, #tpu.memory_space<hbm>>
        %dma_start3A_506 = arith.constant 0 : i32
        %dma_start3A_507 = arith.constant 0 : i32
        %dma_start3A_508 = tpu.memref_slice %arg4[%add3A_16, %dma_start3A_506, %dma_start3A_507] : memref<5120x1x64xi32, #tpu.memory_space<hbm>> -> memref<8x1x64xi32, #tpu.memory_space<hbm>>
        tpu.enqueue_dma source(%dma_start3A_508 : memref<8x1x64xi32, #tpu.memory_space<hbm>>) target(%arg9 : memref<8x1x64xi32, #tpu.memory_space<vmem>>) target_semaphore(%run_scoped3A_502 : memref<!tpu.dma_semaphore, #tpu.memory_space<semaphore_mem>>)
        %dma_wait3A_509 = arith.constant 0 : i32
        %dma_wait3A_510 = arith.constant 0 : i32
        %dma_wait3A_511 = tpu.memref_slice %arg4[%add3A_16, %dma_wait3A_509, %dma_wait3A_510] : memref<5120x1x64xi32, #tpu.memory_space<hbm>> -> memref<8x1x64xi32, #tpu.memory_space<hbm>>
        %dma_wait3A_512 = arith.constant 0 : i32
        %dma_wait3A_513 = arith.constant 0 : i32
        %dma_wait3A_514 = tpu.memref_slice %arg4[%add3A_16, %dma_wait3A_512, %dma_wait3A_513] : memref<5120x1x64xi32, #tpu.memory_space<hbm>> -> memref<8x1x64xi32, #tpu.memory_space<hbm>>
        tpu.wait_dma2 semaphore(%run_scoped3A_502 : memref<!tpu.dma_semaphore, #tpu.memory_space<semaphore_mem>>) src(%dma_wait3A_514 : memref<8x1x64xi32, #tpu.memory_space<hbm>>) dst(%arg9 : memref<8x1x64xi32, #tpu.memory_space<vmem>>)
        tpu.yield
      }) : () -> ()
      %dma_start3A = arith.constant 0 : i32
      %dma_start3A_17 = arith.constant 0 : i32
      %dma_start3A_18 = arith.constant 0 : i32
      %dma_start3A_19 = arith.constant 0 : i32
      %dma_start3A_20 = arith.constant 0 : i32
      %dma_start3A_21 = tpu.memref_slice %arg10[%dma_start3A_18, %dma_start3A_19, %dma_start3A_20] : memref<2x64x128xf32, #tpu.memory_space<vmem>> -> memref<1x64x128xf32, #tpu.memory_space<vmem>>
      %dma_start3A_22 = tpu.memref_squeeze %dma_start3A_21 : memref<1x64x128xf32, #tpu.memory_space<vmem>> -> memref<64x128xf32, #tpu.memory_space<vmem>>
      %dma_start3A_23 = arith.constant 0 : i32
      %dma_start3A_24 = tpu.memref_slice %arg8[%dma_start3A, %dma_start3A_17, %dma_start3A_23] : memref<8x1x64xi32, #tpu.memory_space<vmem>> -> memref<1x1x64xi32, #tpu.memory_space<vmem>>
      %dma_start3A_25 = tpu.memref_squeeze %dma_start3A_24 : memref<1x1x64xi32, #tpu.memory_space<vmem>> -> memref<64xi32, #tpu.memory_space<vmem>>
      %dma_start3A_26 = arith.constant 0 : i32
      %dma_start3A_27 = arith.constant 0 : i32
      %dma_start3A_28 = tpu.memref_slice %arg7[%dma_start3A_26, %dma_start3A_27] : memref<10112x128xf32, #tpu.memory_space<vmem_shared>> -> memref<10112x128xf32, #tpu.memory_space<vmem_shared>>
      tpu.enqueue_indirect_dma source(%dma_start3A_28 : memref<10112x128xf32, #tpu.memory_space<vmem_shared>>) target(%dma_start3A_22 : memref<64x128xf32, #tpu.memory_space<vmem>>) offsets(%dma_start3A_25 : memref<64xi32, #tpu.memory_space<vmem>>) semaphore(%arg12 : memref<!tpu.dma_semaphore, #tpu.memory_space<semaphore_mem>>)
      %dma_start3A_29 = arith.constant 0 : i32
      %dma_start3A_30 = arith.constant 0 : i32
      %dma_start3A_31 = arith.constant 0 : i32
      %dma_start3A_32 = arith.constant 0 : i32
      %dma_start3A_33 = arith.constant 0 : i32
      %dma_start3A_34 = tpu.memref_slice %arg11[%dma_start3A_31, %dma_start3A_32, %dma_start3A_33] : memref<2x64x128xf32, #tpu.memory_space<vmem>> -> memref<1x64x128xf32, #tpu.memory_space<vmem>>
      %dma_start3A_35 = tpu.memref_squeeze %dma_start3A_34 : memref<1x64x128xf32, #tpu.memory_space<vmem>> -> memref<64x128xf32, #tpu.memory_space<vmem>>
      %dma_start3A_36 = arith.constant 0 : i32
      %dma_start3A_37 = tpu.memref_slice %arg9[%dma_start3A_29, %dma_start3A_30, %dma_start3A_36] : memref<8x1x64xi32, #tpu.memory_space<vmem>> -> memref<1x1x64xi32, #tpu.memory_space<vmem>>
      %dma_start3A_38 = tpu.memref_squeeze %dma_start3A_37 : memref<1x1x64xi32, #tpu.memory_space<vmem>> -> memref<64xi32, #tpu.memory_space<vmem>>
      %dma_start3A_39 = arith.constant 0 : i32
      %dma_start3A_40 = arith.constant 0 : i32
      %dma_start3A_41 = tpu.memref_slice %arg7[%dma_start3A_39, %dma_start3A_40] : memref<10112x128xf32, #tpu.memory_space<vmem_shared>> -> memref<10112x128xf32, #tpu.memory_space<vmem_shared>>
      tpu.enqueue_indirect_dma source(%dma_start3A_41 : memref<10112x128xf32, #tpu.memory_space<vmem_shared>>) target(%dma_start3A_35 : memref<64x128xf32, #tpu.memory_space<vmem>>) offsets(%dma_start3A_38 : memref<64xi32, #tpu.memory_space<vmem>>) semaphore(%arg13 : memref<!tpu.dma_semaphore, #tpu.memory_space<semaphore_mem>>)
      %dma_start3A_42 = arith.constant 1 : i32
      %dma_start3A_43 = arith.constant 0 : i32
      %dma_start3A_44 = arith.constant 1 : i32
      %dma_start3A_45 = arith.constant 0 : i32
      %dma_start3A_46 = arith.constant 0 : i32
      %dma_start3A_47 = tpu.memref_slice %arg10[%dma_start3A_44, %dma_start3A_45, %dma_start3A_46] : memref<2x64x128xf32, #tpu.memory_space<vmem>> -> memref<1x64x128xf32, #tpu.memory_space<vmem>>
      %dma_start3A_48 = tpu.memref_squeeze %dma_start3A_47 : memref<1x64x128xf32, #tpu.memory_space<vmem>> -> memref<64x128xf32, #tpu.memory_space<vmem>>
      %dma_start3A_49 = arith.constant 0 : i32
      %dma_start3A_50 = tpu.memref_slice %arg8[%dma_start3A_42, %dma_start3A_43, %dma_start3A_49] : memref<8x1x64xi32, #tpu.memory_space<vmem>> -> memref<1x1x64xi32, #tpu.memory_space<vmem>>
      %dma_start3A_51 = tpu.memref_squeeze %dma_start3A_50 : memref<1x1x64xi32, #tpu.memory_space<vmem>> -> memref<64xi32, #tpu.memory_space<vmem>>
      %dma_start3A_52 = arith.constant 0 : i32
      %dma_start3A_53 = arith.constant 0 : i32
      %dma_start3A_54 = tpu.memref_slice %arg7[%dma_start3A_52, %dma_start3A_53] : memref<10112x128xf32, #tpu.memory_space<vmem_shared>> -> memref<10112x128xf32, #tpu.memory_space<vmem_shared>>
      tpu.enqueue_indirect_dma source(%dma_start3A_54 : memref<10112x128xf32, #tpu.memory_space<vmem_shared>>) target(%dma_start3A_48 : memref<64x128xf32, #tpu.memory_space<vmem>>) offsets(%dma_start3A_51 : memref<64xi32, #tpu.memory_space<vmem>>) semaphore(%arg14 : memref<!tpu.dma_semaphore, #tpu.memory_space<semaphore_mem>>)
      %dma_start3A_55 = arith.constant 1 : i32
      %dma_start3A_56 = arith.constant 0 : i32
      %dma_start3A_57 = arith.constant 1 : i32
      %dma_start3A_58 = arith.constant 0 : i32
      %dma_start3A_59 = arith.constant 0 : i32
      %dma_start3A_60 = tpu.memref_slice %arg11[%dma_start3A_57, %dma_start3A_58, %dma_start3A_59] : memref<2x64x128xf32, #tpu.memory_space<vmem>> -> memref<1x64x128xf32, #tpu.memory_space<vmem>>
      %dma_start3A_61 = tpu.memref_squeeze %dma_start3A_60 : memref<1x64x128xf32, #tpu.memory_space<vmem>> -> memref<64x128xf32, #tpu.memory_space<vmem>>
      %dma_start3A_62 = arith.constant 0 : i32
      %dma_start3A_63 = tpu.memref_slice %arg9[%dma_start3A_55, %dma_start3A_56, %dma_start3A_62] : memref<8x1x64xi32, #tpu.memory_space<vmem>> -> memref<1x1x64xi32, #tpu.memory_space<vmem>>
      %dma_start3A_64 = tpu.memref_squeeze %dma_start3A_63 : memref<1x1x64xi32, #tpu.memory_space<vmem>> -> memref<64xi32, #tpu.memory_space<vmem>>
      %dma_start3A_65 = arith.constant 0 : i32
      %dma_start3A_66 = arith.constant 0 : i32
      %dma_start3A_67 = tpu.memref_slice %arg7[%dma_start3A_65, %dma_start3A_66] : memref<10112x128xf32, #tpu.memory_space<vmem_shared>> -> memref<10112x128xf32, #tpu.memory_space<vmem_shared>>
      tpu.enqueue_indirect_dma source(%dma_start3A_67 : memref<10112x128xf32, #tpu.memory_space<vmem_shared>>) target(%dma_start3A_61 : memref<64x128xf32, #tpu.memory_space<vmem>>) offsets(%dma_start3A_64 : memref<64xi32, #tpu.memory_space<vmem>>) semaphore(%arg15 : memref<!tpu.dma_semaphore, #tpu.memory_space<semaphore_mem>>)
      %dma_wait3A = arith.constant 0 : i32
      %dma_wait3A_68 = arith.constant 0 : i32
      %dma_wait3A_69 = arith.constant 0 : i32
      %dma_wait3A_70 = arith.constant 0 : i32
      %dma_wait3A_71 = arith.constant 0 : i32
      %dma_wait3A_72 = tpu.memref_slice %arg10[%dma_wait3A_69, %dma_wait3A_70, %dma_wait3A_71] : memref<2x64x128xf32, #tpu.memory_space<vmem>> -> memref<1x64x128xf32, #tpu.memory_space<vmem>>
      %dma_wait3A_73 = tpu.memref_squeeze %dma_wait3A_72 : memref<1x64x128xf32, #tpu.memory_space<vmem>> -> memref<64x128xf32, #tpu.memory_space<vmem>>
      %dma_wait3A_74 = arith.constant 0 : i32
      %dma_wait3A_75 = tpu.memref_slice %arg8[%dma_wait3A, %dma_wait3A_68, %dma_wait3A_74] : memref<8x1x64xi32, #tpu.memory_space<vmem>> -> memref<1x1x64xi32, #tpu.memory_space<vmem>>
      %dma_wait3A_76 = tpu.memref_squeeze %dma_wait3A_75 : memref<1x1x64xi32, #tpu.memory_space<vmem>> -> memref<64xi32, #tpu.memory_space<vmem>>
      %dma_wait3A_77 = arith.constant 0 : i32
      %dma_wait3A_78 = arith.constant 0 : i32
      %dma_wait3A_79 = tpu.memref_slice %arg7[%dma_wait3A_77, %dma_wait3A_78] : memref<10112x128xf32, #tpu.memory_space<vmem_shared>> -> memref<10112x128xf32, #tpu.memory_space<vmem_shared>>
      tpu.wait_indirect_dma semaphore(%arg12 : memref<!tpu.dma_semaphore, #tpu.memory_space<semaphore_mem>>) src(%dma_wait3A_79 : memref<10112x128xf32, #tpu.memory_space<vmem_shared>>) dst(%dma_wait3A_73 : memref<64x128xf32, #tpu.memory_space<vmem>>)
      %dma_wait3A_80 = arith.constant 0 : i32
      %dma_wait3A_81 = arith.constant 0 : i32
      %dma_wait3A_82 = arith.constant 0 : i32
      %dma_wait3A_83 = arith.constant 0 : i32
      %dma_wait3A_84 = arith.constant 0 : i32
      %dma_wait3A_85 = tpu.memref_slice %arg11[%dma_wait3A_82, %dma_wait3A_83, %dma_wait3A_84] : memref<2x64x128xf32, #tpu.memory_space<vmem>> -> memref<1x64x128xf32, #tpu.memory_space<vmem>>
      %dma_wait3A_86 = tpu.memref_squeeze %dma_wait3A_85 : memref<1x64x128xf32, #tpu.memory_space<vmem>> -> memref<64x128xf32, #tpu.memory_space<vmem>>
      %dma_wait3A_87 = arith.constant 0 : i32
      %dma_wait3A_88 = tpu.memref_slice %arg9[%dma_wait3A_80, %dma_wait3A_81, %dma_wait3A_87] : memref<8x1x64xi32, #tpu.memory_space<vmem>> -> memref<1x1x64xi32, #tpu.memory_space<vmem>>
      %dma_wait3A_89 = tpu.memref_squeeze %dma_wait3A_88 : memref<1x1x64xi32, #tpu.memory_space<vmem>> -> memref<64xi32, #tpu.memory_space<vmem>>
      %dma_wait3A_90 = arith.constant 0 : i32
      %dma_wait3A_91 = arith.constant 0 : i32
      %dma_wait3A_92 = tpu.memref_slice %arg7[%dma_wait3A_90, %dma_wait3A_91] : memref<10112x128xf32, #tpu.memory_space<vmem_shared>> -> memref<10112x128xf32, #tpu.memory_space<vmem_shared>>
      tpu.wait_indirect_dma semaphore(%arg13 : memref<!tpu.dma_semaphore, #tpu.memory_space<semaphore_mem>>) src(%dma_wait3A_92 : memref<10112x128xf32, #tpu.memory_space<vmem_shared>>) dst(%dma_wait3A_86 : memref<64x128xf32, #tpu.memory_space<vmem>>)
      %mul3A_93 = arith.constant 8 : i32
      %mul3A_94 = arith.muli %scan3A_10, %mul3A_93 : i32
      %add3A_95 = arith.addi %mul3A_2, %mul3A_94 : i32
      %add3A_96 = arith.constant 0 : i32
      %add3A_97 = arith.addi %add3A_95, %add3A_96 : i32
      %mul3A_98 = arith.constant 64 : i32
      %mul3A_99 = arith.muli %add3A_97, %mul3A_98 : i32
      %run_scoped3A = arith.constant 0 : i32
      "tpu.region"() ({
        %run_scoped3A_502 = tpu.sem_alloc : memref<!tpu.dma_semaphore, #tpu.memory_space<semaphore_mem>>
        %dma_start3A_503 = arith.constant 0 : i32
        %dma_start3A_504 = arith.constant 0 : i32
        %dma_start3A_505 = tpu.memref_slice %arg10[%run_scoped3A, %dma_start3A_503, %dma_start3A_504] : memref<2x64x128xf32, #tpu.memory_space<vmem>> -> memref<1x64x128xf32, #tpu.memory_space<vmem>>
        %dma_start3A_506 = tpu.memref_squeeze %dma_start3A_505 : memref<1x64x128xf32, #tpu.memory_space<vmem>> -> memref<64x128xf32, #tpu.memory_space<vmem>>
        %dma_start3A_507 = arith.constant 0 : i32
        %dma_start3A_508 = tpu.memref_slice %arg5[%mul3A_99, %dma_start3A_507] : memref<327680x128xf32, #tpu.memory_space<hbm>> -> memref<64x128xf32, #tpu.memory_space<hbm>>
        %dma_start3A_509 = arith.constant 0 : i32
        %dma_start3A_510 = tpu.memref_slice %arg5[%mul3A_99, %dma_start3A_509] : memref<327680x128xf32, #tpu.memory_space<hbm>> -> memref<64x128xf32, #tpu.memory_space<hbm>>
        %dma_start3A_511 = arith.constant 0 : i32
        %dma_start3A_512 = arith.constant 0 : i32
        %dma_start3A_513 = tpu.memref_slice %arg10[%run_scoped3A, %dma_start3A_511, %dma_start3A_512] : memref<2x64x128xf32, #tpu.memory_space<vmem>> -> memref<1x64x128xf32, #tpu.memory_space<vmem>>
        %dma_start3A_514 = tpu.memref_squeeze %dma_start3A_513 : memref<1x64x128xf32, #tpu.memory_space<vmem>> -> memref<64x128xf32, #tpu.memory_space<vmem>>
        tpu.enqueue_dma source(%dma_start3A_514 : memref<64x128xf32, #tpu.memory_space<vmem>>) target(%dma_start3A_510 : memref<64x128xf32, #tpu.memory_space<hbm>>) target_semaphore(%run_scoped3A_502 : memref<!tpu.dma_semaphore, #tpu.memory_space<semaphore_mem>>)
        %dma_wait3A_515 = arith.constant 0 : i32
        %dma_wait3A_516 = arith.constant 0 : i32
        %dma_wait3A_517 = tpu.memref_slice %arg10[%run_scoped3A, %dma_wait3A_515, %dma_wait3A_516] : memref<2x64x128xf32, #tpu.memory_space<vmem>> -> memref<1x64x128xf32, #tpu.memory_space<vmem>>
        %dma_wait3A_518 = tpu.memref_squeeze %dma_wait3A_517 : memref<1x64x128xf32, #tpu.memory_space<vmem>> -> memref<64x128xf32, #tpu.memory_space<vmem>>
        %dma_wait3A_519 = arith.constant 0 : i32
        %dma_wait3A_520 = tpu.memref_slice %arg5[%mul3A_99, %dma_wait3A_519] : memref<327680x128xf32, #tpu.memory_space<hbm>> -> memref<64x128xf32, #tpu.memory_space<hbm>>
        %dma_wait3A_521 = arith.constant 0 : i32
        %dma_wait3A_522 = tpu.memref_slice %arg5[%mul3A_99, %dma_wait3A_521] : memref<327680x128xf32, #tpu.memory_space<hbm>> -> memref<64x128xf32, #tpu.memory_space<hbm>>
        %dma_wait3A_523 = arith.constant 0 : i32
        %dma_wait3A_524 = arith.constant 0 : i32
        %dma_wait3A_525 = tpu.memref_slice %arg10[%run_scoped3A, %dma_wait3A_523, %dma_wait3A_524] : memref<2x64x128xf32, #tpu.memory_space<vmem>> -> memref<1x64x128xf32, #tpu.memory_space<vmem>>
        %dma_wait3A_526 = tpu.memref_squeeze %dma_wait3A_525 : memref<1x64x128xf32, #tpu.memory_space<vmem>> -> memref<64x128xf32, #tpu.memory_space<vmem>>
        tpu.wait_dma2 semaphore(%run_scoped3A_502 : memref<!tpu.dma_semaphore, #tpu.memory_space<semaphore_mem>>) src(%dma_wait3A_526 : memref<64x128xf32, #tpu.memory_space<vmem>>) dst(%dma_wait3A_522 : memref<64x128xf32, #tpu.memory_space<hbm>>)
        tpu.yield
      }) : () -> ()
      %run_scoped3A_100 = arith.constant 0 : i32
      "tpu.region"() ({
        %run_scoped3A_502 = tpu.sem_alloc : memref<!tpu.dma_semaphore, #tpu.memory_space<semaphore_mem>>
        %dma_start3A_503 = arith.constant 0 : i32
        %dma_start3A_504 = arith.constant 0 : i32
        %dma_start3A_505 = tpu.memref_slice %arg11[%run_scoped3A_100, %dma_start3A_503, %dma_start3A_504] : memref<2x64x128xf32, #tpu.memory_space<vmem>> -> memref<1x64x128xf32, #tpu.memory_space<vmem>>
        %dma_start3A_506 = tpu.memref_squeeze %dma_start3A_505 : memref<1x64x128xf32, #tpu.memory_space<vmem>> -> memref<64x128xf32, #tpu.memory_space<vmem>>
        %dma_start3A_507 = arith.constant 0 : i32
        %dma_start3A_508 = tpu.memref_slice %arg6[%mul3A_99, %dma_start3A_507] : memref<327680x128xf32, #tpu.memory_space<hbm>> -> memref<64x128xf32, #tpu.memory_space<hbm>>
        %dma_start3A_509 = arith.constant 0 : i32
        %dma_start3A_510 = tpu.memref_slice %arg6[%mul3A_99, %dma_start3A_509] : memref<327680x128xf32, #tpu.memory_space<hbm>> -> memref<64x128xf32, #tpu.memory_space<hbm>>
        %dma_start3A_511 = arith.constant 0 : i32
        %dma_start3A_512 = arith.constant 0 : i32
        %dma_start3A_513 = tpu.memref_slice %arg11[%run_scoped3A_100, %dma_start3A_511, %dma_start3A_512] : memref<2x64x128xf32, #tpu.memory_space<vmem>> -> memref<1x64x128xf32, #tpu.memory_space<vmem>>
        %dma_start3A_514 = tpu.memref_squeeze %dma_start3A_513 : memref<1x64x128xf32, #tpu.memory_space<vmem>> -> memref<64x128xf32, #tpu.memory_space<vmem>>
        tpu.enqueue_dma source(%dma_start3A_514 : memref<64x128xf32, #tpu.memory_space<vmem>>) target(%dma_start3A_510 : memref<64x128xf32, #tpu.memory_space<hbm>>) target_semaphore(%run_scoped3A_502 : memref<!tpu.dma_semaphore, #tpu.memory_space<semaphore_mem>>)
        %dma_wait3A_515 = arith.constant 0 : i32
        %dma_wait3A_516 = arith.constant 0 : i32
        %dma_wait3A_517 = tpu.memref_slice %arg11[%run_scoped3A_100, %dma_wait3A_515, %dma_wait3A_516] : memref<2x64x128xf32, #tpu.memory_space<vmem>> -> memref<1x64x128xf32, #tpu.memory_space<vmem>>
        %dma_wait3A_518 = tpu.memref_squeeze %dma_wait3A_517 : memref<1x64x128xf32, #tpu.memory_space<vmem>> -> memref<64x128xf32, #tpu.memory_space<vmem>>
        %dma_wait3A_519 = arith.constant 0 : i32
        %dma_wait3A_520 = tpu.memref_slice %arg6[%mul3A_99, %dma_wait3A_519] : memref<327680x128xf32, #tpu.memory_space<hbm>> -> memref<64x128xf32, #tpu.memory_space<hbm>>
        %dma_wait3A_521 = arith.constant 0 : i32
        %dma_wait3A_522 = tpu.memref_slice %arg6[%mul3A_99, %dma_wait3A_521] : memref<327680x128xf32, #tpu.memory_space<hbm>> -> memref<64x128xf32, #tpu.memory_space<hbm>>
        %dma_wait3A_523 = arith.constant 0 : i32
        %dma_wait3A_524 = arith.constant 0 : i32
        %dma_wait3A_525 = tpu.memref_slice %arg11[%run_scoped3A_100, %dma_wait3A_523, %dma_wait3A_524] : memref<2x64x128xf32, #tpu.memory_space<vmem>> -> memref<1x64x128xf32, #tpu.memory_space<vmem>>
        %dma_wait3A_526 = tpu.memref_squeeze %dma_wait3A_525 : memref<1x64x128xf32, #tpu.memory_space<vmem>> -> memref<64x128xf32, #tpu.memory_space<vmem>>
        tpu.wait_dma2 semaphore(%run_scoped3A_502 : memref<!tpu.dma_semaphore, #tpu.memory_space<semaphore_mem>>) src(%dma_wait3A_526 : memref<64x128xf32, #tpu.memory_space<vmem>>) dst(%dma_wait3A_522 : memref<64x128xf32, #tpu.memory_space<hbm>>)
        tpu.yield
      }) : () -> ()
      %dma_start3A_101 = arith.constant 2 : i32
      %dma_start3A_102 = arith.constant 0 : i32
      %dma_start3A_103 = arith.constant 0 : i32
      %dma_start3A_104 = arith.constant 0 : i32
      %dma_start3A_105 = arith.constant 0 : i32
      %dma_start3A_106 = tpu.memref_slice %arg10[%dma_start3A_103, %dma_start3A_104, %dma_start3A_105] : memref<2x64x128xf32, #tpu.memory_space<vmem>> -> memref<1x64x128xf32, #tpu.memory_space<vmem>>
      %dma_start3A_107 = tpu.memref_squeeze %dma_start3A_106 : memref<1x64x128xf32, #tpu.memory_space<vmem>> -> memref<64x128xf32, #tpu.memory_space<vmem>>
      %dma_start3A_108 = arith.constant 0 : i32
      %dma_start3A_109 = tpu.memref_slice %arg8[%dma_start3A_101, %dma_start3A_102, %dma_start3A_108] : memref<8x1x64xi32, #tpu.memory_space<vmem>> -> memref<1x1x64xi32, #tpu.memory_space<vmem>>
      %dma_start3A_110 = tpu.memref_squeeze %dma_start3A_109 : memref<1x1x64xi32, #tpu.memory_space<vmem>> -> memref<64xi32, #tpu.memory_space<vmem>>
      %dma_start3A_111 = arith.constant 0 : i32
      %dma_start3A_112 = arith.constant 0 : i32
      %dma_start3A_113 = tpu.memref_slice %arg7[%dma_start3A_111, %dma_start3A_112] : memref<10112x128xf32, #tpu.memory_space<vmem_shared>> -> memref<10112x128xf32, #tpu.memory_space<vmem_shared>>
      tpu.enqueue_indirect_dma source(%dma_start3A_113 : memref<10112x128xf32, #tpu.memory_space<vmem_shared>>) target(%dma_start3A_107 : memref<64x128xf32, #tpu.memory_space<vmem>>) offsets(%dma_start3A_110 : memref<64xi32, #tpu.memory_space<vmem>>) semaphore(%arg12 : memref<!tpu.dma_semaphore, #tpu.memory_space<semaphore_mem>>)
      %dma_start3A_114 = arith.constant 2 : i32
      %dma_start3A_115 = arith.constant 0 : i32
      %dma_start3A_116 = arith.constant 0 : i32
      %dma_start3A_117 = arith.constant 0 : i32
      %dma_start3A_118 = arith.constant 0 : i32
      %dma_start3A_119 = tpu.memref_slice %arg11[%dma_start3A_116, %dma_start3A_117, %dma_start3A_118] : memref<2x64x128xf32, #tpu.memory_space<vmem>> -> memref<1x64x128xf32, #tpu.memory_space<vmem>>
      %dma_start3A_120 = tpu.memref_squeeze %dma_start3A_119 : memref<1x64x128xf32, #tpu.memory_space<vmem>> -> memref<64x128xf32, #tpu.memory_space<vmem>>
      %dma_start3A_121 = arith.constant 0 : i32
      %dma_start3A_122 = tpu.memref_slice %arg9[%dma_start3A_114, %dma_start3A_115, %dma_start3A_121] : memref<8x1x64xi32, #tpu.memory_space<vmem>> -> memref<1x1x64xi32, #tpu.memory_space<vmem>>
      %dma_start3A_123 = tpu.memref_squeeze %dma_start3A_122 : memref<1x1x64xi32, #tpu.memory_space<vmem>> -> memref<64xi32, #tpu.memory_space<vmem>>
      %dma_start3A_124 = arith.constant 0 : i32
      %dma_start3A_125 = arith.constant 0 : i32
      %dma_start3A_126 = tpu.memref_slice %arg7[%dma_start3A_124, %dma_start3A_125] : memref<10112x128xf32, #tpu.memory_space<vmem_shared>> -> memref<10112x128xf32, #tpu.memory_space<vmem_shared>>
      tpu.enqueue_indirect_dma source(%dma_start3A_126 : memref<10112x128xf32, #tpu.memory_space<vmem_shared>>) target(%dma_start3A_120 : memref<64x128xf32, #tpu.memory_space<vmem>>) offsets(%dma_start3A_123 : memref<64xi32, #tpu.memory_space<vmem>>) semaphore(%arg13 : memref<!tpu.dma_semaphore, #tpu.memory_space<semaphore_mem>>)
      %dma_wait3A_127 = arith.constant 0 : i32
      %dma_wait3A_128 = arith.constant 0 : i32
      %dma_wait3A_129 = arith.constant 1 : i32
      %dma_wait3A_130 = arith.constant 0 : i32
      %dma_wait3A_131 = arith.constant 0 : i32
      %dma_wait3A_132 = tpu.memref_slice %arg10[%dma_wait3A_129, %dma_wait3A_130, %dma_wait3A_131] : memref<2x64x128xf32, #tpu.memory_space<vmem>> -> memref<1x64x128xf32, #tpu.memory_space<vmem>>
      %dma_wait3A_133 = tpu.memref_squeeze %dma_wait3A_132 : memref<1x64x128xf32, #tpu.memory_space<vmem>> -> memref<64x128xf32, #tpu.memory_space<vmem>>
      %dma_wait3A_134 = arith.constant 0 : i32
      %dma_wait3A_135 = tpu.memref_slice %arg8[%dma_wait3A_127, %dma_wait3A_128, %dma_wait3A_134] : memref<8x1x64xi32, #tpu.memory_space<vmem>> -> memref<1x1x64xi32, #tpu.memory_space<vmem>>
      %dma_wait3A_136 = tpu.memref_squeeze %dma_wait3A_135 : memref<1x1x64xi32, #tpu.memory_space<vmem>> -> memref<64xi32, #tpu.memory_space<vmem>>
      %dma_wait3A_137 = arith.constant 0 : i32
      %dma_wait3A_138 = arith.constant 0 : i32
      %dma_wait3A_139 = tpu.memref_slice %arg7[%dma_wait3A_137, %dma_wait3A_138] : memref<10112x128xf32, #tpu.memory_space<vmem_shared>> -> memref<10112x128xf32, #tpu.memory_space<vmem_shared>>
      tpu.wait_indirect_dma semaphore(%arg14 : memref<!tpu.dma_semaphore, #tpu.memory_space<semaphore_mem>>) src(%dma_wait3A_139 : memref<10112x128xf32, #tpu.memory_space<vmem_shared>>) dst(%dma_wait3A_133 : memref<64x128xf32, #tpu.memory_space<vmem>>)
      %dma_wait3A_140 = arith.constant 0 : i32
      %dma_wait3A_141 = arith.constant 0 : i32
      %dma_wait3A_142 = arith.constant 1 : i32
      %dma_wait3A_143 = arith.constant 0 : i32
      %dma_wait3A_144 = arith.constant 0 : i32
      %dma_wait3A_145 = tpu.memref_slice %arg11[%dma_wait3A_142, %dma_wait3A_143, %dma_wait3A_144] : memref<2x64x128xf32, #tpu.memory_space<vmem>> -> memref<1x64x128xf32, #tpu.memory_space<vmem>>
      %dma_wait3A_146 = tpu.memref_squeeze %dma_wait3A_145 : memref<1x64x128xf32, #tpu.memory_space<vmem>> -> memref<64x128xf32, #tpu.memory_space<vmem>>
      %dma_wait3A_147 = arith.constant 0 : i32
      %dma_wait3A_148 = tpu.memref_slice %arg9[%dma_wait3A_140, %dma_wait3A_141, %dma_wait3A_147] : memref<8x1x64xi32, #tpu.memory_space<vmem>> -> memref<1x1x64xi32, #tpu.memory_space<vmem>>
      %dma_wait3A_149 = tpu.memref_squeeze %dma_wait3A_148 : memref<1x1x64xi32, #tpu.memory_space<vmem>> -> memref<64xi32, #tpu.memory_space<vmem>>
      %dma_wait3A_150 = arith.constant 0 : i32
      %dma_wait3A_151 = arith.constant 0 : i32
      %dma_wait3A_152 = tpu.memref_slice %arg7[%dma_wait3A_150, %dma_wait3A_151] : memref<10112x128xf32, #tpu.memory_space<vmem_shared>> -> memref<10112x128xf32, #tpu.memory_space<vmem_shared>>
      tpu.wait_indirect_dma semaphore(%arg15 : memref<!tpu.dma_semaphore, #tpu.memory_space<semaphore_mem>>) src(%dma_wait3A_152 : memref<10112x128xf32, #tpu.memory_space<vmem_shared>>) dst(%dma_wait3A_146 : memref<64x128xf32, #tpu.memory_space<vmem>>)
      %mul3A_153 = arith.constant 8 : i32
      %mul3A_154 = arith.muli %scan3A_10, %mul3A_153 : i32
      %add3A_155 = arith.addi %mul3A_2, %mul3A_154 : i32
      %add3A_156 = arith.constant 1 : i32
      %add3A_157 = arith.addi %add3A_155, %add3A_156 : i32
      %mul3A_158 = arith.constant 64 : i32
      %mul3A_159 = arith.muli %add3A_157, %mul3A_158 : i32
      %run_scoped3A_160 = arith.constant 1 : i32
      "tpu.region"() ({
        %run_scoped3A_502 = tpu.sem_alloc : memref<!tpu.dma_semaphore, #tpu.memory_space<semaphore_mem>>
        %dma_start3A_503 = arith.constant 0 : i32
        %dma_start3A_504 = arith.constant 0 : i32
        %dma_start3A_505 = tpu.memref_slice %arg10[%run_scoped3A_160, %dma_start3A_503, %dma_start3A_504] : memref<2x64x128xf32, #tpu.memory_space<vmem>> -> memref<1x64x128xf32, #tpu.memory_space<vmem>>
        %dma_start3A_506 = tpu.memref_squeeze %dma_start3A_505 : memref<1x64x128xf32, #tpu.memory_space<vmem>> -> memref<64x128xf32, #tpu.memory_space<vmem>>
        %dma_start3A_507 = arith.constant 0 : i32
        %dma_start3A_508 = tpu.memref_slice %arg5[%mul3A_159, %dma_start3A_507] : memref<327680x128xf32, #tpu.memory_space<hbm>> -> memref<64x128xf32, #tpu.memory_space<hbm>>
        %dma_start3A_509 = arith.constant 0 : i32
        %dma_start3A_510 = tpu.memref_slice %arg5[%mul3A_159, %dma_start3A_509] : memref<327680x128xf32, #tpu.memory_space<hbm>> -> memref<64x128xf32, #tpu.memory_space<hbm>>
        %dma_start3A_511 = arith.constant 0 : i32
        %dma_start3A_512 = arith.constant 0 : i32
        %dma_start3A_513 = tpu.memref_slice %arg10[%run_scoped3A_160, %dma_start3A_511, %dma_start3A_512] : memref<2x64x128xf32, #tpu.memory_space<vmem>> -> memref<1x64x128xf32, #tpu.memory_space<vmem>>
        %dma_start3A_514 = tpu.memref_squeeze %dma_start3A_513 : memref<1x64x128xf32, #tpu.memory_space<vmem>> -> memref<64x128xf32, #tpu.memory_space<vmem>>
        tpu.enqueue_dma source(%dma_start3A_514 : memref<64x128xf32, #tpu.memory_space<vmem>>) target(%dma_start3A_510 : memref<64x128xf32, #tpu.memory_space<hbm>>) target_semaphore(%run_scoped3A_502 : memref<!tpu.dma_semaphore, #tpu.memory_space<semaphore_mem>>)
        %dma_wait3A_515 = arith.constant 0 : i32
        %dma_wait3A_516 = arith.constant 0 : i32
        %dma_wait3A_517 = tpu.memref_slice %arg10[%run_scoped3A_160, %dma_wait3A_515, %dma_wait3A_516] : memref<2x64x128xf32, #tpu.memory_space<vmem>> -> memref<1x64x128xf32, #tpu.memory_space<vmem>>
        %dma_wait3A_518 = tpu.memref_squeeze %dma_wait3A_517 : memref<1x64x128xf32, #tpu.memory_space<vmem>> -> memref<64x128xf32, #tpu.memory_space<vmem>>
        %dma_wait3A_519 = arith.constant 0 : i32
        %dma_wait3A_520 = tpu.memref_slice %arg5[%mul3A_159, %dma_wait3A_519] : memref<327680x128xf32, #tpu.memory_space<hbm>> -> memref<64x128xf32, #tpu.memory_space<hbm>>
        %dma_wait3A_521 = arith.constant 0 : i32
        %dma_wait3A_522 = tpu.memref_slice %arg5[%mul3A_159, %dma_wait3A_521] : memref<327680x128xf32, #tpu.memory_space<hbm>> -> memref<64x128xf32, #tpu.memory_space<hbm>>
        %dma_wait3A_523 = arith.constant 0 : i32
        %dma_wait3A_524 = arith.constant 0 : i32
        %dma_wait3A_525 = tpu.memref_slice %arg10[%run_scoped3A_160, %dma_wait3A_523, %dma_wait3A_524] : memref<2x64x128xf32, #tpu.memory_space<vmem>> -> memref<1x64x128xf32, #tpu.memory_space<vmem>>
        %dma_wait3A_526 = tpu.memref_squeeze %dma_wait3A_525 : memref<1x64x128xf32, #tpu.memory_space<vmem>> -> memref<64x128xf32, #tpu.memory_space<vmem>>
        tpu.wait_dma2 semaphore(%run_scoped3A_502 : memref<!tpu.dma_semaphore, #tpu.memory_space<semaphore_mem>>) src(%dma_wait3A_526 : memref<64x128xf32, #tpu.memory_space<vmem>>) dst(%dma_wait3A_522 : memref<64x128xf32, #tpu.memory_space<hbm>>)
        tpu.yield
      }) : () -> ()
      %run_scoped3A_161 = arith.constant 1 : i32
      "tpu.region"() ({
        %run_scoped3A_502 = tpu.sem_alloc : memref<!tpu.dma_semaphore, #tpu.memory_space<semaphore_mem>>
        %dma_start3A_503 = arith.constant 0 : i32
        %dma_start3A_504 = arith.constant 0 : i32
        %dma_start3A_505 = tpu.memref_slice %arg11[%run_scoped3A_161, %dma_start3A_503, %dma_start3A_504] : memref<2x64x128xf32, #tpu.memory_space<vmem>> -> memref<1x64x128xf32, #tpu.memory_space<vmem>>
        %dma_start3A_506 = tpu.memref_squeeze %dma_start3A_505 : memref<1x64x128xf32, #tpu.memory_space<vmem>> -> memref<64x128xf32, #tpu.memory_space<vmem>>
        %dma_start3A_507 = arith.constant 0 : i32
        %dma_start3A_508 = tpu.memref_slice %arg6[%mul3A_159, %dma_start3A_507] : memref<327680x128xf32, #tpu.memory_space<hbm>> -> memref<64x128xf32, #tpu.memory_space<hbm>>
        %dma_start3A_509 = arith.constant 0 : i32
        %dma_start3A_510 = tpu.memref_slice %arg6[%mul3A_159, %dma_start3A_509] : memref<327680x128xf32, #tpu.memory_space<hbm>> -> memref<64x128xf32, #tpu.memory_space<hbm>>
        %dma_start3A_511 = arith.constant 0 : i32
        %dma_start3A_512 = arith.constant 0 : i32
        %dma_start3A_513 = tpu.memref_slice %arg11[%run_scoped3A_161, %dma_start3A_511, %dma_start3A_512] : memref<2x64x128xf32, #tpu.memory_space<vmem>> -> memref<1x64x128xf32, #tpu.memory_space<vmem>>
        %dma_start3A_514 = tpu.memref_squeeze %dma_start3A_513 : memref<1x64x128xf32, #tpu.memory_space<vmem>> -> memref<64x128xf32, #tpu.memory_space<vmem>>
        tpu.enqueue_dma source(%dma_start3A_514 : memref<64x128xf32, #tpu.memory_space<vmem>>) target(%dma_start3A_510 : memref<64x128xf32, #tpu.memory_space<hbm>>) target_semaphore(%run_scoped3A_502 : memref<!tpu.dma_semaphore, #tpu.memory_space<semaphore_mem>>)
        %dma_wait3A_515 = arith.constant 0 : i32
        %dma_wait3A_516 = arith.constant 0 : i32
        %dma_wait3A_517 = tpu.memref_slice %arg11[%run_scoped3A_161, %dma_wait3A_515, %dma_wait3A_516] : memref<2x64x128xf32, #tpu.memory_space<vmem>> -> memref<1x64x128xf32, #tpu.memory_space<vmem>>
        %dma_wait3A_518 = tpu.memref_squeeze %dma_wait3A_517 : memref<1x64x128xf32, #tpu.memory_space<vmem>> -> memref<64x128xf32, #tpu.memory_space<vmem>>
        %dma_wait3A_519 = arith.constant 0 : i32
        %dma_wait3A_520 = tpu.memref_slice %arg6[%mul3A_159, %dma_wait3A_519] : memref<327680x128xf32, #tpu.memory_space<hbm>> -> memref<64x128xf32, #tpu.memory_space<hbm>>
        %dma_wait3A_521 = arith.constant 0 : i32
        %dma_wait3A_522 = tpu.memref_slice %arg6[%mul3A_159, %dma_wait3A_521] : memref<327680x128xf32, #tpu.memory_space<hbm>> -> memref<64x128xf32, #tpu.memory_space<hbm>>
        %dma_wait3A_523 = arith.constant 0 : i32
        %dma_wait3A_524 = arith.constant 0 : i32
        %dma_wait3A_525 = tpu.memref_slice %arg11[%run_scoped3A_161, %dma_wait3A_523, %dma_wait3A_524] : memref<2x64x128xf32, #tpu.memory_space<vmem>> -> memref<1x64x128xf32, #tpu.memory_space<vmem>>
        %dma_wait3A_526 = tpu.memref_squeeze %dma_wait3A_525 : memref<1x64x128xf32, #tpu.memory_space<vmem>> -> memref<64x128xf32, #tpu.memory_space<vmem>>
        tpu.wait_dma2 semaphore(%run_scoped3A_502 : memref<!tpu.dma_semaphore, #tpu.memory_space<semaphore_mem>>) src(%dma_wait3A_526 : memref<64x128xf32, #tpu.memory_space<vmem>>) dst(%dma_wait3A_522 : memref<64x128xf32, #tpu.memory_space<hbm>>)
        tpu.yield
      }) : () -> ()
      %dma_start3A_162 = arith.constant 3 : i32
      %dma_start3A_163 = arith.constant 0 : i32
      %dma_start3A_164 = arith.constant 1 : i32
      %dma_start3A_165 = arith.constant 0 : i32
      %dma_start3A_166 = arith.constant 0 : i32
      %dma_start3A_167 = tpu.memref_slice %arg10[%dma_start3A_164, %dma_start3A_165, %dma_start3A_166] : memref<2x64x128xf32, #tpu.memory_space<vmem>> -> memref<1x64x128xf32, #tpu.memory_space<vmem>>
      %dma_start3A_168 = tpu.memref_squeeze %dma_start3A_167 : memref<1x64x128xf32, #tpu.memory_space<vmem>> -> memref<64x128xf32, #tpu.memory_space<vmem>>
      %dma_start3A_169 = arith.constant 0 : i32
      %dma_start3A_170 = tpu.memref_slice %arg8[%dma_start3A_162, %dma_start3A_163, %dma_start3A_169] : memref<8x1x64xi32, #tpu.memory_space<vmem>> -> memref<1x1x64xi32, #tpu.memory_space<vmem>>
      %dma_start3A_171 = tpu.memref_squeeze %dma_start3A_170 : memref<1x1x64xi32, #tpu.memory_space<vmem>> -> memref<64xi32, #tpu.memory_space<vmem>>
      %dma_start3A_172 = arith.constant 0 : i32
      %dma_start3A_173 = arith.constant 0 : i32
      %dma_start3A_174 = tpu.memref_slice %arg7[%dma_start3A_172, %dma_start3A_173] : memref<10112x128xf32, #tpu.memory_space<vmem_shared>> -> memref<10112x128xf32, #tpu.memory_space<vmem_shared>>
      tpu.enqueue_indirect_dma source(%dma_start3A_174 : memref<10112x128xf32, #tpu.memory_space<vmem_shared>>) target(%dma_start3A_168 : memref<64x128xf32, #tpu.memory_space<vmem>>) offsets(%dma_start3A_171 : memref<64xi32, #tpu.memory_space<vmem>>) semaphore(%arg14 : memref<!tpu.dma_semaphore, #tpu.memory_space<semaphore_mem>>)
      %dma_start3A_175 = arith.constant 3 : i32
      %dma_start3A_176 = arith.constant 0 : i32
      %dma_start3A_177 = arith.constant 1 : i32
      %dma_start3A_178 = arith.constant 0 : i32
      %dma_start3A_179 = arith.constant 0 : i32
      %dma_start3A_180 = tpu.memref_slice %arg11[%dma_start3A_177, %dma_start3A_178, %dma_start3A_179] : memref<2x64x128xf32, #tpu.memory_space<vmem>> -> memref<1x64x128xf32, #tpu.memory_space<vmem>>
      %dma_start3A_181 = tpu.memref_squeeze %dma_start3A_180 : memref<1x64x128xf32, #tpu.memory_space<vmem>> -> memref<64x128xf32, #tpu.memory_space<vmem>>
      %dma_start3A_182 = arith.constant 0 : i32
      %dma_start3A_183 = tpu.memref_slice %arg9[%dma_start3A_175, %dma_start3A_176, %dma_start3A_182] : memref<8x1x64xi32, #tpu.memory_space<vmem>> -> memref<1x1x64xi32, #tpu.memory_space<vmem>>
      %dma_start3A_184 = tpu.memref_squeeze %dma_start3A_183 : memref<1x1x64xi32, #tpu.memory_space<vmem>> -> memref<64xi32, #tpu.memory_space<vmem>>
      %dma_start3A_185 = arith.constant 0 : i32
      %dma_start3A_186 = arith.constant 0 : i32
      %dma_start3A_187 = tpu.memref_slice %arg7[%dma_start3A_185, %dma_start3A_186] : memref<10112x128xf32, #tpu.memory_space<vmem_shared>> -> memref<10112x128xf32, #tpu.memory_space<vmem_shared>>
      tpu.enqueue_indirect_dma source(%dma_start3A_187 : memref<10112x128xf32, #tpu.memory_space<vmem_shared>>) target(%dma_start3A_181 : memref<64x128xf32, #tpu.memory_space<vmem>>) offsets(%dma_start3A_184 : memref<64xi32, #tpu.memory_space<vmem>>) semaphore(%arg15 : memref<!tpu.dma_semaphore, #tpu.memory_space<semaphore_mem>>)
      %dma_wait3A_188 = arith.constant 0 : i32
      %dma_wait3A_189 = arith.constant 0 : i32
      %dma_wait3A_190 = arith.constant 0 : i32
      %dma_wait3A_191 = arith.constant 0 : i32
      %dma_wait3A_192 = arith.constant 0 : i32
      %dma_wait3A_193 = tpu.memref_slice %arg10[%dma_wait3A_190, %dma_wait3A_191, %dma_wait3A_192] : memref<2x64x128xf32, #tpu.memory_space<vmem>> -> memref<1x64x128xf32, #tpu.memory_space<vmem>>
      %dma_wait3A_194 = tpu.memref_squeeze %dma_wait3A_193 : memref<1x64x128xf32, #tpu.memory_space<vmem>> -> memref<64x128xf32, #tpu.memory_space<vmem>>
      %dma_wait3A_195 = arith.constant 0 : i32
      %dma_wait3A_196 = tpu.memref_slice %arg8[%dma_wait3A_188, %dma_wait3A_189, %dma_wait3A_195] : memref<8x1x64xi32, #tpu.memory_space<vmem>> -> memref<1x1x64xi32, #tpu.memory_space<vmem>>
      %dma_wait3A_197 = tpu.memref_squeeze %dma_wait3A_196 : memref<1x1x64xi32, #tpu.memory_space<vmem>> -> memref<64xi32, #tpu.memory_space<vmem>>
      %dma_wait3A_198 = arith.constant 0 : i32
      %dma_wait3A_199 = arith.constant 0 : i32
      %dma_wait3A_200 = tpu.memref_slice %arg7[%dma_wait3A_198, %dma_wait3A_199] : memref<10112x128xf32, #tpu.memory_space<vmem_shared>> -> memref<10112x128xf32, #tpu.memory_space<vmem_shared>>
      tpu.wait_indirect_dma semaphore(%arg12 : memref<!tpu.dma_semaphore, #tpu.memory_space<semaphore_mem>>) src(%dma_wait3A_200 : memref<10112x128xf32, #tpu.memory_space<vmem_shared>>) dst(%dma_wait3A_194 : memref<64x128xf32, #tpu.memory_space<vmem>>)
      %dma_wait3A_201 = arith.constant 0 : i32
      %dma_wait3A_202 = arith.constant 0 : i32
      %dma_wait3A_203 = arith.constant 0 : i32
      %dma_wait3A_204 = arith.constant 0 : i32
      %dma_wait3A_205 = arith.constant 0 : i32
      %dma_wait3A_206 = tpu.memref_slice %arg11[%dma_wait3A_203, %dma_wait3A_204, %dma_wait3A_205] : memref<2x64x128xf32, #tpu.memory_space<vmem>> -> memref<1x64x128xf32, #tpu.memory_space<vmem>>
      %dma_wait3A_207 = tpu.memref_squeeze %dma_wait3A_206 : memref<1x64x128xf32, #tpu.memory_space<vmem>> -> memref<64x128xf32, #tpu.memory_space<vmem>>
      %dma_wait3A_208 = arith.constant 0 : i32
      %dma_wait3A_209 = tpu.memref_slice %arg9[%dma_wait3A_201, %dma_wait3A_202, %dma_wait3A_208] : memref<8x1x64xi32, #tpu.memory_space<vmem>> -> memref<1x1x64xi32, #tpu.memory_space<vmem>>
      %dma_wait3A_210 = tpu.memref_squeeze %dma_wait3A_209 : memref<1x1x64xi32, #tpu.memory_space<vmem>> -> memref<64xi32, #tpu.memory_space<vmem>>
      %dma_wait3A_211 = arith.constant 0 : i32
      %dma_wait3A_212 = arith.constant 0 : i32
      %dma_wait3A_213 = tpu.memref_slice %arg7[%dma_wait3A_211, %dma_wait3A_212] : memref<10112x128xf32, #tpu.memory_space<vmem_shared>> -> memref<10112x128xf32, #tpu.memory_space<vmem_shared>>
      tpu.wait_indirect_dma semaphore(%arg13 : memref<!tpu.dma_semaphore, #tpu.memory_space<semaphore_mem>>) src(%dma_wait3A_213 : memref<10112x128xf32, #tpu.memory_space<vmem_shared>>) dst(%dma_wait3A_207 : memref<64x128xf32, #tpu.memory_space<vmem>>)
      %mul3A_214 = arith.constant 8 : i32
      %mul3A_215 = arith.muli %scan3A_10, %mul3A_214 : i32
      %add3A_216 = arith.addi %mul3A_2, %mul3A_215 : i32
      %add3A_217 = arith.constant 2 : i32
      %add3A_218 = arith.addi %add3A_216, %add3A_217 : i32
      %mul3A_219 = arith.constant 64 : i32
      %mul3A_220 = arith.muli %add3A_218, %mul3A_219 : i32
      %run_scoped3A_221 = arith.constant 0 : i32
      "tpu.region"() ({
        %run_scoped3A_502 = tpu.sem_alloc : memref<!tpu.dma_semaphore, #tpu.memory_space<semaphore_mem>>
        %dma_start3A_503 = arith.constant 0 : i32
        %dma_start3A_504 = arith.constant 0 : i32
        %dma_start3A_505 = tpu.memref_slice %arg10[%run_scoped3A_221, %dma_start3A_503, %dma_start3A_504] : memref<2x64x128xf32, #tpu.memory_space<vmem>> -> memref<1x64x128xf32, #tpu.memory_space<vmem>>
        %dma_start3A_506 = tpu.memref_squeeze %dma_start3A_505 : memref<1x64x128xf32, #tpu.memory_space<vmem>> -> memref<64x128xf32, #tpu.memory_space<vmem>>
        %dma_start3A_507 = arith.constant 0 : i32
        %dma_start3A_508 = tpu.memref_slice %arg5[%mul3A_220, %dma_start3A_507] : memref<327680x128xf32, #tpu.memory_space<hbm>> -> memref<64x128xf32, #tpu.memory_space<hbm>>
        %dma_start3A_509 = arith.constant 0 : i32
        %dma_start3A_510 = tpu.memref_slice %arg5[%mul3A_220, %dma_start3A_509] : memref<327680x128xf32, #tpu.memory_space<hbm>> -> memref<64x128xf32, #tpu.memory_space<hbm>>
        %dma_start3A_511 = arith.constant 0 : i32
        %dma_start3A_512 = arith.constant 0 : i32
        %dma_start3A_513 = tpu.memref_slice %arg10[%run_scoped3A_221, %dma_start3A_511, %dma_start3A_512] : memref<2x64x128xf32, #tpu.memory_space<vmem>> -> memref<1x64x128xf32, #tpu.memory_space<vmem>>
        %dma_start3A_514 = tpu.memref_squeeze %dma_start3A_513 : memref<1x64x128xf32, #tpu.memory_space<vmem>> -> memref<64x128xf32, #tpu.memory_space<vmem>>
        tpu.enqueue_dma source(%dma_start3A_514 : memref<64x128xf32, #tpu.memory_space<vmem>>) target(%dma_start3A_510 : memref<64x128xf32, #tpu.memory_space<hbm>>) target_semaphore(%run_scoped3A_502 : memref<!tpu.dma_semaphore, #tpu.memory_space<semaphore_mem>>)
        %dma_wait3A_515 = arith.constant 0 : i32
        %dma_wait3A_516 = arith.constant 0 : i32
        %dma_wait3A_517 = tpu.memref_slice %arg10[%run_scoped3A_221, %dma_wait3A_515, %dma_wait3A_516] : memref<2x64x128xf32, #tpu.memory_space<vmem>> -> memref<1x64x128xf32, #tpu.memory_space<vmem>>
        %dma_wait3A_518 = tpu.memref_squeeze %dma_wait3A_517 : memref<1x64x128xf32, #tpu.memory_space<vmem>> -> memref<64x128xf32, #tpu.memory_space<vmem>>
        %dma_wait3A_519 = arith.constant 0 : i32
        %dma_wait3A_520 = tpu.memref_slice %arg5[%mul3A_220, %dma_wait3A_519] : memref<327680x128xf32, #tpu.memory_space<hbm>> -> memref<64x128xf32, #tpu.memory_space<hbm>>
        %dma_wait3A_521 = arith.constant 0 : i32
        %dma_wait3A_522 = tpu.memref_slice %arg5[%mul3A_220, %dma_wait3A_521] : memref<327680x128xf32, #tpu.memory_space<hbm>> -> memref<64x128xf32, #tpu.memory_space<hbm>>
        %dma_wait3A_523 = arith.constant 0 : i32
        %dma_wait3A_524 = arith.constant 0 : i32
        %dma_wait3A_525 = tpu.memref_slice %arg10[%run_scoped3A_221, %dma_wait3A_523, %dma_wait3A_524] : memref<2x64x128xf32, #tpu.memory_space<vmem>> -> memref<1x64x128xf32, #tpu.memory_space<vmem>>
        %dma_wait3A_526 = tpu.memref_squeeze %dma_wait3A_525 : memref<1x64x128xf32, #tpu.memory_space<vmem>> -> memref<64x128xf32, #tpu.memory_space<vmem>>
        tpu.wait_dma2 semaphore(%run_scoped3A_502 : memref<!tpu.dma_semaphore, #tpu.memory_space<semaphore_mem>>) src(%dma_wait3A_526 : memref<64x128xf32, #tpu.memory_space<vmem>>) dst(%dma_wait3A_522 : memref<64x128xf32, #tpu.memory_space<hbm>>)
        tpu.yield
      }) : () -> ()
      %run_scoped3A_222 = arith.constant 0 : i32
      "tpu.region"() ({
        %run_scoped3A_502 = tpu.sem_alloc : memref<!tpu.dma_semaphore, #tpu.memory_space<semaphore_mem>>
        %dma_start3A_503 = arith.constant 0 : i32
        %dma_start3A_504 = arith.constant 0 : i32
        %dma_start3A_505 = tpu.memref_slice %arg11[%run_scoped3A_222, %dma_start3A_503, %dma_start3A_504] : memref<2x64x128xf32, #tpu.memory_space<vmem>> -> memref<1x64x128xf32, #tpu.memory_space<vmem>>
        %dma_start3A_506 = tpu.memref_squeeze %dma_start3A_505 : memref<1x64x128xf32, #tpu.memory_space<vmem>> -> memref<64x128xf32, #tpu.memory_space<vmem>>
        %dma_start3A_507 = arith.constant 0 : i32
        %dma_start3A_508 = tpu.memref_slice %arg6[%mul3A_220, %dma_start3A_507] : memref<327680x128xf32, #tpu.memory_space<hbm>> -> memref<64x128xf32, #tpu.memory_space<hbm>>
        %dma_start3A_509 = arith.constant 0 : i32
        %dma_start3A_510 = tpu.memref_slice %arg6[%mul3A_220, %dma_start3A_509] : memref<327680x128xf32, #tpu.memory_space<hbm>> -> memref<64x128xf32, #tpu.memory_space<hbm>>
        %dma_start3A_511 = arith.constant 0 : i32
        %dma_start3A_512 = arith.constant 0 : i32
        %dma_start3A_513 = tpu.memref_slice %arg11[%run_scoped3A_222, %dma_start3A_511, %dma_start3A_512] : memref<2x64x128xf32, #tpu.memory_space<vmem>> -> memref<1x64x128xf32, #tpu.memory_space<vmem>>
        %dma_start3A_514 = tpu.memref_squeeze %dma_start3A_513 : memref<1x64x128xf32, #tpu.memory_space<vmem>> -> memref<64x128xf32, #tpu.memory_space<vmem>>
        tpu.enqueue_dma source(%dma_start3A_514 : memref<64x128xf32, #tpu.memory_space<vmem>>) target(%dma_start3A_510 : memref<64x128xf32, #tpu.memory_space<hbm>>) target_semaphore(%run_scoped3A_502 : memref<!tpu.dma_semaphore, #tpu.memory_space<semaphore_mem>>)
        %dma_wait3A_515 = arith.constant 0 : i32
        %dma_wait3A_516 = arith.constant 0 : i32
        %dma_wait3A_517 = tpu.memref_slice %arg11[%run_scoped3A_222, %dma_wait3A_515, %dma_wait3A_516] : memref<2x64x128xf32, #tpu.memory_space<vmem>> -> memref<1x64x128xf32, #tpu.memory_space<vmem>>
        %dma_wait3A_518 = tpu.memref_squeeze %dma_wait3A_517 : memref<1x64x128xf32, #tpu.memory_space<vmem>> -> memref<64x128xf32, #tpu.memory_space<vmem>>
        %dma_wait3A_519 = arith.constant 0 : i32
        %dma_wait3A_520 = tpu.memref_slice %arg6[%mul3A_220, %dma_wait3A_519] : memref<327680x128xf32, #tpu.memory_space<hbm>> -> memref<64x128xf32, #tpu.memory_space<hbm>>
        %dma_wait3A_521 = arith.constant 0 : i32
        %dma_wait3A_522 = tpu.memref_slice %arg6[%mul3A_220, %dma_wait3A_521] : memref<327680x128xf32, #tpu.memory_space<hbm>> -> memref<64x128xf32, #tpu.memory_space<hbm>>
        %dma_wait3A_523 = arith.constant 0 : i32
        %dma_wait3A_524 = arith.constant 0 : i32
        %dma_wait3A_525 = tpu.memref_slice %arg11[%run_scoped3A_222, %dma_wait3A_523, %dma_wait3A_524] : memref<2x64x128xf32, #tpu.memory_space<vmem>> -> memref<1x64x128xf32, #tpu.memory_space<vmem>>
        %dma_wait3A_526 = tpu.memref_squeeze %dma_wait3A_525 : memref<1x64x128xf32, #tpu.memory_space<vmem>> -> memref<64x128xf32, #tpu.memory_space<vmem>>
        tpu.wait_dma2 semaphore(%run_scoped3A_502 : memref<!tpu.dma_semaphore, #tpu.memory_space<semaphore_mem>>) src(%dma_wait3A_526 : memref<64x128xf32, #tpu.memory_space<vmem>>) dst(%dma_wait3A_522 : memref<64x128xf32, #tpu.memory_space<hbm>>)
        tpu.yield
      }) : () -> ()
      %dma_start3A_223 = arith.constant 4 : i32
      %dma_start3A_224 = arith.constant 0 : i32
      %dma_start3A_225 = arith.constant 0 : i32
      %dma_start3A_226 = arith.constant 0 : i32
      %dma_start3A_227 = arith.constant 0 : i32
      %dma_start3A_228 = tpu.memref_slice %arg10[%dma_start3A_225, %dma_start3A_226, %dma_start3A_227] : memref<2x64x128xf32, #tpu.memory_space<vmem>> -> memref<1x64x128xf32, #tpu.memory_space<vmem>>
      %dma_start3A_229 = tpu.memref_squeeze %dma_start3A_228 : memref<1x64x128xf32, #tpu.memory_space<vmem>> -> memref<64x128xf32, #tpu.memory_space<vmem>>
      %dma_start3A_230 = arith.constant 0 : i32
      %dma_start3A_231 = tpu.memref_slice %arg8[%dma_start3A_223, %dma_start3A_224, %dma_start3A_230] : memref<8x1x64xi32, #tpu.memory_space<vmem>> -> memref<1x1x64xi32, #tpu.memory_space<vmem>>
      %dma_start3A_232 = tpu.memref_squeeze %dma_start3A_231 : memref<1x1x64xi32, #tpu.memory_space<vmem>> -> memref<64xi32, #tpu.memory_space<vmem>>
      %dma_start3A_233 = arith.constant 0 : i32
      %dma_start3A_234 = arith.constant 0 : i32
      %dma_start3A_235 = tpu.memref_slice %arg7[%dma_start3A_233, %dma_start3A_234] : memref<10112x128xf32, #tpu.memory_space<vmem_shared>> -> memref<10112x128xf32, #tpu.memory_space<vmem_shared>>
      tpu.enqueue_indirect_dma source(%dma_start3A_235 : memref<10112x128xf32, #tpu.memory_space<vmem_shared>>) target(%dma_start3A_229 : memref<64x128xf32, #tpu.memory_space<vmem>>) offsets(%dma_start3A_232 : memref<64xi32, #tpu.memory_space<vmem>>) semaphore(%arg12 : memref<!tpu.dma_semaphore, #tpu.memory_space<semaphore_mem>>)
      %dma_start3A_236 = arith.constant 4 : i32
      %dma_start3A_237 = arith.constant 0 : i32
      %dma_start3A_238 = arith.constant 0 : i32
      %dma_start3A_239 = arith.constant 0 : i32
      %dma_start3A_240 = arith.constant 0 : i32
      %dma_start3A_241 = tpu.memref_slice %arg11[%dma_start3A_238, %dma_start3A_239, %dma_start3A_240] : memref<2x64x128xf32, #tpu.memory_space<vmem>> -> memref<1x64x128xf32, #tpu.memory_space<vmem>>
      %dma_start3A_242 = tpu.memref_squeeze %dma_start3A_241 : memref<1x64x128xf32, #tpu.memory_space<vmem>> -> memref<64x128xf32, #tpu.memory_space<vmem>>
      %dma_start3A_243 = arith.constant 0 : i32
      %dma_start3A_244 = tpu.memref_slice %arg9[%dma_start3A_236, %dma_start3A_237, %dma_start3A_243] : memref<8x1x64xi32, #tpu.memory_space<vmem>> -> memref<1x1x64xi32, #tpu.memory_space<vmem>>
      %dma_start3A_245 = tpu.memref_squeeze %dma_start3A_244 : memref<1x1x64xi32, #tpu.memory_space<vmem>> -> memref<64xi32, #tpu.memory_space<vmem>>
      %dma_start3A_246 = arith.constant 0 : i32
      %dma_start3A_247 = arith.constant 0 : i32
      %dma_start3A_248 = tpu.memref_slice %arg7[%dma_start3A_246, %dma_start3A_247] : memref<10112x128xf32, #tpu.memory_space<vmem_shared>> -> memref<10112x128xf32, #tpu.memory_space<vmem_shared>>
      tpu.enqueue_indirect_dma source(%dma_start3A_248 : memref<10112x128xf32, #tpu.memory_space<vmem_shared>>) target(%dma_start3A_242 : memref<64x128xf32, #tpu.memory_space<vmem>>) offsets(%dma_start3A_245 : memref<64xi32, #tpu.memory_space<vmem>>) semaphore(%arg13 : memref<!tpu.dma_semaphore, #tpu.memory_space<semaphore_mem>>)
      %dma_wait3A_249 = arith.constant 0 : i32
      %dma_wait3A_250 = arith.constant 0 : i32
      %dma_wait3A_251 = arith.constant 1 : i32
      %dma_wait3A_252 = arith.constant 0 : i32
      %dma_wait3A_253 = arith.constant 0 : i32
      %dma_wait3A_254 = tpu.memref_slice %arg10[%dma_wait3A_251, %dma_wait3A_252, %dma_wait3A_253] : memref<2x64x128xf32, #tpu.memory_space<vmem>> -> memref<1x64x128xf32, #tpu.memory_space<vmem>>
      %dma_wait3A_255 = tpu.memref_squeeze %dma_wait3A_254 : memref<1x64x128xf32, #tpu.memory_space<vmem>> -> memref<64x128xf32, #tpu.memory_space<vmem>>
      %dma_wait3A_256 = arith.constant 0 : i32
      %dma_wait3A_257 = tpu.memref_slice %arg8[%dma_wait3A_249, %dma_wait3A_250, %dma_wait3A_256] : memref<8x1x64xi32, #tpu.memory_space<vmem>> -> memref<1x1x64xi32, #tpu.memory_space<vmem>>
      %dma_wait3A_258 = tpu.memref_squeeze %dma_wait3A_257 : memref<1x1x64xi32, #tpu.memory_space<vmem>> -> memref<64xi32, #tpu.memory_space<vmem>>
      %dma_wait3A_259 = arith.constant 0 : i32
      %dma_wait3A_260 = arith.constant 0 : i32
      %dma_wait3A_261 = tpu.memref_slice %arg7[%dma_wait3A_259, %dma_wait3A_260] : memref<10112x128xf32, #tpu.memory_space<vmem_shared>> -> memref<10112x128xf32, #tpu.memory_space<vmem_shared>>
      tpu.wait_indirect_dma semaphore(%arg14 : memref<!tpu.dma_semaphore, #tpu.memory_space<semaphore_mem>>) src(%dma_wait3A_261 : memref<10112x128xf32, #tpu.memory_space<vmem_shared>>) dst(%dma_wait3A_255 : memref<64x128xf32, #tpu.memory_space<vmem>>)
      %dma_wait3A_262 = arith.constant 0 : i32
      %dma_wait3A_263 = arith.constant 0 : i32
      %dma_wait3A_264 = arith.constant 1 : i32
      %dma_wait3A_265 = arith.constant 0 : i32
      %dma_wait3A_266 = arith.constant 0 : i32
      %dma_wait3A_267 = tpu.memref_slice %arg11[%dma_wait3A_264, %dma_wait3A_265, %dma_wait3A_266] : memref<2x64x128xf32, #tpu.memory_space<vmem>> -> memref<1x64x128xf32, #tpu.memory_space<vmem>>
      %dma_wait3A_268 = tpu.memref_squeeze %dma_wait3A_267 : memref<1x64x128xf32, #tpu.memory_space<vmem>> -> memref<64x128xf32, #tpu.memory_space<vmem>>
      %dma_wait3A_269 = arith.constant 0 : i32
      %dma_wait3A_270 = tpu.memref_slice %arg9[%dma_wait3A_262, %dma_wait3A_263, %dma_wait3A_269] : memref<8x1x64xi32, #tpu.memory_space<vmem>> -> memref<1x1x64xi32, #tpu.memory_space<vmem>>
      %dma_wait3A_271 = tpu.memref_squeeze %dma_wait3A_270 : memref<1x1x64xi32, #tpu.memory_space<vmem>> -> memref<64xi32, #tpu.memory_space<vmem>>
      %dma_wait3A_272 = arith.constant 0 : i32
      %dma_wait3A_273 = arith.constant 0 : i32
      %dma_wait3A_274 = tpu.memref_slice %arg7[%dma_wait3A_272, %dma_wait3A_273] : memref<10112x128xf32, #tpu.memory_space<vmem_shared>> -> memref<10112x128xf32, #tpu.memory_space<vmem_shared>>
      tpu.wait_indirect_dma semaphore(%arg15 : memref<!tpu.dma_semaphore, #tpu.memory_space<semaphore_mem>>) src(%dma_wait3A_274 : memref<10112x128xf32, #tpu.memory_space<vmem_shared>>) dst(%dma_wait3A_268 : memref<64x128xf32, #tpu.memory_space<vmem>>)
      %mul3A_275 = arith.constant 8 : i32
      %mul3A_276 = arith.muli %scan3A_10, %mul3A_275 : i32
      %add3A_277 = arith.addi %mul3A_2, %mul3A_276 : i32
      %add3A_278 = arith.constant 3 : i32
      %add3A_279 = arith.addi %add3A_277, %add3A_278 : i32
      %mul3A_280 = arith.constant 64 : i32
      %mul3A_281 = arith.muli %add3A_279, %mul3A_280 : i32
      %run_scoped3A_282 = arith.constant 1 : i32
      "tpu.region"() ({
        %run_scoped3A_502 = tpu.sem_alloc : memref<!tpu.dma_semaphore, #tpu.memory_space<semaphore_mem>>
        %dma_start3A_503 = arith.constant 0 : i32
        %dma_start3A_504 = arith.constant 0 : i32
        %dma_start3A_505 = tpu.memref_slice %arg10[%run_scoped3A_282, %dma_start3A_503, %dma_start3A_504] : memref<2x64x128xf32, #tpu.memory_space<vmem>> -> memref<1x64x128xf32, #tpu.memory_space<vmem>>
        %dma_start3A_506 = tpu.memref_squeeze %dma_start3A_505 : memref<1x64x128xf32, #tpu.memory_space<vmem>> -> memref<64x128xf32, #tpu.memory_space<vmem>>
        %dma_start3A_507 = arith.constant 0 : i32
        %dma_start3A_508 = tpu.memref_slice %arg5[%mul3A_281, %dma_start3A_507] : memref<327680x128xf32, #tpu.memory_space<hbm>> -> memref<64x128xf32, #tpu.memory_space<hbm>>
        %dma_start3A_509 = arith.constant 0 : i32
        %dma_start3A_510 = tpu.memref_slice %arg5[%mul3A_281, %dma_start3A_509] : memref<327680x128xf32, #tpu.memory_space<hbm>> -> memref<64x128xf32, #tpu.memory_space<hbm>>
        %dma_start3A_511 = arith.constant 0 : i32
        %dma_start3A_512 = arith.constant 0 : i32
        %dma_start3A_513 = tpu.memref_slice %arg10[%run_scoped3A_282, %dma_start3A_511, %dma_start3A_512] : memref<2x64x128xf32, #tpu.memory_space<vmem>> -> memref<1x64x128xf32, #tpu.memory_space<vmem>>
        %dma_start3A_514 = tpu.memref_squeeze %dma_start3A_513 : memref<1x64x128xf32, #tpu.memory_space<vmem>> -> memref<64x128xf32, #tpu.memory_space<vmem>>
        tpu.enqueue_dma source(%dma_start3A_514 : memref<64x128xf32, #tpu.memory_space<vmem>>) target(%dma_start3A_510 : memref<64x128xf32, #tpu.memory_space<hbm>>) target_semaphore(%run_scoped3A_502 : memref<!tpu.dma_semaphore, #tpu.memory_space<semaphore_mem>>)
        %dma_wait3A_515 = arith.constant 0 : i32
        %dma_wait3A_516 = arith.constant 0 : i32
        %dma_wait3A_517 = tpu.memref_slice %arg10[%run_scoped3A_282, %dma_wait3A_515, %dma_wait3A_516] : memref<2x64x128xf32, #tpu.memory_space<vmem>> -> memref<1x64x128xf32, #tpu.memory_space<vmem>>
        %dma_wait3A_518 = tpu.memref_squeeze %dma_wait3A_517 : memref<1x64x128xf32, #tpu.memory_space<vmem>> -> memref<64x128xf32, #tpu.memory_space<vmem>>
        %dma_wait3A_519 = arith.constant 0 : i32
        %dma_wait3A_520 = tpu.memref_slice %arg5[%mul3A_281, %dma_wait3A_519] : memref<327680x128xf32, #tpu.memory_space<hbm>> -> memref<64x128xf32, #tpu.memory_space<hbm>>
        %dma_wait3A_521 = arith.constant 0 : i32
        %dma_wait3A_522 = tpu.memref_slice %arg5[%mul3A_281, %dma_wait3A_521] : memref<327680x128xf32, #tpu.memory_space<hbm>> -> memref<64x128xf32, #tpu.memory_space<hbm>>
        %dma_wait3A_523 = arith.constant 0 : i32
        %dma_wait3A_524 = arith.constant 0 : i32
        %dma_wait3A_525 = tpu.memref_slice %arg10[%run_scoped3A_282, %dma_wait3A_523, %dma_wait3A_524] : memref<2x64x128xf32, #tpu.memory_space<vmem>> -> memref<1x64x128xf32, #tpu.memory_space<vmem>>
        %dma_wait3A_526 = tpu.memref_squeeze %dma_wait3A_525 : memref<1x64x128xf32, #tpu.memory_space<vmem>> -> memref<64x128xf32, #tpu.memory_space<vmem>>
        tpu.wait_dma2 semaphore(%run_scoped3A_502 : memref<!tpu.dma_semaphore, #tpu.memory_space<semaphore_mem>>) src(%dma_wait3A_526 : memref<64x128xf32, #tpu.memory_space<vmem>>) dst(%dma_wait3A_522 : memref<64x128xf32, #tpu.memory_space<hbm>>)
        tpu.yield
      }) : () -> ()
      %run_scoped3A_283 = arith.constant 1 : i32
      "tpu.region"() ({
        %run_scoped3A_502 = tpu.sem_alloc : memref<!tpu.dma_semaphore, #tpu.memory_space<semaphore_mem>>
        %dma_start3A_503 = arith.constant 0 : i32
        %dma_start3A_504 = arith.constant 0 : i32
        %dma_start3A_505 = tpu.memref_slice %arg11[%run_scoped3A_283, %dma_start3A_503, %dma_start3A_504] : memref<2x64x128xf32, #tpu.memory_space<vmem>> -> memref<1x64x128xf32, #tpu.memory_space<vmem>>
        %dma_start3A_506 = tpu.memref_squeeze %dma_start3A_505 : memref<1x64x128xf32, #tpu.memory_space<vmem>> -> memref<64x128xf32, #tpu.memory_space<vmem>>
        %dma_start3A_507 = arith.constant 0 : i32
        %dma_start3A_508 = tpu.memref_slice %arg6[%mul3A_281, %dma_start3A_507] : memref<327680x128xf32, #tpu.memory_space<hbm>> -> memref<64x128xf32, #tpu.memory_space<hbm>>
        %dma_start3A_509 = arith.constant 0 : i32
        %dma_start3A_510 = tpu.memref_slice %arg6[%mul3A_281, %dma_start3A_509] : memref<327680x128xf32, #tpu.memory_space<hbm>> -> memref<64x128xf32, #tpu.memory_space<hbm>>
        %dma_start3A_511 = arith.constant 0 : i32
        %dma_start3A_512 = arith.constant 0 : i32
        %dma_start3A_513 = tpu.memref_slice %arg11[%run_scoped3A_283, %dma_start3A_511, %dma_start3A_512] : memref<2x64x128xf32, #tpu.memory_space<vmem>> -> memref<1x64x128xf32, #tpu.memory_space<vmem>>
        %dma_start3A_514 = tpu.memref_squeeze %dma_start3A_513 : memref<1x64x128xf32, #tpu.memory_space<vmem>> -> memref<64x128xf32, #tpu.memory_space<vmem>>
        tpu.enqueue_dma source(%dma_start3A_514 : memref<64x128xf32, #tpu.memory_space<vmem>>) target(%dma_start3A_510 : memref<64x128xf32, #tpu.memory_space<hbm>>) target_semaphore(%run_scoped3A_502 : memref<!tpu.dma_semaphore, #tpu.memory_space<semaphore_mem>>)
        %dma_wait3A_515 = arith.constant 0 : i32
        %dma_wait3A_516 = arith.constant 0 : i32
        %dma_wait3A_517 = tpu.memref_slice %arg11[%run_scoped3A_283, %dma_wait3A_515, %dma_wait3A_516] : memref<2x64x128xf32, #tpu.memory_space<vmem>> -> memref<1x64x128xf32, #tpu.memory_space<vmem>>
        %dma_wait3A_518 = tpu.memref_squeeze %dma_wait3A_517 : memref<1x64x128xf32, #tpu.memory_space<vmem>> -> memref<64x128xf32, #tpu.memory_space<vmem>>
        %dma_wait3A_519 = arith.constant 0 : i32
        %dma_wait3A_520 = tpu.memref_slice %arg6[%mul3A_281, %dma_wait3A_519] : memref<327680x128xf32, #tpu.memory_space<hbm>> -> memref<64x128xf32, #tpu.memory_space<hbm>>
        %dma_wait3A_521 = arith.constant 0 : i32
        %dma_wait3A_522 = tpu.memref_slice %arg6[%mul3A_281, %dma_wait3A_521] : memref<327680x128xf32, #tpu.memory_space<hbm>> -> memref<64x128xf32, #tpu.memory_space<hbm>>
        %dma_wait3A_523 = arith.constant 0 : i32
        %dma_wait3A_524 = arith.constant 0 : i32
        %dma_wait3A_525 = tpu.memref_slice %arg11[%run_scoped3A_283, %dma_wait3A_523, %dma_wait3A_524] : memref<2x64x128xf32, #tpu.memory_space<vmem>> -> memref<1x64x128xf32, #tpu.memory_space<vmem>>
        %dma_wait3A_526 = tpu.memref_squeeze %dma_wait3A_525 : memref<1x64x128xf32, #tpu.memory_space<vmem>> -> memref<64x128xf32, #tpu.memory_space<vmem>>
        tpu.wait_dma2 semaphore(%run_scoped3A_502 : memref<!tpu.dma_semaphore, #tpu.memory_space<semaphore_mem>>) src(%dma_wait3A_526 : memref<64x128xf32, #tpu.memory_space<vmem>>) dst(%dma_wait3A_522 : memref<64x128xf32, #tpu.memory_space<hbm>>)
        tpu.yield
      }) : () -> ()
      %dma_start3A_284 = arith.constant 5 : i32
      %dma_start3A_285 = arith.constant 0 : i32
      %dma_start3A_286 = arith.constant 1 : i32
      %dma_start3A_287 = arith.constant 0 : i32
      %dma_start3A_288 = arith.constant 0 : i32
      %dma_start3A_289 = tpu.memref_slice %arg10[%dma_start3A_286, %dma_start3A_287, %dma_start3A_288] : memref<2x64x128xf32, #tpu.memory_space<vmem>> -> memref<1x64x128xf32, #tpu.memory_space<vmem>>
      %dma_start3A_290 = tpu.memref_squeeze %dma_start3A_289 : memref<1x64x128xf32, #tpu.memory_space<vmem>> -> memref<64x128xf32, #tpu.memory_space<vmem>>
      %dma_start3A_291 = arith.constant 0 : i32
      %dma_start3A_292 = tpu.memref_slice %arg8[%dma_start3A_284, %dma_start3A_285, %dma_start3A_291] : memref<8x1x64xi32, #tpu.memory_space<vmem>> -> memref<1x1x64xi32, #tpu.memory_space<vmem>>
      %dma_start3A_293 = tpu.memref_squeeze %dma_start3A_292 : memref<1x1x64xi32, #tpu.memory_space<vmem>> -> memref<64xi32, #tpu.memory_space<vmem>>
      %dma_start3A_294 = arith.constant 0 : i32
      %dma_start3A_295 = arith.constant 0 : i32
      %dma_start3A_296 = tpu.memref_slice %arg7[%dma_start3A_294, %dma_start3A_295] : memref<10112x128xf32, #tpu.memory_space<vmem_shared>> -> memref<10112x128xf32, #tpu.memory_space<vmem_shared>>
      tpu.enqueue_indirect_dma source(%dma_start3A_296 : memref<10112x128xf32, #tpu.memory_space<vmem_shared>>) target(%dma_start3A_290 : memref<64x128xf32, #tpu.memory_space<vmem>>) offsets(%dma_start3A_293 : memref<64xi32, #tpu.memory_space<vmem>>) semaphore(%arg14 : memref<!tpu.dma_semaphore, #tpu.memory_space<semaphore_mem>>)
      %dma_start3A_297 = arith.constant 5 : i32
      %dma_start3A_298 = arith.constant 0 : i32
      %dma_start3A_299 = arith.constant 1 : i32
      %dma_start3A_300 = arith.constant 0 : i32
      %dma_start3A_301 = arith.constant 0 : i32
      %dma_start3A_302 = tpu.memref_slice %arg11[%dma_start3A_299, %dma_start3A_300, %dma_start3A_301] : memref<2x64x128xf32, #tpu.memory_space<vmem>> -> memref<1x64x128xf32, #tpu.memory_space<vmem>>
      %dma_start3A_303 = tpu.memref_squeeze %dma_start3A_302 : memref<1x64x128xf32, #tpu.memory_space<vmem>> -> memref<64x128xf32, #tpu.memory_space<vmem>>
      %dma_start3A_304 = arith.constant 0 : i32
      %dma_start3A_305 = tpu.memref_slice %arg9[%dma_start3A_297, %dma_start3A_298, %dma_start3A_304] : memref<8x1x64xi32, #tpu.memory_space<vmem>> -> memref<1x1x64xi32, #tpu.memory_space<vmem>>
      %dma_start3A_306 = tpu.memref_squeeze %dma_start3A_305 : memref<1x1x64xi32, #tpu.memory_space<vmem>> -> memref<64xi32, #tpu.memory_space<vmem>>
      %dma_start3A_307 = arith.constant 0 : i32
      %dma_start3A_308 = arith.constant 0 : i32
      %dma_start3A_309 = tpu.memref_slice %arg7[%dma_start3A_307, %dma_start3A_308] : memref<10112x128xf32, #tpu.memory_space<vmem_shared>> -> memref<10112x128xf32, #tpu.memory_space<vmem_shared>>
      tpu.enqueue_indirect_dma source(%dma_start3A_309 : memref<10112x128xf32, #tpu.memory_space<vmem_shared>>) target(%dma_start3A_303 : memref<64x128xf32, #tpu.memory_space<vmem>>) offsets(%dma_start3A_306 : memref<64xi32, #tpu.memory_space<vmem>>) semaphore(%arg15 : memref<!tpu.dma_semaphore, #tpu.memory_space<semaphore_mem>>)
      %dma_wait3A_310 = arith.constant 0 : i32
      %dma_wait3A_311 = arith.constant 0 : i32
      %dma_wait3A_312 = arith.constant 0 : i32
      %dma_wait3A_313 = arith.constant 0 : i32
      %dma_wait3A_314 = arith.constant 0 : i32
      %dma_wait3A_315 = tpu.memref_slice %arg10[%dma_wait3A_312, %dma_wait3A_313, %dma_wait3A_314] : memref<2x64x128xf32, #tpu.memory_space<vmem>> -> memref<1x64x128xf32, #tpu.memory_space<vmem>>
      %dma_wait3A_316 = tpu.memref_squeeze %dma_wait3A_315 : memref<1x64x128xf32, #tpu.memory_space<vmem>> -> memref<64x128xf32, #tpu.memory_space<vmem>>
      %dma_wait3A_317 = arith.constant 0 : i32
      %dma_wait3A_318 = tpu.memref_slice %arg8[%dma_wait3A_310, %dma_wait3A_311, %dma_wait3A_317] : memref<8x1x64xi32, #tpu.memory_space<vmem>> -> memref<1x1x64xi32, #tpu.memory_space<vmem>>
      %dma_wait3A_319 = tpu.memref_squeeze %dma_wait3A_318 : memref<1x1x64xi32, #tpu.memory_space<vmem>> -> memref<64xi32, #tpu.memory_space<vmem>>
      %dma_wait3A_320 = arith.constant 0 : i32
      %dma_wait3A_321 = arith.constant 0 : i32
      %dma_wait3A_322 = tpu.memref_slice %arg7[%dma_wait3A_320, %dma_wait3A_321] : memref<10112x128xf32, #tpu.memory_space<vmem_shared>> -> memref<10112x128xf32, #tpu.memory_space<vmem_shared>>
      tpu.wait_indirect_dma semaphore(%arg12 : memref<!tpu.dma_semaphore, #tpu.memory_space<semaphore_mem>>) src(%dma_wait3A_322 : memref<10112x128xf32, #tpu.memory_space<vmem_shared>>) dst(%dma_wait3A_316 : memref<64x128xf32, #tpu.memory_space<vmem>>)
      %dma_wait3A_323 = arith.constant 0 : i32
      %dma_wait3A_324 = arith.constant 0 : i32
      %dma_wait3A_325 = arith.constant 0 : i32
      %dma_wait3A_326 = arith.constant 0 : i32
      %dma_wait3A_327 = arith.constant 0 : i32
      %dma_wait3A_328 = tpu.memref_slice %arg11[%dma_wait3A_325, %dma_wait3A_326, %dma_wait3A_327] : memref<2x64x128xf32, #tpu.memory_space<vmem>> -> memref<1x64x128xf32, #tpu.memory_space<vmem>>
      %dma_wait3A_329 = tpu.memref_squeeze %dma_wait3A_328 : memref<1x64x128xf32, #tpu.memory_space<vmem>> -> memref<64x128xf32, #tpu.memory_space<vmem>>
      %dma_wait3A_330 = arith.constant 0 : i32
      %dma_wait3A_331 = tpu.memref_slice %arg9[%dma_wait3A_323, %dma_wait3A_324, %dma_wait3A_330] : memref<8x1x64xi32, #tpu.memory_space<vmem>> -> memref<1x1x64xi32, #tpu.memory_space<vmem>>
      %dma_wait3A_332 = tpu.memref_squeeze %dma_wait3A_331 : memref<1x1x64xi32, #tpu.memory_space<vmem>> -> memref<64xi32, #tpu.memory_space<vmem>>
      %dma_wait3A_333 = arith.constant 0 : i32
      %dma_wait3A_334 = arith.constant 0 : i32
      %dma_wait3A_335 = tpu.memref_slice %arg7[%dma_wait3A_333, %dma_wait3A_334] : memref<10112x128xf32, #tpu.memory_space<vmem_shared>> -> memref<10112x128xf32, #tpu.memory_space<vmem_shared>>
      tpu.wait_indirect_dma semaphore(%arg13 : memref<!tpu.dma_semaphore, #tpu.memory_space<semaphore_mem>>) src(%dma_wait3A_335 : memref<10112x128xf32, #tpu.memory_space<vmem_shared>>) dst(%dma_wait3A_329 : memref<64x128xf32, #tpu.memory_space<vmem>>)
      %mul3A_336 = arith.constant 8 : i32
      %mul3A_337 = arith.muli %scan3A_10, %mul3A_336 : i32
      %add3A_338 = arith.addi %mul3A_2, %mul3A_337 : i32
      %add3A_339 = arith.constant 4 : i32
      %add3A_340 = arith.addi %add3A_338, %add3A_339 : i32
      %mul3A_341 = arith.constant 64 : i32
      %mul3A_342 = arith.muli %add3A_340, %mul3A_341 : i32
      %run_scoped3A_343 = arith.constant 0 : i32
      "tpu.region"() ({
        %run_scoped3A_502 = tpu.sem_alloc : memref<!tpu.dma_semaphore, #tpu.memory_space<semaphore_mem>>
        %dma_start3A_503 = arith.constant 0 : i32
        %dma_start3A_504 = arith.constant 0 : i32
        %dma_start3A_505 = tpu.memref_slice %arg10[%run_scoped3A_343, %dma_start3A_503, %dma_start3A_504] : memref<2x64x128xf32, #tpu.memory_space<vmem>> -> memref<1x64x128xf32, #tpu.memory_space<vmem>>
        %dma_start3A_506 = tpu.memref_squeeze %dma_start3A_505 : memref<1x64x128xf32, #tpu.memory_space<vmem>> -> memref<64x128xf32, #tpu.memory_space<vmem>>
        %dma_start3A_507 = arith.constant 0 : i32
        %dma_start3A_508 = tpu.memref_slice %arg5[%mul3A_342, %dma_start3A_507] : memref<327680x128xf32, #tpu.memory_space<hbm>> -> memref<64x128xf32, #tpu.memory_space<hbm>>
        %dma_start3A_509 = arith.constant 0 : i32
        %dma_start3A_510 = tpu.memref_slice %arg5[%mul3A_342, %dma_start3A_509] : memref<327680x128xf32, #tpu.memory_space<hbm>> -> memref<64x128xf32, #tpu.memory_space<hbm>>
        %dma_start3A_511 = arith.constant 0 : i32
        %dma_start3A_512 = arith.constant 0 : i32
        %dma_start3A_513 = tpu.memref_slice %arg10[%run_scoped3A_343, %dma_start3A_511, %dma_start3A_512] : memref<2x64x128xf32, #tpu.memory_space<vmem>> -> memref<1x64x128xf32, #tpu.memory_space<vmem>>
        %dma_start3A_514 = tpu.memref_squeeze %dma_start3A_513 : memref<1x64x128xf32, #tpu.memory_space<vmem>> -> memref<64x128xf32, #tpu.memory_space<vmem>>
        tpu.enqueue_dma source(%dma_start3A_514 : memref<64x128xf32, #tpu.memory_space<vmem>>) target(%dma_start3A_510 : memref<64x128xf32, #tpu.memory_space<hbm>>) target_semaphore(%run_scoped3A_502 : memref<!tpu.dma_semaphore, #tpu.memory_space<semaphore_mem>>)
        %dma_wait3A_515 = arith.constant 0 : i32
        %dma_wait3A_516 = arith.constant 0 : i32
        %dma_wait3A_517 = tpu.memref_slice %arg10[%run_scoped3A_343, %dma_wait3A_515, %dma_wait3A_516] : memref<2x64x128xf32, #tpu.memory_space<vmem>> -> memref<1x64x128xf32, #tpu.memory_space<vmem>>
        %dma_wait3A_518 = tpu.memref_squeeze %dma_wait3A_517 : memref<1x64x128xf32, #tpu.memory_space<vmem>> -> memref<64x128xf32, #tpu.memory_space<vmem>>
        %dma_wait3A_519 = arith.constant 0 : i32
        %dma_wait3A_520 = tpu.memref_slice %arg5[%mul3A_342, %dma_wait3A_519] : memref<327680x128xf32, #tpu.memory_space<hbm>> -> memref<64x128xf32, #tpu.memory_space<hbm>>
        %dma_wait3A_521 = arith.constant 0 : i32
        %dma_wait3A_522 = tpu.memref_slice %arg5[%mul3A_342, %dma_wait3A_521] : memref<327680x128xf32, #tpu.memory_space<hbm>> -> memref<64x128xf32, #tpu.memory_space<hbm>>
        %dma_wait3A_523 = arith.constant 0 : i32
        %dma_wait3A_524 = arith.constant 0 : i32
        %dma_wait3A_525 = tpu.memref_slice %arg10[%run_scoped3A_343, %dma_wait3A_523, %dma_wait3A_524] : memref<2x64x128xf32, #tpu.memory_space<vmem>> -> memref<1x64x128xf32, #tpu.memory_space<vmem>>
        %dma_wait3A_526 = tpu.memref_squeeze %dma_wait3A_525 : memref<1x64x128xf32, #tpu.memory_space<vmem>> -> memref<64x128xf32, #tpu.memory_space<vmem>>
        tpu.wait_dma2 semaphore(%run_scoped3A_502 : memref<!tpu.dma_semaphore, #tpu.memory_space<semaphore_mem>>) src(%dma_wait3A_526 : memref<64x128xf32, #tpu.memory_space<vmem>>) dst(%dma_wait3A_522 : memref<64x128xf32, #tpu.memory_space<hbm>>)
        tpu.yield
      }) : () -> ()
      %run_scoped3A_344 = arith.constant 0 : i32
      "tpu.region"() ({
        %run_scoped3A_502 = tpu.sem_alloc : memref<!tpu.dma_semaphore, #tpu.memory_space<semaphore_mem>>
        %dma_start3A_503 = arith.constant 0 : i32
        %dma_start3A_504 = arith.constant 0 : i32
        %dma_start3A_505 = tpu.memref_slice %arg11[%run_scoped3A_344, %dma_start3A_503, %dma_start3A_504] : memref<2x64x128xf32, #tpu.memory_space<vmem>> -> memref<1x64x128xf32, #tpu.memory_space<vmem>>
        %dma_start3A_506 = tpu.memref_squeeze %dma_start3A_505 : memref<1x64x128xf32, #tpu.memory_space<vmem>> -> memref<64x128xf32, #tpu.memory_space<vmem>>
        %dma_start3A_507 = arith.constant 0 : i32
        %dma_start3A_508 = tpu.memref_slice %arg6[%mul3A_342, %dma_start3A_507] : memref<327680x128xf32, #tpu.memory_space<hbm>> -> memref<64x128xf32, #tpu.memory_space<hbm>>
        %dma_start3A_509 = arith.constant 0 : i32
        %dma_start3A_510 = tpu.memref_slice %arg6[%mul3A_342, %dma_start3A_509] : memref<327680x128xf32, #tpu.memory_space<hbm>> -> memref<64x128xf32, #tpu.memory_space<hbm>>
        %dma_start3A_511 = arith.constant 0 : i32
        %dma_start3A_512 = arith.constant 0 : i32
        %dma_start3A_513 = tpu.memref_slice %arg11[%run_scoped3A_344, %dma_start3A_511, %dma_start3A_512] : memref<2x64x128xf32, #tpu.memory_space<vmem>> -> memref<1x64x128xf32, #tpu.memory_space<vmem>>
        %dma_start3A_514 = tpu.memref_squeeze %dma_start3A_513 : memref<1x64x128xf32, #tpu.memory_space<vmem>> -> memref<64x128xf32, #tpu.memory_space<vmem>>
        tpu.enqueue_dma source(%dma_start3A_514 : memref<64x128xf32, #tpu.memory_space<vmem>>) target(%dma_start3A_510 : memref<64x128xf32, #tpu.memory_space<hbm>>) target_semaphore(%run_scoped3A_502 : memref<!tpu.dma_semaphore, #tpu.memory_space<semaphore_mem>>)
        %dma_wait3A_515 = arith.constant 0 : i32
        %dma_wait3A_516 = arith.constant 0 : i32
        %dma_wait3A_517 = tpu.memref_slice %arg11[%run_scoped3A_344, %dma_wait3A_515, %dma_wait3A_516] : memref<2x64x128xf32, #tpu.memory_space<vmem>> -> memref<1x64x128xf32, #tpu.memory_space<vmem>>
        %dma_wait3A_518 = tpu.memref_squeeze %dma_wait3A_517 : memref<1x64x128xf32, #tpu.memory_space<vmem>> -> memref<64x128xf32, #tpu.memory_space<vmem>>
        %dma_wait3A_519 = arith.constant 0 : i32
        %dma_wait3A_520 = tpu.memref_slice %arg6[%mul3A_342, %dma_wait3A_519] : memref<327680x128xf32, #tpu.memory_space<hbm>> -> memref<64x128xf32, #tpu.memory_space<hbm>>
        %dma_wait3A_521 = arith.constant 0 : i32
        %dma_wait3A_522 = tpu.memref_slice %arg6[%mul3A_342, %dma_wait3A_521] : memref<327680x128xf32, #tpu.memory_space<hbm>> -> memref<64x128xf32, #tpu.memory_space<hbm>>
        %dma_wait3A_523 = arith.constant 0 : i32
        %dma_wait3A_524 = arith.constant 0 : i32
        %dma_wait3A_525 = tpu.memref_slice %arg11[%run_scoped3A_344, %dma_wait3A_523, %dma_wait3A_524] : memref<2x64x128xf32, #tpu.memory_space<vmem>> -> memref<1x64x128xf32, #tpu.memory_space<vmem>>
        %dma_wait3A_526 = tpu.memref_squeeze %dma_wait3A_525 : memref<1x64x128xf32, #tpu.memory_space<vmem>> -> memref<64x128xf32, #tpu.memory_space<vmem>>
        tpu.wait_dma2 semaphore(%run_scoped3A_502 : memref<!tpu.dma_semaphore, #tpu.memory_space<semaphore_mem>>) src(%dma_wait3A_526 : memref<64x128xf32, #tpu.memory_space<vmem>>) dst(%dma_wait3A_522 : memref<64x128xf32, #tpu.memory_space<hbm>>)
        tpu.yield
      }) : () -> ()
      %dma_start3A_345 = arith.constant 6 : i32
      %dma_start3A_346 = arith.constant 0 : i32
      %dma_start3A_347 = arith.constant 0 : i32
      %dma_start3A_348 = arith.constant 0 : i32
      %dma_start3A_349 = arith.constant 0 : i32
      %dma_start3A_350 = tpu.memref_slice %arg10[%dma_start3A_347, %dma_start3A_348, %dma_start3A_349] : memref<2x64x128xf32, #tpu.memory_space<vmem>> -> memref<1x64x128xf32, #tpu.memory_space<vmem>>
      %dma_start3A_351 = tpu.memref_squeeze %dma_start3A_350 : memref<1x64x128xf32, #tpu.memory_space<vmem>> -> memref<64x128xf32, #tpu.memory_space<vmem>>
      %dma_start3A_352 = arith.constant 0 : i32
      %dma_start3A_353 = tpu.memref_slice %arg8[%dma_start3A_345, %dma_start3A_346, %dma_start3A_352] : memref<8x1x64xi32, #tpu.memory_space<vmem>> -> memref<1x1x64xi32, #tpu.memory_space<vmem>>
      %dma_start3A_354 = tpu.memref_squeeze %dma_start3A_353 : memref<1x1x64xi32, #tpu.memory_space<vmem>> -> memref<64xi32, #tpu.memory_space<vmem>>
      %dma_start3A_355 = arith.constant 0 : i32
      %dma_start3A_356 = arith.constant 0 : i32
      %dma_start3A_357 = tpu.memref_slice %arg7[%dma_start3A_355, %dma_start3A_356] : memref<10112x128xf32, #tpu.memory_space<vmem_shared>> -> memref<10112x128xf32, #tpu.memory_space<vmem_shared>>
      tpu.enqueue_indirect_dma source(%dma_start3A_357 : memref<10112x128xf32, #tpu.memory_space<vmem_shared>>) target(%dma_start3A_351 : memref<64x128xf32, #tpu.memory_space<vmem>>) offsets(%dma_start3A_354 : memref<64xi32, #tpu.memory_space<vmem>>) semaphore(%arg12 : memref<!tpu.dma_semaphore, #tpu.memory_space<semaphore_mem>>)
      %dma_start3A_358 = arith.constant 6 : i32
      %dma_start3A_359 = arith.constant 0 : i32
      %dma_start3A_360 = arith.constant 0 : i32
      %dma_start3A_361 = arith.constant 0 : i32
      %dma_start3A_362 = arith.constant 0 : i32
      %dma_start3A_363 = tpu.memref_slice %arg11[%dma_start3A_360, %dma_start3A_361, %dma_start3A_362] : memref<2x64x128xf32, #tpu.memory_space<vmem>> -> memref<1x64x128xf32, #tpu.memory_space<vmem>>
      %dma_start3A_364 = tpu.memref_squeeze %dma_start3A_363 : memref<1x64x128xf32, #tpu.memory_space<vmem>> -> memref<64x128xf32, #tpu.memory_space<vmem>>
      %dma_start3A_365 = arith.constant 0 : i32
      %dma_start3A_366 = tpu.memref_slice %arg9[%dma_start3A_358, %dma_start3A_359, %dma_start3A_365] : memref<8x1x64xi32, #tpu.memory_space<vmem>> -> memref<1x1x64xi32, #tpu.memory_space<vmem>>
      %dma_start3A_367 = tpu.memref_squeeze %dma_start3A_366 : memref<1x1x64xi32, #tpu.memory_space<vmem>> -> memref<64xi32, #tpu.memory_space<vmem>>
      %dma_start3A_368 = arith.constant 0 : i32
      %dma_start3A_369 = arith.constant 0 : i32
      %dma_start3A_370 = tpu.memref_slice %arg7[%dma_start3A_368, %dma_start3A_369] : memref<10112x128xf32, #tpu.memory_space<vmem_shared>> -> memref<10112x128xf32, #tpu.memory_space<vmem_shared>>
      tpu.enqueue_indirect_dma source(%dma_start3A_370 : memref<10112x128xf32, #tpu.memory_space<vmem_shared>>) target(%dma_start3A_364 : memref<64x128xf32, #tpu.memory_space<vmem>>) offsets(%dma_start3A_367 : memref<64xi32, #tpu.memory_space<vmem>>) semaphore(%arg13 : memref<!tpu.dma_semaphore, #tpu.memory_space<semaphore_mem>>)
      %dma_wait3A_371 = arith.constant 0 : i32
      %dma_wait3A_372 = arith.constant 0 : i32
      %dma_wait3A_373 = arith.constant 1 : i32
      %dma_wait3A_374 = arith.constant 0 : i32
      %dma_wait3A_375 = arith.constant 0 : i32
      %dma_wait3A_376 = tpu.memref_slice %arg10[%dma_wait3A_373, %dma_wait3A_374, %dma_wait3A_375] : memref<2x64x128xf32, #tpu.memory_space<vmem>> -> memref<1x64x128xf32, #tpu.memory_space<vmem>>
      %dma_wait3A_377 = tpu.memref_squeeze %dma_wait3A_376 : memref<1x64x128xf32, #tpu.memory_space<vmem>> -> memref<64x128xf32, #tpu.memory_space<vmem>>
      %dma_wait3A_378 = arith.constant 0 : i32
      %dma_wait3A_379 = tpu.memref_slice %arg8[%dma_wait3A_371, %dma_wait3A_372, %dma_wait3A_378] : memref<8x1x64xi32, #tpu.memory_space<vmem>> -> memref<1x1x64xi32, #tpu.memory_space<vmem>>
      %dma_wait3A_380 = tpu.memref_squeeze %dma_wait3A_379 : memref<1x1x64xi32, #tpu.memory_space<vmem>> -> memref<64xi32, #tpu.memory_space<vmem>>
      %dma_wait3A_381 = arith.constant 0 : i32
      %dma_wait3A_382 = arith.constant 0 : i32
      %dma_wait3A_383 = tpu.memref_slice %arg7[%dma_wait3A_381, %dma_wait3A_382] : memref<10112x128xf32, #tpu.memory_space<vmem_shared>> -> memref<10112x128xf32, #tpu.memory_space<vmem_shared>>
      tpu.wait_indirect_dma semaphore(%arg14 : memref<!tpu.dma_semaphore, #tpu.memory_space<semaphore_mem>>) src(%dma_wait3A_383 : memref<10112x128xf32, #tpu.memory_space<vmem_shared>>) dst(%dma_wait3A_377 : memref<64x128xf32, #tpu.memory_space<vmem>>)
      %dma_wait3A_384 = arith.constant 0 : i32
      %dma_wait3A_385 = arith.constant 0 : i32
      %dma_wait3A_386 = arith.constant 1 : i32
      %dma_wait3A_387 = arith.constant 0 : i32
      %dma_wait3A_388 = arith.constant 0 : i32
      %dma_wait3A_389 = tpu.memref_slice %arg11[%dma_wait3A_386, %dma_wait3A_387, %dma_wait3A_388] : memref<2x64x128xf32, #tpu.memory_space<vmem>> -> memref<1x64x128xf32, #tpu.memory_space<vmem>>
      %dma_wait3A_390 = tpu.memref_squeeze %dma_wait3A_389 : memref<1x64x128xf32, #tpu.memory_space<vmem>> -> memref<64x128xf32, #tpu.memory_space<vmem>>
      %dma_wait3A_391 = arith.constant 0 : i32
      %dma_wait3A_392 = tpu.memref_slice %arg9[%dma_wait3A_384, %dma_wait3A_385, %dma_wait3A_391] : memref<8x1x64xi32, #tpu.memory_space<vmem>> -> memref<1x1x64xi32, #tpu.memory_space<vmem>>
      %dma_wait3A_393 = tpu.memref_squeeze %dma_wait3A_392 : memref<1x1x64xi32, #tpu.memory_space<vmem>> -> memref<64xi32, #tpu.memory_space<vmem>>
      %dma_wait3A_394 = arith.constant 0 : i32
      %dma_wait3A_395 = arith.constant 0 : i32
      %dma_wait3A_396 = tpu.memref_slice %arg7[%dma_wait3A_394, %dma_wait3A_395] : memref<10112x128xf32, #tpu.memory_space<vmem_shared>> -> memref<10112x128xf32, #tpu.memory_space<vmem_shared>>
      tpu.wait_indirect_dma semaphore(%arg15 : memref<!tpu.dma_semaphore, #tpu.memory_space<semaphore_mem>>) src(%dma_wait3A_396 : memref<10112x128xf32, #tpu.memory_space<vmem_shared>>) dst(%dma_wait3A_390 : memref<64x128xf32, #tpu.memory_space<vmem>>)
      %mul3A_397 = arith.constant 8 : i32
      %mul3A_398 = arith.muli %scan3A_10, %mul3A_397 : i32
      %add3A_399 = arith.addi %mul3A_2, %mul3A_398 : i32
      %add3A_400 = arith.constant 5 : i32
      %add3A_401 = arith.addi %add3A_399, %add3A_400 : i32
      %mul3A_402 = arith.constant 64 : i32
      %mul3A_403 = arith.muli %add3A_401, %mul3A_402 : i32
      %run_scoped3A_404 = arith.constant 1 : i32
      "tpu.region"() ({
        %run_scoped3A_502 = tpu.sem_alloc : memref<!tpu.dma_semaphore, #tpu.memory_space<semaphore_mem>>
        %dma_start3A_503 = arith.constant 0 : i32
        %dma_start3A_504 = arith.constant 0 : i32
        %dma_start3A_505 = tpu.memref_slice %arg10[%run_scoped3A_404, %dma_start3A_503, %dma_start3A_504] : memref<2x64x128xf32, #tpu.memory_space<vmem>> -> memref<1x64x128xf32, #tpu.memory_space<vmem>>
        %dma_start3A_506 = tpu.memref_squeeze %dma_start3A_505 : memref<1x64x128xf32, #tpu.memory_space<vmem>> -> memref<64x128xf32, #tpu.memory_space<vmem>>
        %dma_start3A_507 = arith.constant 0 : i32
        %dma_start3A_508 = tpu.memref_slice %arg5[%mul3A_403, %dma_start3A_507] : memref<327680x128xf32, #tpu.memory_space<hbm>> -> memref<64x128xf32, #tpu.memory_space<hbm>>
        %dma_start3A_509 = arith.constant 0 : i32
        %dma_start3A_510 = tpu.memref_slice %arg5[%mul3A_403, %dma_start3A_509] : memref<327680x128xf32, #tpu.memory_space<hbm>> -> memref<64x128xf32, #tpu.memory_space<hbm>>
        %dma_start3A_511 = arith.constant 0 : i32
        %dma_start3A_512 = arith.constant 0 : i32
        %dma_start3A_513 = tpu.memref_slice %arg10[%run_scoped3A_404, %dma_start3A_511, %dma_start3A_512] : memref<2x64x128xf32, #tpu.memory_space<vmem>> -> memref<1x64x128xf32, #tpu.memory_space<vmem>>
        %dma_start3A_514 = tpu.memref_squeeze %dma_start3A_513 : memref<1x64x128xf32, #tpu.memory_space<vmem>> -> memref<64x128xf32, #tpu.memory_space<vmem>>
        tpu.enqueue_dma source(%dma_start3A_514 : memref<64x128xf32, #tpu.memory_space<vmem>>) target(%dma_start3A_510 : memref<64x128xf32, #tpu.memory_space<hbm>>) target_semaphore(%run_scoped3A_502 : memref<!tpu.dma_semaphore, #tpu.memory_space<semaphore_mem>>)
        %dma_wait3A_515 = arith.constant 0 : i32
        %dma_wait3A_516 = arith.constant 0 : i32
        %dma_wait3A_517 = tpu.memref_slice %arg10[%run_scoped3A_404, %dma_wait3A_515, %dma_wait3A_516] : memref<2x64x128xf32, #tpu.memory_space<vmem>> -> memref<1x64x128xf32, #tpu.memory_space<vmem>>
        %dma_wait3A_518 = tpu.memref_squeeze %dma_wait3A_517 : memref<1x64x128xf32, #tpu.memory_space<vmem>> -> memref<64x128xf32, #tpu.memory_space<vmem>>
        %dma_wait3A_519 = arith.constant 0 : i32
        %dma_wait3A_520 = tpu.memref_slice %arg5[%mul3A_403, %dma_wait3A_519] : memref<327680x128xf32, #tpu.memory_space<hbm>> -> memref<64x128xf32, #tpu.memory_space<hbm>>
        %dma_wait3A_521 = arith.constant 0 : i32
        %dma_wait3A_522 = tpu.memref_slice %arg5[%mul3A_403, %dma_wait3A_521] : memref<327680x128xf32, #tpu.memory_space<hbm>> -> memref<64x128xf32, #tpu.memory_space<hbm>>
        %dma_wait3A_523 = arith.constant 0 : i32
        %dma_wait3A_524 = arith.constant 0 : i32
        %dma_wait3A_525 = tpu.memref_slice %arg10[%run_scoped3A_404, %dma_wait3A_523, %dma_wait3A_524] : memref<2x64x128xf32, #tpu.memory_space<vmem>> -> memref<1x64x128xf32, #tpu.memory_space<vmem>>
        %dma_wait3A_526 = tpu.memref_squeeze %dma_wait3A_525 : memref<1x64x128xf32, #tpu.memory_space<vmem>> -> memref<64x128xf32, #tpu.memory_space<vmem>>
        tpu.wait_dma2 semaphore(%run_scoped3A_502 : memref<!tpu.dma_semaphore, #tpu.memory_space<semaphore_mem>>) src(%dma_wait3A_526 : memref<64x128xf32, #tpu.memory_space<vmem>>) dst(%dma_wait3A_522 : memref<64x128xf32, #tpu.memory_space<hbm>>)
        tpu.yield
      }) : () -> ()
      %run_scoped3A_405 = arith.constant 1 : i32
      "tpu.region"() ({
        %run_scoped3A_502 = tpu.sem_alloc : memref<!tpu.dma_semaphore, #tpu.memory_space<semaphore_mem>>
        %dma_start3A_503 = arith.constant 0 : i32
        %dma_start3A_504 = arith.constant 0 : i32
        %dma_start3A_505 = tpu.memref_slice %arg11[%run_scoped3A_405, %dma_start3A_503, %dma_start3A_504] : memref<2x64x128xf32, #tpu.memory_space<vmem>> -> memref<1x64x128xf32, #tpu.memory_space<vmem>>
        %dma_start3A_506 = tpu.memref_squeeze %dma_start3A_505 : memref<1x64x128xf32, #tpu.memory_space<vmem>> -> memref<64x128xf32, #tpu.memory_space<vmem>>
        %dma_start3A_507 = arith.constant 0 : i32
        %dma_start3A_508 = tpu.memref_slice %arg6[%mul3A_403, %dma_start3A_507] : memref<327680x128xf32, #tpu.memory_space<hbm>> -> memref<64x128xf32, #tpu.memory_space<hbm>>
        %dma_start3A_509 = arith.constant 0 : i32
        %dma_start3A_510 = tpu.memref_slice %arg6[%mul3A_403, %dma_start3A_509] : memref<327680x128xf32, #tpu.memory_space<hbm>> -> memref<64x128xf32, #tpu.memory_space<hbm>>
        %dma_start3A_511 = arith.constant 0 : i32
        %dma_start3A_512 = arith.constant 0 : i32
        %dma_start3A_513 = tpu.memref_slice %arg11[%run_scoped3A_405, %dma_start3A_511, %dma_start3A_512] : memref<2x64x128xf32, #tpu.memory_space<vmem>> -> memref<1x64x128xf32, #tpu.memory_space<vmem>>
        %dma_start3A_514 = tpu.memref_squeeze %dma_start3A_513 : memref<1x64x128xf32, #tpu.memory_space<vmem>> -> memref<64x128xf32, #tpu.memory_space<vmem>>
        tpu.enqueue_dma source(%dma_start3A_514 : memref<64x128xf32, #tpu.memory_space<vmem>>) target(%dma_start3A_510 : memref<64x128xf32, #tpu.memory_space<hbm>>) target_semaphore(%run_scoped3A_502 : memref<!tpu.dma_semaphore, #tpu.memory_space<semaphore_mem>>)
        %dma_wait3A_515 = arith.constant 0 : i32
        %dma_wait3A_516 = arith.constant 0 : i32
        %dma_wait3A_517 = tpu.memref_slice %arg11[%run_scoped3A_405, %dma_wait3A_515, %dma_wait3A_516] : memref<2x64x128xf32, #tpu.memory_space<vmem>> -> memref<1x64x128xf32, #tpu.memory_space<vmem>>
        %dma_wait3A_518 = tpu.memref_squeeze %dma_wait3A_517 : memref<1x64x128xf32, #tpu.memory_space<vmem>> -> memref<64x128xf32, #tpu.memory_space<vmem>>
        %dma_wait3A_519 = arith.constant 0 : i32
        %dma_wait3A_520 = tpu.memref_slice %arg6[%mul3A_403, %dma_wait3A_519] : memref<327680x128xf32, #tpu.memory_space<hbm>> -> memref<64x128xf32, #tpu.memory_space<hbm>>
        %dma_wait3A_521 = arith.constant 0 : i32
        %dma_wait3A_522 = tpu.memref_slice %arg6[%mul3A_403, %dma_wait3A_521] : memref<327680x128xf32, #tpu.memory_space<hbm>> -> memref<64x128xf32, #tpu.memory_space<hbm>>
        %dma_wait3A_523 = arith.constant 0 : i32
        %dma_wait3A_524 = arith.constant 0 : i32
        %dma_wait3A_525 = tpu.memref_slice %arg11[%run_scoped3A_405, %dma_wait3A_523, %dma_wait3A_524] : memref<2x64x128xf32, #tpu.memory_space<vmem>> -> memref<1x64x128xf32, #tpu.memory_space<vmem>>
        %dma_wait3A_526 = tpu.memref_squeeze %dma_wait3A_525 : memref<1x64x128xf32, #tpu.memory_space<vmem>> -> memref<64x128xf32, #tpu.memory_space<vmem>>
        tpu.wait_dma2 semaphore(%run_scoped3A_502 : memref<!tpu.dma_semaphore, #tpu.memory_space<semaphore_mem>>) src(%dma_wait3A_526 : memref<64x128xf32, #tpu.memory_space<vmem>>) dst(%dma_wait3A_522 : memref<64x128xf32, #tpu.memory_space<hbm>>)
        tpu.yield
      }) : () -> ()
      %dma_start3A_406 = arith.constant 7 : i32
      %dma_start3A_407 = arith.constant 0 : i32
      %dma_start3A_408 = arith.constant 1 : i32
      %dma_start3A_409 = arith.constant 0 : i32
      %dma_start3A_410 = arith.constant 0 : i32
      %dma_start3A_411 = tpu.memref_slice %arg10[%dma_start3A_408, %dma_start3A_409, %dma_start3A_410] : memref<2x64x128xf32, #tpu.memory_space<vmem>> -> memref<1x64x128xf32, #tpu.memory_space<vmem>>
      %dma_start3A_412 = tpu.memref_squeeze %dma_start3A_411 : memref<1x64x128xf32, #tpu.memory_space<vmem>> -> memref<64x128xf32, #tpu.memory_space<vmem>>
      %dma_start3A_413 = arith.constant 0 : i32
      %dma_start3A_414 = tpu.memref_slice %arg8[%dma_start3A_406, %dma_start3A_407, %dma_start3A_413] : memref<8x1x64xi32, #tpu.memory_space<vmem>> -> memref<1x1x64xi32, #tpu.memory_space<vmem>>
      %dma_start3A_415 = tpu.memref_squeeze %dma_start3A_414 : memref<1x1x64xi32, #tpu.memory_space<vmem>> -> memref<64xi32, #tpu.memory_space<vmem>>
      %dma_start3A_416 = arith.constant 0 : i32
      %dma_start3A_417 = arith.constant 0 : i32
      %dma_start3A_418 = tpu.memref_slice %arg7[%dma_start3A_416, %dma_start3A_417] : memref<10112x128xf32, #tpu.memory_space<vmem_shared>> -> memref<10112x128xf32, #tpu.memory_space<vmem_shared>>
      tpu.enqueue_indirect_dma source(%dma_start3A_418 : memref<10112x128xf32, #tpu.memory_space<vmem_shared>>) target(%dma_start3A_412 : memref<64x128xf32, #tpu.memory_space<vmem>>) offsets(%dma_start3A_415 : memref<64xi32, #tpu.memory_space<vmem>>) semaphore(%arg14 : memref<!tpu.dma_semaphore, #tpu.memory_space<semaphore_mem>>)
      %dma_start3A_419 = arith.constant 7 : i32
      %dma_start3A_420 = arith.constant 0 : i32
      %dma_start3A_421 = arith.constant 1 : i32
      %dma_start3A_422 = arith.constant 0 : i32
      %dma_start3A_423 = arith.constant 0 : i32
      %dma_start3A_424 = tpu.memref_slice %arg11[%dma_start3A_421, %dma_start3A_422, %dma_start3A_423] : memref<2x64x128xf32, #tpu.memory_space<vmem>> -> memref<1x64x128xf32, #tpu.memory_space<vmem>>
      %dma_start3A_425 = tpu.memref_squeeze %dma_start3A_424 : memref<1x64x128xf32, #tpu.memory_space<vmem>> -> memref<64x128xf32, #tpu.memory_space<vmem>>
      %dma_start3A_426 = arith.constant 0 : i32
      %dma_start3A_427 = tpu.memref_slice %arg9[%dma_start3A_419, %dma_start3A_420, %dma_start3A_426] : memref<8x1x64xi32, #tpu.memory_space<vmem>> -> memref<1x1x64xi32, #tpu.memory_space<vmem>>
      %dma_start3A_428 = tpu.memref_squeeze %dma_start3A_427 : memref<1x1x64xi32, #tpu.memory_space<vmem>> -> memref<64xi32, #tpu.memory_space<vmem>>
      %dma_start3A_429 = arith.constant 0 : i32
      %dma_start3A_430 = arith.constant 0 : i32
      %dma_start3A_431 = tpu.memref_slice %arg7[%dma_start3A_429, %dma_start3A_430] : memref<10112x128xf32, #tpu.memory_space<vmem_shared>> -> memref<10112x128xf32, #tpu.memory_space<vmem_shared>>
      tpu.enqueue_indirect_dma source(%dma_start3A_431 : memref<10112x128xf32, #tpu.memory_space<vmem_shared>>) target(%dma_start3A_425 : memref<64x128xf32, #tpu.memory_space<vmem>>) offsets(%dma_start3A_428 : memref<64xi32, #tpu.memory_space<vmem>>) semaphore(%arg15 : memref<!tpu.dma_semaphore, #tpu.memory_space<semaphore_mem>>)
      %dma_wait3A_432 = arith.constant 0 : i32
      %dma_wait3A_433 = arith.constant 0 : i32
      %dma_wait3A_434 = arith.constant 0 : i32
      %dma_wait3A_435 = arith.constant 0 : i32
      %dma_wait3A_436 = arith.constant 0 : i32
      %dma_wait3A_437 = tpu.memref_slice %arg10[%dma_wait3A_434, %dma_wait3A_435, %dma_wait3A_436] : memref<2x64x128xf32, #tpu.memory_space<vmem>> -> memref<1x64x128xf32, #tpu.memory_space<vmem>>
      %dma_wait3A_438 = tpu.memref_squeeze %dma_wait3A_437 : memref<1x64x128xf32, #tpu.memory_space<vmem>> -> memref<64x128xf32, #tpu.memory_space<vmem>>
      %dma_wait3A_439 = arith.constant 0 : i32
      %dma_wait3A_440 = tpu.memref_slice %arg8[%dma_wait3A_432, %dma_wait3A_433, %dma_wait3A_439] : memref<8x1x64xi32, #tpu.memory_space<vmem>> -> memref<1x1x64xi32, #tpu.memory_space<vmem>>
      %dma_wait3A_441 = tpu.memref_squeeze %dma_wait3A_440 : memref<1x1x64xi32, #tpu.memory_space<vmem>> -> memref<64xi32, #tpu.memory_space<vmem>>
      %dma_wait3A_442 = arith.constant 0 : i32
      %dma_wait3A_443 = arith.constant 0 : i32
      %dma_wait3A_444 = tpu.memref_slice %arg7[%dma_wait3A_442, %dma_wait3A_443] : memref<10112x128xf32, #tpu.memory_space<vmem_shared>> -> memref<10112x128xf32, #tpu.memory_space<vmem_shared>>
      tpu.wait_indirect_dma semaphore(%arg12 : memref<!tpu.dma_semaphore, #tpu.memory_space<semaphore_mem>>) src(%dma_wait3A_444 : memref<10112x128xf32, #tpu.memory_space<vmem_shared>>) dst(%dma_wait3A_438 : memref<64x128xf32, #tpu.memory_space<vmem>>)
      %dma_wait3A_445 = arith.constant 0 : i32
      %dma_wait3A_446 = arith.constant 0 : i32
      %dma_wait3A_447 = arith.constant 0 : i32
      %dma_wait3A_448 = arith.constant 0 : i32
      %dma_wait3A_449 = arith.constant 0 : i32
      %dma_wait3A_450 = tpu.memref_slice %arg11[%dma_wait3A_447, %dma_wait3A_448, %dma_wait3A_449] : memref<2x64x128xf32, #tpu.memory_space<vmem>> -> memref<1x64x128xf32, #tpu.memory_space<vmem>>
      %dma_wait3A_451 = tpu.memref_squeeze %dma_wait3A_450 : memref<1x64x128xf32, #tpu.memory_space<vmem>> -> memref<64x128xf32, #tpu.memory_space<vmem>>
      %dma_wait3A_452 = arith.constant 0 : i32
      %dma_wait3A_453 = tpu.memref_slice %arg9[%dma_wait3A_445, %dma_wait3A_446, %dma_wait3A_452] : memref<8x1x64xi32, #tpu.memory_space<vmem>> -> memref<1x1x64xi32, #tpu.memory_space<vmem>>
      %dma_wait3A_454 = tpu.memref_squeeze %dma_wait3A_453 : memref<1x1x64xi32, #tpu.memory_space<vmem>> -> memref<64xi32, #tpu.memory_space<vmem>>
      %dma_wait3A_455 = arith.constant 0 : i32
      %dma_wait3A_456 = arith.constant 0 : i32
      %dma_wait3A_457 = tpu.memref_slice %arg7[%dma_wait3A_455, %dma_wait3A_456] : memref<10112x128xf32, #tpu.memory_space<vmem_shared>> -> memref<10112x128xf32, #tpu.memory_space<vmem_shared>>
      tpu.wait_indirect_dma semaphore(%arg13 : memref<!tpu.dma_semaphore, #tpu.memory_space<semaphore_mem>>) src(%dma_wait3A_457 : memref<10112x128xf32, #tpu.memory_space<vmem_shared>>) dst(%dma_wait3A_451 : memref<64x128xf32, #tpu.memory_space<vmem>>)
      %mul3A_458 = arith.constant 8 : i32
      %mul3A_459 = arith.muli %scan3A_10, %mul3A_458 : i32
      %add3A_460 = arith.addi %mul3A_2, %mul3A_459 : i32
      %add3A_461 = arith.constant 6 : i32
      %add3A_462 = arith.addi %add3A_460, %add3A_461 : i32
      %mul3A_463 = arith.constant 64 : i32
      %mul3A_464 = arith.muli %add3A_462, %mul3A_463 : i32
      %run_scoped3A_465 = arith.constant 0 : i32
      "tpu.region"() ({
        %run_scoped3A_502 = tpu.sem_alloc : memref<!tpu.dma_semaphore, #tpu.memory_space<semaphore_mem>>
        %dma_start3A_503 = arith.constant 0 : i32
        %dma_start3A_504 = arith.constant 0 : i32
        %dma_start3A_505 = tpu.memref_slice %arg10[%run_scoped3A_465, %dma_start3A_503, %dma_start3A_504] : memref<2x64x128xf32, #tpu.memory_space<vmem>> -> memref<1x64x128xf32, #tpu.memory_space<vmem>>
        %dma_start3A_506 = tpu.memref_squeeze %dma_start3A_505 : memref<1x64x128xf32, #tpu.memory_space<vmem>> -> memref<64x128xf32, #tpu.memory_space<vmem>>
        %dma_start3A_507 = arith.constant 0 : i32
        %dma_start3A_508 = tpu.memref_slice %arg5[%mul3A_464, %dma_start3A_507] : memref<327680x128xf32, #tpu.memory_space<hbm>> -> memref<64x128xf32, #tpu.memory_space<hbm>>
        %dma_start3A_509 = arith.constant 0 : i32
        %dma_start3A_510 = tpu.memref_slice %arg5[%mul3A_464, %dma_start3A_509] : memref<327680x128xf32, #tpu.memory_space<hbm>> -> memref<64x128xf32, #tpu.memory_space<hbm>>
        %dma_start3A_511 = arith.constant 0 : i32
        %dma_start3A_512 = arith.constant 0 : i32
        %dma_start3A_513 = tpu.memref_slice %arg10[%run_scoped3A_465, %dma_start3A_511, %dma_start3A_512] : memref<2x64x128xf32, #tpu.memory_space<vmem>> -> memref<1x64x128xf32, #tpu.memory_space<vmem>>
        %dma_start3A_514 = tpu.memref_squeeze %dma_start3A_513 : memref<1x64x128xf32, #tpu.memory_space<vmem>> -> memref<64x128xf32, #tpu.memory_space<vmem>>
        tpu.enqueue_dma source(%dma_start3A_514 : memref<64x128xf32, #tpu.memory_space<vmem>>) target(%dma_start3A_510 : memref<64x128xf32, #tpu.memory_space<hbm>>) target_semaphore(%run_scoped3A_502 : memref<!tpu.dma_semaphore, #tpu.memory_space<semaphore_mem>>)
        %dma_wait3A_515 = arith.constant 0 : i32
        %dma_wait3A_516 = arith.constant 0 : i32
        %dma_wait3A_517 = tpu.memref_slice %arg10[%run_scoped3A_465, %dma_wait3A_515, %dma_wait3A_516] : memref<2x64x128xf32, #tpu.memory_space<vmem>> -> memref<1x64x128xf32, #tpu.memory_space<vmem>>
        %dma_wait3A_518 = tpu.memref_squeeze %dma_wait3A_517 : memref<1x64x128xf32, #tpu.memory_space<vmem>> -> memref<64x128xf32, #tpu.memory_space<vmem>>
        %dma_wait3A_519 = arith.constant 0 : i32
        %dma_wait3A_520 = tpu.memref_slice %arg5[%mul3A_464, %dma_wait3A_519] : memref<327680x128xf32, #tpu.memory_space<hbm>> -> memref<64x128xf32, #tpu.memory_space<hbm>>
        %dma_wait3A_521 = arith.constant 0 : i32
        %dma_wait3A_522 = tpu.memref_slice %arg5[%mul3A_464, %dma_wait3A_521] : memref<327680x128xf32, #tpu.memory_space<hbm>> -> memref<64x128xf32, #tpu.memory_space<hbm>>
        %dma_wait3A_523 = arith.constant 0 : i32
        %dma_wait3A_524 = arith.constant 0 : i32
        %dma_wait3A_525 = tpu.memref_slice %arg10[%run_scoped3A_465, %dma_wait3A_523, %dma_wait3A_524] : memref<2x64x128xf32, #tpu.memory_space<vmem>> -> memref<1x64x128xf32, #tpu.memory_space<vmem>>
        %dma_wait3A_526 = tpu.memref_squeeze %dma_wait3A_525 : memref<1x64x128xf32, #tpu.memory_space<vmem>> -> memref<64x128xf32, #tpu.memory_space<vmem>>
        tpu.wait_dma2 semaphore(%run_scoped3A_502 : memref<!tpu.dma_semaphore, #tpu.memory_space<semaphore_mem>>) src(%dma_wait3A_526 : memref<64x128xf32, #tpu.memory_space<vmem>>) dst(%dma_wait3A_522 : memref<64x128xf32, #tpu.memory_space<hbm>>)
        tpu.yield
      }) : () -> ()
      %run_scoped3A_466 = arith.constant 0 : i32
      "tpu.region"() ({
        %run_scoped3A_502 = tpu.sem_alloc : memref<!tpu.dma_semaphore, #tpu.memory_space<semaphore_mem>>
        %dma_start3A_503 = arith.constant 0 : i32
        %dma_start3A_504 = arith.constant 0 : i32
        %dma_start3A_505 = tpu.memref_slice %arg11[%run_scoped3A_466, %dma_start3A_503, %dma_start3A_504] : memref<2x64x128xf32, #tpu.memory_space<vmem>> -> memref<1x64x128xf32, #tpu.memory_space<vmem>>
        %dma_start3A_506 = tpu.memref_squeeze %dma_start3A_505 : memref<1x64x128xf32, #tpu.memory_space<vmem>> -> memref<64x128xf32, #tpu.memory_space<vmem>>
        %dma_start3A_507 = arith.constant 0 : i32
        %dma_start3A_508 = tpu.memref_slice %arg6[%mul3A_464, %dma_start3A_507] : memref<327680x128xf32, #tpu.memory_space<hbm>> -> memref<64x128xf32, #tpu.memory_space<hbm>>
        %dma_start3A_509 = arith.constant 0 : i32
        %dma_start3A_510 = tpu.memref_slice %arg6[%mul3A_464, %dma_start3A_509] : memref<327680x128xf32, #tpu.memory_space<hbm>> -> memref<64x128xf32, #tpu.memory_space<hbm>>
        %dma_start3A_511 = arith.constant 0 : i32
        %dma_start3A_512 = arith.constant 0 : i32
        %dma_start3A_513 = tpu.memref_slice %arg11[%run_scoped3A_466, %dma_start3A_511, %dma_start3A_512] : memref<2x64x128xf32, #tpu.memory_space<vmem>> -> memref<1x64x128xf32, #tpu.memory_space<vmem>>
        %dma_start3A_514 = tpu.memref_squeeze %dma_start3A_513 : memref<1x64x128xf32, #tpu.memory_space<vmem>> -> memref<64x128xf32, #tpu.memory_space<vmem>>
        tpu.enqueue_dma source(%dma_start3A_514 : memref<64x128xf32, #tpu.memory_space<vmem>>) target(%dma_start3A_510 : memref<64x128xf32, #tpu.memory_space<hbm>>) target_semaphore(%run_scoped3A_502 : memref<!tpu.dma_semaphore, #tpu.memory_space<semaphore_mem>>)
        %dma_wait3A_515 = arith.constant 0 : i32
        %dma_wait3A_516 = arith.constant 0 : i32
        %dma_wait3A_517 = tpu.memref_slice %arg11[%run_scoped3A_466, %dma_wait3A_515, %dma_wait3A_516] : memref<2x64x128xf32, #tpu.memory_space<vmem>> -> memref<1x64x128xf32, #tpu.memory_space<vmem>>
        %dma_wait3A_518 = tpu.memref_squeeze %dma_wait3A_517 : memref<1x64x128xf32, #tpu.memory_space<vmem>> -> memref<64x128xf32, #tpu.memory_space<vmem>>
        %dma_wait3A_519 = arith.constant 0 : i32
        %dma_wait3A_520 = tpu.memref_slice %arg6[%mul3A_464, %dma_wait3A_519] : memref<327680x128xf32, #tpu.memory_space<hbm>> -> memref<64x128xf32, #tpu.memory_space<hbm>>
        %dma_wait3A_521 = arith.constant 0 : i32
        %dma_wait3A_522 = tpu.memref_slice %arg6[%mul3A_464, %dma_wait3A_521] : memref<327680x128xf32, #tpu.memory_space<hbm>> -> memref<64x128xf32, #tpu.memory_space<hbm>>
        %dma_wait3A_523 = arith.constant 0 : i32
        %dma_wait3A_524 = arith.constant 0 : i32
        %dma_wait3A_525 = tpu.memref_slice %arg11[%run_scoped3A_466, %dma_wait3A_523, %dma_wait3A_524] : memref<2x64x128xf32, #tpu.memory_space<vmem>> -> memref<1x64x128xf32, #tpu.memory_space<vmem>>
        %dma_wait3A_526 = tpu.memref_squeeze %dma_wait3A_525 : memref<1x64x128xf32, #tpu.memory_space<vmem>> -> memref<64x128xf32, #tpu.memory_space<vmem>>
        tpu.wait_dma2 semaphore(%run_scoped3A_502 : memref<!tpu.dma_semaphore, #tpu.memory_space<semaphore_mem>>) src(%dma_wait3A_526 : memref<64x128xf32, #tpu.memory_space<vmem>>) dst(%dma_wait3A_522 : memref<64x128xf32, #tpu.memory_space<hbm>>)
        tpu.yield
      }) : () -> ()
      %dma_wait3A_467 = arith.constant 0 : i32
      %dma_wait3A_468 = arith.constant 0 : i32
      %dma_wait3A_469 = arith.constant 1 : i32
      %dma_wait3A_470 = arith.constant 0 : i32
      %dma_wait3A_471 = arith.constant 0 : i32
      %dma_wait3A_472 = tpu.memref_slice %arg10[%dma_wait3A_469, %dma_wait3A_470, %dma_wait3A_471] : memref<2x64x128xf32, #tpu.memory_space<vmem>> -> memref<1x64x128xf32, #tpu.memory_space<vmem>>
      %dma_wait3A_473 = tpu.memref_squeeze %dma_wait3A_472 : memref<1x64x128xf32, #tpu.memory_space<vmem>> -> memref<64x128xf32, #tpu.memory_space<vmem>>
      %dma_wait3A_474 = arith.constant 0 : i32
      %dma_wait3A_475 = tpu.memref_slice %arg8[%dma_wait3A_467, %dma_wait3A_468, %dma_wait3A_474] : memref<8x1x64xi32, #tpu.memory_space<vmem>> -> memref<1x1x64xi32, #tpu.memory_space<vmem>>
      %dma_wait3A_476 = tpu.memref_squeeze %dma_wait3A_475 : memref<1x1x64xi32, #tpu.memory_space<vmem>> -> memref<64xi32, #tpu.memory_space<vmem>>
      %dma_wait3A_477 = arith.constant 0 : i32
      %dma_wait3A_478 = arith.constant 0 : i32
      %dma_wait3A_479 = tpu.memref_slice %arg7[%dma_wait3A_477, %dma_wait3A_478] : memref<10112x128xf32, #tpu.memory_space<vmem_shared>> -> memref<10112x128xf32, #tpu.memory_space<vmem_shared>>
      tpu.wait_indirect_dma semaphore(%arg14 : memref<!tpu.dma_semaphore, #tpu.memory_space<semaphore_mem>>) src(%dma_wait3A_479 : memref<10112x128xf32, #tpu.memory_space<vmem_shared>>) dst(%dma_wait3A_473 : memref<64x128xf32, #tpu.memory_space<vmem>>)
      %dma_wait3A_480 = arith.constant 0 : i32
      %dma_wait3A_481 = arith.constant 0 : i32
      %dma_wait3A_482 = arith.constant 1 : i32
      %dma_wait3A_483 = arith.constant 0 : i32
      %dma_wait3A_484 = arith.constant 0 : i32
      %dma_wait3A_485 = tpu.memref_slice %arg11[%dma_wait3A_482, %dma_wait3A_483, %dma_wait3A_484] : memref<2x64x128xf32, #tpu.memory_space<vmem>> -> memref<1x64x128xf32, #tpu.memory_space<vmem>>
      %dma_wait3A_486 = tpu.memref_squeeze %dma_wait3A_485 : memref<1x64x128xf32, #tpu.memory_space<vmem>> -> memref<64x128xf32, #tpu.memory_space<vmem>>
      %dma_wait3A_487 = arith.constant 0 : i32
      %dma_wait3A_488 = tpu.memref_slice %arg9[%dma_wait3A_480, %dma_wait3A_481, %dma_wait3A_487] : memref<8x1x64xi32, #tpu.memory_space<vmem>> -> memref<1x1x64xi32, #tpu.memory_space<vmem>>
      %dma_wait3A_489 = tpu.memref_squeeze %dma_wait3A_488 : memref<1x1x64xi32, #tpu.memory_space<vmem>> -> memref<64xi32, #tpu.memory_space<vmem>>
      %dma_wait3A_490 = arith.constant 0 : i32
      %dma_wait3A_491 = arith.constant 0 : i32
      %dma_wait3A_492 = tpu.memref_slice %arg7[%dma_wait3A_490, %dma_wait3A_491] : memref<10112x128xf32, #tpu.memory_space<vmem_shared>> -> memref<10112x128xf32, #tpu.memory_space<vmem_shared>>
      tpu.wait_indirect_dma semaphore(%arg15 : memref<!tpu.dma_semaphore, #tpu.memory_space<semaphore_mem>>) src(%dma_wait3A_492 : memref<10112x128xf32, #tpu.memory_space<vmem_shared>>) dst(%dma_wait3A_486 : memref<64x128xf32, #tpu.memory_space<vmem>>)
      %mul3A_493 = arith.constant 8 : i32
      %mul3A_494 = arith.muli %scan3A_10, %mul3A_493 : i32
      %add3A_495 = arith.addi %mul3A_2, %mul3A_494 : i32
      %add3A_496 = arith.constant 7 : i32
      %add3A_497 = arith.addi %add3A_495, %add3A_496 : i32
      %mul3A_498 = arith.constant 64 : i32
      %mul3A_499 = arith.muli %add3A_497, %mul3A_498 : i32
      %run_scoped3A_500 = arith.constant 1 : i32
      "tpu.region"() ({
        %run_scoped3A_502 = tpu.sem_alloc : memref<!tpu.dma_semaphore, #tpu.memory_space<semaphore_mem>>
        %dma_start3A_503 = arith.constant 0 : i32
        %dma_start3A_504 = arith.constant 0 : i32
        %dma_start3A_505 = tpu.memref_slice %arg10[%run_scoped3A_500, %dma_start3A_503, %dma_start3A_504] : memref<2x64x128xf32, #tpu.memory_space<vmem>> -> memref<1x64x128xf32, #tpu.memory_space<vmem>>
        %dma_start3A_506 = tpu.memref_squeeze %dma_start3A_505 : memref<1x64x128xf32, #tpu.memory_space<vmem>> -> memref<64x128xf32, #tpu.memory_space<vmem>>
        %dma_start3A_507 = arith.constant 0 : i32
        %dma_start3A_508 = tpu.memref_slice %arg5[%mul3A_499, %dma_start3A_507] : memref<327680x128xf32, #tpu.memory_space<hbm>> -> memref<64x128xf32, #tpu.memory_space<hbm>>
        %dma_start3A_509 = arith.constant 0 : i32
        %dma_start3A_510 = tpu.memref_slice %arg5[%mul3A_499, %dma_start3A_509] : memref<327680x128xf32, #tpu.memory_space<hbm>> -> memref<64x128xf32, #tpu.memory_space<hbm>>
        %dma_start3A_511 = arith.constant 0 : i32
        %dma_start3A_512 = arith.constant 0 : i32
        %dma_start3A_513 = tpu.memref_slice %arg10[%run_scoped3A_500, %dma_start3A_511, %dma_start3A_512] : memref<2x64x128xf32, #tpu.memory_space<vmem>> -> memref<1x64x128xf32, #tpu.memory_space<vmem>>
        %dma_start3A_514 = tpu.memref_squeeze %dma_start3A_513 : memref<1x64x128xf32, #tpu.memory_space<vmem>> -> memref<64x128xf32, #tpu.memory_space<vmem>>
        tpu.enqueue_dma source(%dma_start3A_514 : memref<64x128xf32, #tpu.memory_space<vmem>>) target(%dma_start3A_510 : memref<64x128xf32, #tpu.memory_space<hbm>>) target_semaphore(%run_scoped3A_502 : memref<!tpu.dma_semaphore, #tpu.memory_space<semaphore_mem>>)
        %dma_wait3A_515 = arith.constant 0 : i32
        %dma_wait3A_516 = arith.constant 0 : i32
        %dma_wait3A_517 = tpu.memref_slice %arg10[%run_scoped3A_500, %dma_wait3A_515, %dma_wait3A_516] : memref<2x64x128xf32, #tpu.memory_space<vmem>> -> memref<1x64x128xf32, #tpu.memory_space<vmem>>
        %dma_wait3A_518 = tpu.memref_squeeze %dma_wait3A_517 : memref<1x64x128xf32, #tpu.memory_space<vmem>> -> memref<64x128xf32, #tpu.memory_space<vmem>>
        %dma_wait3A_519 = arith.constant 0 : i32
        %dma_wait3A_520 = tpu.memref_slice %arg5[%mul3A_499, %dma_wait3A_519] : memref<327680x128xf32, #tpu.memory_space<hbm>> -> memref<64x128xf32, #tpu.memory_space<hbm>>
        %dma_wait3A_521 = arith.constant 0 : i32
        %dma_wait3A_522 = tpu.memref_slice %arg5[%mul3A_499, %dma_wait3A_521] : memref<327680x128xf32, #tpu.memory_space<hbm>> -> memref<64x128xf32, #tpu.memory_space<hbm>>
        %dma_wait3A_523 = arith.constant 0 : i32
        %dma_wait3A_524 = arith.constant 0 : i32
        %dma_wait3A_525 = tpu.memref_slice %arg10[%run_scoped3A_500, %dma_wait3A_523, %dma_wait3A_524] : memref<2x64x128xf32, #tpu.memory_space<vmem>> -> memref<1x64x128xf32, #tpu.memory_space<vmem>>
        %dma_wait3A_526 = tpu.memref_squeeze %dma_wait3A_525 : memref<1x64x128xf32, #tpu.memory_space<vmem>> -> memref<64x128xf32, #tpu.memory_space<vmem>>
        tpu.wait_dma2 semaphore(%run_scoped3A_502 : memref<!tpu.dma_semaphore, #tpu.memory_space<semaphore_mem>>) src(%dma_wait3A_526 : memref<64x128xf32, #tpu.memory_space<vmem>>) dst(%dma_wait3A_522 : memref<64x128xf32, #tpu.memory_space<hbm>>)
        tpu.yield
      }) : () -> ()
      %run_scoped3A_501 = arith.constant 1 : i32
      "tpu.region"() ({
        %run_scoped3A_502 = tpu.sem_alloc : memref<!tpu.dma_semaphore, #tpu.memory_space<semaphore_mem>>
        %dma_start3A_503 = arith.constant 0 : i32
        %dma_start3A_504 = arith.constant 0 : i32
        %dma_start3A_505 = tpu.memref_slice %arg11[%run_scoped3A_501, %dma_start3A_503, %dma_start3A_504] : memref<2x64x128xf32, #tpu.memory_space<vmem>> -> memref<1x64x128xf32, #tpu.memory_space<vmem>>
        %dma_start3A_506 = tpu.memref_squeeze %dma_start3A_505 : memref<1x64x128xf32, #tpu.memory_space<vmem>> -> memref<64x128xf32, #tpu.memory_space<vmem>>
        %dma_start3A_507 = arith.constant 0 : i32
        %dma_start3A_508 = tpu.memref_slice %arg6[%mul3A_499, %dma_start3A_507] : memref<327680x128xf32, #tpu.memory_space<hbm>> -> memref<64x128xf32, #tpu.memory_space<hbm>>
        %dma_start3A_509 = arith.constant 0 : i32
        %dma_start3A_510 = tpu.memref_slice %arg6[%mul3A_499, %dma_start3A_509] : memref<327680x128xf32, #tpu.memory_space<hbm>> -> memref<64x128xf32, #tpu.memory_space<hbm>>
        %dma_start3A_511 = arith.constant 0 : i32
        %dma_start3A_512 = arith.constant 0 : i32
        %dma_start3A_513 = tpu.memref_slice %arg11[%run_scoped3A_501, %dma_start3A_511, %dma_start3A_512] : memref<2x64x128xf32, #tpu.memory_space<vmem>> -> memref<1x64x128xf32, #tpu.memory_space<vmem>>
        %dma_start3A_514 = tpu.memref_squeeze %dma_start3A_513 : memref<1x64x128xf32, #tpu.memory_space<vmem>> -> memref<64x128xf32, #tpu.memory_space<vmem>>
        tpu.enqueue_dma source(%dma_start3A_514 : memref<64x128xf32, #tpu.memory_space<vmem>>) target(%dma_start3A_510 : memref<64x128xf32, #tpu.memory_space<hbm>>) target_semaphore(%run_scoped3A_502 : memref<!tpu.dma_semaphore, #tpu.memory_space<semaphore_mem>>)
        %dma_wait3A_515 = arith.constant 0 : i32
        %dma_wait3A_516 = arith.constant 0 : i32
        %dma_wait3A_517 = tpu.memref_slice %arg11[%run_scoped3A_501, %dma_wait3A_515, %dma_wait3A_516] : memref<2x64x128xf32, #tpu.memory_space<vmem>> -> memref<1x64x128xf32, #tpu.memory_space<vmem>>
        %dma_wait3A_518 = tpu.memref_squeeze %dma_wait3A_517 : memref<1x64x128xf32, #tpu.memory_space<vmem>> -> memref<64x128xf32, #tpu.memory_space<vmem>>
        %dma_wait3A_519 = arith.constant 0 : i32
        %dma_wait3A_520 = tpu.memref_slice %arg6[%mul3A_499, %dma_wait3A_519] : memref<327680x128xf32, #tpu.memory_space<hbm>> -> memref<64x128xf32, #tpu.memory_space<hbm>>
        %dma_wait3A_521 = arith.constant 0 : i32
        %dma_wait3A_522 = tpu.memref_slice %arg6[%mul3A_499, %dma_wait3A_521] : memref<327680x128xf32, #tpu.memory_space<hbm>> -> memref<64x128xf32, #tpu.memory_space<hbm>>
        %dma_wait3A_523 = arith.constant 0 : i32
        %dma_wait3A_524 = arith.constant 0 : i32
        %dma_wait3A_525 = tpu.memref_slice %arg11[%run_scoped3A_501, %dma_wait3A_523, %dma_wait3A_524] : memref<2x64x128xf32, #tpu.memory_space<vmem>> -> memref<1x64x128xf32, #tpu.memory_space<vmem>>
        %dma_wait3A_526 = tpu.memref_squeeze %dma_wait3A_525 : memref<1x64x128xf32, #tpu.memory_space<vmem>> -> memref<64x128xf32, #tpu.memory_space<vmem>>
        tpu.wait_dma2 semaphore(%run_scoped3A_502 : memref<!tpu.dma_semaphore, #tpu.memory_space<semaphore_mem>>) src(%dma_wait3A_526 : memref<64x128xf32, #tpu.memory_space<vmem>>) dst(%dma_wait3A_522 : memref<64x128xf32, #tpu.memory_space<hbm>>)
        tpu.yield
      }) : () -> ()
    }
    %scan3A_9 = arith.constant 20 : i32
    return
  }
}

#map = affine_map<(d0, d1) -> (0)>
#map1 = affine_map<(d0, d1) -> (0, 0, 0)>
module attributes {stable_mosaic.version = 14 : i64} {
  func.func @dist(%arg0: i32, %arg1: i32, %arg2: memref<40000xf32, #tpu.memory_space<hbm>>, %arg3: memref<2560x1x128xi32, #tpu.memory_space<hbm>>, %arg4: memref<2560x1x128xi32, #tpu.memory_space<hbm>>, %arg5: memref<2560x1x128xf32, #tpu.memory_space<hbm>>, %arg6: memref<80x1x128xi32, #tpu.memory_space<vmem>>, %arg7: memref<80x1x128xi32, #tpu.memory_space<vmem>>, %arg8: memref<40000xf32, #tpu.memory_space<vmem>>, %arg9: memref<1x128xf32, #tpu.memory_space<vmem>>) attributes {dimension_semantics = [#tpu.dimension_semantics<core_parallel>, #tpu.dimension_semantics<subcore_parallel>], iteration_bounds = array<i64: 2, 16>, scalar_prefetch = 0 : i64, scratch_operands = 4 : i64, tpu.core_type = #tpu.core_type<sc_vector_subcore>, window_params = [{transform_indices = #map}, {transform_indices = #map1}, {transform_indices = #map1}, {transform_indices = #map1}]} {
    %mul3A = arith.constant 16 : i32
    %mul3A_0 = arith.muli %arg0, %mul3A : i32
    %add3A = arith.addi %mul3A_0, %arg1 : i32
    %mul3A_1 = arith.constant 80 : i32
    %mul3A_2 = arith.muli %add3A, %mul3A_1 : i32
    "tpu.region"() ({
      %run_scoped3A = tpu.sem_alloc : memref<!tpu.dma_semaphore, #tpu.memory_space<semaphore_mem>>
      %dma_start3A = arith.constant 0 : i32
      %dma_start3A_8 = arith.constant 0 : i32
      %dma_start3A_9 = tpu.memref_slice %arg3[%mul3A_2, %dma_start3A, %dma_start3A_8] : memref<2560x1x128xi32, #tpu.memory_space<hbm>> -> memref<80x1x128xi32, #tpu.memory_space<hbm>>
      %dma_start3A_10 = arith.constant 0 : i32
      %dma_start3A_11 = arith.constant 0 : i32
      %dma_start3A_12 = tpu.memref_slice %arg3[%mul3A_2, %dma_start3A_10, %dma_start3A_11] : memref<2560x1x128xi32, #tpu.memory_space<hbm>> -> memref<80x1x128xi32, #tpu.memory_space<hbm>>
      tpu.enqueue_dma source(%dma_start3A_12 : memref<80x1x128xi32, #tpu.memory_space<hbm>>) target(%arg6 : memref<80x1x128xi32, #tpu.memory_space<vmem>>) target_semaphore(%run_scoped3A : memref<!tpu.dma_semaphore, #tpu.memory_space<semaphore_mem>>)
      %dma_wait3A = arith.constant 0 : i32
      %dma_wait3A_13 = arith.constant 0 : i32
      %dma_wait3A_14 = tpu.memref_slice %arg3[%mul3A_2, %dma_wait3A, %dma_wait3A_13] : memref<2560x1x128xi32, #tpu.memory_space<hbm>> -> memref<80x1x128xi32, #tpu.memory_space<hbm>>
      %dma_wait3A_15 = arith.constant 0 : i32
      %dma_wait3A_16 = arith.constant 0 : i32
      %dma_wait3A_17 = tpu.memref_slice %arg3[%mul3A_2, %dma_wait3A_15, %dma_wait3A_16] : memref<2560x1x128xi32, #tpu.memory_space<hbm>> -> memref<80x1x128xi32, #tpu.memory_space<hbm>>
      tpu.wait_dma2 semaphore(%run_scoped3A : memref<!tpu.dma_semaphore, #tpu.memory_space<semaphore_mem>>) src(%dma_wait3A_17 : memref<80x1x128xi32, #tpu.memory_space<hbm>>) dst(%arg6 : memref<80x1x128xi32, #tpu.memory_space<vmem>>)
      tpu.yield
    }) : () -> ()
    "tpu.region"() ({
      %run_scoped3A = tpu.sem_alloc : memref<!tpu.dma_semaphore, #tpu.memory_space<semaphore_mem>>
      %dma_start3A = arith.constant 0 : i32
      %dma_start3A_8 = arith.constant 0 : i32
      %dma_start3A_9 = tpu.memref_slice %arg4[%mul3A_2, %dma_start3A, %dma_start3A_8] : memref<2560x1x128xi32, #tpu.memory_space<hbm>> -> memref<80x1x128xi32, #tpu.memory_space<hbm>>
      %dma_start3A_10 = arith.constant 0 : i32
      %dma_start3A_11 = arith.constant 0 : i32
      %dma_start3A_12 = tpu.memref_slice %arg4[%mul3A_2, %dma_start3A_10, %dma_start3A_11] : memref<2560x1x128xi32, #tpu.memory_space<hbm>> -> memref<80x1x128xi32, #tpu.memory_space<hbm>>
      tpu.enqueue_dma source(%dma_start3A_12 : memref<80x1x128xi32, #tpu.memory_space<hbm>>) target(%arg7 : memref<80x1x128xi32, #tpu.memory_space<vmem>>) target_semaphore(%run_scoped3A : memref<!tpu.dma_semaphore, #tpu.memory_space<semaphore_mem>>)
      %dma_wait3A = arith.constant 0 : i32
      %dma_wait3A_13 = arith.constant 0 : i32
      %dma_wait3A_14 = tpu.memref_slice %arg4[%mul3A_2, %dma_wait3A, %dma_wait3A_13] : memref<2560x1x128xi32, #tpu.memory_space<hbm>> -> memref<80x1x128xi32, #tpu.memory_space<hbm>>
      %dma_wait3A_15 = arith.constant 0 : i32
      %dma_wait3A_16 = arith.constant 0 : i32
      %dma_wait3A_17 = tpu.memref_slice %arg4[%mul3A_2, %dma_wait3A_15, %dma_wait3A_16] : memref<2560x1x128xi32, #tpu.memory_space<hbm>> -> memref<80x1x128xi32, #tpu.memory_space<hbm>>
      tpu.wait_dma2 semaphore(%run_scoped3A : memref<!tpu.dma_semaphore, #tpu.memory_space<semaphore_mem>>) src(%dma_wait3A_17 : memref<80x1x128xi32, #tpu.memory_space<hbm>>) dst(%arg7 : memref<80x1x128xi32, #tpu.memory_space<vmem>>)
      tpu.yield
    }) : () -> ()
    "tpu.region"() ({
      %run_scoped3A = tpu.sem_alloc : memref<!tpu.dma_semaphore, #tpu.memory_space<semaphore_mem>>
      tpu.enqueue_dma source(%arg2 : memref<40000xf32, #tpu.memory_space<hbm>>) target(%arg8 : memref<40000xf32, #tpu.memory_space<vmem>>) target_semaphore(%run_scoped3A : memref<!tpu.dma_semaphore, #tpu.memory_space<semaphore_mem>>)
      tpu.wait_dma2 semaphore(%run_scoped3A : memref<!tpu.dma_semaphore, #tpu.memory_space<semaphore_mem>>) src(%arg2 : memref<40000xf32, #tpu.memory_space<hbm>>) dst(%arg8 : memref<40000xf32, #tpu.memory_space<vmem>>)
      tpu.yield
    }) : () -> ()
    %scan3A = arith.constant 0 : i32
    %scan3A_3 = arith.constant 0 : i32
    %scan3A_4 = arith.constant 80 : i32
    %scan3A_5 = arith.addi %scan3A_3, %scan3A_4 : i32
    %scan3A_6 = arith.constant 1 : i32
    scf.for %scan3A_8 = %scan3A_3 to %scan3A_5 step %scan3A_6  : i32 {
      %get3A = arith.constant 0 : i32
      %get3A_9 = arith.index_cast %scan3A_8 : i32 to index
      %get3A_10 = arith.index_cast %get3A : i32 to index
      %get3A_11 = arith.constant 0 : index
      %get3A_12 = tpu.vector_load %arg6[%get3A_9, %get3A_10, %get3A_11] {strides = array<i32>} : memref<80x1x128xi32, #tpu.memory_space<vmem>>, vector<16xi32>,
      %get3A_13 = arith.constant 0 : i32
      %get3A_14 = arith.index_cast %scan3A_8 : i32 to index
      %get3A_15 = arith.index_cast %get3A_13 : i32 to index
      %get3A_16 = arith.constant 0 : index
      %get3A_17 = tpu.vector_load %arg7[%get3A_14, %get3A_15, %get3A_16] {strides = array<i32>} : memref<80x1x128xi32, #tpu.memory_space<vmem>>, vector<16xi32>,
      %mul3A_18 = arith.constant 4 : i32
      %mul3A_19 = vector.broadcast %mul3A_18 : i32 to vector<16xi32>
      %mul3A_20 = arith.muli %get3A_12, %mul3A_19 : vector<16xi32>
      %mul3A_21 = arith.constant 4 : i32
      %mul3A_22 = vector.broadcast %mul3A_21 : i32 to vector<16xi32>
      %mul3A_23 = arith.muli %get3A_17, %mul3A_22 : vector<16xi32>
      %gather3A = tpu.vector_load_idx %arg8[%mul3A_20] : memref<40000xf32, #tpu.memory_space<vmem>>[vector<16xi32>], vector<16xf32>,
      %gather3A_24 = tpu.vector_load_idx %arg8[%mul3A_23] : memref<40000xf32, #tpu.memory_space<vmem>>[vector<16xi32>], vector<16xf32>,
      %sub3A = arith.subf %gather3A, %gather3A_24 : vector<16xf32>
      %add3A_25 = arith.constant 1 : i32
      %add3A_26 = vector.broadcast %add3A_25 : i32 to vector<16xi32>
      %add3A_27 = arith.addi %mul3A_20, %add3A_26 : vector<16xi32>
      %gather3A_28 = tpu.vector_load_idx %arg8[%add3A_27] : memref<40000xf32, #tpu.memory_space<vmem>>[vector<16xi32>], vector<16xf32>,
      %add3A_29 = arith.constant 1 : i32
      %add3A_30 = vector.broadcast %add3A_29 : i32 to vector<16xi32>
      %add3A_31 = arith.addi %mul3A_23, %add3A_30 : vector<16xi32>
      %gather3A_32 = tpu.vector_load_idx %arg8[%add3A_31] : memref<40000xf32, #tpu.memory_space<vmem>>[vector<16xi32>], vector<16xf32>,
      %sub3A_33 = arith.subf %gather3A_28, %gather3A_32 : vector<16xf32>
      %add3A_34 = arith.constant 2 : i32
      %add3A_35 = vector.broadcast %add3A_34 : i32 to vector<16xi32>
      %add3A_36 = arith.addi %mul3A_20, %add3A_35 : vector<16xi32>
      %gather3A_37 = tpu.vector_load_idx %arg8[%add3A_36] : memref<40000xf32, #tpu.memory_space<vmem>>[vector<16xi32>], vector<16xf32>,
      %add3A_38 = arith.constant 2 : i32
      %add3A_39 = vector.broadcast %add3A_38 : i32 to vector<16xi32>
      %add3A_40 = arith.addi %mul3A_23, %add3A_39 : vector<16xi32>
      %gather3A_41 = tpu.vector_load_idx %arg8[%add3A_40] : memref<40000xf32, #tpu.memory_space<vmem>>[vector<16xi32>], vector<16xf32>,
      %sub3A_42 = arith.subf %gather3A_37, %gather3A_41 : vector<16xf32>
      %mul3A_43 = arith.mulf %sub3A, %sub3A : vector<16xf32>
      %mul3A_44 = arith.mulf %sub3A_33, %sub3A_33 : vector<16xf32>
      %add3A_45 = arith.addf %mul3A_43, %mul3A_44 : vector<16xf32>
      %mul3A_46 = arith.mulf %sub3A_42, %sub3A_42 : vector<16xf32>
      %add3A_47 = arith.addf %add3A_45, %mul3A_46 : vector<16xf32>
      %broadcast_in_dim3A = arith.constant 1597463007 : i32
      %broadcast_in_dim3A_48 = vector.broadcast %broadcast_in_dim3A : i32 to vector<16xi32>
      %bitcast3A = vector.bitcast %add3A_47 : vector<16xf32> to vector<16xi32>
      %shift_right_logical3A = arith.constant 1 : i32
      %shift_right_logical3A_49 = vector.broadcast %shift_right_logical3A : i32 to vector<16xi32>
      %shift_right_logical3A_50 = arith.shrui %bitcast3A, %shift_right_logical3A_49 : vector<16xi32>
      %sub3A_51 = arith.subi %broadcast_in_dim3A_48, %shift_right_logical3A_50 : vector<16xi32>
      %bitcast3A_52 = vector.bitcast %sub3A_51 : vector<16xi32> to vector<16xf32>
      %mul3A_53 = arith.constant 5.000000e-01 : f32
      %mul3A_54 = vector.broadcast %mul3A_53 : f32 to vector<16xf32>
      %mul3A_55 = arith.mulf %mul3A_54, %add3A_47 : vector<16xf32>
      %mul3A_56 = arith.mulf %mul3A_55, %bitcast3A_52 : vector<16xf32>
      %mul3A_57 = arith.mulf %mul3A_56, %bitcast3A_52 : vector<16xf32>
      %sub3A_58 = arith.constant 1.500000e+00 : f32
      %sub3A_59 = vector.broadcast %sub3A_58 : f32 to vector<16xf32>
      %sub3A_60 = arith.subf %sub3A_59, %mul3A_57 : vector<16xf32>
      %mul3A_61 = arith.mulf %bitcast3A_52, %sub3A_60 : vector<16xf32>
      %mul3A_62 = arith.constant 5.000000e-01 : f32
      %mul3A_63 = vector.broadcast %mul3A_62 : f32 to vector<16xf32>
      %mul3A_64 = arith.mulf %mul3A_63, %add3A_47 : vector<16xf32>
      %mul3A_65 = arith.mulf %mul3A_64, %mul3A_61 : vector<16xf32>
      %mul3A_66 = arith.mulf %mul3A_65, %mul3A_61 : vector<16xf32>
      %sub3A_67 = arith.constant 1.500000e+00 : f32
      %sub3A_68 = vector.broadcast %sub3A_67 : f32 to vector<16xf32>
      %sub3A_69 = arith.subf %sub3A_68, %mul3A_66 : vector<16xf32>
      %mul3A_70 = arith.mulf %mul3A_61, %sub3A_69 : vector<16xf32>
      %mul3A_71 = arith.constant 5.000000e-01 : f32
      %mul3A_72 = vector.broadcast %mul3A_71 : f32 to vector<16xf32>
      %mul3A_73 = arith.mulf %mul3A_72, %add3A_47 : vector<16xf32>
      %mul3A_74 = arith.mulf %mul3A_73, %mul3A_70 : vector<16xf32>
      %mul3A_75 = arith.mulf %mul3A_74, %mul3A_70 : vector<16xf32>
      %sub3A_76 = arith.constant 1.500000e+00 : f32
      %sub3A_77 = vector.broadcast %sub3A_76 : f32 to vector<16xf32>
      %sub3A_78 = arith.subf %sub3A_77, %mul3A_75 : vector<16xf32>
      %mul3A_79 = arith.mulf %mul3A_70, %sub3A_78 : vector<16xf32>
      %gt3A = arith.constant 0.000000e+00 : f32
      %gt3A_80 = vector.broadcast %gt3A : f32 to vector<16xf32>
      %gt3A_81 = arith.cmpf ogt, %add3A_47, %gt3A_80 : vector<16xf32>
      %mul3A_82 = arith.mulf %add3A_47, %mul3A_79 : vector<16xf32>
      %jit3A = arith.constant 0.000000e+00 : f32
      %broadcast_in_dim3A_83 = vector.broadcast %jit3A : f32 to vector<16xf32>
      %select_n3A = arith.select %gt3A_81, %mul3A_82, %broadcast_in_dim3A_83 : vector<16xi1>, vector<16xf32>
      %swap3A = arith.constant 0 : i32
      %swap3A_84 = arith.index_cast %swap3A : i32 to index
      %swap3A_85 = arith.constant 0 : index
      %swap3A_86 = tpu.vector_load %arg9[%swap3A_84, %swap3A_85] {strides = array<i32>} : memref<1x128xf32, #tpu.memory_space<vmem>>, vector<16xf32>,
      tpu.vector_store %arg9[%swap3A_84, %swap3A_85], %select_n3A {strides = array<i32>} : memref<1x128xf32, #tpu.memory_space<vmem>>, vector<16xf32>,
      %get3A_87 = arith.constant 0 : i32
      %get3A_88 = arith.index_cast %scan3A_8 : i32 to index
      %get3A_89 = arith.index_cast %get3A_87 : i32 to index
      %get3A_90 = arith.constant 16 : index
      %get3A_91 = tpu.vector_load %arg6[%get3A_88, %get3A_89, %get3A_90] {strides = array<i32>} : memref<80x1x128xi32, #tpu.memory_space<vmem>>, vector<16xi32>,
      %get3A_92 = arith.constant 0 : i32
      %get3A_93 = arith.index_cast %scan3A_8 : i32 to index
      %get3A_94 = arith.index_cast %get3A_92 : i32 to index
      %get3A_95 = arith.constant 16 : index
      %get3A_96 = tpu.vector_load %arg7[%get3A_93, %get3A_94, %get3A_95] {strides = array<i32>} : memref<80x1x128xi32, #tpu.memory_space<vmem>>, vector<16xi32>,
      %mul3A_97 = arith.constant 4 : i32
      %mul3A_98 = vector.broadcast %mul3A_97 : i32 to vector<16xi32>
      %mul3A_99 = arith.muli %get3A_91, %mul3A_98 : vector<16xi32>
      %mul3A_100 = arith.constant 4 : i32
      %mul3A_101 = vector.broadcast %mul3A_100 : i32 to vector<16xi32>
      %mul3A_102 = arith.muli %get3A_96, %mul3A_101 : vector<16xi32>
      %gather3A_103 = tpu.vector_load_idx %arg8[%mul3A_99] : memref<40000xf32, #tpu.memory_space<vmem>>[vector<16xi32>], vector<16xf32>,
      %gather3A_104 = tpu.vector_load_idx %arg8[%mul3A_102] : memref<40000xf32, #tpu.memory_space<vmem>>[vector<16xi32>], vector<16xf32>,
      %sub3A_105 = arith.subf %gather3A_103, %gather3A_104 : vector<16xf32>
      %add3A_106 = arith.constant 1 : i32
      %add3A_107 = vector.broadcast %add3A_106 : i32 to vector<16xi32>
      %add3A_108 = arith.addi %mul3A_99, %add3A_107 : vector<16xi32>
      %gather3A_109 = tpu.vector_load_idx %arg8[%add3A_108] : memref<40000xf32, #tpu.memory_space<vmem>>[vector<16xi32>], vector<16xf32>,
      %add3A_110 = arith.constant 1 : i32
      %add3A_111 = vector.broadcast %add3A_110 : i32 to vector<16xi32>
      %add3A_112 = arith.addi %mul3A_102, %add3A_111 : vector<16xi32>
      %gather3A_113 = tpu.vector_load_idx %arg8[%add3A_112] : memref<40000xf32, #tpu.memory_space<vmem>>[vector<16xi32>], vector<16xf32>,
      %sub3A_114 = arith.subf %gather3A_109, %gather3A_113 : vector<16xf32>
      %add3A_115 = arith.constant 2 : i32
      %add3A_116 = vector.broadcast %add3A_115 : i32 to vector<16xi32>
      %add3A_117 = arith.addi %mul3A_99, %add3A_116 : vector<16xi32>
      %gather3A_118 = tpu.vector_load_idx %arg8[%add3A_117] : memref<40000xf32, #tpu.memory_space<vmem>>[vector<16xi32>], vector<16xf32>,
      %add3A_119 = arith.constant 2 : i32
      %add3A_120 = vector.broadcast %add3A_119 : i32 to vector<16xi32>
      %add3A_121 = arith.addi %mul3A_102, %add3A_120 : vector<16xi32>
      %gather3A_122 = tpu.vector_load_idx %arg8[%add3A_121] : memref<40000xf32, #tpu.memory_space<vmem>>[vector<16xi32>], vector<16xf32>,
      %sub3A_123 = arith.subf %gather3A_118, %gather3A_122 : vector<16xf32>
      %mul3A_124 = arith.mulf %sub3A_105, %sub3A_105 : vector<16xf32>
      %mul3A_125 = arith.mulf %sub3A_114, %sub3A_114 : vector<16xf32>
      %add3A_126 = arith.addf %mul3A_124, %mul3A_125 : vector<16xf32>
      %mul3A_127 = arith.mulf %sub3A_123, %sub3A_123 : vector<16xf32>
      %add3A_128 = arith.addf %add3A_126, %mul3A_127 : vector<16xf32>
      %broadcast_in_dim3A_129 = arith.constant 1597463007 : i32
      %broadcast_in_dim3A_130 = vector.broadcast %broadcast_in_dim3A_129 : i32 to vector<16xi32>
      %bitcast3A_131 = vector.bitcast %add3A_128 : vector<16xf32> to vector<16xi32>
      %shift_right_logical3A_132 = arith.constant 1 : i32
      %shift_right_logical3A_133 = vector.broadcast %shift_right_logical3A_132 : i32 to vector<16xi32>
      %shift_right_logical3A_134 = arith.shrui %bitcast3A_131, %shift_right_logical3A_133 : vector<16xi32>
      %sub3A_135 = arith.subi %broadcast_in_dim3A_130, %shift_right_logical3A_134 : vector<16xi32>
      %bitcast3A_136 = vector.bitcast %sub3A_135 : vector<16xi32> to vector<16xf32>
      %mul3A_137 = arith.constant 5.000000e-01 : f32
      %mul3A_138 = vector.broadcast %mul3A_137 : f32 to vector<16xf32>
      %mul3A_139 = arith.mulf %mul3A_138, %add3A_128 : vector<16xf32>
      %mul3A_140 = arith.mulf %mul3A_139, %bitcast3A_136 : vector<16xf32>
      %mul3A_141 = arith.mulf %mul3A_140, %bitcast3A_136 : vector<16xf32>
      %sub3A_142 = arith.constant 1.500000e+00 : f32
      %sub3A_143 = vector.broadcast %sub3A_142 : f32 to vector<16xf32>
      %sub3A_144 = arith.subf %sub3A_143, %mul3A_141 : vector<16xf32>
      %mul3A_145 = arith.mulf %bitcast3A_136, %sub3A_144 : vector<16xf32>
      %mul3A_146 = arith.constant 5.000000e-01 : f32
      %mul3A_147 = vector.broadcast %mul3A_146 : f32 to vector<16xf32>
      %mul3A_148 = arith.mulf %mul3A_147, %add3A_128 : vector<16xf32>
      %mul3A_149 = arith.mulf %mul3A_148, %mul3A_145 : vector<16xf32>
      %mul3A_150 = arith.mulf %mul3A_149, %mul3A_145 : vector<16xf32>
      %sub3A_151 = arith.constant 1.500000e+00 : f32
      %sub3A_152 = vector.broadcast %sub3A_151 : f32 to vector<16xf32>
      %sub3A_153 = arith.subf %sub3A_152, %mul3A_150 : vector<16xf32>
      %mul3A_154 = arith.mulf %mul3A_145, %sub3A_153 : vector<16xf32>
      %mul3A_155 = arith.constant 5.000000e-01 : f32
      %mul3A_156 = vector.broadcast %mul3A_155 : f32 to vector<16xf32>
      %mul3A_157 = arith.mulf %mul3A_156, %add3A_128 : vector<16xf32>
      %mul3A_158 = arith.mulf %mul3A_157, %mul3A_154 : vector<16xf32>
      %mul3A_159 = arith.mulf %mul3A_158, %mul3A_154 : vector<16xf32>
      %sub3A_160 = arith.constant 1.500000e+00 : f32
      %sub3A_161 = vector.broadcast %sub3A_160 : f32 to vector<16xf32>
      %sub3A_162 = arith.subf %sub3A_161, %mul3A_159 : vector<16xf32>
      %mul3A_163 = arith.mulf %mul3A_154, %sub3A_162 : vector<16xf32>
      %gt3A_164 = arith.constant 0.000000e+00 : f32
      %gt3A_165 = vector.broadcast %gt3A_164 : f32 to vector<16xf32>
      %gt3A_166 = arith.cmpf ogt, %add3A_128, %gt3A_165 : vector<16xf32>
      %mul3A_167 = arith.mulf %add3A_128, %mul3A_163 : vector<16xf32>
      %jit3A_168 = arith.constant 0.000000e+00 : f32
      %broadcast_in_dim3A_169 = vector.broadcast %jit3A_168 : f32 to vector<16xf32>
      %select_n3A_170 = arith.select %gt3A_166, %mul3A_167, %broadcast_in_dim3A_169 : vector<16xi1>, vector<16xf32>
      %swap3A_171 = arith.constant 0 : i32
      %swap3A_172 = arith.index_cast %swap3A_171 : i32 to index
      %swap3A_173 = arith.constant 16 : index
      %swap3A_174 = tpu.vector_load %arg9[%swap3A_172, %swap3A_173] {strides = array<i32>} : memref<1x128xf32, #tpu.memory_space<vmem>>, vector<16xf32>,
      tpu.vector_store %arg9[%swap3A_172, %swap3A_173], %select_n3A_170 {strides = array<i32>} : memref<1x128xf32, #tpu.memory_space<vmem>>, vector<16xf32>,
      %get3A_175 = arith.constant 0 : i32
      %get3A_176 = arith.index_cast %scan3A_8 : i32 to index
      %get3A_177 = arith.index_cast %get3A_175 : i32 to index
      %get3A_178 = arith.constant 32 : index
      %get3A_179 = tpu.vector_load %arg6[%get3A_176, %get3A_177, %get3A_178] {strides = array<i32>} : memref<80x1x128xi32, #tpu.memory_space<vmem>>, vector<16xi32>,
      %get3A_180 = arith.constant 0 : i32
      %get3A_181 = arith.index_cast %scan3A_8 : i32 to index
      %get3A_182 = arith.index_cast %get3A_180 : i32 to index
      %get3A_183 = arith.constant 32 : index
      %get3A_184 = tpu.vector_load %arg7[%get3A_181, %get3A_182, %get3A_183] {strides = array<i32>} : memref<80x1x128xi32, #tpu.memory_space<vmem>>, vector<16xi32>,
      %mul3A_185 = arith.constant 4 : i32
      %mul3A_186 = vector.broadcast %mul3A_185 : i32 to vector<16xi32>
      %mul3A_187 = arith.muli %get3A_179, %mul3A_186 : vector<16xi32>
      %mul3A_188 = arith.constant 4 : i32
      %mul3A_189 = vector.broadcast %mul3A_188 : i32 to vector<16xi32>
      %mul3A_190 = arith.muli %get3A_184, %mul3A_189 : vector<16xi32>
      %gather3A_191 = tpu.vector_load_idx %arg8[%mul3A_187] : memref<40000xf32, #tpu.memory_space<vmem>>[vector<16xi32>], vector<16xf32>,
      %gather3A_192 = tpu.vector_load_idx %arg8[%mul3A_190] : memref<40000xf32, #tpu.memory_space<vmem>>[vector<16xi32>], vector<16xf32>,
      %sub3A_193 = arith.subf %gather3A_191, %gather3A_192 : vector<16xf32>
      %add3A_194 = arith.constant 1 : i32
      %add3A_195 = vector.broadcast %add3A_194 : i32 to vector<16xi32>
      %add3A_196 = arith.addi %mul3A_187, %add3A_195 : vector<16xi32>
      %gather3A_197 = tpu.vector_load_idx %arg8[%add3A_196] : memref<40000xf32, #tpu.memory_space<vmem>>[vector<16xi32>], vector<16xf32>,
      %add3A_198 = arith.constant 1 : i32
      %add3A_199 = vector.broadcast %add3A_198 : i32 to vector<16xi32>
      %add3A_200 = arith.addi %mul3A_190, %add3A_199 : vector<16xi32>
      %gather3A_201 = tpu.vector_load_idx %arg8[%add3A_200] : memref<40000xf32, #tpu.memory_space<vmem>>[vector<16xi32>], vector<16xf32>,
      %sub3A_202 = arith.subf %gather3A_197, %gather3A_201 : vector<16xf32>
      %add3A_203 = arith.constant 2 : i32
      %add3A_204 = vector.broadcast %add3A_203 : i32 to vector<16xi32>
      %add3A_205 = arith.addi %mul3A_187, %add3A_204 : vector<16xi32>
      %gather3A_206 = tpu.vector_load_idx %arg8[%add3A_205] : memref<40000xf32, #tpu.memory_space<vmem>>[vector<16xi32>], vector<16xf32>,
      %add3A_207 = arith.constant 2 : i32
      %add3A_208 = vector.broadcast %add3A_207 : i32 to vector<16xi32>
      %add3A_209 = arith.addi %mul3A_190, %add3A_208 : vector<16xi32>
      %gather3A_210 = tpu.vector_load_idx %arg8[%add3A_209] : memref<40000xf32, #tpu.memory_space<vmem>>[vector<16xi32>], vector<16xf32>,
      %sub3A_211 = arith.subf %gather3A_206, %gather3A_210 : vector<16xf32>
      %mul3A_212 = arith.mulf %sub3A_193, %sub3A_193 : vector<16xf32>
      %mul3A_213 = arith.mulf %sub3A_202, %sub3A_202 : vector<16xf32>
      %add3A_214 = arith.addf %mul3A_212, %mul3A_213 : vector<16xf32>
      %mul3A_215 = arith.mulf %sub3A_211, %sub3A_211 : vector<16xf32>
      %add3A_216 = arith.addf %add3A_214, %mul3A_215 : vector<16xf32>
      %broadcast_in_dim3A_217 = arith.constant 1597463007 : i32
      %broadcast_in_dim3A_218 = vector.broadcast %broadcast_in_dim3A_217 : i32 to vector<16xi32>
      %bitcast3A_219 = vector.bitcast %add3A_216 : vector<16xf32> to vector<16xi32>
      %shift_right_logical3A_220 = arith.constant 1 : i32
      %shift_right_logical3A_221 = vector.broadcast %shift_right_logical3A_220 : i32 to vector<16xi32>
      %shift_right_logical3A_222 = arith.shrui %bitcast3A_219, %shift_right_logical3A_221 : vector<16xi32>
      %sub3A_223 = arith.subi %broadcast_in_dim3A_218, %shift_right_logical3A_222 : vector<16xi32>
      %bitcast3A_224 = vector.bitcast %sub3A_223 : vector<16xi32> to vector<16xf32>
      %mul3A_225 = arith.constant 5.000000e-01 : f32
      %mul3A_226 = vector.broadcast %mul3A_225 : f32 to vector<16xf32>
      %mul3A_227 = arith.mulf %mul3A_226, %add3A_216 : vector<16xf32>
      %mul3A_228 = arith.mulf %mul3A_227, %bitcast3A_224 : vector<16xf32>
      %mul3A_229 = arith.mulf %mul3A_228, %bitcast3A_224 : vector<16xf32>
      %sub3A_230 = arith.constant 1.500000e+00 : f32
      %sub3A_231 = vector.broadcast %sub3A_230 : f32 to vector<16xf32>
      %sub3A_232 = arith.subf %sub3A_231, %mul3A_229 : vector<16xf32>
      %mul3A_233 = arith.mulf %bitcast3A_224, %sub3A_232 : vector<16xf32>
      %mul3A_234 = arith.constant 5.000000e-01 : f32
      %mul3A_235 = vector.broadcast %mul3A_234 : f32 to vector<16xf32>
      %mul3A_236 = arith.mulf %mul3A_235, %add3A_216 : vector<16xf32>
      %mul3A_237 = arith.mulf %mul3A_236, %mul3A_233 : vector<16xf32>
      %mul3A_238 = arith.mulf %mul3A_237, %mul3A_233 : vector<16xf32>
      %sub3A_239 = arith.constant 1.500000e+00 : f32
      %sub3A_240 = vector.broadcast %sub3A_239 : f32 to vector<16xf32>
      %sub3A_241 = arith.subf %sub3A_240, %mul3A_238 : vector<16xf32>
      %mul3A_242 = arith.mulf %mul3A_233, %sub3A_241 : vector<16xf32>
      %mul3A_243 = arith.constant 5.000000e-01 : f32
      %mul3A_244 = vector.broadcast %mul3A_243 : f32 to vector<16xf32>
      %mul3A_245 = arith.mulf %mul3A_244, %add3A_216 : vector<16xf32>
      %mul3A_246 = arith.mulf %mul3A_245, %mul3A_242 : vector<16xf32>
      %mul3A_247 = arith.mulf %mul3A_246, %mul3A_242 : vector<16xf32>
      %sub3A_248 = arith.constant 1.500000e+00 : f32
      %sub3A_249 = vector.broadcast %sub3A_248 : f32 to vector<16xf32>
      %sub3A_250 = arith.subf %sub3A_249, %mul3A_247 : vector<16xf32>
      %mul3A_251 = arith.mulf %mul3A_242, %sub3A_250 : vector<16xf32>
      %gt3A_252 = arith.constant 0.000000e+00 : f32
      %gt3A_253 = vector.broadcast %gt3A_252 : f32 to vector<16xf32>
      %gt3A_254 = arith.cmpf ogt, %add3A_216, %gt3A_253 : vector<16xf32>
      %mul3A_255 = arith.mulf %add3A_216, %mul3A_251 : vector<16xf32>
      %jit3A_256 = arith.constant 0.000000e+00 : f32
      %broadcast_in_dim3A_257 = vector.broadcast %jit3A_256 : f32 to vector<16xf32>
      %select_n3A_258 = arith.select %gt3A_254, %mul3A_255, %broadcast_in_dim3A_257 : vector<16xi1>, vector<16xf32>
      %swap3A_259 = arith.constant 0 : i32
      %swap3A_260 = arith.index_cast %swap3A_259 : i32 to index
      %swap3A_261 = arith.constant 32 : index
      %swap3A_262 = tpu.vector_load %arg9[%swap3A_260, %swap3A_261] {strides = array<i32>} : memref<1x128xf32, #tpu.memory_space<vmem>>, vector<16xf32>,
      tpu.vector_store %arg9[%swap3A_260, %swap3A_261], %select_n3A_258 {strides = array<i32>} : memref<1x128xf32, #tpu.memory_space<vmem>>, vector<16xf32>,
      %get3A_263 = arith.constant 0 : i32
      %get3A_264 = arith.index_cast %scan3A_8 : i32 to index
      %get3A_265 = arith.index_cast %get3A_263 : i32 to index
      %get3A_266 = arith.constant 48 : index
      %get3A_267 = tpu.vector_load %arg6[%get3A_264, %get3A_265, %get3A_266] {strides = array<i32>} : memref<80x1x128xi32, #tpu.memory_space<vmem>>, vector<16xi32>,
      %get3A_268 = arith.constant 0 : i32
      %get3A_269 = arith.index_cast %scan3A_8 : i32 to index
      %get3A_270 = arith.index_cast %get3A_268 : i32 to index
      %get3A_271 = arith.constant 48 : index
      %get3A_272 = tpu.vector_load %arg7[%get3A_269, %get3A_270, %get3A_271] {strides = array<i32>} : memref<80x1x128xi32, #tpu.memory_space<vmem>>, vector<16xi32>,
      %mul3A_273 = arith.constant 4 : i32
      %mul3A_274 = vector.broadcast %mul3A_273 : i32 to vector<16xi32>
      %mul3A_275 = arith.muli %get3A_267, %mul3A_274 : vector<16xi32>
      %mul3A_276 = arith.constant 4 : i32
      %mul3A_277 = vector.broadcast %mul3A_276 : i32 to vector<16xi32>
      %mul3A_278 = arith.muli %get3A_272, %mul3A_277 : vector<16xi32>
      %gather3A_279 = tpu.vector_load_idx %arg8[%mul3A_275] : memref<40000xf32, #tpu.memory_space<vmem>>[vector<16xi32>], vector<16xf32>,
      %gather3A_280 = tpu.vector_load_idx %arg8[%mul3A_278] : memref<40000xf32, #tpu.memory_space<vmem>>[vector<16xi32>], vector<16xf32>,
      %sub3A_281 = arith.subf %gather3A_279, %gather3A_280 : vector<16xf32>
      %add3A_282 = arith.constant 1 : i32
      %add3A_283 = vector.broadcast %add3A_282 : i32 to vector<16xi32>
      %add3A_284 = arith.addi %mul3A_275, %add3A_283 : vector<16xi32>
      %gather3A_285 = tpu.vector_load_idx %arg8[%add3A_284] : memref<40000xf32, #tpu.memory_space<vmem>>[vector<16xi32>], vector<16xf32>,
      %add3A_286 = arith.constant 1 : i32
      %add3A_287 = vector.broadcast %add3A_286 : i32 to vector<16xi32>
      %add3A_288 = arith.addi %mul3A_278, %add3A_287 : vector<16xi32>
      %gather3A_289 = tpu.vector_load_idx %arg8[%add3A_288] : memref<40000xf32, #tpu.memory_space<vmem>>[vector<16xi32>], vector<16xf32>,
      %sub3A_290 = arith.subf %gather3A_285, %gather3A_289 : vector<16xf32>
      %add3A_291 = arith.constant 2 : i32
      %add3A_292 = vector.broadcast %add3A_291 : i32 to vector<16xi32>
      %add3A_293 = arith.addi %mul3A_275, %add3A_292 : vector<16xi32>
      %gather3A_294 = tpu.vector_load_idx %arg8[%add3A_293] : memref<40000xf32, #tpu.memory_space<vmem>>[vector<16xi32>], vector<16xf32>,
      %add3A_295 = arith.constant 2 : i32
      %add3A_296 = vector.broadcast %add3A_295 : i32 to vector<16xi32>
      %add3A_297 = arith.addi %mul3A_278, %add3A_296 : vector<16xi32>
      %gather3A_298 = tpu.vector_load_idx %arg8[%add3A_297] : memref<40000xf32, #tpu.memory_space<vmem>>[vector<16xi32>], vector<16xf32>,
      %sub3A_299 = arith.subf %gather3A_294, %gather3A_298 : vector<16xf32>
      %mul3A_300 = arith.mulf %sub3A_281, %sub3A_281 : vector<16xf32>
      %mul3A_301 = arith.mulf %sub3A_290, %sub3A_290 : vector<16xf32>
      %add3A_302 = arith.addf %mul3A_300, %mul3A_301 : vector<16xf32>
      %mul3A_303 = arith.mulf %sub3A_299, %sub3A_299 : vector<16xf32>
      %add3A_304 = arith.addf %add3A_302, %mul3A_303 : vector<16xf32>
      %broadcast_in_dim3A_305 = arith.constant 1597463007 : i32
      %broadcast_in_dim3A_306 = vector.broadcast %broadcast_in_dim3A_305 : i32 to vector<16xi32>
      %bitcast3A_307 = vector.bitcast %add3A_304 : vector<16xf32> to vector<16xi32>
      %shift_right_logical3A_308 = arith.constant 1 : i32
      %shift_right_logical3A_309 = vector.broadcast %shift_right_logical3A_308 : i32 to vector<16xi32>
      %shift_right_logical3A_310 = arith.shrui %bitcast3A_307, %shift_right_logical3A_309 : vector<16xi32>
      %sub3A_311 = arith.subi %broadcast_in_dim3A_306, %shift_right_logical3A_310 : vector<16xi32>
      %bitcast3A_312 = vector.bitcast %sub3A_311 : vector<16xi32> to vector<16xf32>
      %mul3A_313 = arith.constant 5.000000e-01 : f32
      %mul3A_314 = vector.broadcast %mul3A_313 : f32 to vector<16xf32>
      %mul3A_315 = arith.mulf %mul3A_314, %add3A_304 : vector<16xf32>
      %mul3A_316 = arith.mulf %mul3A_315, %bitcast3A_312 : vector<16xf32>
      %mul3A_317 = arith.mulf %mul3A_316, %bitcast3A_312 : vector<16xf32>
      %sub3A_318 = arith.constant 1.500000e+00 : f32
      %sub3A_319 = vector.broadcast %sub3A_318 : f32 to vector<16xf32>
      %sub3A_320 = arith.subf %sub3A_319, %mul3A_317 : vector<16xf32>
      %mul3A_321 = arith.mulf %bitcast3A_312, %sub3A_320 : vector<16xf32>
      %mul3A_322 = arith.constant 5.000000e-01 : f32
      %mul3A_323 = vector.broadcast %mul3A_322 : f32 to vector<16xf32>
      %mul3A_324 = arith.mulf %mul3A_323, %add3A_304 : vector<16xf32>
      %mul3A_325 = arith.mulf %mul3A_324, %mul3A_321 : vector<16xf32>
      %mul3A_326 = arith.mulf %mul3A_325, %mul3A_321 : vector<16xf32>
      %sub3A_327 = arith.constant 1.500000e+00 : f32
      %sub3A_328 = vector.broadcast %sub3A_327 : f32 to vector<16xf32>
      %sub3A_329 = arith.subf %sub3A_328, %mul3A_326 : vector<16xf32>
      %mul3A_330 = arith.mulf %mul3A_321, %sub3A_329 : vector<16xf32>
      %mul3A_331 = arith.constant 5.000000e-01 : f32
      %mul3A_332 = vector.broadcast %mul3A_331 : f32 to vector<16xf32>
      %mul3A_333 = arith.mulf %mul3A_332, %add3A_304 : vector<16xf32>
      %mul3A_334 = arith.mulf %mul3A_333, %mul3A_330 : vector<16xf32>
      %mul3A_335 = arith.mulf %mul3A_334, %mul3A_330 : vector<16xf32>
      %sub3A_336 = arith.constant 1.500000e+00 : f32
      %sub3A_337 = vector.broadcast %sub3A_336 : f32 to vector<16xf32>
      %sub3A_338 = arith.subf %sub3A_337, %mul3A_335 : vector<16xf32>
      %mul3A_339 = arith.mulf %mul3A_330, %sub3A_338 : vector<16xf32>
      %gt3A_340 = arith.constant 0.000000e+00 : f32
      %gt3A_341 = vector.broadcast %gt3A_340 : f32 to vector<16xf32>
      %gt3A_342 = arith.cmpf ogt, %add3A_304, %gt3A_341 : vector<16xf32>
      %mul3A_343 = arith.mulf %add3A_304, %mul3A_339 : vector<16xf32>
      %jit3A_344 = arith.constant 0.000000e+00 : f32
      %broadcast_in_dim3A_345 = vector.broadcast %jit3A_344 : f32 to vector<16xf32>
      %select_n3A_346 = arith.select %gt3A_342, %mul3A_343, %broadcast_in_dim3A_345 : vector<16xi1>, vector<16xf32>
      %swap3A_347 = arith.constant 0 : i32
      %swap3A_348 = arith.index_cast %swap3A_347 : i32 to index
      %swap3A_349 = arith.constant 48 : index
      %swap3A_350 = tpu.vector_load %arg9[%swap3A_348, %swap3A_349] {strides = array<i32>} : memref<1x128xf32, #tpu.memory_space<vmem>>, vector<16xf32>,
      tpu.vector_store %arg9[%swap3A_348, %swap3A_349], %select_n3A_346 {strides = array<i32>} : memref<1x128xf32, #tpu.memory_space<vmem>>, vector<16xf32>,
      %get3A_351 = arith.constant 0 : i32
      %get3A_352 = arith.index_cast %scan3A_8 : i32 to index
      %get3A_353 = arith.index_cast %get3A_351 : i32 to index
      %get3A_354 = arith.constant 64 : index
      %get3A_355 = tpu.vector_load %arg6[%get3A_352, %get3A_353, %get3A_354] {strides = array<i32>} : memref<80x1x128xi32, #tpu.memory_space<vmem>>, vector<16xi32>,
      %get3A_356 = arith.constant 0 : i32
      %get3A_357 = arith.index_cast %scan3A_8 : i32 to index
      %get3A_358 = arith.index_cast %get3A_356 : i32 to index
      %get3A_359 = arith.constant 64 : index
      %get3A_360 = tpu.vector_load %arg7[%get3A_357, %get3A_358, %get3A_359] {strides = array<i32>} : memref<80x1x128xi32, #tpu.memory_space<vmem>>, vector<16xi32>,
      %mul3A_361 = arith.constant 4 : i32
      %mul3A_362 = vector.broadcast %mul3A_361 : i32 to vector<16xi32>
      %mul3A_363 = arith.muli %get3A_355, %mul3A_362 : vector<16xi32>
      %mul3A_364 = arith.constant 4 : i32
      %mul3A_365 = vector.broadcast %mul3A_364 : i32 to vector<16xi32>
      %mul3A_366 = arith.muli %get3A_360, %mul3A_365 : vector<16xi32>
      %gather3A_367 = tpu.vector_load_idx %arg8[%mul3A_363] : memref<40000xf32, #tpu.memory_space<vmem>>[vector<16xi32>], vector<16xf32>,
      %gather3A_368 = tpu.vector_load_idx %arg8[%mul3A_366] : memref<40000xf32, #tpu.memory_space<vmem>>[vector<16xi32>], vector<16xf32>,
      %sub3A_369 = arith.subf %gather3A_367, %gather3A_368 : vector<16xf32>
      %add3A_370 = arith.constant 1 : i32
      %add3A_371 = vector.broadcast %add3A_370 : i32 to vector<16xi32>
      %add3A_372 = arith.addi %mul3A_363, %add3A_371 : vector<16xi32>
      %gather3A_373 = tpu.vector_load_idx %arg8[%add3A_372] : memref<40000xf32, #tpu.memory_space<vmem>>[vector<16xi32>], vector<16xf32>,
      %add3A_374 = arith.constant 1 : i32
      %add3A_375 = vector.broadcast %add3A_374 : i32 to vector<16xi32>
      %add3A_376 = arith.addi %mul3A_366, %add3A_375 : vector<16xi32>
      %gather3A_377 = tpu.vector_load_idx %arg8[%add3A_376] : memref<40000xf32, #tpu.memory_space<vmem>>[vector<16xi32>], vector<16xf32>,
      %sub3A_378 = arith.subf %gather3A_373, %gather3A_377 : vector<16xf32>
      %add3A_379 = arith.constant 2 : i32
      %add3A_380 = vector.broadcast %add3A_379 : i32 to vector<16xi32>
      %add3A_381 = arith.addi %mul3A_363, %add3A_380 : vector<16xi32>
      %gather3A_382 = tpu.vector_load_idx %arg8[%add3A_381] : memref<40000xf32, #tpu.memory_space<vmem>>[vector<16xi32>], vector<16xf32>,
      %add3A_383 = arith.constant 2 : i32
      %add3A_384 = vector.broadcast %add3A_383 : i32 to vector<16xi32>
      %add3A_385 = arith.addi %mul3A_366, %add3A_384 : vector<16xi32>
      %gather3A_386 = tpu.vector_load_idx %arg8[%add3A_385] : memref<40000xf32, #tpu.memory_space<vmem>>[vector<16xi32>], vector<16xf32>,
      %sub3A_387 = arith.subf %gather3A_382, %gather3A_386 : vector<16xf32>
      %mul3A_388 = arith.mulf %sub3A_369, %sub3A_369 : vector<16xf32>
      %mul3A_389 = arith.mulf %sub3A_378, %sub3A_378 : vector<16xf32>
      %add3A_390 = arith.addf %mul3A_388, %mul3A_389 : vector<16xf32>
      %mul3A_391 = arith.mulf %sub3A_387, %sub3A_387 : vector<16xf32>
      %add3A_392 = arith.addf %add3A_390, %mul3A_391 : vector<16xf32>
      %broadcast_in_dim3A_393 = arith.constant 1597463007 : i32
      %broadcast_in_dim3A_394 = vector.broadcast %broadcast_in_dim3A_393 : i32 to vector<16xi32>
      %bitcast3A_395 = vector.bitcast %add3A_392 : vector<16xf32> to vector<16xi32>
      %shift_right_logical3A_396 = arith.constant 1 : i32
      %shift_right_logical3A_397 = vector.broadcast %shift_right_logical3A_396 : i32 to vector<16xi32>
      %shift_right_logical3A_398 = arith.shrui %bitcast3A_395, %shift_right_logical3A_397 : vector<16xi32>
      %sub3A_399 = arith.subi %broadcast_in_dim3A_394, %shift_right_logical3A_398 : vector<16xi32>
      %bitcast3A_400 = vector.bitcast %sub3A_399 : vector<16xi32> to vector<16xf32>
      %mul3A_401 = arith.constant 5.000000e-01 : f32
      %mul3A_402 = vector.broadcast %mul3A_401 : f32 to vector<16xf32>
      %mul3A_403 = arith.mulf %mul3A_402, %add3A_392 : vector<16xf32>
      %mul3A_404 = arith.mulf %mul3A_403, %bitcast3A_400 : vector<16xf32>
      %mul3A_405 = arith.mulf %mul3A_404, %bitcast3A_400 : vector<16xf32>
      %sub3A_406 = arith.constant 1.500000e+00 : f32
      %sub3A_407 = vector.broadcast %sub3A_406 : f32 to vector<16xf32>
      %sub3A_408 = arith.subf %sub3A_407, %mul3A_405 : vector<16xf32>
      %mul3A_409 = arith.mulf %bitcast3A_400, %sub3A_408 : vector<16xf32>
      %mul3A_410 = arith.constant 5.000000e-01 : f32
      %mul3A_411 = vector.broadcast %mul3A_410 : f32 to vector<16xf32>
      %mul3A_412 = arith.mulf %mul3A_411, %add3A_392 : vector<16xf32>
      %mul3A_413 = arith.mulf %mul3A_412, %mul3A_409 : vector<16xf32>
      %mul3A_414 = arith.mulf %mul3A_413, %mul3A_409 : vector<16xf32>
      %sub3A_415 = arith.constant 1.500000e+00 : f32
      %sub3A_416 = vector.broadcast %sub3A_415 : f32 to vector<16xf32>
      %sub3A_417 = arith.subf %sub3A_416, %mul3A_414 : vector<16xf32>
      %mul3A_418 = arith.mulf %mul3A_409, %sub3A_417 : vector<16xf32>
      %mul3A_419 = arith.constant 5.000000e-01 : f32
      %mul3A_420 = vector.broadcast %mul3A_419 : f32 to vector<16xf32>
      %mul3A_421 = arith.mulf %mul3A_420, %add3A_392 : vector<16xf32>
      %mul3A_422 = arith.mulf %mul3A_421, %mul3A_418 : vector<16xf32>
      %mul3A_423 = arith.mulf %mul3A_422, %mul3A_418 : vector<16xf32>
      %sub3A_424 = arith.constant 1.500000e+00 : f32
      %sub3A_425 = vector.broadcast %sub3A_424 : f32 to vector<16xf32>
      %sub3A_426 = arith.subf %sub3A_425, %mul3A_423 : vector<16xf32>
      %mul3A_427 = arith.mulf %mul3A_418, %sub3A_426 : vector<16xf32>
      %gt3A_428 = arith.constant 0.000000e+00 : f32
      %gt3A_429 = vector.broadcast %gt3A_428 : f32 to vector<16xf32>
      %gt3A_430 = arith.cmpf ogt, %add3A_392, %gt3A_429 : vector<16xf32>
      %mul3A_431 = arith.mulf %add3A_392, %mul3A_427 : vector<16xf32>
      %jit3A_432 = arith.constant 0.000000e+00 : f32
      %broadcast_in_dim3A_433 = vector.broadcast %jit3A_432 : f32 to vector<16xf32>
      %select_n3A_434 = arith.select %gt3A_430, %mul3A_431, %broadcast_in_dim3A_433 : vector<16xi1>, vector<16xf32>
      %swap3A_435 = arith.constant 0 : i32
      %swap3A_436 = arith.index_cast %swap3A_435 : i32 to index
      %swap3A_437 = arith.constant 64 : index
      %swap3A_438 = tpu.vector_load %arg9[%swap3A_436, %swap3A_437] {strides = array<i32>} : memref<1x128xf32, #tpu.memory_space<vmem>>, vector<16xf32>,
      tpu.vector_store %arg9[%swap3A_436, %swap3A_437], %select_n3A_434 {strides = array<i32>} : memref<1x128xf32, #tpu.memory_space<vmem>>, vector<16xf32>,
      %get3A_439 = arith.constant 0 : i32
      %get3A_440 = arith.index_cast %scan3A_8 : i32 to index
      %get3A_441 = arith.index_cast %get3A_439 : i32 to index
      %get3A_442 = arith.constant 80 : index
      %get3A_443 = tpu.vector_load %arg6[%get3A_440, %get3A_441, %get3A_442] {strides = array<i32>} : memref<80x1x128xi32, #tpu.memory_space<vmem>>, vector<16xi32>,
      %get3A_444 = arith.constant 0 : i32
      %get3A_445 = arith.index_cast %scan3A_8 : i32 to index
      %get3A_446 = arith.index_cast %get3A_444 : i32 to index
      %get3A_447 = arith.constant 80 : index
      %get3A_448 = tpu.vector_load %arg7[%get3A_445, %get3A_446, %get3A_447] {strides = array<i32>} : memref<80x1x128xi32, #tpu.memory_space<vmem>>, vector<16xi32>,
      %mul3A_449 = arith.constant 4 : i32
      %mul3A_450 = vector.broadcast %mul3A_449 : i32 to vector<16xi32>
      %mul3A_451 = arith.muli %get3A_443, %mul3A_450 : vector<16xi32>
      %mul3A_452 = arith.constant 4 : i32
      %mul3A_453 = vector.broadcast %mul3A_452 : i32 to vector<16xi32>
      %mul3A_454 = arith.muli %get3A_448, %mul3A_453 : vector<16xi32>
      %gather3A_455 = tpu.vector_load_idx %arg8[%mul3A_451] : memref<40000xf32, #tpu.memory_space<vmem>>[vector<16xi32>], vector<16xf32>,
      %gather3A_456 = tpu.vector_load_idx %arg8[%mul3A_454] : memref<40000xf32, #tpu.memory_space<vmem>>[vector<16xi32>], vector<16xf32>,
      %sub3A_457 = arith.subf %gather3A_455, %gather3A_456 : vector<16xf32>
      %add3A_458 = arith.constant 1 : i32
      %add3A_459 = vector.broadcast %add3A_458 : i32 to vector<16xi32>
      %add3A_460 = arith.addi %mul3A_451, %add3A_459 : vector<16xi32>
      %gather3A_461 = tpu.vector_load_idx %arg8[%add3A_460] : memref<40000xf32, #tpu.memory_space<vmem>>[vector<16xi32>], vector<16xf32>,
      %add3A_462 = arith.constant 1 : i32
      %add3A_463 = vector.broadcast %add3A_462 : i32 to vector<16xi32>
      %add3A_464 = arith.addi %mul3A_454, %add3A_463 : vector<16xi32>
      %gather3A_465 = tpu.vector_load_idx %arg8[%add3A_464] : memref<40000xf32, #tpu.memory_space<vmem>>[vector<16xi32>], vector<16xf32>,
      %sub3A_466 = arith.subf %gather3A_461, %gather3A_465 : vector<16xf32>
      %add3A_467 = arith.constant 2 : i32
      %add3A_468 = vector.broadcast %add3A_467 : i32 to vector<16xi32>
      %add3A_469 = arith.addi %mul3A_451, %add3A_468 : vector<16xi32>
      %gather3A_470 = tpu.vector_load_idx %arg8[%add3A_469] : memref<40000xf32, #tpu.memory_space<vmem>>[vector<16xi32>], vector<16xf32>,
      %add3A_471 = arith.constant 2 : i32
      %add3A_472 = vector.broadcast %add3A_471 : i32 to vector<16xi32>
      %add3A_473 = arith.addi %mul3A_454, %add3A_472 : vector<16xi32>
      %gather3A_474 = tpu.vector_load_idx %arg8[%add3A_473] : memref<40000xf32, #tpu.memory_space<vmem>>[vector<16xi32>], vector<16xf32>,
      %sub3A_475 = arith.subf %gather3A_470, %gather3A_474 : vector<16xf32>
      %mul3A_476 = arith.mulf %sub3A_457, %sub3A_457 : vector<16xf32>
      %mul3A_477 = arith.mulf %sub3A_466, %sub3A_466 : vector<16xf32>
      %add3A_478 = arith.addf %mul3A_476, %mul3A_477 : vector<16xf32>
      %mul3A_479 = arith.mulf %sub3A_475, %sub3A_475 : vector<16xf32>
      %add3A_480 = arith.addf %add3A_478, %mul3A_479 : vector<16xf32>
      %broadcast_in_dim3A_481 = arith.constant 1597463007 : i32
      %broadcast_in_dim3A_482 = vector.broadcast %broadcast_in_dim3A_481 : i32 to vector<16xi32>
      %bitcast3A_483 = vector.bitcast %add3A_480 : vector<16xf32> to vector<16xi32>
      %shift_right_logical3A_484 = arith.constant 1 : i32
      %shift_right_logical3A_485 = vector.broadcast %shift_right_logical3A_484 : i32 to vector<16xi32>
      %shift_right_logical3A_486 = arith.shrui %bitcast3A_483, %shift_right_logical3A_485 : vector<16xi32>
      %sub3A_487 = arith.subi %broadcast_in_dim3A_482, %shift_right_logical3A_486 : vector<16xi32>
      %bitcast3A_488 = vector.bitcast %sub3A_487 : vector<16xi32> to vector<16xf32>
      %mul3A_489 = arith.constant 5.000000e-01 : f32
      %mul3A_490 = vector.broadcast %mul3A_489 : f32 to vector<16xf32>
      %mul3A_491 = arith.mulf %mul3A_490, %add3A_480 : vector<16xf32>
      %mul3A_492 = arith.mulf %mul3A_491, %bitcast3A_488 : vector<16xf32>
      %mul3A_493 = arith.mulf %mul3A_492, %bitcast3A_488 : vector<16xf32>
      %sub3A_494 = arith.constant 1.500000e+00 : f32
      %sub3A_495 = vector.broadcast %sub3A_494 : f32 to vector<16xf32>
      %sub3A_496 = arith.subf %sub3A_495, %mul3A_493 : vector<16xf32>
      %mul3A_497 = arith.mulf %bitcast3A_488, %sub3A_496 : vector<16xf32>
      %mul3A_498 = arith.constant 5.000000e-01 : f32
      %mul3A_499 = vector.broadcast %mul3A_498 : f32 to vector<16xf32>
      %mul3A_500 = arith.mulf %mul3A_499, %add3A_480 : vector<16xf32>
      %mul3A_501 = arith.mulf %mul3A_500, %mul3A_497 : vector<16xf32>
      %mul3A_502 = arith.mulf %mul3A_501, %mul3A_497 : vector<16xf32>
      %sub3A_503 = arith.constant 1.500000e+00 : f32
      %sub3A_504 = vector.broadcast %sub3A_503 : f32 to vector<16xf32>
      %sub3A_505 = arith.subf %sub3A_504, %mul3A_502 : vector<16xf32>
      %mul3A_506 = arith.mulf %mul3A_497, %sub3A_505 : vector<16xf32>
      %mul3A_507 = arith.constant 5.000000e-01 : f32
      %mul3A_508 = vector.broadcast %mul3A_507 : f32 to vector<16xf32>
      %mul3A_509 = arith.mulf %mul3A_508, %add3A_480 : vector<16xf32>
      %mul3A_510 = arith.mulf %mul3A_509, %mul3A_506 : vector<16xf32>
      %mul3A_511 = arith.mulf %mul3A_510, %mul3A_506 : vector<16xf32>
      %sub3A_512 = arith.constant 1.500000e+00 : f32
      %sub3A_513 = vector.broadcast %sub3A_512 : f32 to vector<16xf32>
      %sub3A_514 = arith.subf %sub3A_513, %mul3A_511 : vector<16xf32>
      %mul3A_515 = arith.mulf %mul3A_506, %sub3A_514 : vector<16xf32>
      %gt3A_516 = arith.constant 0.000000e+00 : f32
      %gt3A_517 = vector.broadcast %gt3A_516 : f32 to vector<16xf32>
      %gt3A_518 = arith.cmpf ogt, %add3A_480, %gt3A_517 : vector<16xf32>
      %mul3A_519 = arith.mulf %add3A_480, %mul3A_515 : vector<16xf32>
      %jit3A_520 = arith.constant 0.000000e+00 : f32
      %broadcast_in_dim3A_521 = vector.broadcast %jit3A_520 : f32 to vector<16xf32>
      %select_n3A_522 = arith.select %gt3A_518, %mul3A_519, %broadcast_in_dim3A_521 : vector<16xi1>, vector<16xf32>
      %swap3A_523 = arith.constant 0 : i32
      %swap3A_524 = arith.index_cast %swap3A_523 : i32 to index
      %swap3A_525 = arith.constant 80 : index
      %swap3A_526 = tpu.vector_load %arg9[%swap3A_524, %swap3A_525] {strides = array<i32>} : memref<1x128xf32, #tpu.memory_space<vmem>>, vector<16xf32>,
      tpu.vector_store %arg9[%swap3A_524, %swap3A_525], %select_n3A_522 {strides = array<i32>} : memref<1x128xf32, #tpu.memory_space<vmem>>, vector<16xf32>,
      %get3A_527 = arith.constant 0 : i32
      %get3A_528 = arith.index_cast %scan3A_8 : i32 to index
      %get3A_529 = arith.index_cast %get3A_527 : i32 to index
      %get3A_530 = arith.constant 96 : index
      %get3A_531 = tpu.vector_load %arg6[%get3A_528, %get3A_529, %get3A_530] {strides = array<i32>} : memref<80x1x128xi32, #tpu.memory_space<vmem>>, vector<16xi32>,
      %get3A_532 = arith.constant 0 : i32
      %get3A_533 = arith.index_cast %scan3A_8 : i32 to index
      %get3A_534 = arith.index_cast %get3A_532 : i32 to index
      %get3A_535 = arith.constant 96 : index
      %get3A_536 = tpu.vector_load %arg7[%get3A_533, %get3A_534, %get3A_535] {strides = array<i32>} : memref<80x1x128xi32, #tpu.memory_space<vmem>>, vector<16xi32>,
      %mul3A_537 = arith.constant 4 : i32
      %mul3A_538 = vector.broadcast %mul3A_537 : i32 to vector<16xi32>
      %mul3A_539 = arith.muli %get3A_531, %mul3A_538 : vector<16xi32>
      %mul3A_540 = arith.constant 4 : i32
      %mul3A_541 = vector.broadcast %mul3A_540 : i32 to vector<16xi32>
      %mul3A_542 = arith.muli %get3A_536, %mul3A_541 : vector<16xi32>
      %gather3A_543 = tpu.vector_load_idx %arg8[%mul3A_539] : memref<40000xf32, #tpu.memory_space<vmem>>[vector<16xi32>], vector<16xf32>,
      %gather3A_544 = tpu.vector_load_idx %arg8[%mul3A_542] : memref<40000xf32, #tpu.memory_space<vmem>>[vector<16xi32>], vector<16xf32>,
      %sub3A_545 = arith.subf %gather3A_543, %gather3A_544 : vector<16xf32>
      %add3A_546 = arith.constant 1 : i32
      %add3A_547 = vector.broadcast %add3A_546 : i32 to vector<16xi32>
      %add3A_548 = arith.addi %mul3A_539, %add3A_547 : vector<16xi32>
      %gather3A_549 = tpu.vector_load_idx %arg8[%add3A_548] : memref<40000xf32, #tpu.memory_space<vmem>>[vector<16xi32>], vector<16xf32>,
      %add3A_550 = arith.constant 1 : i32
      %add3A_551 = vector.broadcast %add3A_550 : i32 to vector<16xi32>
      %add3A_552 = arith.addi %mul3A_542, %add3A_551 : vector<16xi32>
      %gather3A_553 = tpu.vector_load_idx %arg8[%add3A_552] : memref<40000xf32, #tpu.memory_space<vmem>>[vector<16xi32>], vector<16xf32>,
      %sub3A_554 = arith.subf %gather3A_549, %gather3A_553 : vector<16xf32>
      %add3A_555 = arith.constant 2 : i32
      %add3A_556 = vector.broadcast %add3A_555 : i32 to vector<16xi32>
      %add3A_557 = arith.addi %mul3A_539, %add3A_556 : vector<16xi32>
      %gather3A_558 = tpu.vector_load_idx %arg8[%add3A_557] : memref<40000xf32, #tpu.memory_space<vmem>>[vector<16xi32>], vector<16xf32>,
      %add3A_559 = arith.constant 2 : i32
      %add3A_560 = vector.broadcast %add3A_559 : i32 to vector<16xi32>
      %add3A_561 = arith.addi %mul3A_542, %add3A_560 : vector<16xi32>
      %gather3A_562 = tpu.vector_load_idx %arg8[%add3A_561] : memref<40000xf32, #tpu.memory_space<vmem>>[vector<16xi32>], vector<16xf32>,
      %sub3A_563 = arith.subf %gather3A_558, %gather3A_562 : vector<16xf32>
      %mul3A_564 = arith.mulf %sub3A_545, %sub3A_545 : vector<16xf32>
      %mul3A_565 = arith.mulf %sub3A_554, %sub3A_554 : vector<16xf32>
      %add3A_566 = arith.addf %mul3A_564, %mul3A_565 : vector<16xf32>
      %mul3A_567 = arith.mulf %sub3A_563, %sub3A_563 : vector<16xf32>
      %add3A_568 = arith.addf %add3A_566, %mul3A_567 : vector<16xf32>
      %broadcast_in_dim3A_569 = arith.constant 1597463007 : i32
      %broadcast_in_dim3A_570 = vector.broadcast %broadcast_in_dim3A_569 : i32 to vector<16xi32>
      %bitcast3A_571 = vector.bitcast %add3A_568 : vector<16xf32> to vector<16xi32>
      %shift_right_logical3A_572 = arith.constant 1 : i32
      %shift_right_logical3A_573 = vector.broadcast %shift_right_logical3A_572 : i32 to vector<16xi32>
      %shift_right_logical3A_574 = arith.shrui %bitcast3A_571, %shift_right_logical3A_573 : vector<16xi32>
      %sub3A_575 = arith.subi %broadcast_in_dim3A_570, %shift_right_logical3A_574 : vector<16xi32>
      %bitcast3A_576 = vector.bitcast %sub3A_575 : vector<16xi32> to vector<16xf32>
      %mul3A_577 = arith.constant 5.000000e-01 : f32
      %mul3A_578 = vector.broadcast %mul3A_577 : f32 to vector<16xf32>
      %mul3A_579 = arith.mulf %mul3A_578, %add3A_568 : vector<16xf32>
      %mul3A_580 = arith.mulf %mul3A_579, %bitcast3A_576 : vector<16xf32>
      %mul3A_581 = arith.mulf %mul3A_580, %bitcast3A_576 : vector<16xf32>
      %sub3A_582 = arith.constant 1.500000e+00 : f32
      %sub3A_583 = vector.broadcast %sub3A_582 : f32 to vector<16xf32>
      %sub3A_584 = arith.subf %sub3A_583, %mul3A_581 : vector<16xf32>
      %mul3A_585 = arith.mulf %bitcast3A_576, %sub3A_584 : vector<16xf32>
      %mul3A_586 = arith.constant 5.000000e-01 : f32
      %mul3A_587 = vector.broadcast %mul3A_586 : f32 to vector<16xf32>
      %mul3A_588 = arith.mulf %mul3A_587, %add3A_568 : vector<16xf32>
      %mul3A_589 = arith.mulf %mul3A_588, %mul3A_585 : vector<16xf32>
      %mul3A_590 = arith.mulf %mul3A_589, %mul3A_585 : vector<16xf32>
      %sub3A_591 = arith.constant 1.500000e+00 : f32
      %sub3A_592 = vector.broadcast %sub3A_591 : f32 to vector<16xf32>
      %sub3A_593 = arith.subf %sub3A_592, %mul3A_590 : vector<16xf32>
      %mul3A_594 = arith.mulf %mul3A_585, %sub3A_593 : vector<16xf32>
      %mul3A_595 = arith.constant 5.000000e-01 : f32
      %mul3A_596 = vector.broadcast %mul3A_595 : f32 to vector<16xf32>
      %mul3A_597 = arith.mulf %mul3A_596, %add3A_568 : vector<16xf32>
      %mul3A_598 = arith.mulf %mul3A_597, %mul3A_594 : vector<16xf32>
      %mul3A_599 = arith.mulf %mul3A_598, %mul3A_594 : vector<16xf32>
      %sub3A_600 = arith.constant 1.500000e+00 : f32
      %sub3A_601 = vector.broadcast %sub3A_600 : f32 to vector<16xf32>
      %sub3A_602 = arith.subf %sub3A_601, %mul3A_599 : vector<16xf32>
      %mul3A_603 = arith.mulf %mul3A_594, %sub3A_602 : vector<16xf32>
      %gt3A_604 = arith.constant 0.000000e+00 : f32
      %gt3A_605 = vector.broadcast %gt3A_604 : f32 to vector<16xf32>
      %gt3A_606 = arith.cmpf ogt, %add3A_568, %gt3A_605 : vector<16xf32>
      %mul3A_607 = arith.mulf %add3A_568, %mul3A_603 : vector<16xf32>
      %jit3A_608 = arith.constant 0.000000e+00 : f32
      %broadcast_in_dim3A_609 = vector.broadcast %jit3A_608 : f32 to vector<16xf32>
      %select_n3A_610 = arith.select %gt3A_606, %mul3A_607, %broadcast_in_dim3A_609 : vector<16xi1>, vector<16xf32>
      %swap3A_611 = arith.constant 0 : i32
      %swap3A_612 = arith.index_cast %swap3A_611 : i32 to index
      %swap3A_613 = arith.constant 96 : index
      %swap3A_614 = tpu.vector_load %arg9[%swap3A_612, %swap3A_613] {strides = array<i32>} : memref<1x128xf32, #tpu.memory_space<vmem>>, vector<16xf32>,
      tpu.vector_store %arg9[%swap3A_612, %swap3A_613], %select_n3A_610 {strides = array<i32>} : memref<1x128xf32, #tpu.memory_space<vmem>>, vector<16xf32>,
      %get3A_615 = arith.constant 0 : i32
      %get3A_616 = arith.index_cast %scan3A_8 : i32 to index
      %get3A_617 = arith.index_cast %get3A_615 : i32 to index
      %get3A_618 = arith.constant 112 : index
      %get3A_619 = tpu.vector_load %arg6[%get3A_616, %get3A_617, %get3A_618] {strides = array<i32>} : memref<80x1x128xi32, #tpu.memory_space<vmem>>, vector<16xi32>,
      %get3A_620 = arith.constant 0 : i32
      %get3A_621 = arith.index_cast %scan3A_8 : i32 to index
      %get3A_622 = arith.index_cast %get3A_620 : i32 to index
      %get3A_623 = arith.constant 112 : index
      %get3A_624 = tpu.vector_load %arg7[%get3A_621, %get3A_622, %get3A_623] {strides = array<i32>} : memref<80x1x128xi32, #tpu.memory_space<vmem>>, vector<16xi32>,
      %mul3A_625 = arith.constant 4 : i32
      %mul3A_626 = vector.broadcast %mul3A_625 : i32 to vector<16xi32>
      %mul3A_627 = arith.muli %get3A_619, %mul3A_626 : vector<16xi32>
      %mul3A_628 = arith.constant 4 : i32
      %mul3A_629 = vector.broadcast %mul3A_628 : i32 to vector<16xi32>
      %mul3A_630 = arith.muli %get3A_624, %mul3A_629 : vector<16xi32>
      %gather3A_631 = tpu.vector_load_idx %arg8[%mul3A_627] : memref<40000xf32, #tpu.memory_space<vmem>>[vector<16xi32>], vector<16xf32>,
      %gather3A_632 = tpu.vector_load_idx %arg8[%mul3A_630] : memref<40000xf32, #tpu.memory_space<vmem>>[vector<16xi32>], vector<16xf32>,
      %sub3A_633 = arith.subf %gather3A_631, %gather3A_632 : vector<16xf32>
      %add3A_634 = arith.constant 1 : i32
      %add3A_635 = vector.broadcast %add3A_634 : i32 to vector<16xi32>
      %add3A_636 = arith.addi %mul3A_627, %add3A_635 : vector<16xi32>
      %gather3A_637 = tpu.vector_load_idx %arg8[%add3A_636] : memref<40000xf32, #tpu.memory_space<vmem>>[vector<16xi32>], vector<16xf32>,
      %add3A_638 = arith.constant 1 : i32
      %add3A_639 = vector.broadcast %add3A_638 : i32 to vector<16xi32>
      %add3A_640 = arith.addi %mul3A_630, %add3A_639 : vector<16xi32>
      %gather3A_641 = tpu.vector_load_idx %arg8[%add3A_640] : memref<40000xf32, #tpu.memory_space<vmem>>[vector<16xi32>], vector<16xf32>,
      %sub3A_642 = arith.subf %gather3A_637, %gather3A_641 : vector<16xf32>
      %add3A_643 = arith.constant 2 : i32
      %add3A_644 = vector.broadcast %add3A_643 : i32 to vector<16xi32>
      %add3A_645 = arith.addi %mul3A_627, %add3A_644 : vector<16xi32>
      %gather3A_646 = tpu.vector_load_idx %arg8[%add3A_645] : memref<40000xf32, #tpu.memory_space<vmem>>[vector<16xi32>], vector<16xf32>,
      %add3A_647 = arith.constant 2 : i32
      %add3A_648 = vector.broadcast %add3A_647 : i32 to vector<16xi32>
      %add3A_649 = arith.addi %mul3A_630, %add3A_648 : vector<16xi32>
      %gather3A_650 = tpu.vector_load_idx %arg8[%add3A_649] : memref<40000xf32, #tpu.memory_space<vmem>>[vector<16xi32>], vector<16xf32>,
      %sub3A_651 = arith.subf %gather3A_646, %gather3A_650 : vector<16xf32>
      %mul3A_652 = arith.mulf %sub3A_633, %sub3A_633 : vector<16xf32>
      %mul3A_653 = arith.mulf %sub3A_642, %sub3A_642 : vector<16xf32>
      %add3A_654 = arith.addf %mul3A_652, %mul3A_653 : vector<16xf32>
      %mul3A_655 = arith.mulf %sub3A_651, %sub3A_651 : vector<16xf32>
      %add3A_656 = arith.addf %add3A_654, %mul3A_655 : vector<16xf32>
      %broadcast_in_dim3A_657 = arith.constant 1597463007 : i32
      %broadcast_in_dim3A_658 = vector.broadcast %broadcast_in_dim3A_657 : i32 to vector<16xi32>
      %bitcast3A_659 = vector.bitcast %add3A_656 : vector<16xf32> to vector<16xi32>
      %shift_right_logical3A_660 = arith.constant 1 : i32
      %shift_right_logical3A_661 = vector.broadcast %shift_right_logical3A_660 : i32 to vector<16xi32>
      %shift_right_logical3A_662 = arith.shrui %bitcast3A_659, %shift_right_logical3A_661 : vector<16xi32>
      %sub3A_663 = arith.subi %broadcast_in_dim3A_658, %shift_right_logical3A_662 : vector<16xi32>
      %bitcast3A_664 = vector.bitcast %sub3A_663 : vector<16xi32> to vector<16xf32>
      %mul3A_665 = arith.constant 5.000000e-01 : f32
      %mul3A_666 = vector.broadcast %mul3A_665 : f32 to vector<16xf32>
      %mul3A_667 = arith.mulf %mul3A_666, %add3A_656 : vector<16xf32>
      %mul3A_668 = arith.mulf %mul3A_667, %bitcast3A_664 : vector<16xf32>
      %mul3A_669 = arith.mulf %mul3A_668, %bitcast3A_664 : vector<16xf32>
      %sub3A_670 = arith.constant 1.500000e+00 : f32
      %sub3A_671 = vector.broadcast %sub3A_670 : f32 to vector<16xf32>
      %sub3A_672 = arith.subf %sub3A_671, %mul3A_669 : vector<16xf32>
      %mul3A_673 = arith.mulf %bitcast3A_664, %sub3A_672 : vector<16xf32>
      %mul3A_674 = arith.constant 5.000000e-01 : f32
      %mul3A_675 = vector.broadcast %mul3A_674 : f32 to vector<16xf32>
      %mul3A_676 = arith.mulf %mul3A_675, %add3A_656 : vector<16xf32>
      %mul3A_677 = arith.mulf %mul3A_676, %mul3A_673 : vector<16xf32>
      %mul3A_678 = arith.mulf %mul3A_677, %mul3A_673 : vector<16xf32>
      %sub3A_679 = arith.constant 1.500000e+00 : f32
      %sub3A_680 = vector.broadcast %sub3A_679 : f32 to vector<16xf32>
      %sub3A_681 = arith.subf %sub3A_680, %mul3A_678 : vector<16xf32>
      %mul3A_682 = arith.mulf %mul3A_673, %sub3A_681 : vector<16xf32>
      %mul3A_683 = arith.constant 5.000000e-01 : f32
      %mul3A_684 = vector.broadcast %mul3A_683 : f32 to vector<16xf32>
      %mul3A_685 = arith.mulf %mul3A_684, %add3A_656 : vector<16xf32>
      %mul3A_686 = arith.mulf %mul3A_685, %mul3A_682 : vector<16xf32>
      %mul3A_687 = arith.mulf %mul3A_686, %mul3A_682 : vector<16xf32>
      %sub3A_688 = arith.constant 1.500000e+00 : f32
      %sub3A_689 = vector.broadcast %sub3A_688 : f32 to vector<16xf32>
      %sub3A_690 = arith.subf %sub3A_689, %mul3A_687 : vector<16xf32>
      %mul3A_691 = arith.mulf %mul3A_682, %sub3A_690 : vector<16xf32>
      %gt3A_692 = arith.constant 0.000000e+00 : f32
      %gt3A_693 = vector.broadcast %gt3A_692 : f32 to vector<16xf32>
      %gt3A_694 = arith.cmpf ogt, %add3A_656, %gt3A_693 : vector<16xf32>
      %mul3A_695 = arith.mulf %add3A_656, %mul3A_691 : vector<16xf32>
      %jit3A_696 = arith.constant 0.000000e+00 : f32
      %broadcast_in_dim3A_697 = vector.broadcast %jit3A_696 : f32 to vector<16xf32>
      %select_n3A_698 = arith.select %gt3A_694, %mul3A_695, %broadcast_in_dim3A_697 : vector<16xi1>, vector<16xf32>
      %swap3A_699 = arith.constant 0 : i32
      %swap3A_700 = arith.index_cast %swap3A_699 : i32 to index
      %swap3A_701 = arith.constant 112 : index
      %swap3A_702 = tpu.vector_load %arg9[%swap3A_700, %swap3A_701] {strides = array<i32>} : memref<1x128xf32, #tpu.memory_space<vmem>>, vector<16xf32>,
      tpu.vector_store %arg9[%swap3A_700, %swap3A_701], %select_n3A_698 {strides = array<i32>} : memref<1x128xf32, #tpu.memory_space<vmem>>, vector<16xf32>,
      %add3A_703 = arith.addi %mul3A_2, %scan3A_8 : i32
      "tpu.region"() ({
        %run_scoped3A = tpu.sem_alloc : memref<!tpu.dma_semaphore, #tpu.memory_space<semaphore_mem>>
        %dma_start3A = arith.constant 0 : i32
        %dma_start3A_704 = arith.constant 0 : i32
        %dma_start3A_705 = tpu.memref_slice %arg5[%add3A_703, %dma_start3A, %dma_start3A_704] : memref<2560x1x128xf32, #tpu.memory_space<hbm>> -> memref<1x1x128xf32, #tpu.memory_space<hbm>>
        %dma_start3A_706 = tpu.memref_squeeze %dma_start3A_705 : memref<1x1x128xf32, #tpu.memory_space<hbm>> -> memref<1x128xf32, #tpu.memory_space<hbm>>
        %dma_start3A_707 = arith.constant 0 : i32
        %dma_start3A_708 = arith.constant 0 : i32
        %dma_start3A_709 = tpu.memref_slice %arg5[%add3A_703, %dma_start3A_707, %dma_start3A_708] : memref<2560x1x128xf32, #tpu.memory_space<hbm>> -> memref<1x1x128xf32, #tpu.memory_space<hbm>>
        %dma_start3A_710 = tpu.memref_squeeze %dma_start3A_709 : memref<1x1x128xf32, #tpu.memory_space<hbm>> -> memref<1x128xf32, #tpu.memory_space<hbm>>
        tpu.enqueue_dma source(%arg9 : memref<1x128xf32, #tpu.memory_space<vmem>>) target(%dma_start3A_710 : memref<1x128xf32, #tpu.memory_space<hbm>>) target_semaphore(%run_scoped3A : memref<!tpu.dma_semaphore, #tpu.memory_space<semaphore_mem>>)
        %dma_wait3A = arith.constant 0 : i32
        %dma_wait3A_711 = arith.constant 0 : i32
        %dma_wait3A_712 = tpu.memref_slice %arg5[%add3A_703, %dma_wait3A, %dma_wait3A_711] : memref<2560x1x128xf32, #tpu.memory_space<hbm>> -> memref<1x1x128xf32, #tpu.memory_space<hbm>>
        %dma_wait3A_713 = tpu.memref_squeeze %dma_wait3A_712 : memref<1x1x128xf32, #tpu.memory_space<hbm>> -> memref<1x128xf32, #tpu.memory_space<hbm>>
        %dma_wait3A_714 = arith.constant 0 : i32
        %dma_wait3A_715 = arith.constant 0 : i32
        %dma_wait3A_716 = tpu.memref_slice %arg5[%add3A_703, %dma_wait3A_714, %dma_wait3A_715] : memref<2560x1x128xf32, #tpu.memory_space<hbm>> -> memref<1x1x128xf32, #tpu.memory_space<hbm>>
        %dma_wait3A_717 = tpu.memref_squeeze %dma_wait3A_716 : memref<1x1x128xf32, #tpu.memory_space<hbm>> -> memref<1x128xf32, #tpu.memory_space<hbm>>
        tpu.wait_dma2 semaphore(%run_scoped3A : memref<!tpu.dma_semaphore, #tpu.memory_space<semaphore_mem>>) src(%arg9 : memref<1x128xf32, #tpu.memory_space<vmem>>) dst(%dma_wait3A_717 : memref<1x128xf32, #tpu.memory_space<hbm>>)
        tpu.yield
      }) : () -> ()
    }
    %scan3A_7 = arith.constant 80 : i32
    return
  }
}

#map = affine_map<(d0, d1) -> (0, 0)>
#map1 = affine_map<(d0, d1) -> (0, 0, 0)>
module attributes {stable_mosaic.version = 14 : i64} {
  func.func @scatter(%arg0: i32, %arg1: i32, %arg2: memref<327680x128xf32, #tpu.memory_space<hbm>>, %arg3: memref<2560x1x128xi32, #tpu.memory_space<hbm>>, %arg4: memref<10112x128xf32, #tpu.memory_space<hbm>>, %arg5: memref<2x10112x128xf32, #tpu.memory_space<hbm>>, %arg6: memref<10112x128xf32, #tpu.memory_space<vmem_shared>>, %arg7: memref<80x1x128xi32, #tpu.memory_space<vmem>>, %arg8: memref<2x128x128xf32, #tpu.memory_space<vmem>>, %arg9: memref<!tpu.dma_semaphore, #tpu.memory_space<semaphore_mem>>, %arg10: memref<!tpu.dma_semaphore, #tpu.memory_space<semaphore_mem>>) attributes {dimension_semantics = [#tpu.dimension_semantics<core_parallel>, #tpu.dimension_semantics<subcore_parallel>], iteration_bounds = array<i64: 2, 16>, scalar_prefetch = 0 : i64, scratch_operands = 5 : i64, tpu.core_type = #tpu.core_type<sc_vector_subcore>, window_params = [{transform_indices = #map}, {transform_indices = #map1}, {transform_indices = #map}, {transform_indices = #map1}]} {
    %mul3A = arith.constant 632 : i32
    %mul3A_0 = arith.muli %arg1, %mul3A : i32
    "tpu.region"() ({
      %run_scoped3A = tpu.sem_alloc : memref<!tpu.dma_semaphore, #tpu.memory_space<semaphore_mem>>
      %dma_start3A_41 = arith.constant 0 : i32
      %dma_start3A_42 = tpu.memref_slice %arg6[%mul3A_0, %dma_start3A_41] : memref<10112x128xf32, #tpu.memory_space<vmem_shared>> -> memref<632x128xf32, #tpu.memory_space<vmem_shared>>
      %dma_start3A_43 = arith.constant 0 : i32
      %dma_start3A_44 = tpu.memref_slice %arg4[%mul3A_0, %dma_start3A_43] : memref<10112x128xf32, #tpu.memory_space<hbm>> -> memref<632x128xf32, #tpu.memory_space<hbm>>
      tpu.enqueue_dma source(%dma_start3A_44 : memref<632x128xf32, #tpu.memory_space<hbm>>) target(%dma_start3A_42 : memref<632x128xf32, #tpu.memory_space<vmem_shared>>) target_semaphore(%run_scoped3A : memref<!tpu.dma_semaphore, #tpu.memory_space<semaphore_mem>>)
      %dma_wait3A_45 = arith.constant 0 : i32
      %dma_wait3A_46 = tpu.memref_slice %arg6[%mul3A_0, %dma_wait3A_45] : memref<10112x128xf32, #tpu.memory_space<vmem_shared>> -> memref<632x128xf32, #tpu.memory_space<vmem_shared>>
      %dma_wait3A_47 = arith.constant 0 : i32
      %dma_wait3A_48 = tpu.memref_slice %arg4[%mul3A_0, %dma_wait3A_47] : memref<10112x128xf32, #tpu.memory_space<hbm>> -> memref<632x128xf32, #tpu.memory_space<hbm>>
      tpu.wait_dma2 semaphore(%run_scoped3A : memref<!tpu.dma_semaphore, #tpu.memory_space<semaphore_mem>>) src(%dma_wait3A_48 : memref<632x128xf32, #tpu.memory_space<hbm>>) dst(%dma_wait3A_46 : memref<632x128xf32, #tpu.memory_space<vmem_shared>>)
      tpu.yield
    }) : () -> ()
    %barrier3A = arith.constant 0 : index
    tpu.barrier barrier_id(%barrier3A)
    %mul3A_1 = arith.constant 16 : i32
    %mul3A_2 = arith.muli %arg0, %mul3A_1 : i32
    %add3A = arith.addi %mul3A_2, %arg1 : i32
    %mul3A_3 = arith.constant 80 : i32
    %mul3A_4 = arith.muli %add3A, %mul3A_3 : i32
    "tpu.region"() ({
      %run_scoped3A = tpu.sem_alloc : memref<!tpu.dma_semaphore, #tpu.memory_space<semaphore_mem>>
      %dma_start3A_41 = arith.constant 0 : i32
      %dma_start3A_42 = arith.constant 0 : i32
      %dma_start3A_43 = tpu.memref_slice %arg3[%mul3A_4, %dma_start3A_41, %dma_start3A_42] : memref<2560x1x128xi32, #tpu.memory_space<hbm>> -> memref<80x1x128xi32, #tpu.memory_space<hbm>>
      %dma_start3A_44 = arith.constant 0 : i32
      %dma_start3A_45 = arith.constant 0 : i32
      %dma_start3A_46 = tpu.memref_slice %arg3[%mul3A_4, %dma_start3A_44, %dma_start3A_45] : memref<2560x1x128xi32, #tpu.memory_space<hbm>> -> memref<80x1x128xi32, #tpu.memory_space<hbm>>
      tpu.enqueue_dma source(%dma_start3A_46 : memref<80x1x128xi32, #tpu.memory_space<hbm>>) target(%arg7 : memref<80x1x128xi32, #tpu.memory_space<vmem>>) target_semaphore(%run_scoped3A : memref<!tpu.dma_semaphore, #tpu.memory_space<semaphore_mem>>)
      %dma_wait3A_47 = arith.constant 0 : i32
      %dma_wait3A_48 = arith.constant 0 : i32
      %dma_wait3A_49 = tpu.memref_slice %arg3[%mul3A_4, %dma_wait3A_47, %dma_wait3A_48] : memref<2560x1x128xi32, #tpu.memory_space<hbm>> -> memref<80x1x128xi32, #tpu.memory_space<hbm>>
      %dma_wait3A_50 = arith.constant 0 : i32
      %dma_wait3A_51 = arith.constant 0 : i32
      %dma_wait3A_52 = tpu.memref_slice %arg3[%mul3A_4, %dma_wait3A_50, %dma_wait3A_51] : memref<2560x1x128xi32, #tpu.memory_space<hbm>> -> memref<80x1x128xi32, #tpu.memory_space<hbm>>
      tpu.wait_dma2 semaphore(%run_scoped3A : memref<!tpu.dma_semaphore, #tpu.memory_space<semaphore_mem>>) src(%dma_wait3A_52 : memref<80x1x128xi32, #tpu.memory_space<hbm>>) dst(%arg7 : memref<80x1x128xi32, #tpu.memory_space<vmem>>)
      tpu.yield
    }) : () -> ()
    %add3A_5 = arith.constant 0 : i32
    %add3A_6 = arith.addi %mul3A_4, %add3A_5 : i32
    %mul3A_7 = arith.constant 128 : i32
    %mul3A_8 = arith.muli %add3A_6, %mul3A_7 : i32
    %dma_start3A = arith.constant 0 : i32
    %dma_start3A_9 = arith.constant 0 : i32
    %dma_start3A_10 = arith.constant 0 : i32
    %dma_start3A_11 = tpu.memref_slice %arg8[%dma_start3A, %dma_start3A_9, %dma_start3A_10] : memref<2x128x128xf32, #tpu.memory_space<vmem>> -> memref<1x128x128xf32, #tpu.memory_space<vmem>>
    %dma_start3A_12 = tpu.memref_squeeze %dma_start3A_11 : memref<1x128x128xf32, #tpu.memory_space<vmem>> -> memref<128x128xf32, #tpu.memory_space<vmem>>
    %dma_start3A_13 = arith.constant 0 : i32
    %dma_start3A_14 = tpu.memref_slice %arg2[%mul3A_8, %dma_start3A_13] : memref<327680x128xf32, #tpu.memory_space<hbm>> -> memref<128x128xf32, #tpu.memory_space<hbm>>
    %dma_start3A_15 = arith.constant 0 : i32
    %dma_start3A_16 = arith.constant 0 : i32
    %dma_start3A_17 = tpu.memref_slice %arg8[%dma_start3A, %dma_start3A_15, %dma_start3A_16] : memref<2x128x128xf32, #tpu.memory_space<vmem>> -> memref<1x128x128xf32, #tpu.memory_space<vmem>>
    %dma_start3A_18 = tpu.memref_squeeze %dma_start3A_17 : memref<1x128x128xf32, #tpu.memory_space<vmem>> -> memref<128x128xf32, #tpu.memory_space<vmem>>
    %dma_start3A_19 = arith.constant 0 : i32
    %dma_start3A_20 = tpu.memref_slice %arg2[%mul3A_8, %dma_start3A_19] : memref<327680x128xf32, #tpu.memory_space<hbm>> -> memref<128x128xf32, #tpu.memory_space<hbm>>
    tpu.enqueue_dma source(%dma_start3A_20 : memref<128x128xf32, #tpu.memory_space<hbm>>) target(%dma_start3A_18 : memref<128x128xf32, #tpu.memory_space<vmem>>) target_semaphore(%arg9 : memref<!tpu.dma_semaphore, #tpu.memory_space<semaphore_mem>>)
    %scan3A = arith.constant 0 : i32
    %scan3A_21 = arith.constant 0 : i32
    %scan3A_22 = arith.constant 40 : i32
    %scan3A_23 = arith.addi %scan3A_21, %scan3A_22 : i32
    %scan3A_24 = arith.constant 1 : i32
    scf.for %scan3A_41 = %scan3A_21 to %scan3A_23 step %scan3A_24  : i32 {
      %mul3A_42 = arith.constant 2 : i32
      %mul3A_43 = arith.muli %mul3A_42, %scan3A_41 : i32
      %add3A_44 = arith.constant 0 : i32
      %add3A_45 = arith.addi %mul3A_43, %add3A_44 : i32
      %add3A_46 = arith.constant 1 : i32
      %add3A_47 = arith.addi %add3A_45, %add3A_46 : i32
      %min3A = arith.constant 79 : i32
      %min3A_48 = arith.minsi %add3A_47, %min3A : i32
      %add3A_49 = arith.addi %mul3A_4, %min3A_48 : i32
      %mul3A_50 = arith.constant 128 : i32
      %mul3A_51 = arith.muli %add3A_49, %mul3A_50 : i32
      %dma_start3A_52 = arith.constant 1 : i32
      %dma_start3A_53 = arith.constant 0 : i32
      %dma_start3A_54 = arith.constant 0 : i32
      %dma_start3A_55 = tpu.memref_slice %arg8[%dma_start3A_52, %dma_start3A_53, %dma_start3A_54] : memref<2x128x128xf32, #tpu.memory_space<vmem>> -> memref<1x128x128xf32, #tpu.memory_space<vmem>>
      %dma_start3A_56 = tpu.memref_squeeze %dma_start3A_55 : memref<1x128x128xf32, #tpu.memory_space<vmem>> -> memref<128x128xf32, #tpu.memory_space<vmem>>
      %dma_start3A_57 = arith.constant 0 : i32
      %dma_start3A_58 = tpu.memref_slice %arg2[%mul3A_51, %dma_start3A_57] : memref<327680x128xf32, #tpu.memory_space<hbm>> -> memref<128x128xf32, #tpu.memory_space<hbm>>
      %dma_start3A_59 = arith.constant 0 : i32
      %dma_start3A_60 = arith.constant 0 : i32
      %dma_start3A_61 = tpu.memref_slice %arg8[%dma_start3A_52, %dma_start3A_59, %dma_start3A_60] : memref<2x128x128xf32, #tpu.memory_space<vmem>> -> memref<1x128x128xf32, #tpu.memory_space<vmem>>
      %dma_start3A_62 = tpu.memref_squeeze %dma_start3A_61 : memref<1x128x128xf32, #tpu.memory_space<vmem>> -> memref<128x128xf32, #tpu.memory_space<vmem>>
      %dma_start3A_63 = arith.constant 0 : i32
      %dma_start3A_64 = tpu.memref_slice %arg2[%mul3A_51, %dma_start3A_63] : memref<327680x128xf32, #tpu.memory_space<hbm>> -> memref<128x128xf32, #tpu.memory_space<hbm>>
      tpu.enqueue_dma source(%dma_start3A_64 : memref<128x128xf32, #tpu.memory_space<hbm>>) target(%dma_start3A_62 : memref<128x128xf32, #tpu.memory_space<vmem>>) target_semaphore(%arg10 : memref<!tpu.dma_semaphore, #tpu.memory_space<semaphore_mem>>)
      %dma_wait3A_65 = arith.constant 0 : i32
      %dma_wait3A_66 = arith.constant 0 : i32
      %dma_wait3A_67 = arith.constant 0 : i32
      %dma_wait3A_68 = tpu.memref_slice %arg8[%dma_wait3A_65, %dma_wait3A_66, %dma_wait3A_67] : memref<2x128x128xf32, #tpu.memory_space<vmem>> -> memref<1x128x128xf32, #tpu.memory_space<vmem>>
      %dma_wait3A_69 = tpu.memref_squeeze %dma_wait3A_68 : memref<1x128x128xf32, #tpu.memory_space<vmem>> -> memref<128x128xf32, #tpu.memory_space<vmem>>
      %dma_wait3A_70 = arith.constant 0 : i32
      %dma_wait3A_71 = arith.constant 0 : i32
      %dma_wait3A_72 = tpu.memref_slice %arg2[%dma_wait3A_70, %dma_wait3A_71] : memref<327680x128xf32, #tpu.memory_space<hbm>> -> memref<128x128xf32, #tpu.memory_space<hbm>>
      %dma_wait3A_73 = arith.constant 0 : i32
      %dma_wait3A_74 = arith.constant 0 : i32
      %dma_wait3A_75 = tpu.memref_slice %arg8[%dma_wait3A_65, %dma_wait3A_73, %dma_wait3A_74] : memref<2x128x128xf32, #tpu.memory_space<vmem>> -> memref<1x128x128xf32, #tpu.memory_space<vmem>>
      %dma_wait3A_76 = tpu.memref_squeeze %dma_wait3A_75 : memref<1x128x128xf32, #tpu.memory_space<vmem>> -> memref<128x128xf32, #tpu.memory_space<vmem>>
      %dma_wait3A_77 = arith.constant 0 : i32
      %dma_wait3A_78 = arith.constant 0 : i32
      %dma_wait3A_79 = tpu.memref_slice %arg2[%dma_wait3A_77, %dma_wait3A_78] : memref<327680x128xf32, #tpu.memory_space<hbm>> -> memref<128x128xf32, #tpu.memory_space<hbm>>
      tpu.wait_dma2 semaphore(%arg9 : memref<!tpu.dma_semaphore, #tpu.memory_space<semaphore_mem>>) src(%dma_wait3A_79 : memref<128x128xf32, #tpu.memory_space<hbm>>) dst(%dma_wait3A_76 : memref<128x128xf32, #tpu.memory_space<vmem>>)
      %run_scoped3A = arith.constant 0 : i32
      %run_scoped3A_80 = arith.constant 0 : i32
      "tpu.region"() ({
        %run_scoped3A_122 = tpu.sem_alloc : memref<!tpu.dma_semaphore, #tpu.memory_space<semaphore_mem>>
        %dma_start3A_123 = arith.constant 0 : i32
        %dma_start3A_124 = arith.constant 0 : i32
        %dma_start3A_125 = tpu.memref_slice %arg8[%run_scoped3A, %dma_start3A_123, %dma_start3A_124] : memref<2x128x128xf32, #tpu.memory_space<vmem>> -> memref<1x128x128xf32, #tpu.memory_space<vmem>>
        %dma_start3A_126 = tpu.memref_squeeze %dma_start3A_125 : memref<1x128x128xf32, #tpu.memory_space<vmem>> -> memref<128x128xf32, #tpu.memory_space<vmem>>
        %dma_start3A_127 = arith.constant 0 : i32
        %dma_start3A_128 = tpu.memref_slice %arg7[%add3A_45, %run_scoped3A_80, %dma_start3A_127] : memref<80x1x128xi32, #tpu.memory_space<vmem>> -> memref<1x1x128xi32, #tpu.memory_space<vmem>>
        %dma_start3A_129 = tpu.memref_squeeze %dma_start3A_128 : memref<1x1x128xi32, #tpu.memory_space<vmem>> -> memref<128xi32, #tpu.memory_space<vmem>>
        %dma_start3A_130 = arith.constant 0 : i32
        %dma_start3A_131 = arith.constant 0 : i32
        %dma_start3A_132 = tpu.memref_slice %arg6[%dma_start3A_130, %dma_start3A_131] : memref<10112x128xf32, #tpu.memory_space<vmem_shared>> -> memref<10112x128xf32, #tpu.memory_space<vmem_shared>>
        tpu.enqueue_indirect_dma source(%dma_start3A_126 : memref<128x128xf32, #tpu.memory_space<vmem>>) target(%dma_start3A_132 : memref<10112x128xf32, #tpu.memory_space<vmem_shared>>) offsets(%dma_start3A_129 : memref<128xi32, #tpu.memory_space<vmem>>) semaphore(%run_scoped3A_122 : memref<!tpu.dma_semaphore, #tpu.memory_space<semaphore_mem>>) {add = true}
        %dma_wait3A_133 = arith.constant 0 : i32
        %dma_wait3A_134 = arith.constant 0 : i32
        %dma_wait3A_135 = tpu.memref_slice %arg8[%run_scoped3A, %dma_wait3A_133, %dma_wait3A_134] : memref<2x128x128xf32, #tpu.memory_space<vmem>> -> memref<1x128x128xf32, #tpu.memory_space<vmem>>
        %dma_wait3A_136 = tpu.memref_squeeze %dma_wait3A_135 : memref<1x128x128xf32, #tpu.memory_space<vmem>> -> memref<128x128xf32, #tpu.memory_space<vmem>>
        %dma_wait3A_137 = arith.constant 0 : i32
        %dma_wait3A_138 = tpu.memref_slice %arg7[%add3A_45, %run_scoped3A_80, %dma_wait3A_137] : memref<80x1x128xi32, #tpu.memory_space<vmem>> -> memref<1x1x128xi32, #tpu.memory_space<vmem>>
        %dma_wait3A_139 = tpu.memref_squeeze %dma_wait3A_138 : memref<1x1x128xi32, #tpu.memory_space<vmem>> -> memref<128xi32, #tpu.memory_space<vmem>>
        %dma_wait3A_140 = arith.constant 0 : i32
        %dma_wait3A_141 = arith.constant 0 : i32
        %dma_wait3A_142 = tpu.memref_slice %arg6[%dma_wait3A_140, %dma_wait3A_141] : memref<10112x128xf32, #tpu.memory_space<vmem_shared>> -> memref<10112x128xf32, #tpu.memory_space<vmem_shared>>
        tpu.wait_indirect_dma semaphore(%run_scoped3A_122 : memref<!tpu.dma_semaphore, #tpu.memory_space<semaphore_mem>>) src(%dma_wait3A_136 : memref<128x128xf32, #tpu.memory_space<vmem>>) dst(%dma_wait3A_142 : memref<10112x128xf32, #tpu.memory_space<vmem_shared>>)
        tpu.yield
      }) : () -> ()
      %mul3A_81 = arith.constant 2 : i32
      %mul3A_82 = arith.muli %mul3A_81, %scan3A_41 : i32
      %add3A_83 = arith.constant 1 : i32
      %add3A_84 = arith.addi %mul3A_82, %add3A_83 : i32
      %add3A_85 = arith.constant 1 : i32
      %add3A_86 = arith.addi %add3A_84, %add3A_85 : i32
      %min3A_87 = arith.constant 79 : i32
      %min3A_88 = arith.minsi %add3A_86, %min3A_87 : i32
      %add3A_89 = arith.addi %mul3A_4, %min3A_88 : i32
      %mul3A_90 = arith.constant 128 : i32
      %mul3A_91 = arith.muli %add3A_89, %mul3A_90 : i32
      %dma_start3A_92 = arith.constant 0 : i32
      %dma_start3A_93 = arith.constant 0 : i32
      %dma_start3A_94 = arith.constant 0 : i32
      %dma_start3A_95 = tpu.memref_slice %arg8[%dma_start3A_92, %dma_start3A_93, %dma_start3A_94] : memref<2x128x128xf32, #tpu.memory_space<vmem>> -> memref<1x128x128xf32, #tpu.memory_space<vmem>>
      %dma_start3A_96 = tpu.memref_squeeze %dma_start3A_95 : memref<1x128x128xf32, #tpu.memory_space<vmem>> -> memref<128x128xf32, #tpu.memory_space<vmem>>
      %dma_start3A_97 = arith.constant 0 : i32
      %dma_start3A_98 = tpu.memref_slice %arg2[%mul3A_91, %dma_start3A_97] : memref<327680x128xf32, #tpu.memory_space<hbm>> -> memref<128x128xf32, #tpu.memory_space<hbm>>
      %dma_start3A_99 = arith.constant 0 : i32
      %dma_start3A_100 = arith.constant 0 : i32
      %dma_start3A_101 = tpu.memref_slice %arg8[%dma_start3A_92, %dma_start3A_99, %dma_start3A_100] : memref<2x128x128xf32, #tpu.memory_space<vmem>> -> memref<1x128x128xf32, #tpu.memory_space<vmem>>
      %dma_start3A_102 = tpu.memref_squeeze %dma_start3A_101 : memref<1x128x128xf32, #tpu.memory_space<vmem>> -> memref<128x128xf32, #tpu.memory_space<vmem>>
      %dma_start3A_103 = arith.constant 0 : i32
      %dma_start3A_104 = tpu.memref_slice %arg2[%mul3A_91, %dma_start3A_103] : memref<327680x128xf32, #tpu.memory_space<hbm>> -> memref<128x128xf32, #tpu.memory_space<hbm>>
      tpu.enqueue_dma source(%dma_start3A_104 : memref<128x128xf32, #tpu.memory_space<hbm>>) target(%dma_start3A_102 : memref<128x128xf32, #tpu.memory_space<vmem>>) target_semaphore(%arg9 : memref<!tpu.dma_semaphore, #tpu.memory_space<semaphore_mem>>)
      %dma_wait3A_105 = arith.constant 1 : i32
      %dma_wait3A_106 = arith.constant 0 : i32
      %dma_wait3A_107 = arith.constant 0 : i32
      %dma_wait3A_108 = tpu.memref_slice %arg8[%dma_wait3A_105, %dma_wait3A_106, %dma_wait3A_107] : memref<2x128x128xf32, #tpu.memory_space<vmem>> -> memref<1x128x128xf32, #tpu.memory_space<vmem>>
      %dma_wait3A_109 = tpu.memref_squeeze %dma_wait3A_108 : memref<1x128x128xf32, #tpu.memory_space<vmem>> -> memref<128x128xf32, #tpu.memory_space<vmem>>
      %dma_wait3A_110 = arith.constant 0 : i32
      %dma_wait3A_111 = arith.constant 0 : i32
      %dma_wait3A_112 = tpu.memref_slice %arg2[%dma_wait3A_110, %dma_wait3A_111] : memref<327680x128xf32, #tpu.memory_space<hbm>> -> memref<128x128xf32, #tpu.memory_space<hbm>>
      %dma_wait3A_113 = arith.constant 0 : i32
      %dma_wait3A_114 = arith.constant 0 : i32
      %dma_wait3A_115 = tpu.memref_slice %arg8[%dma_wait3A_105, %dma_wait3A_113, %dma_wait3A_114] : memref<2x128x128xf32, #tpu.memory_space<vmem>> -> memref<1x128x128xf32, #tpu.memory_space<vmem>>
      %dma_wait3A_116 = tpu.memref_squeeze %dma_wait3A_115 : memref<1x128x128xf32, #tpu.memory_space<vmem>> -> memref<128x128xf32, #tpu.memory_space<vmem>>
      %dma_wait3A_117 = arith.constant 0 : i32
      %dma_wait3A_118 = arith.constant 0 : i32
      %dma_wait3A_119 = tpu.memref_slice %arg2[%dma_wait3A_117, %dma_wait3A_118] : memref<327680x128xf32, #tpu.memory_space<hbm>> -> memref<128x128xf32, #tpu.memory_space<hbm>>
      tpu.wait_dma2 semaphore(%arg10 : memref<!tpu.dma_semaphore, #tpu.memory_space<semaphore_mem>>) src(%dma_wait3A_119 : memref<128x128xf32, #tpu.memory_space<hbm>>) dst(%dma_wait3A_116 : memref<128x128xf32, #tpu.memory_space<vmem>>)
      %run_scoped3A_120 = arith.constant 1 : i32
      %run_scoped3A_121 = arith.constant 0 : i32
      "tpu.region"() ({
        %run_scoped3A_122 = tpu.sem_alloc : memref<!tpu.dma_semaphore, #tpu.memory_space<semaphore_mem>>
        %dma_start3A_123 = arith.constant 0 : i32
        %dma_start3A_124 = arith.constant 0 : i32
        %dma_start3A_125 = tpu.memref_slice %arg8[%run_scoped3A_120, %dma_start3A_123, %dma_start3A_124] : memref<2x128x128xf32, #tpu.memory_space<vmem>> -> memref<1x128x128xf32, #tpu.memory_space<vmem>>
        %dma_start3A_126 = tpu.memref_squeeze %dma_start3A_125 : memref<1x128x128xf32, #tpu.memory_space<vmem>> -> memref<128x128xf32, #tpu.memory_space<vmem>>
        %dma_start3A_127 = arith.constant 0 : i32
        %dma_start3A_128 = tpu.memref_slice %arg7[%add3A_84, %run_scoped3A_121, %dma_start3A_127] : memref<80x1x128xi32, #tpu.memory_space<vmem>> -> memref<1x1x128xi32, #tpu.memory_space<vmem>>
        %dma_start3A_129 = tpu.memref_squeeze %dma_start3A_128 : memref<1x1x128xi32, #tpu.memory_space<vmem>> -> memref<128xi32, #tpu.memory_space<vmem>>
        %dma_start3A_130 = arith.constant 0 : i32
        %dma_start3A_131 = arith.constant 0 : i32
        %dma_start3A_132 = tpu.memref_slice %arg6[%dma_start3A_130, %dma_start3A_131] : memref<10112x128xf32, #tpu.memory_space<vmem_shared>> -> memref<10112x128xf32, #tpu.memory_space<vmem_shared>>
        tpu.enqueue_indirect_dma source(%dma_start3A_126 : memref<128x128xf32, #tpu.memory_space<vmem>>) target(%dma_start3A_132 : memref<10112x128xf32, #tpu.memory_space<vmem_shared>>) offsets(%dma_start3A_129 : memref<128xi32, #tpu.memory_space<vmem>>) semaphore(%run_scoped3A_122 : memref<!tpu.dma_semaphore, #tpu.memory_space<semaphore_mem>>) {add = true}
        %dma_wait3A_133 = arith.constant 0 : i32
        %dma_wait3A_134 = arith.constant 0 : i32
        %dma_wait3A_135 = tpu.memref_slice %arg8[%run_scoped3A_120, %dma_wait3A_133, %dma_wait3A_134] : memref<2x128x128xf32, #tpu.memory_space<vmem>> -> memref<1x128x128xf32, #tpu.memory_space<vmem>>
        %dma_wait3A_136 = tpu.memref_squeeze %dma_wait3A_135 : memref<1x128x128xf32, #tpu.memory_space<vmem>> -> memref<128x128xf32, #tpu.memory_space<vmem>>
        %dma_wait3A_137 = arith.constant 0 : i32
        %dma_wait3A_138 = tpu.memref_slice %arg7[%add3A_84, %run_scoped3A_121, %dma_wait3A_137] : memref<80x1x128xi32, #tpu.memory_space<vmem>> -> memref<1x1x128xi32, #tpu.memory_space<vmem>>
        %dma_wait3A_139 = tpu.memref_squeeze %dma_wait3A_138 : memref<1x1x128xi32, #tpu.memory_space<vmem>> -> memref<128xi32, #tpu.memory_space<vmem>>
        %dma_wait3A_140 = arith.constant 0 : i32
        %dma_wait3A_141 = arith.constant 0 : i32
        %dma_wait3A_142 = tpu.memref_slice %arg6[%dma_wait3A_140, %dma_wait3A_141] : memref<10112x128xf32, #tpu.memory_space<vmem_shared>> -> memref<10112x128xf32, #tpu.memory_space<vmem_shared>>
        tpu.wait_indirect_dma semaphore(%run_scoped3A_122 : memref<!tpu.dma_semaphore, #tpu.memory_space<semaphore_mem>>) src(%dma_wait3A_136 : memref<128x128xf32, #tpu.memory_space<vmem>>) dst(%dma_wait3A_142 : memref<10112x128xf32, #tpu.memory_space<vmem_shared>>)
        tpu.yield
      }) : () -> ()
    }
    %scan3A_25 = arith.constant 40 : i32
    %dma_wait3A = arith.constant 0 : i32
    %dma_wait3A_26 = arith.constant 0 : i32
    %dma_wait3A_27 = arith.constant 0 : i32
    %dma_wait3A_28 = tpu.memref_slice %arg8[%dma_wait3A, %dma_wait3A_26, %dma_wait3A_27] : memref<2x128x128xf32, #tpu.memory_space<vmem>> -> memref<1x128x128xf32, #tpu.memory_space<vmem>>
    %dma_wait3A_29 = tpu.memref_squeeze %dma_wait3A_28 : memref<1x128x128xf32, #tpu.memory_space<vmem>> -> memref<128x128xf32, #tpu.memory_space<vmem>>
    %dma_wait3A_30 = arith.constant 0 : i32
    %dma_wait3A_31 = arith.constant 0 : i32
    %dma_wait3A_32 = tpu.memref_slice %arg2[%dma_wait3A_30, %dma_wait3A_31] : memref<327680x128xf32, #tpu.memory_space<hbm>> -> memref<128x128xf32, #tpu.memory_space<hbm>>
    %dma_wait3A_33 = arith.constant 0 : i32
    %dma_wait3A_34 = arith.constant 0 : i32
    %dma_wait3A_35 = tpu.memref_slice %arg8[%dma_wait3A, %dma_wait3A_33, %dma_wait3A_34] : memref<2x128x128xf32, #tpu.memory_space<vmem>> -> memref<1x128x128xf32, #tpu.memory_space<vmem>>
    %dma_wait3A_36 = tpu.memref_squeeze %dma_wait3A_35 : memref<1x128x128xf32, #tpu.memory_space<vmem>> -> memref<128x128xf32, #tpu.memory_space<vmem>>
    %dma_wait3A_37 = arith.constant 0 : i32
    %dma_wait3A_38 = arith.constant 0 : i32
    %dma_wait3A_39 = tpu.memref_slice %arg2[%dma_wait3A_37, %dma_wait3A_38] : memref<327680x128xf32, #tpu.memory_space<hbm>> -> memref<128x128xf32, #tpu.memory_space<hbm>>
    tpu.wait_dma2 semaphore(%arg9 : memref<!tpu.dma_semaphore, #tpu.memory_space<semaphore_mem>>) src(%dma_wait3A_39 : memref<128x128xf32, #tpu.memory_space<hbm>>) dst(%dma_wait3A_36 : memref<128x128xf32, #tpu.memory_space<vmem>>)
    %barrier3A_40 = arith.constant 0 : index
    tpu.barrier barrier_id(%barrier3A_40)
    "tpu.region"() ({
      %run_scoped3A = tpu.sem_alloc : memref<!tpu.dma_semaphore, #tpu.memory_space<semaphore_mem>>
      %dma_start3A_41 = arith.constant 0 : i32
      %dma_start3A_42 = arith.constant 0 : i32
      %dma_start3A_43 = tpu.memref_slice %arg5[%arg0, %dma_start3A_41, %dma_start3A_42] : memref<2x10112x128xf32, #tpu.memory_space<hbm>> -> memref<1x10112x128xf32, #tpu.memory_space<hbm>>
      %dma_start3A_44 = tpu.memref_squeeze %dma_start3A_43 : memref<1x10112x128xf32, #tpu.memory_space<hbm>> -> memref<10112x128xf32, #tpu.memory_space<hbm>>
      %dma_start3A_45 = arith.constant 0 : i32
      %dma_start3A_46 = tpu.memref_slice %dma_start3A_44[%mul3A_0, %dma_start3A_45] : memref<10112x128xf32, #tpu.memory_space<hbm>> -> memref<632x128xf32, #tpu.memory_space<hbm>>
      %dma_start3A_47 = arith.constant 0 : i32
      %dma_start3A_48 = tpu.memref_slice %arg6[%mul3A_0, %dma_start3A_47] : memref<10112x128xf32, #tpu.memory_space<vmem_shared>> -> memref<632x128xf32, #tpu.memory_space<vmem_shared>>
      tpu.enqueue_dma source(%dma_start3A_48 : memref<632x128xf32, #tpu.memory_space<vmem_shared>>) target(%dma_start3A_46 : memref<632x128xf32, #tpu.memory_space<hbm>>) target_semaphore(%run_scoped3A : memref<!tpu.dma_semaphore, #tpu.memory_space<semaphore_mem>>)
      %dma_wait3A_49 = arith.constant 0 : i32
      %dma_wait3A_50 = arith.constant 0 : i32
      %dma_wait3A_51 = tpu.memref_slice %arg5[%arg0, %dma_wait3A_49, %dma_wait3A_50] : memref<2x10112x128xf32, #tpu.memory_space<hbm>> -> memref<1x10112x128xf32, #tpu.memory_space<hbm>>
      %dma_wait3A_52 = tpu.memref_squeeze %dma_wait3A_51 : memref<1x10112x128xf32, #tpu.memory_space<hbm>> -> memref<10112x128xf32, #tpu.memory_space<hbm>>
      %dma_wait3A_53 = arith.constant 0 : i32
      %dma_wait3A_54 = tpu.memref_slice %dma_wait3A_52[%mul3A_0, %dma_wait3A_53] : memref<10112x128xf32, #tpu.memory_space<hbm>> -> memref<632x128xf32, #tpu.memory_space<hbm>>
      %dma_wait3A_55 = arith.constant 0 : i32
      %dma_wait3A_56 = tpu.memref_slice %arg6[%mul3A_0, %dma_wait3A_55] : memref<10112x128xf32, #tpu.memory_space<vmem_shared>> -> memref<632x128xf32, #tpu.memory_space<vmem_shared>>
      tpu.wait_dma2 semaphore(%run_scoped3A : memref<!tpu.dma_semaphore, #tpu.memory_space<semaphore_mem>>) src(%dma_wait3A_56 : memref<632x128xf32, #tpu.memory_space<vmem_shared>>) dst(%dma_wait3A_54 : memref<632x128xf32, #tpu.memory_space<hbm>>)
      tpu.yield
    }) : () -> ()
    return
  }
}

module attributes {stable_mosaic.version = 14 : i64} {
  func.func @_edge_body(%arg0: i32, %arg1: memref<2560x128xf32, #tpu.memory_space<vmem>>, %arg2: memref<2560x128xf32, #tpu.memory_space<vmem>>, %arg3: memref<20x1x128xf32, #tpu.memory_space<vmem>>, %arg4: memref<128x128xbf16, #tpu.memory_space<vmem>>, %arg5: memref<128x128xbf16, #tpu.memory_space<vmem>>, %arg6: memref<1x128xf32, #tpu.memory_space<vmem>>, %arg7: memref<1x128xf32, #tpu.memory_space<vmem>>, %arg8: memref<128x128xbf16, #tpu.memory_space<vmem>>, %arg9: memref<1x128xf32, #tpu.memory_space<vmem>>, %arg10: memref<1x128xf32, #tpu.memory_space<vmem>>, %arg11: memref<1x1xf32, #tpu.memory_space<vmem>>, %arg12: memref<2560x128xf32, #tpu.memory_space<vmem>>) attributes {dimension_semantics = [#tpu.dimension_semantics<arbitrary>], iteration_bounds = array<i64: 128>, scalar_prefetch = 0 : i64, scratch_operands = 0 : i64, tpu.core_type = #tpu.core_type<tc>, window_params = [{transform_indices = @transform_0, window_bounds = array<i64: 2560, 128>}, {transform_indices = @transform_1, window_bounds = array<i64: 2560, 128>}, {transform_indices = @transform_2, window_bounds = array<i64: 20, 1, 128>}, {pipeline_mode = #tpu.pipeline_mode<synchronous>, transform_indices = @transform_3, window_bounds = array<i64: 128, 128>}, {pipeline_mode = #tpu.pipeline_mode<synchronous>, transform_indices = @transform_4, window_bounds = array<i64: 128, 128>}, {pipeline_mode = #tpu.pipeline_mode<synchronous>, transform_indices = @transform_5, window_bounds = array<i64: 1, 128>}, {pipeline_mode = #tpu.pipeline_mode<synchronous>, transform_indices = @transform_6, window_bounds = array<i64: 1, 128>}, {pipeline_mode = #tpu.pipeline_mode<synchronous>, transform_indices = @transform_7, window_bounds = array<i64: 128, 128>}, {pipeline_mode = #tpu.pipeline_mode<synchronous>, transform_indices = @transform_8, window_bounds = array<i64: 1, 128>}, {pipeline_mode = #tpu.pipeline_mode<synchronous>, transform_indices = @transform_9, window_bounds = array<i64: 1, 128>}, {pipeline_mode = #tpu.pipeline_mode<synchronous>, transform_indices = @transform_10, window_bounds = array<i64: 1, 1>}, {transform_indices = @transform_11, window_bounds = array<i64: 2560, 128>}]} {
    %mul3A = arith.constant 2560 : i32
    %mul3A_0 = arith.muli %arg0, %mul3A : i32
    %lt3A = arith.constant 320000 : i32
    %lt3A_1 = arith.cmpi slt, %mul3A_0, %lt3A : i32
    %convert_element_type3A = arith.extui %lt3A_1 : i1 to i32
    %cond3A = arith.constant 0 : i32
    %cond3A_2 = arith.cmpi ne, %convert_element_type3A, %cond3A : i32
    scf.if %cond3A_2 {
      %get3A = arith.constant 0 : index
      %get3A_9 = arith.constant 0 : index
      %get3A_10 = arith.constant 0 : index
      %get3A_11 = vector.load %arg3[%get3A, %get3A_9, %get3A_10] : memref<20x1x128xf32, #tpu.memory_space<vmem>>, vector<20x1x128xf32>
      %reshape3A = vector.shape_cast %get3A_11 : vector<20x1x128xf32> to vector<20x128xf32>
      %iota3A = tpu.iota {dimensions = array<i32: 0>} : vector<2560x20xi32>
      %jit3A = arith.constant 128 : i32
      %div3A = vector.broadcast %jit3A : i32 to vector<2560x20xi32>
      %div3A_12 = arith.divsi %iota3A, %div3A : vector<2560x20xi32>
      %sign3A = arith.constant 0 : i32
      %sign3A_13 = vector.broadcast %sign3A : i32 to vector<2560x20xi32>
      %sign3A_14 = arith.cmpi sgt, %iota3A, %sign3A_13 : vector<2560x20xi32>
      %sign3A_15 = arith.extui %sign3A_14 : vector<2560x20xi1> to vector<2560x20xi32>
      %sign3A_16 = arith.constant 0 : i32
      %sign3A_17 = vector.broadcast %sign3A_16 : i32 to vector<2560x20xi32>
      %sign3A_18 = arith.cmpi slt, %iota3A, %sign3A_17 : vector<2560x20xi32>
      %sign3A_19 = arith.extui %sign3A_18 : vector<2560x20xi1> to vector<2560x20xi32>
      %sign3A_20 = arith.subi %sign3A_15, %sign3A_19 : vector<2560x20xi32>
      %sign3A_21 = arith.constant 0 : i32
      %sign3A_22 = arith.cmpi sgt, %jit3A, %sign3A_21 : i32
      %sign3A_23 = arith.extui %sign3A_22 : i1 to i32
      %sign3A_24 = arith.constant 0 : i32
      %sign3A_25 = arith.cmpi slt, %jit3A, %sign3A_24 : i32
      %sign3A_26 = arith.extui %sign3A_25 : i1 to i32
      %sign3A_27 = arith.subi %sign3A_23, %sign3A_26 : i32
      %ne3A = vector.broadcast %sign3A_27 : i32 to vector<2560x20xi32>
      %ne3A_28 = arith.cmpi ne, %sign3A_20, %ne3A : vector<2560x20xi32>
      %rem3A = vector.broadcast %jit3A : i32 to vector<2560x20xi32>
      %rem3A_29 = arith.remsi %iota3A, %rem3A : vector<2560x20xi32>
      %ne3A_30 = arith.constant 0 : i32
      %ne3A_31 = vector.broadcast %ne3A_30 : i32 to vector<2560x20xi32>
      %ne3A_32 = arith.cmpi ne, %rem3A_29, %ne3A_31 : vector<2560x20xi32>
      %and3A = arith.andi %ne3A_28, %ne3A_32 : vector<2560x20xi1>
      %sub3A = arith.constant 1 : i32
      %sub3A_33 = vector.broadcast %sub3A : i32 to vector<2560x20xi32>
      %sub3A_34 = arith.subi %div3A_12, %sub3A_33 : vector<2560x20xi32>
      %select_n3A = arith.select %and3A, %sub3A_34, %div3A_12 : vector<2560x20xi1>, vector<2560x20xi32>
      %iota3A_35 = tpu.iota {dimensions = array<i32: 1>} : vector<2560x20xi32>
      %eq3A = arith.cmpi eq, %select_n3A, %iota3A_35 : vector<2560x20xi32>
      %convert_element_type3A_36 = arith.extui %eq3A : vector<2560x20xi1> to vector<2560x20xi32>
      %convert_element_type3A_37 = arith.sitofp %convert_element_type3A_36 : vector<2560x20xi32> to vector<2560x20xf32>
      %dot_general3A = arith.constant dense<0.000000e+00> : vector<2560x128xf32>
      %dot_general3A_38 = tpu.matmul %convert_element_type3A_37, %reshape3A, %dot_general3A {dimension_numbers = #tpu.dot_dimension_numbers<[1], [0], [0], [1], [0, 0, 1, 1], [], []>, transpose_lhs_hint = false} : vector<2560x20xf32>, vector<20x128xf32>, vector<2560x128xf32> -> vector<2560x128xf32>
      %iota3A_39 = tpu.iota {dimensions = array<i32: 0>} : vector<2560x128xi32>
      %jit3A_40 = arith.constant 128 : i32
      %eq3A_41 = arith.constant 0 : i32
      %eq3A_42 = arith.cmpi eq, %jit3A_40, %eq3A_41 : i32
      %jit3A_43 = arith.constant 1 : i32
      %select_n3A_44 = arith.select %eq3A_42, %jit3A_43, %jit3A_40 : i32
      %rem3A_45 = vector.broadcast %select_n3A_44 : i32 to vector<2560x128xi32>
      %rem3A_46 = arith.remsi %iota3A_39, %rem3A_45 : vector<2560x128xi32>
      %ne3A_47 = arith.constant 0 : i32
      %ne3A_48 = vector.broadcast %ne3A_47 : i32 to vector<2560x128xi32>
      %ne3A_49 = arith.cmpi ne, %rem3A_46, %ne3A_48 : vector<2560x128xi32>
      %lt3A_50 = arith.constant 0 : i32
      %lt3A_51 = vector.broadcast %lt3A_50 : i32 to vector<2560x128xi32>
      %lt3A_52 = arith.cmpi slt, %rem3A_46, %lt3A_51 : vector<2560x128xi32>
      %lt3A_53 = arith.constant 0 : i32
      %lt3A_54 = arith.cmpi slt, %select_n3A_44, %lt3A_53 : i32
      %ne3A_55 = vector.broadcast %lt3A_54 : i1 to vector<2560x128xi1>
      %ne3A_56 = vector.broadcast %ne3A_55 : vector<2560x128xi1> to vector<2560x128xi1>
      %ne3A_57 = arith.xori %lt3A_52, %ne3A_56 : vector<2560x128xi1>
      %and3A_58 = arith.andi %ne3A_57, %ne3A_49 : vector<2560x128xi1>
      %add3A = vector.broadcast %select_n3A_44 : i32 to vector<2560x128xi32>
      %add3A_59 = arith.addi %rem3A_46, %add3A : vector<2560x128xi32>
      %select_n3A_60 = arith.select %and3A_58, %add3A_59, %rem3A_46 : vector<2560x128xi1>, vector<2560x128xi32>
      %iota3A_61 = tpu.iota {dimensions = array<i32: 1>} : vector<2560x128xi32>
      %eq3A_62 = arith.cmpi eq, %select_n3A_60, %iota3A_61 : vector<2560x128xi32>
      %jit3A_63 = arith.constant 0.000000e+00 : f32
      %broadcast_in_dim3A = vector.broadcast %jit3A_63 : f32 to vector<2560x128xf32>
      %select_n3A_64 = arith.select %eq3A_62, %dot_general3A_38, %broadcast_in_dim3A : vector<2560x128xi1>, vector<2560x128xf32>
      %reduce_sum3A = arith.constant dense<0.000000e+00> : vector<2560xf32>
      %reduce_sum3A_65 = vector.multi_reduction <add>, %select_n3A_64, %reduce_sum3A [1] : vector<2560x128xf32> to vector<2560xf32>
      %broadcast_in_dim3A_66 = vector.shape_cast %reduce_sum3A_65 : vector<2560xf32> to vector<2560x1xf32>
      %get3A_67 = arith.constant 0 : index
      %get3A_68 = arith.constant 0 : index
      %get3A_69 = vector.load %arg1[%get3A_67, %get3A_68] : memref<2560x128xf32, #tpu.memory_space<vmem>>, vector<2560x128xf32>
      %convert_element_type3A_70 = arith.truncf %get3A_69 : vector<2560x128xf32> to vector<2560x128xbf16>
      %get3A_71 = arith.constant 0 : index
      %get3A_72 = arith.constant 0 : index
      %get3A_73 = vector.load %arg4[%get3A_71, %get3A_72] : memref<128x128xbf16, #tpu.memory_space<vmem>>, vector<128x128xbf16>
      %dot_general3A_74 = arith.constant dense<0.000000e+00> : vector<2560x128xf32>
      %dot_general3A_75 = tpu.matmul %convert_element_type3A_70, %get3A_73, %dot_general3A_74 {dimension_numbers = #tpu.dot_dimension_numbers<[1], [0], [0], [1], [0, 0, 1, 1], [], []>, transpose_lhs_hint = false} : vector<2560x128xbf16>, vector<128x128xbf16>, vector<2560x128xf32> -> vector<2560x128xf32>
      %get3A_76 = arith.constant 0 : index
      %get3A_77 = arith.constant 0 : index
      %get3A_78 = vector.load %arg2[%get3A_76, %get3A_77] : memref<2560x128xf32, #tpu.memory_space<vmem>>, vector<2560x128xf32>
      %convert_element_type3A_79 = arith.truncf %get3A_78 : vector<2560x128xf32> to vector<2560x128xbf16>
      %get3A_80 = arith.constant 0 : index
      %get3A_81 = arith.constant 0 : index
      %get3A_82 = vector.load %arg5[%get3A_80, %get3A_81] : memref<128x128xbf16, #tpu.memory_space<vmem>>, vector<128x128xbf16>
      %dot_general3A_83 = arith.constant dense<0.000000e+00> : vector<2560x128xf32>
      %dot_general3A_84 = tpu.matmul %convert_element_type3A_79, %get3A_82, %dot_general3A_83 {dimension_numbers = #tpu.dot_dimension_numbers<[1], [0], [0], [1], [0, 0, 1, 1], [], []>, transpose_lhs_hint = false} : vector<2560x128xbf16>, vector<128x128xbf16>, vector<2560x128xf32> -> vector<2560x128xf32>
      %add3A_85 = arith.addf %dot_general3A_75, %dot_general3A_84 : vector<2560x128xf32>
      %get3A_86 = arith.constant 0 : index
      %get3A_87 = arith.constant 0 : index
      %get3A_88 = vector.load %arg6[%get3A_86, %get3A_87] : memref<1x128xf32, #tpu.memory_space<vmem>>, vector<1x128xf32>
      %mul3A_89 = vector.broadcast %broadcast_in_dim3A_66 : vector<2560x1xf32> to vector<2560x128xf32>
      %mul3A_90 = vector.broadcast %get3A_88 : vector<1x128xf32> to vector<2560x128xf32>
      %mul3A_91 = arith.mulf %mul3A_89, %mul3A_90 : vector<2560x128xf32>
      %add3A_92 = arith.addf %add3A_85, %mul3A_91 : vector<2560x128xf32>
      %get3A_93 = arith.constant 0 : index
      %get3A_94 = arith.constant 0 : index
      %get3A_95 = vector.load %arg7[%get3A_93, %get3A_94] : memref<1x128xf32, #tpu.memory_space<vmem>>, vector<1x128xf32>
      %add3A_96 = vector.broadcast %get3A_95 : vector<1x128xf32> to vector<2560x128xf32>
      %add3A_97 = arith.addf %add3A_92, %add3A_96 : vector<2560x128xf32>
      %logistic3A = arith.negf %add3A_97 : vector<2560x128xf32>
      %logistic3A_98 = math.exp %logistic3A : vector<2560x128xf32>
      %logistic3A_99 = arith.constant 1.000000e+00 : f32
      %logistic3A_100 = vector.broadcast %logistic3A_99 : f32 to vector<2560x128xf32>
      %logistic3A_101 = arith.addf %logistic3A_100, %logistic3A_98 : vector<2560x128xf32>
      %logistic3A_102 = arith.divf %logistic3A_100, %logistic3A_101 : vector<2560x128xf32>
      %mul3A_103 = arith.mulf %add3A_97, %logistic3A_102 : vector<2560x128xf32>
      %convert_element_type3A_104 = arith.truncf %mul3A_103 : vector<2560x128xf32> to vector<2560x128xbf16>
      %get3A_105 = arith.constant 0 : index
      %get3A_106 = arith.constant 0 : index
      %get3A_107 = vector.load %arg8[%get3A_105, %get3A_106] : memref<128x128xbf16, #tpu.memory_space<vmem>>, vector<128x128xbf16>
      %dot_general3A_108 = arith.constant dense<0.000000e+00> : vector<2560x128xf32>
      %dot_general3A_109 = tpu.matmul %convert_element_type3A_104, %get3A_107, %dot_general3A_108 {dimension_numbers = #tpu.dot_dimension_numbers<[1], [0], [0], [1], [0, 0, 1, 1], [], []>, transpose_lhs_hint = false} : vector<2560x128xbf16>, vector<128x128xbf16>, vector<2560x128xf32> -> vector<2560x128xf32>
      %get3A_110 = arith.constant 0 : index
      %get3A_111 = arith.constant 0 : index
      %get3A_112 = vector.load %arg9[%get3A_110, %get3A_111] : memref<1x128xf32, #tpu.memory_space<vmem>>, vector<1x128xf32>
      %add3A_113 = vector.broadcast %get3A_112 : vector<1x128xf32> to vector<2560x128xf32>
      %add3A_114 = arith.addf %dot_general3A_109, %add3A_113 : vector<2560x128xf32>
      %logistic3A_115 = arith.negf %add3A_114 : vector<2560x128xf32>
      %logistic3A_116 = math.exp %logistic3A_115 : vector<2560x128xf32>
      %logistic3A_117 = arith.constant 1.000000e+00 : f32
      %logistic3A_118 = vector.broadcast %logistic3A_117 : f32 to vector<2560x128xf32>
      %logistic3A_119 = arith.addf %logistic3A_118, %logistic3A_116 : vector<2560x128xf32>
      %logistic3A_120 = arith.divf %logistic3A_118, %logistic3A_119 : vector<2560x128xf32>
      %mul3A_121 = arith.mulf %add3A_114, %logistic3A_120 : vector<2560x128xf32>
      %get3A_122 = arith.constant 0 : index
      %get3A_123 = arith.constant 0 : index
      %get3A_124 = vector.load %arg10[%get3A_122, %get3A_123] : memref<1x128xf32, #tpu.memory_space<vmem>>, vector<1x128xf32>
      %mul3A_125 = vector.broadcast %get3A_124 : vector<1x128xf32> to vector<2560x128xf32>
      %mul3A_126 = arith.mulf %mul3A_121, %mul3A_125 : vector<2560x128xf32>
      %reduce_sum3A_127 = arith.constant dense<0.000000e+00> : vector<2560xf32>
      %reduce_sum3A_128 = vector.multi_reduction <add>, %mul3A_126, %reduce_sum3A_127 [1] : vector<2560x128xf32> to vector<2560xf32>
      %broadcast_in_dim3A_129 = vector.shape_cast %reduce_sum3A_128 : vector<2560xf32> to vector<2560x1xf32>
      %get3A_130 = arith.constant 0 : index
      %get3A_131 = arith.constant 0 : index
      %get3A_132 = vector.load %arg11[%get3A_130, %get3A_131] : memref<1x1xf32, #tpu.memory_space<vmem>>, vector<1x1xf32>
      %add3A_133 = vector.broadcast %get3A_132 : vector<1x1xf32> to vector<2560x1xf32>
      %add3A_134 = arith.addf %broadcast_in_dim3A_129, %add3A_133 : vector<2560x1xf32>
      %logistic3A_135 = arith.negf %add3A_134 : vector<2560x1xf32>
      %logistic3A_136 = math.exp %logistic3A_135 : vector<2560x1xf32>
      %logistic3A_137 = arith.constant 1.000000e+00 : f32
      %logistic3A_138 = vector.broadcast %logistic3A_137 : f32 to vector<2560x1xf32>
      %logistic3A_139 = arith.addf %logistic3A_138, %logistic3A_136 : vector<2560x1xf32>
      %logistic3A_140 = arith.divf %logistic3A_138, %logistic3A_139 : vector<2560x1xf32>
      %mul3A_141 = vector.broadcast %logistic3A_140 : vector<2560x1xf32> to vector<2560x128xf32>
      %mul3A_142 = arith.mulf %mul3A_141, %mul3A_121 : vector<2560x128xf32>
      %swap3A = arith.constant 0 : index
      %swap3A_143 = arith.constant 0 : index
      %swap3A_144 = vector.load %arg12[%swap3A, %swap3A_143] : memref<2560x128xf32, #tpu.memory_space<vmem>>, vector<2560x128xf32>
      tpu.vector_store %arg12[%swap3A, %swap3A_143], %mul3A_142 {strides = array<i32>} : memref<2560x128xf32, #tpu.memory_space<vmem>>, vector<2560x128xf32>,
    } else {
    }
    %mul3A_3 = arith.constant 2560 : i32
    %mul3A_4 = arith.muli %arg0, %mul3A_3 : i32
    %ge3A = arith.constant 320000 : i32
    %ge3A_5 = arith.cmpi sge, %mul3A_4, %ge3A : i32
    %convert_element_type3A_6 = arith.extui %ge3A_5 : i1 to i32
    %cond3A_7 = arith.constant 0 : i32
    %cond3A_8 = arith.cmpi ne, %convert_element_type3A_6, %cond3A_7 : i32
    scf.if %cond3A_8 {
      %broadcast_in_dim3A = arith.constant 0.000000e+00 : f32
      %broadcast_in_dim3A_9 = vector.broadcast %broadcast_in_dim3A : f32 to vector<2560x128xf32>
      %swap3A = arith.constant 0 : index
      %swap3A_10 = arith.constant 0 : index
      %swap3A_11 = vector.load %arg12[%swap3A, %swap3A_10] : memref<2560x128xf32, #tpu.memory_space<vmem>>, vector<2560x128xf32>
      tpu.vector_store %arg12[%swap3A, %swap3A_10], %broadcast_in_dim3A_9 {strides = array<i32>} : memref<2560x128xf32, #tpu.memory_space<vmem>>, vector<2560x128xf32>,
    } else {
    }
    return
  }
  func.func @transform_0(%arg0: i32) -> (i32, i32) {
    %c0_i32 = arith.constant 0 : i32
    %c0_i32_0 = arith.constant 0 : i32
    return %arg0, %c0_i32 : i32, i32
  }
  func.func @transform_1(%arg0: i32) -> (i32, i32) {
    %c0_i32 = arith.constant 0 : i32
    %c0_i32_0 = arith.constant 0 : i32
    return %arg0, %c0_i32 : i32, i32
  }
  func.func @transform_2(%arg0: i32) -> (i32, i32, i32) {
    %c0_i32 = arith.constant 0 : i32
    %c0_i32_0 = arith.constant 0 : i32
    %c0_i32_1 = arith.constant 0 : i32
    return %arg0, %c0_i32, %c0_i32_0 : i32, i32, i32
  }
  func.func @transform_3(%arg0: i32) -> (i32, i32) {
    %c0_i32 = arith.constant 0 : i32
    %c0_i32_0 = arith.constant 0 : i32
    %c0_i32_1 = arith.constant 0 : i32
    return %c0_i32, %c0_i32_0 : i32, i32
  }
  func.func @transform_4(%arg0: i32) -> (i32, i32) {
    %c0_i32 = arith.constant 0 : i32
    %c0_i32_0 = arith.constant 0 : i32
    %c0_i32_1 = arith.constant 0 : i32
    return %c0_i32, %c0_i32_0 : i32, i32
  }
  func.func @transform_5(%arg0: i32) -> (i32, i32) {
    %c0_i32 = arith.constant 0 : i32
    %c0_i32_0 = arith.constant 0 : i32
    %c0_i32_1 = arith.constant 0 : i32
    return %c0_i32, %c0_i32_0 : i32, i32
  }
  func.func @transform_6(%arg0: i32) -> (i32, i32) {
    %c0_i32 = arith.constant 0 : i32
    %c0_i32_0 = arith.constant 0 : i32
    %c0_i32_1 = arith.constant 0 : i32
    return %c0_i32, %c0_i32_0 : i32, i32
  }
  func.func @transform_7(%arg0: i32) -> (i32, i32) {
    %c0_i32 = arith.constant 0 : i32
    %c0_i32_0 = arith.constant 0 : i32
    %c0_i32_1 = arith.constant 0 : i32
    return %c0_i32, %c0_i32_0 : i32, i32
  }
  func.func @transform_8(%arg0: i32) -> (i32, i32) {
    %c0_i32 = arith.constant 0 : i32
    %c0_i32_0 = arith.constant 0 : i32
    %c0_i32_1 = arith.constant 0 : i32
    return %c0_i32, %c0_i32_0 : i32, i32
  }
  func.func @transform_9(%arg0: i32) -> (i32, i32) {
    %c0_i32 = arith.constant 0 : i32
    %c0_i32_0 = arith.constant 0 : i32
    %c0_i32_1 = arith.constant 0 : i32
    return %c0_i32, %c0_i32_0 : i32, i32
  }
  func.func @transform_10(%arg0: i32) -> (i32, i32) {
    %c0_i32 = arith.constant 0 : i32
    %c0_i32_0 = arith.constant 0 : i32
    %c0_i32_1 = arith.constant 0 : i32
    return %c0_i32, %c0_i32_0 : i32, i32
  }
  func.func @transform_11(%arg0: i32) -> (i32, i32) {
    %c0_i32 = arith.constant 0 : i32
    %c0_i32_0 = arith.constant 0 : i32
    return %arg0, %c0_i32 : i32, i32
  }
}

module attributes {stable_mosaic.version = 14 : i64} {
  func.func @_node_body(%arg0: i32, %arg1: memref<1000x128xf32, #tpu.memory_space<vmem>>, %arg2: memref<2x1000x128xf32, #tpu.memory_space<vmem>>, %arg3: memref<128x128xbf16, #tpu.memory_space<vmem>>, %arg4: memref<128x128xbf16, #tpu.memory_space<vmem>>, %arg5: memref<1x128xf32, #tpu.memory_space<vmem>>, %arg6: memref<128x128xbf16, #tpu.memory_space<vmem>>, %arg7: memref<1x128xf32, #tpu.memory_space<vmem>>, %arg8: memref<1000x128xf32, #tpu.memory_space<vmem>>) attributes {dimension_semantics = [#tpu.dimension_semantics<arbitrary>], iteration_bounds = array<i64: 10>, scalar_prefetch = 0 : i64, scratch_operands = 0 : i64, tpu.core_type = #tpu.core_type<tc>, window_params = [{transform_indices = @transform_0, window_bounds = array<i64: 1000, 128>}, {transform_indices = @transform_1, window_bounds = array<i64: 2, 1000, 128>}, {pipeline_mode = #tpu.pipeline_mode<synchronous>, transform_indices = @transform_2, window_bounds = array<i64: 128, 128>}, {pipeline_mode = #tpu.pipeline_mode<synchronous>, transform_indices = @transform_3, window_bounds = array<i64: 128, 128>}, {pipeline_mode = #tpu.pipeline_mode<synchronous>, transform_indices = @transform_4, window_bounds = array<i64: 1, 128>}, {pipeline_mode = #tpu.pipeline_mode<synchronous>, transform_indices = @transform_5, window_bounds = array<i64: 128, 128>}, {pipeline_mode = #tpu.pipeline_mode<synchronous>, transform_indices = @transform_6, window_bounds = array<i64: 1, 128>}, {transform_indices = @transform_7, window_bounds = array<i64: 1000, 128>}]} {
    %get3A = arith.constant 0 : index
    %get3A_0 = arith.constant 0 : index
    %get3A_1 = vector.load %arg1[%get3A, %get3A_0] : memref<1000x128xf32, #tpu.memory_space<vmem>>, vector<1000x128xf32>
    %get3A_2 = arith.constant 0 : index
    %get3A_3 = arith.constant 0 : index
    %get3A_4 = arith.constant 0 : index
    %get3A_5 = vector.load %arg2[%get3A_2, %get3A_3, %get3A_4] : memref<2x1000x128xf32, #tpu.memory_space<vmem>>, vector<1x1000x128xf32>
    %get3A_6 = vector.shape_cast %get3A_5 : vector<1x1000x128xf32> to vector<1000x128xf32>
    %get3A_7 = arith.constant 1 : index
    %get3A_8 = arith.constant 0 : index
    %get3A_9 = arith.constant 0 : index
    %get3A_10 = vector.load %arg2[%get3A_7, %get3A_8, %get3A_9] : memref<2x1000x128xf32, #tpu.memory_space<vmem>>, vector<1x1000x128xf32>
    %get3A_11 = vector.shape_cast %get3A_10 : vector<1x1000x128xf32> to vector<1000x128xf32>
    %add3A = arith.addf %get3A_6, %get3A_11 : vector<1000x128xf32>
    %convert_element_type3A = arith.truncf %get3A_1 : vector<1000x128xf32> to vector<1000x128xbf16>
    %get3A_12 = arith.constant 0 : index
    %get3A_13 = arith.constant 0 : index
    %get3A_14 = vector.load %arg3[%get3A_12, %get3A_13] : memref<128x128xbf16, #tpu.memory_space<vmem>>, vector<128x128xbf16>
    %dot_general3A = arith.constant dense<0.000000e+00> : vector<1000x128xf32>
    %dot_general3A_15 = tpu.matmul %convert_element_type3A, %get3A_14, %dot_general3A {dimension_numbers = #tpu.dot_dimension_numbers<[1], [0], [0], [1], [0, 0, 1, 1], [], []>, transpose_lhs_hint = false} : vector<1000x128xbf16>, vector<128x128xbf16>, vector<1000x128xf32> -> vector<1000x128xf32>
    %convert_element_type3A_16 = arith.truncf %add3A : vector<1000x128xf32> to vector<1000x128xbf16>
    %get3A_17 = arith.constant 0 : index
    %get3A_18 = arith.constant 0 : index
    %get3A_19 = vector.load %arg4[%get3A_17, %get3A_18] : memref<128x128xbf16, #tpu.memory_space<vmem>>, vector<128x128xbf16>
    %dot_general3A_20 = arith.constant dense<0.000000e+00> : vector<1000x128xf32>
    %dot_general3A_21 = tpu.matmul %convert_element_type3A_16, %get3A_19, %dot_general3A_20 {dimension_numbers = #tpu.dot_dimension_numbers<[1], [0], [0], [1], [0, 0, 1, 1], [], []>, transpose_lhs_hint = false} : vector<1000x128xbf16>, vector<128x128xbf16>, vector<1000x128xf32> -> vector<1000x128xf32>
    %add3A_22 = arith.addf %dot_general3A_15, %dot_general3A_21 : vector<1000x128xf32>
    %get3A_23 = arith.constant 0 : index
    %get3A_24 = arith.constant 0 : index
    %get3A_25 = vector.load %arg5[%get3A_23, %get3A_24] : memref<1x128xf32, #tpu.memory_space<vmem>>, vector<1x128xf32>
    %add3A_26 = vector.broadcast %get3A_25 : vector<1x128xf32> to vector<1000x128xf32>
    %add3A_27 = arith.addf %add3A_22, %add3A_26 : vector<1000x128xf32>
    %logistic3A = arith.negf %add3A_27 : vector<1000x128xf32>
    %logistic3A_28 = math.exp %logistic3A : vector<1000x128xf32>
    %logistic3A_29 = arith.constant 1.000000e+00 : f32
    %logistic3A_30 = vector.broadcast %logistic3A_29 : f32 to vector<1000x128xf32>
    %logistic3A_31 = arith.addf %logistic3A_30, %logistic3A_28 : vector<1000x128xf32>
    %logistic3A_32 = arith.divf %logistic3A_30, %logistic3A_31 : vector<1000x128xf32>
    %mul3A = arith.mulf %add3A_27, %logistic3A_32 : vector<1000x128xf32>
    %convert_element_type3A_33 = arith.truncf %mul3A : vector<1000x128xf32> to vector<1000x128xbf16>
    %get3A_34 = arith.constant 0 : index
    %get3A_35 = arith.constant 0 : index
    %get3A_36 = vector.load %arg6[%get3A_34, %get3A_35] : memref<128x128xbf16, #tpu.memory_space<vmem>>, vector<128x128xbf16>
    %dot_general3A_37 = arith.constant dense<0.000000e+00> : vector<1000x128xf32>
    %dot_general3A_38 = tpu.matmul %convert_element_type3A_33, %get3A_36, %dot_general3A_37 {dimension_numbers = #tpu.dot_dimension_numbers<[1], [0], [0], [1], [0, 0, 1, 1], [], []>, transpose_lhs_hint = false} : vector<1000x128xbf16>, vector<128x128xbf16>, vector<1000x128xf32> -> vector<1000x128xf32>
    %add3A_39 = arith.addf %get3A_1, %dot_general3A_38 : vector<1000x128xf32>
    %get3A_40 = arith.constant 0 : index
    %get3A_41 = arith.constant 0 : index
    %get3A_42 = vector.load %arg7[%get3A_40, %get3A_41] : memref<1x128xf32, #tpu.memory_space<vmem>>, vector<1x128xf32>
    %add3A_43 = vector.broadcast %get3A_42 : vector<1x128xf32> to vector<1000x128xf32>
    %add3A_44 = arith.addf %add3A_39, %add3A_43 : vector<1000x128xf32>
    %swap3A = arith.constant 0 : index
    %swap3A_45 = arith.constant 0 : index
    %swap3A_46 = vector.load %arg8[%swap3A, %swap3A_45] : memref<1000x128xf32, #tpu.memory_space<vmem>>, vector<1000x128xf32>
    tpu.vector_store %arg8[%swap3A, %swap3A_45], %add3A_44 {strides = array<i32>} : memref<1000x128xf32, #tpu.memory_space<vmem>>, vector<1000x128xf32>,
    return
  }
  func.func @transform_0(%arg0: i32) -> (i32, i32) {
    %c0_i32 = arith.constant 0 : i32
    %c0_i32_0 = arith.constant 0 : i32
    return %arg0, %c0_i32 : i32, i32
  }
  func.func @transform_1(%arg0: i32) -> (i32, i32, i32) {
    %c0_i32 = arith.constant 0 : i32
    %c0_i32_0 = arith.constant 0 : i32
    %c0_i32_1 = arith.constant 0 : i32
    return %c0_i32, %arg0, %c0_i32_0 : i32, i32, i32
  }
  func.func @transform_2(%arg0: i32) -> (i32, i32) {
    %c0_i32 = arith.constant 0 : i32
    %c0_i32_0 = arith.constant 0 : i32
    %c0_i32_1 = arith.constant 0 : i32
    return %c0_i32, %c0_i32_0 : i32, i32
  }
  func.func @transform_3(%arg0: i32) -> (i32, i32) {
    %c0_i32 = arith.constant 0 : i32
    %c0_i32_0 = arith.constant 0 : i32
    %c0_i32_1 = arith.constant 0 : i32
    return %c0_i32, %c0_i32_0 : i32, i32
  }
  func.func @transform_4(%arg0: i32) -> (i32, i32) {
    %c0_i32 = arith.constant 0 : i32
    %c0_i32_0 = arith.constant 0 : i32
    %c0_i32_1 = arith.constant 0 : i32
    return %c0_i32, %c0_i32_0 : i32, i32
  }
  func.func @transform_5(%arg0: i32) -> (i32, i32) {
    %c0_i32 = arith.constant 0 : i32
    %c0_i32_0 = arith.constant 0 : i32
    %c0_i32_1 = arith.constant 0 : i32
    return %c0_i32, %c0_i32_0 : i32, i32
  }
  func.func @transform_6(%arg0: i32) -> (i32, i32) {
    %c0_i32 = arith.constant 0 : i32
    %c0_i32_0 = arith.constant 0 : i32
    %c0_i32_1 = arith.constant 0 : i32
    return %c0_i32, %c0_i32_0 : i32, i32
  }
  func.func @transform_7(%arg0: i32) -> (i32, i32) {
    %c0_i32 = arith.constant 0 : i32
    %c0_i32_0 = arith.constant 0 : i32
    return %arg0, %c0_i32 : i32, i32
  }
}

</mosaic_0001>

<sc_bundles>
// kernel: kernel.10.cloned.1.call-start
scs
__scs_entry_jumppad:
0x0: {  	(pc) =	sbr.rel $0x88, $3  }
0x1: {  	(tag) =	ssettag $0x0;
	lr =	simm.s32 $0x1  }
0x2: {  	[smem:$0x3F94] =	sst lr;
	_ =	strace $0xD0000000  }
0x3: {  	_ = 	snop  }
0x4: {  	_ = 	snop  }
0x5: {  	_ = 	snop  }
0x6: {  	_ = 	snop  }
0x7: {  	_ = 	snop  }
__scs_overlays_trampoline_lowered:
0x8: {  	[smem:$0x3FA3] =	sst s0  }
0x9: {  	[smem:$0x3FA4] =	sst s1  }
0xa: {  	[smem:$0x3FA5] =	sst s2  }
0xb: {  	[smem:$0x3FA6] =	sst s3  }
0xc: {  	[smem:$0x3FA7] =	sst s4  }
0xd: {  	[smem:$0x3FA8] =	sst s5  }
0xe: {  	[smem:$0x3FA9] =	sst s6  }
0xf: {  	[smem:$0x3FAA] =	sst s7  }
0x10: {  	[smem:$0x3FAB] =	sst s8  }
0x11: {  	[smem:$0x3FAC] =	sst s9;
	s0 =	simm.s32 @!p0 $0x0  }
0x12: {  	s1 =	sld [smem:$0x3F92];
	s0 =	simm.s32 @p0 $0x1  }
0x13: {  	[smem:$0x3FAD] =	sst s0;
	s0 =	simm.s32 @!p1 $0x0  }
0x14: {  	s2 =	sld [smem:$0x3F91];
	s0 =	simm.s32 @p1 $0x1  }
0x15: {  	[smem:$0x3FAE] =	sst s0;
	s0 =	simm.s32 @!p2 $0x0  }
0x16: {  	s3 =	sld [smem:$0x3FDB];
	s0 =	simm.s32 @p2 $0x1  }
0x17: {  	s4 =	simm.s32 $0x1BF5;
	[smem:$0x3FB0] =	sst s0  }
0x18: {  	s0 =	sld [smem:$0x3F93];
	_ =	swait.ge [sflag:s4], $0x0  }
0x19: {  	s7 =	sld [smem:$0x3F94]  }
0x1a: {  	s8 =	sadd.s32 $0xFFFFE003, lr  }
0x1b: {  	s9 =	sadd.s32 $0xFFFFFEF7, lr;
	s5 =	simm.s32 $0xFFFFFFFF;
	p2 =	slt.u32 s8, $0xFFFFF086  }
0x1c: {  	p1 =	slt.u32 s9, $0xF7A;
	s5 =	simm.s32 @!p2 $0x0  }
0x1d: {  	s5 =	simm.s32 @p1 $0x1;
	p0 =	seq.s32 s7, s2  }
0x1e: {  	s7 =	smul.u32 @!p0 $0xF7A, s2;
	p2 =	seq.s32 @!p0 s5, $0x0  }
0x1f: {  	s9 =	smul.u32 $0xF7A, s1;
	s8 =	simm.s32 @!p0 $0x1BF5;
	p2 =	por !p2, p0  }
0x20: {  	[sflag:s8] =	ssyncset.s32 @!p0 $0xFFFFF086;
	s6 =	sadd.s32 @!p0 s3, s7;
	s7 =	simm.s32 @!p0 $0x108  }
0x21: {  	s3 =	sadd.s32 s3, s9;
	s6 =	sadd.s32 @!p0 $0x88, s6;
	s7 =	simm.s32 @p2 $0x1082  }
0x22: {  	[simem:s7], [sflag:s8] =	dma.local @!p0 [hbm:s6], $0xF7A  }
0x23: {  	s9 =	sor.u32 $0xD0000000, s2;
	s6 =	simm.s32 $0x108;
	_ =	swait.ge @!p0 [sflag:s8], $0x0  }
0x24: {  	s3 =	sadd.s32 $0x88, s3;
	s6 =	simm.s32 @!p1 $0x1082;
	[sflag:s4] =	ssyncset.s32 $0xFFFFF086  }
0x25: {  	[simem:s6], [sflag:s4] =	dma.local [hbm:s3], $0xF7A  }
0x26: {  	[smem:$0x3F94] =	sst s1;
	(tag) =	ssettag s2;
	_ =	strace s9  }
0x27: {  	s1 =	sld [smem:$0x3FA4]  }
0x28: {  	s2 =	sld [smem:$0x3FA5]  }
0x29: {  	s4 =	sld [smem:$0x3FA7]  }
0x2a: {  	p0 =	seq.s32 s5, $0x0;
	s5 =	sld [smem:$0x3FA8]  }
0x2b: {  	s6 =	sld [smem:$0x3FA9]  }
0x2c: {  	s7 =	sld [smem:$0x3FAA]  }
0x2d: {  	s3 =	simm.s32 $0x108;
	s8 =	sld [smem:$0x3FAB]  }
0x2e: {  	s3 =	simm.s32 @!p0 $0x1082;
	s9 =	sld [smem:$0x3FAC]  }
0x2f: {  	lr =	sadd.s32 s0, s3;
	s0 =	sld [smem:$0x3FA3]  }
0x30: {  	s3 =	sld [smem:$0x3FA6]  }
0x31: {  	[smem:$0x3FAF] =	sst s10  }
0x32: {  	s10 =	sld [smem:$0x3FAD];
	_ =	sdelay $0x3  }
0x33: {  	p0 =	seq.s32 s10, $0x1;
	s10 =	sld [smem:$0x3FAF];
	_ =	sdelay $0x3  }
0x34: {  	[smem:$0x3FAF] =	sst s10  }
0x35: {  	s10 =	sld [smem:$0x3FAE];
	_ =	sdelay $0x3  }
0x36: {  	p1 =	seq.s32 s10, $0x1;
	s10 =	sld [smem:$0x3FAF];
	_ =	sdelay $0x3  }
0x37: {  	[smem:$0x3FAF] =	sst s10  }
0x38: {  	s10 =	sld [smem:$0x3FB0]  }
0x39: {  	_ = 	snop;
	(pc) =	sbr.ind lr, $3  }
0x3a: {  	_ = 	snop  }
0x3b: {  	_ = 	snop  }
0x3c: {  	p2 =	seq.s32 s10, $0x1;
	s10 =	sld [smem:$0x3FAF]  }
0x3d: {  	_ =	shalt  }
0x3e: {  	_ =	shalt  }
0x3f: {  	_ =	shalt  }
0x40: {  	_ =	shalt  }
0x41: {  	_ =	shalt  }
0x42: {  	_ =	shalt  }
0x43: {  	_ =	shalt  }
0x44: {  	_ =	shalt  }
0x45: {  	_ =	shalt  }
0x46: {  	_ =	shalt  }
0x47: {  	_ =	shalt  }
0x48: {  	_ =	shalt  }
0x49: {  	_ =	shalt  }
0x4a: {  	_ =	shalt  }
0x4b: {  	_ =	shalt  }
0x4c: {  	_ =	shalt  }
0x4d: {  	_ =	shalt  }
0x4e: {  	_ =	shalt  }
0x4f: {  	_ =	shalt  }
0x50: {  	_ =	shalt  }
0x51: {  	_ =	shalt  }
0x52: {  	_ =	shalt  }
0x53: {  	_ =	shalt  }
0x54: {  	_ =	shalt  }
0x55: {  	_ =	shalt  }
0x56: {  	_ =	shalt  }
0x57: {  	_ =	shalt  }
0x58: {  	_ =	shalt  }
0x59: {  	_ =	shalt  }
0x5a: {  	_ =	shalt  }
0x5b: {  	_ =	shalt  }
0x5c: {  	_ =	shalt  }
0x5d: {  	_ =	shalt  }
0x5e: {  	_ =	shalt  }
0x5f: {  	_ =	shalt  }
0x60: {  	_ =	shalt  }
0x61: {  	_ =	shalt  }
0x62: {  	_ =	shalt  }
0x63: {  	_ =	shalt  }
0x64: {  	_ =	shalt  }
0x65: {  	_ =	shalt  }
0x66: {  	_ =	shalt  }
0x67: {  	_ =	shalt  }
0x68: {  	_ =	shalt  }
0x69: {  	_ =	shalt  }
0x6a: {  	_ =	shalt  }
0x6b: {  	_ =	shalt  }
0x6c: {  	_ =	shalt  }
0x6d: {  	_ =	shalt  }
0x6e: {  	_ =	shalt  }
0x6f: {  	_ =	shalt  }
0x70: {  	_ =	shalt  }
0x71: {  	_ =	shalt  }
0x72: {  	_ =	shalt  }
0x73: {  	_ =	shalt  }
0x74: {  	_ =	shalt  }
0x75: {  	_ =	shalt  }
0x76: {  	_ =	shalt  }
0x77: {  	_ =	shalt  }
0x78: {  	_ =	shalt  }
0x79: {  	_ =	shalt  }
0x7a: {  	_ =	shalt  }
0x7b: {  	_ =	shalt  }
0x7c: {  	_ =	shalt  }
0x7d: {  	_ =	shalt  }
0x7e: {  	_ =	shalt  }
0x7f: {  	_ =	shalt  }
0x80: {  	_ =	shalt  }
0x81: {  	_ =	shalt  }
0x82: {  	_ =	shalt  }
0x83: {  	_ =	shalt  }
0x84: {  	_ =	shalt  }
0x85: {  	_ =	shalt  }
0x86: {  	_ =	shalt  }
0x87: {  	_ =	shalt  }
.Lfunc_end0:
.L_simem_size_0:
called_computation.1_lowered:
.L_overlay_start_0:
0x88: {  	s2 =	sld [smem:$0x3FD9]  }
0x89: {  	s3 =	sld [smem:$0x3FFE];
	_ =	sdelay $0x1  }
0x8a: {  	s1 =	srdreg.scid  }
0x8b: {  	s0 =	sand.u32 $0x1, s1  }
0x8c: {  	s17 =	sshll.u32 s0, $0xA;
	s2 =	sadd.s32 s3, s2  }
0x8d: {  	s2 =	sadd.s32 s2, s17  }
0x8e: {  	[smem:$0x3FBB] =	sst s2  }
0x8f: {  	_ = 	snop  }
0x90: {  	s18 =	sld [smem:$0x3FD0];
	(tm) =	ssettm $0x1  }
0x91: {  	s19 =	sld [smem:$0x3FFB];
	_ =	sdelay $0x3  }
0x92: {  	_ =	strace s19  }
0x93: {  	s2 =	sld [smem:$0x3FFC];
	_ =	sdelay $0x3  }
0x94: {  	_ =	strace s2  }
0x95: {  	s2 =	sld [smem:$0x3FFD];
	_ =	sdelay $0x3  }
0x96: {  	_ =	strace s2  }
0x97: {  	_ =	strace $0x8FFFFFFF  }
0x98: {  	s20 =	sld [smem:$0x3FDB];
	_ =	sdelay $0x1  }
0x99: {  	s4 =	simm.s32 $_scs_section_size  }
0x9a: {  	s5 =	simm.s32 $_size__tile_overlayer_lowered;
	s6 =	simm.s32 $_tile_overlayer_lowered  }
0x9b: {  	s7 =	simm.s32 $0x1BFF;
	s21 =	sshll.u32 s6, $0x1;
	s4 =	sadd.s32 s4, s20  }
0x9c: {  	s22 =	simm.s32 $0x0;
	s5 =	sshll.u32 s5, $0x1;
	s6 =	sadd.s32 s21, s4  }
0x9d: {  	[timem:s22], [sflag:s7] =	dma.local [hbm:s6], s5  }
0x9e: {  	_ =	swait.ge [sflag:s7], s5  }
0x9f: {  	s5 =	ssub.s32 $0x0, s5;
	[sflag:s7] =	ssyncset.done $0x0  }
0xa0: {  	[sflag:s7] =	ssyncadd.s32 s5;
	_ =	sdelay $0x1  }
0xa1: {  	s23 =	simm.s32 $0x1B8B  }
0xa2: {  	_ =	swait.ge [sflag:s23], $0x1  }
0xa3: {  	[sflag:s23] =	ssyncset.done $0x0  }
0xa4: {  	[sflag:s23] =	ssyncadd.s32 $0xFFFFFFFF  }
0xa5: {  	s5 =	sld [smem:$0x0]  }
0xa6: {  	s6 =	sand.u32 $0xFFFFFFFE, s1  }
0xa7: {  	p0 =	sne.s32 s1, s6  }
0xa8: {  	s6 =	sshll.u32 @p0 s6, $0xE  }
0xa9: {  	s6 =	sadd.s32 @p0 $0x11B8D, s6;
	s7 =	sshll.u32 @p0 s5, $0x11  }
0xaa: {  	s6 =	sor.u32 @p0 s7, s6  }
0xab: {  	[sflag:s6] =	ssyncadd.remote.s32 @p0 $0x1;
	_ =	sdelay $0x1  }
0xac: {  	s6 =	simm.s32 @p0 $0x1B8D  }
0xad: {  	_ =	swait.eq @p0 [sflag:s6], $0x1  }
0xae: {  	[sflag:s6] =	ssyncadd.s32 @p0 $0xFFFFFFFF  }
0xaf: {  	s7 =	sshll.u32 @!p0 s1, $0xE  }
0xb0: {  	s7 =	sor.u32 @!p0 $0x4000, s7;
	s6 =	simm.s32 @!p0 $0x1B8D  }
0xb1: {  	s5 =	sshll.u32 @!p0 s5, $0x11;
	s7 =	sadd.s32 @!p0 $0x11B8D, s7;
	_ =	swait.eq @!p0 [sflag:s6], $0x1  }
0xb2: {  	s5 =	sor.u32 @!p0 s5, s7;
	[sflag:s6] =	ssyncadd.s32 @!p0 $0xFFFFFFFF  }
0xb3: {  	s25 =	simm.s32 $0x1B8E;
	s24 =	sld [smem:$0x3FFE];
	[sflag:s5] =	ssyncadd.remote.s32 @!p0 $0x1  }
0xb4: {  	s26 =	simm.s32 $execute0_lowered;
	[smem:$0x3FD2] =	sst s25  }
0xb5: {  	s6 =	sshll.u32 s26, $0x1;
	_ =	strace $0x80000049;
	[dreg:$0x1] =	wrdreg $0xFFFFFFFF  }
0xb6: {  	s28 =	simm.s32 $_size_execute0_lowered;
	s4 =	sadd.s32 s4, s6;
	[dreg:$0x0] =	wrdreg $0x0  }
0xb7: {  	s6 =	sshll.u32 s28, $0x1;
	[dreg:$0x2] =	wrdreg s4  }
0xb8: {  	[dreg:$0x3] =	wrdreg s6  }
0xb9: {  	[dreg:$0x4] =	wrdreg $0xC0  }
0xba: {  	_ =	task [dreg:s22], $0x5FFFF  }
0xbb: {  	[dreg:$0x1] =	wrdreg $0xFFFFFFFF  }
0xbc: {  	[dreg:$0x0] =	wrdreg $0x60  }
0xbd: {  	[dreg:$0x2] =	wrdreg s24  }
0xbe: {  	[dreg:$0x3] =	wrdreg s18  }
0xbf: {  	[dreg:$0x4] =	wrdreg $0x0  }
0xc0: {  	[dreg:$0x5] =	wrdreg $0xA  }
0xc1: {  	_ =	task.clear_ibuf [dreg:s22], $0x6FFFF;
	_ =	strace $0x90000049  }
0xc2: {  	s29 =	simm.s32 $0xA;
	_ =	strace $0x8000004B  }
0xc3: {  	_ =	swait.ge [sflag:s29], $0x1  }
0xc4: {  	[sflag:s29] =	ssyncadd.s32 $0xFFFFFFFF  }
0xc5: {  	_ =	strace $0x9000004B  }
0xc6: {  	_ =	sfence  }
0xc7: {  	s30 =	sld [smem:$0x0];
	_ =	sdelay $0x2  }
0xc8: {  	s31 =	sshll.u32 s1, $0xD;
	s1 =	sshrl.u32 s1, $0x2  }
0xc9: {  	s4 =	sand.u32 $0x4000, s31;
	s1 =	sadd.s32 s1, s30  }
0xca: {  	s0 =	sor.u32 s4, s0;
	s1 =	sshll.u32 s1, $0x11  }
0xcb: {  	s0 =	sor.u32 s1, s0  }
0xcc: {  	s0 =	sadd.s32 $0x8F2B, s0  }
0xcd: {  	[sflag:s0] =	ssyncadd.remote.s32 $0x1  }
0xce: {  	_ =	sfence.sel $0xFFFF  }
0xcf: {  	[dreg:$0x0] =	wrdreg $0xFFFFFFFF;
	(pc) =	sbr.abs _section_cstart, $3  }
0xd0: {  	[dreg:$0x1] =	wrdreg $0xFFFFFFFF  }
0xd1: {  	_ =	task.clear_ibuf [dreg:s22], $0x2FFFF;
	_ =	strace $0x9FFFFFFF  }
0xd2: {  	(tm) =	ssettm $0x7FFFFFFF  }
0xd3: {  	_ =	shalt  }
tec
execute0_lowered:
.L_overlay_start_1:
0x0: {  	(tag) =	ssettag $0x1  }
0x1: {  	s4 =	rddreg [dreg:$0x0]  }
0x2: {  	s8 =	rddreg [dreg:$0x1]  }
0x3: {  	s2 =	rddreg [dreg:$0x2]  }
0x4: {  	s0 =	rddreg [dreg:$0x3]  }
0x5: {  	s1 =	stileid.u32;
	s5 =	srdreg.scid;
	s3 =	simm.s32 $0x0  }
0x6: {  	s26 =	simm.s32 $0x13C80;
	s28 =	simm.s32 $0x14080;
	s29 =	simm.s32 $0x13D00  }
0x7: {  	s30 =	simm.s32 $0x14100;
	s31 =	simm.s32 $0x13D80;
	[smem:$0x7FF] =	sst s3  }
0x8: {  	s14 =	simm.s32 $0x14180;
	_ =	strace $0x8000004A;
	[dreg:$0x6] =	wrdreg s26  }
0x9: {  	s15 =	simm.s32 $0x13E00;
	s16 =	simm.s32 $0x14200;
	[dreg:$0x7] =	wrdreg s28  }
0xa: {  	s17 =	simm.s32 $0x13E80;
	s6 =	smul.u32 $0x2780, s1;
	[dreg:$0x8] =	wrdreg s29  }
0xb: {  	s18 =	simm.s32 $0x14280;
	s10 =	smul.u32 $0x4F000, s1;
	[dreg:$0x9] =	wrdreg s30  }
0xc: {  	s19 =	simm.s32 $0x13F00;
	s13 =	smul.u32 $0x28000, s1;
	[dreg:$0xa] =	wrdreg s31  }
0xd: {  	s5 =	sand.u32 $0x1, s5;
	s23 =	smul.u32 $0xA00, s1;
	[dreg:$0xb] =	wrdreg s14  }
0xe: {  	s22 =	sshll.u32 s1, $0x6;
	s9 =	smul.u32 $0xA000, s5;
	[dreg:$0xc] =	wrdreg s15  }
0xf: {  	s7 =	smul.u32 $0x280000, s5;
	s5 =	ssub.s32 $0x2, s5;
	[dreg:$0xd] =	wrdreg s16  }
0x10: {  	s14 =	simm.s32 $0x14400;
	s15 =	simm.s32 $0x18400;
	[dreg:$0xe] =	wrdreg s17  }
0x11: {  	s16 =	simm.s32 $0x16400;
	s17 =	simm.s32 $0x1A400;
	[dreg:$0xf] =	wrdreg s18  }
0x12: {  	s18 =	simm.s32 $0x1;
	[dreg:$0x10] =	wrdreg s19;
	s19 =	simm.s32 $0x2  }
0x13: {  	s6 =	sadd.s32 s6, s4;
	s12 =	sshrl.u32 s5, $0x1;
	s20 =	sshrl.u32 s10, $0x2  }
0x14: {  	s11 =	sadd.s32 s9, s4;
	s7 =	sadd.s32 s7, s4;
	s12 =	ssub.s32 s5, s12  }
0x15: {  	s10 =	sadd.s32 s20, s2;
	s4 =	sadd.s32 $0x36600, s6;
	s5 =	sor.u32 $0x1C05, s22  }
0x16: {  	s8 =	sadd.s32 s9, s8;
	s20 =	simm.s32 $0x14300;
	s22 =	simm.s32 $0x14380  }
0x17: {  	s21 =	sadd.s32 s13, s7;
	s6 =	smax.u32 s12, $0x1;
	s25 =	sadd.s32 s23, s11  }
0x18: {  	s8 =	sadd.s32 s23, s8;
	s9 =	sshrl.u32 s10, $0x3;
	s10 =	simm.s32 $0x5  }
0x19: {  	s11 =	simm.s32 $0x13C00;
	s12 =	simm.s32 $0x14000;
	[dreg:$0x11] =	wrdreg s20  }
0x1a: {  	s13 =	simm.s32 $0x40;
	[dreg:$0x13] =	wrdreg s22;
	s7 =	sadd.s32 $0x55DE00, s21  }
0x1b: {  	s20 =	simm.s32 $0x3;
	s24 =	sadd.s32 $0x5DE00, s21;
	[dreg:$0x4] =	wrdreg s7  }
0x1c: {  	s22 =	simm.s32 $0x0;
	s21 =	simm.s32 $0x13F80;
	[dreg:$0x5] =	wrdreg s24  }
0x1d: {  	s7 =	sadd.s32 $0x22600, s25;
	[dreg:$0x12] =	wrdreg s21;
	s21 =	simm.s32 $0x4  }
.LBB2_1:
0x1e: {  	[spmem:s9], [sflag:s5] =	dma.local [hbm:s4], $0x2780  }
0x1f: {  	_ =	swait.ge [sflag:s10], $0x2780  }
0x20: {  	[sflag:s10] =	ssyncset.done $0x0  }
0x21: {  	[sflag:s10] =	ssyncadd.s32 $0xFFFFD880  }
0x22: {  	[bflag:$0x0] =	sbarrier.arrive $0xFFFF  }
0x23: {  	[tilespmem:s11], [sflag:$0x5] =	stream.linear.gather [hbm4b:s8+s3], $0x400, $0x38;
	[tilespmem:$0x1C400] =	vst v63  }
0x24: {  	_ =	swait.ge [sflag:s10], $0x400  }
0x25: {  	[sflag:s10] =	ssyncset.done $0x0  }
0x26: {  	[sflag:s10] =	ssyncadd.s32 $0xFFFFFC00  }
0x27: {  	[tilespmem:s12], [sflag:$0x5] =	stream.linear.gather [hbm4b:s7+s3], $0x400, $0x38;
	[tilespmem:$0x1C400] =	vst v63  }
0x28: {  	_ =	swait.ge [sflag:s10], $0x400  }
0x29: {  	[sflag:s10] =	ssyncset.done $0x0  }
0x2a: {  	[sflag:s10] =	ssyncadd.s32 $0xFFFFFC00  }
0x2b: {  	[tilespmem:s14], [sflag:$0x1] =	stream.indirect.gather [spmem:s2], $0x80, s11, s13, $0xb8;
	[tilespmem:$0x1C400] =	vst v63  }
0x2c: {  	_ = 	snop  }
0x2d: {  	[tilespmem:s15], [sflag:$0x2] =	stream.indirect.gather [spmem:s2], $0x80, s12, s13, $0xb8;
	[tilespmem:$0x1C400] =	vst v63  }
0x2e: {  	s23 =	rddreg [dreg:$0x6]  }
0x2f: {  	[tilespmem:s16], [sflag:$0x3] =	stream.indirect.gather [spmem:s2], $0x80, s23, s13, $0xb8;
	[tilespmem:$0x1C400] =	vst v63  }
0x30: {  	s24 =	rddreg [dreg:$0x7]  }
0x31: {  	[tilespmem:s17], [sflag:$0x4] =	stream.indirect.gather [spmem:s2], $0x80, s24, s13, $0xb8;
	[tilespmem:$0x1C400] =	vst v63  }
0x32: {  	_ =	swait.ge [sflag:s18], $0x2000  }
0x33: {  	[sflag:s18] =	ssyncset.done $0x0  }
0x34: {  	[sflag:s18] =	ssyncadd.s32 $0xFFFFE000  }
0x35: {  	_ =	swait.ge [sflag:s19], $0x2000  }
0x36: {  	s25 =	rddreg [dreg:$0x5];
	[sflag:s19] =	ssyncset.done $0x0  }
0x37: {  	[sflag:s19] =	ssyncadd.s32 $0xFFFFE000;
	s23 =	sadd.s32 $0x0, s25  }
0x38: {  	[hbm4b:s23+s3] =	stream.linear.scatter [tilespmem:s14], [sflag:$0x5], $0x2000, $0x38;
	[tilespmem:$0x1C400] =	vst v63  }
0x39: {  	_ =	swait.ge [sflag:s10], $0x2000  }
0x3a: {  	s26 =	rddreg [dreg:$0x4];
	[sflag:s10] =	ssyncset.done $0x0  }
0x3b: {  	[sflag:s10] =	ssyncadd.s32 $0xFFFFE000;
	s24 =	sadd.s32 $0x0, s26  }
0x3c: {  	[hbm4b:s24+s3] =	stream.linear.scatter [tilespmem:s15], [sflag:$0x5], $0x2000, $0x38;
	[tilespmem:$0x1C400] =	vst v63  }
0x3d: {  	_ =	swait.ge [sflag:s10], $0x2000  }
0x3e: {  	[sflag:s10] =	ssyncset.done $0x0  }
0x3f: {  	s25 =	rddreg [dreg:$0x8];
	[sflag:s10] =	ssyncadd.s32 $0xFFFFE000  }
0x40: {  	[tilespmem:s14], [sflag:$0x1] =	stream.indirect.gather [spmem:s2], $0x80, s25, s13, $0xb8;
	[tilespmem:$0x1C400] =	vst v63  }
0x41: {  	s26 =	rddreg [dreg:$0x9]  }
0x42: {  	[tilespmem:s15], [sflag:$0x2] =	stream.indirect.gather [spmem:s2], $0x80, s26, s13, $0xb8;
	[tilespmem:$0x1C400] =	vst v63  }
0x43: {  	_ =	swait.ge [sflag:s20], $0x2000  }
0x44: {  	[sflag:s20] =	ssyncset.done $0x0  }
0x45: {  	[sflag:s20] =	ssyncadd.s32 $0xFFFFE000  }
0x46: {  	_ =	swait.ge [sflag:s21], $0x2000  }
0x47: {  	[sflag:s21] =	ssyncset.done $0x0  }
0x48: {  	s28 =	sadd.s32 $0x400, s23;
	[sflag:s21] =	ssyncadd.s32 $0xFFFFE000  }
0x49: {  	[hbm4b:s28+s3] =	stream.linear.scatter [tilespmem:s16], [sflag:$0x5], $0x2000, $0x38;
	[tilespmem:$0x1C400] =	vst v63  }
0x4a: {  	_ =	swait.ge [sflag:s10], $0x2000  }
0x4b: {  	[sflag:s10] =	ssyncset.done $0x0  }
0x4c: {  	s29 =	sadd.s32 $0x400, s24;
	[sflag:s10] =	ssyncadd.s32 $0xFFFFE000  }
0x4d: {  	[hbm4b:s29+s3] =	stream.linear.scatter [tilespmem:s17], [sflag:$0x5], $0x2000, $0x38;
	[tilespmem:$0x1C400] =	vst v63  }
0x4e: {  	_ =	swait.ge [sflag:s10], $0x2000  }
0x4f: {  	[sflag:s10] =	ssyncset.done $0x0  }
0x50: {  	s30 =	rddreg [dreg:$0xa];
	[sflag:s10] =	ssyncadd.s32 $0xFFFFE000  }
0x51: {  	[tilespmem:s16], [sflag:$0x3] =	stream.indirect.gather [spmem:s2], $0x80, s30, s13, $0xb8;
	[tilespmem:$0x1C400] =	vst v63  }
0x52: {  	s31 =	rddreg [dreg:$0xb]  }
0x53: {  	[tilespmem:s17], [sflag:$0x4] =	stream.indirect.gather [spmem:s2], $0x80, s31, s13, $0xb8;
	[tilespmem:$0x1C400] =	vst v63  }
0x54: {  	_ =	swait.ge [sflag:s18], $0x2000  }
0x55: {  	[sflag:s18] =	ssyncset.done $0x0  }
0x56: {  	[sflag:s18] =	ssyncadd.s32 $0xFFFFE000  }
0x57: {  	_ =	swait.ge [sflag:s19], $0x2000  }
0x58: {  	[sflag:s19] =	ssyncset.done $0x0  }
0x59: {  	s28 =	sadd.s32 $0x800, s23;
	[sflag:s19] =	ssyncadd.s32 $0xFFFFE000  }
0x5a: {  	[hbm4b:s28+s3] =	stream.linear.scatter [tilespmem:s14], [sflag:$0x5], $0x2000, $0x38;
	[tilespmem:$0x1C400] =	vst v63  }
0x5b: {  	_ =	swait.ge [sflag:s10], $0x2000  }
0x5c: {  	[sflag:s10] =	ssyncset.done $0x0  }
0x5d: {  	s29 =	sadd.s32 $0x800, s24;
	[sflag:s10] =	ssyncadd.s32 $0xFFFFE000  }
0x5e: {  	[hbm4b:s29+s3] =	stream.linear.scatter [tilespmem:s15], [sflag:$0x5], $0x2000, $0x38;
	[tilespmem:$0x1C400] =	vst v63  }
0x5f: {  	_ =	swait.ge [sflag:s10], $0x2000  }
0x60: {  	[sflag:s10] =	ssyncset.done $0x0  }
0x61: {  	s30 =	rddreg [dreg:$0xc];
	[sflag:s10] =	ssyncadd.s32 $0xFFFFE000  }
0x62: {  	[tilespmem:s14], [sflag:$0x1] =	stream.indirect.gather [spmem:s2], $0x80, s30, s13, $0xb8;
	[tilespmem:$0x1C400] =	vst v63  }
0x63: {  	s31 =	rddreg [dreg:$0xd]  }
0x64: {  	[tilespmem:s15], [sflag:$0x2] =	stream.indirect.gather [spmem:s2], $0x80, s31, s13, $0xb8;
	[tilespmem:$0x1C400] =	vst v63  }
0x65: {  	_ =	swait.ge [sflag:s20], $0x2000  }
0x66: {  	[sflag:s20] =	ssyncset.done $0x0  }
0x67: {  	[sflag:s20] =	ssyncadd.s32 $0xFFFFE000  }
0x68: {  	_ =	swait.ge [sflag:s21], $0x2000  }
0x69: {  	[sflag:s21] =	ssyncset.done $0x0  }
0x6a: {  	s26 =	sadd.s32 $0xC00, s23;
	[sflag:s21] =	ssyncadd.s32 $0xFFFFE000  }
0x6b: {  	[hbm4b:s26+s3] =	stream.linear.scatter [tilespmem:s16], [sflag:$0x5], $0x2000, $0x38;
	[tilespmem:$0x1C400] =	vst v63  }
0x6c: {  	_ =	swait.ge [sflag:s10], $0x2000  }
0x6d: {  	[sflag:s10] =	ssyncset.done $0x0  }
0x6e: {  	s28 =	sadd.s32 $0xC00, s24;
	[sflag:s10] =	ssyncadd.s32 $0xFFFFE000  }
0x6f: {  	[hbm4b:s28+s3] =	stream.linear.scatter [tilespmem:s17], [sflag:$0x5], $0x2000, $0x38;
	[tilespmem:$0x1C400] =	vst v63  }
0x70: {  	_ =	swait.ge [sflag:s10], $0x2000  }
0x71: {  	[sflag:s10] =	ssyncset.done $0x0  }
0x72: {  	s29 =	rddreg [dreg:$0xe];
	[sflag:s10] =	ssyncadd.s32 $0xFFFFE000  }
0x73: {  	[tilespmem:s16], [sflag:$0x3] =	stream.indirect.gather [spmem:s2], $0x80, s29, s13, $0xb8;
	[tilespmem:$0x1C400] =	vst v63  }
0x74: {  	s30 =	rddreg [dreg:$0xf]  }
0x75: {  	[tilespmem:s17], [sflag:$0x4] =	stream.indirect.gather [spmem:s2], $0x80, s30, s13, $0xb8;
	[tilespmem:$0x1C400] =	vst v63  }
0x76: {  	_ =	swait.ge [sflag:s18], $0x2000  }
0x77: {  	[sflag:s18] =	ssyncset.done $0x0  }
0x78: {  	[sflag:s18] =	ssyncadd.s32 $0xFFFFE000  }
0x79: {  	_ =	swait.ge [sflag:s19], $0x2000  }
0x7a: {  	[sflag:s19] =	ssyncset.done $0x0  }
0x7b: {  	s31 =	sadd.s32 $0x1000, s23;
	[sflag:s19] =	ssyncadd.s32 $0xFFFFE000  }
0x7c: {  	[hbm4b:s31+s3] =	stream.linear.scatter [tilespmem:s14], [sflag:$0x5], $0x2000, $0x38;
	[tilespmem:$0x1C400] =	vst v63  }
0x7d: {  	_ =	swait.ge [sflag:s10], $0x2000  }
0x7e: {  	[sflag:s10] =	ssyncset.done $0x0  }
0x7f: {  	s26 =	sadd.s32 $0x1000, s24;
	[sflag:s10] =	ssyncadd.s32 $0xFFFFE000  }
0x80: {  	[hbm4b:s26+s3] =	stream.linear.scatter [tilespmem:s15], [sflag:$0x5], $0x2000, $0x38;
	[tilespmem:$0x1C400] =	vst v63  }
0x81: {  	_ =	swait.ge [sflag:s10], $0x2000  }
0x82: {  	[sflag:s10] =	ssyncset.done $0x0  }
0x83: {  	s28 =	rddreg [dreg:$0x10];
	[sflag:s10] =	ssyncadd.s32 $0xFFFFE000  }
0x84: {  	[tilespmem:s14], [sflag:$0x1] =	stream.indirect.gather [spmem:s2], $0x80, s28, s13, $0xb8;
	[tilespmem:$0x1C400] =	vst v63  }
0x85: {  	s29 =	rddreg [dreg:$0x11]  }
0x86: {  	[tilespmem:s15], [sflag:$0x2] =	stream.indirect.gather [spmem:s2], $0x80, s29, s13, $0xb8;
	[tilespmem:$0x1C400] =	vst v63  }
0x87: {  	_ =	swait.ge [sflag:s20], $0x2000  }
0x88: {  	[sflag:s20] =	ssyncset.done $0x0  }
0x89: {  	[sflag:s20] =	ssyncadd.s32 $0xFFFFE000  }
0x8a: {  	_ =	swait.ge [sflag:s21], $0x2000  }
0x8b: {  	[sflag:s21] =	ssyncset.done $0x0  }
0x8c: {  	s30 =	sadd.s32 $0x1400, s23;
	[sflag:s21] =	ssyncadd.s32 $0xFFFFE000  }
0x8d: {  	[hbm4b:s30+s3] =	stream.linear.scatter [tilespmem:s16], [sflag:$0x5], $0x2000, $0x38;
	[tilespmem:$0x1C400] =	vst v63  }
0x8e: {  	_ =	swait.ge [sflag:s10], $0x2000  }
0x8f: {  	[sflag:s10] =	ssyncset.done $0x0  }
0x90: {  	s31 =	sadd.s32 $0x1400, s24;
	[sflag:s10] =	ssyncadd.s32 $0xFFFFE000  }
0x91: {  	[hbm4b:s31+s3] =	stream.linear.scatter [tilespmem:s17], [sflag:$0x5], $0x2000, $0x38;
	[tilespmem:$0x1C400] =	vst v63  }
0x92: {  	_ =	swait.ge [sflag:s10], $0x2000  }
0x93: {  	[sflag:s10] =	ssyncset.done $0x0  }
0x94: {  	s26 =	rddreg [dreg:$0x12];
	[sflag:s10] =	ssyncadd.s32 $0xFFFFE000  }
0x95: {  	[tilespmem:s16], [sflag:$0x3] =	stream.indirect.gather [spmem:s2], $0x80, s26, s13, $0xb8;
	[tilespmem:$0x1C400] =	vst v63  }
0x96: {  	s28 =	rddreg [dreg:$0x13]  }
0x97: {  	[tilespmem:s17], [sflag:$0x4] =	stream.indirect.gather [spmem:s2], $0x80, s28, s13, $0xb8;
	[tilespmem:$0x1C400] =	vst v63  }
0x98: {  	_ =	swait.ge [sflag:s18], $0x2000  }
0x99: {  	[sflag:s18] =	ssyncset.done $0x0  }
0x9a: {  	[sflag:s18] =	ssyncadd.s32 $0xFFFFE000  }
0x9b: {  	_ =	swait.ge [sflag:s19], $0x2000  }
0x9c: {  	[sflag:s19] =	ssyncset.done $0x0  }
0x9d: {  	s29 =	sadd.s32 $0x1800, s23;
	[sflag:s19] =	ssyncadd.s32 $0xFFFFE000  }
0x9e: {  	[hbm4b:s29+s3] =	stream.linear.scatter [tilespmem:s14], [sflag:$0x5], $0x2000, $0x38;
	[tilespmem:$0x1C400] =	vst v63  }
0x9f: {  	_ =	swait.ge [sflag:s10], $0x2000  }
0xa0: {  	[sflag:s10] =	ssyncset.done $0x0  }
0xa1: {  	s30 =	sadd.s32 $0x1800, s24;
	[sflag:s10] =	ssyncadd.s32 $0xFFFFE000  }
0xa2: {  	[hbm4b:s30+s3] =	stream.linear.scatter [tilespmem:s15], [sflag:$0x5], $0x2000, $0x38;
	[tilespmem:$0x1C400] =	vst v63  }
0xa3: {  	_ =	swait.ge [sflag:s10], $0x2000  }
0xa4: {  	[sflag:s10] =	ssyncset.done $0x0  }
0xa5: {  	[sflag:s10] =	ssyncadd.s32 $0xFFFFE000  }
0xa6: {  	_ =	swait.ge [sflag:s20], $0x2000  }
0xa7: {  	[sflag:s20] =	ssyncset.done $0x0  }
0xa8: {  	[sflag:s20] =	ssyncadd.s32 $0xFFFFE000  }
0xa9: {  	_ =	swait.ge [sflag:s21], $0x2000  }
0xaa: {  	[sflag:s21] =	ssyncset.done $0x0  }
0xab: {  	s23 =	sadd.s32 $0x1C00, s23;
	[sflag:s21] =	ssyncadd.s32 $0xFFFFE000  }
0xac: {  	[hbm4b:s23+s3] =	stream.linear.scatter [tilespmem:s16], [sflag:$0x5], $0x2000, $0x38;
	[tilespmem:$0x1C400] =	vst v63  }
0xad: {  	_ =	swait.ge [sflag:s10], $0x2000  }
0xae: {  	[sflag:s10] =	ssyncset.done $0x0  }
0xaf: {  	s31 =	sadd.s32 $0x1C00, s24;
	[sflag:s10] =	ssyncadd.s32 $0xFFFFE000  }
0xb0: {  	[hbm4b:s31+s3] =	stream.linear.scatter [tilespmem:s17], [sflag:$0x5], $0x2000, $0x38;
	[tilespmem:$0x1C400] =	vst v63  }
0xb1: {  	s25 =	smov.u32 s8;
	_ =	swait.ge [sflag:s10], $0x2000  }
0xb2: {  	s24 =	smov.u32 s7;
	s23 =	simm.s32 $0x2000;
	[sflag:s10] =	ssyncset.done $0x0  }
.LBB2_2:
0xb3: {  	[sflag:s10] =	ssyncadd.s32 $0xFFFFE000;
	s25 =	sadd.s32 $0x80, s25  }
0xb4: {  	[tilespmem:s11], [sflag:$0x5] =	stream.linear.gather [hbm4b:s25+s3], $0x400, $0x38;
	[tilespmem:$0x1C400] =	vst v63  }
0xb5: {  	_ =	swait.ge [sflag:s10], $0x400  }
0xb6: {  	[sflag:s10] =	ssyncset.done $0x0  }
0xb7: {  	s24 =	sadd.s32 $0x80, s24;
	[sflag:s10] =	ssyncadd.s32 $0xFFFFFC00  }
0xb8: {  	[tilespmem:s12], [sflag:$0x5] =	stream.linear.gather [hbm4b:s24+s3], $0x400, $0x38;
	[tilespmem:$0x1C400] =	vst v63  }
0xb9: {  	_ =	swait.ge [sflag:s10], $0x400  }
0xba: {  	[sflag:s10] =	ssyncset.done $0x0  }
0xbb: {  	[sflag:s10] =	ssyncadd.s32 $0xFFFFFC00  }
0xbc: {  	[tilespmem:s14], [sflag:$0x1] =	stream.indirect.gather [spmem:s2], $0x80, s11, s13, $0xb8;
	[tilespmem:$0x1C400] =	vst v63  }
0xbd: {  	_ = 	snop  }
0xbe: {  	[tilespmem:s15], [sflag:$0x2] =	stream.indirect.gather [spmem:s2], $0x80, s12, s13, $0xb8;
	[tilespmem:$0x1C400] =	vst v63  }
0xbf: {  	s26 =	rddreg [dreg:$0x6]  }
0xc0: {  	[tilespmem:s16], [sflag:$0x3] =	stream.indirect.gather [spmem:s2], $0x80, s26, s13, $0xb8;
	[tilespmem:$0x1C400] =	vst v63  }
0xc1: {  	s29 =	rddreg [dreg:$0x7]  }
0xc2: {  	[tilespmem:s17], [sflag:$0x4] =	stream.indirect.gather [spmem:s2], $0x80, s29, s13, $0xb8;
	[tilespmem:$0x1C400] =	vst v63  }
0xc3: {  	_ =	swait.ge [sflag:s18], $0x2000  }
0xc4: {  	[sflag:s18] =	ssyncset.done $0x0  }
0xc5: {  	[sflag:s18] =	ssyncadd.s32 $0xFFFFE000  }
0xc6: {  	_ =	swait.ge [sflag:s19], $0x2000  }
0xc7: {  	s28 =	smov.u32 s23;
	s29 =	rddreg [dreg:$0x5];
	[sflag:s19] =	ssyncset.done $0x0  }
0xc8: {  	[sflag:s19] =	ssyncadd.s32 $0xFFFFE000;
	s26 =	sadd.s32 s28, s29  }
0xc9: {  	[hbm4b:s26+s3] =	stream.linear.scatter [tilespmem:s14], [sflag:$0x5], $0x2000, $0x38;
	[tilespmem:$0x1C400] =	vst v63  }
0xca: {  	_ =	swait.ge [sflag:s10], $0x2000  }
0xcb: {  	s30 =	rddreg [dreg:$0x4];
	[sflag:s10] =	ssyncset.done $0x0  }
0xcc: {  	[sflag:s10] =	ssyncadd.s32 $0xFFFFE000;
	s28 =	sadd.s32 s28, s30  }
0xcd: {  	[hbm4b:s28+s3] =	stream.linear.scatter [tilespmem:s15], [sflag:$0x5], $0x2000, $0x38;
	[tilespmem:$0x1C400] =	vst v63  }
0xce: {  	_ =	swait.ge [sflag:s10], $0x2000  }
0xcf: {  	[sflag:s10] =	ssyncset.done $0x0  }
0xd0: {  	s31 =	rddreg [dreg:$0x8];
	[sflag:s10] =	ssyncadd.s32 $0xFFFFE000  }
0xd1: {  	[tilespmem:s14], [sflag:$0x1] =	stream.indirect.gather [spmem:s2], $0x80, s31, s13, $0xb8;
	[tilespmem:$0x1C400] =	vst v63  }
0xd2: {  	s30 =	rddreg [dreg:$0x9]  }
0xd3: {  	[tilespmem:s15], [sflag:$0x2] =	stream.indirect.gather [spmem:s2], $0x80, s30, s13, $0xb8;
	[tilespmem:$0x1C400] =	vst v63  }
0xd4: {  	_ =	swait.ge [sflag:s20], $0x2000  }
0xd5: {  	[sflag:s20] =	ssyncset.done $0x0  }
0xd6: {  	[sflag:s20] =	ssyncadd.s32 $0xFFFFE000  }
0xd7: {  	_ =	swait.ge [sflag:s21], $0x2000  }
0xd8: {  	[sflag:s21] =	ssyncset.done $0x0  }
0xd9: {  	s31 =	sadd.s32 $0x400, s26;
	[sflag:s21] =	ssyncadd.s32 $0xFFFFE000  }
0xda: {  	[hbm4b:s31+s3] =	stream.linear.scatter [tilespmem:s16], [sflag:$0x5], $0x2000, $0x38;
	[tilespmem:$0x1C400] =	vst v63  }
0xdb: {  	_ =	swait.ge [sflag:s10], $0x2000  }
0xdc: {  	[sflag:s10] =	ssyncset.done $0x0  }
0xdd: {  	s30 =	sadd.s32 $0x400, s28;
	[sflag:s10] =	ssyncadd.s32 $0xFFFFE000  }
0xde: {  	[hbm4b:s30+s3] =	stream.linear.scatter [tilespmem:s17], [sflag:$0x5], $0x2000, $0x38;
	[tilespmem:$0x1C400] =	vst v63  }
0xdf: {  	_ =	swait.ge [sflag:s10], $0x2000  }
0xe0: {  	[sflag:s10] =	ssyncset.done $0x0  }
0xe1: {  	s29 =	rddreg [dreg:$0xa];
	[sflag:s10] =	ssyncadd.s32 $0xFFFFE000  }
0xe2: {  	[tilespmem:s16], [sflag:$0x3] =	stream.indirect.gather [spmem:s2], $0x80, s29, s13, $0xb8;
	[tilespmem:$0x1C400] =	vst v63  }
0xe3: {  	s31 =	rddreg [dreg:$0xb]  }
0xe4: {  	[tilespmem:s17], [sflag:$0x4] =	stream.indirect.gather [spmem:s2], $0x80, s31, s13, $0xb8;
	[tilespmem:$0x1C400] =	vst v63  }
0xe5: {  	_ =	swait.ge [sflag:s18], $0x2000  }
0xe6: {  	[sflag:s18] =	ssyncset.done $0x0  }
0xe7: {  	[sflag:s18] =	ssyncadd.s32 $0xFFFFE000  }
0xe8: {  	_ =	swait.ge [sflag:s19], $0x2000  }
0xe9: {  	[sflag:s19] =	ssyncset.done $0x0  }
0xea: {  	s31 =	sadd.s32 $0x800, s26;
	[sflag:s19] =	ssyncadd.s32 $0xFFFFE000  }
0xeb: {  	[hbm4b:s31+s3] =	stream.linear.scatter [tilespmem:s14], [sflag:$0x5], $0x2000, $0x38;
	[tilespmem:$0x1C400] =	vst v63  }
0xec: {  	_ =	swait.ge [sflag:s10], $0x2000  }
0xed: {  	[sflag:s10] =	ssyncset.done $0x0  }
0xee: {  	s30 =	sadd.s32 $0x800, s28;
	[sflag:s10] =	ssyncadd.s32 $0xFFFFE000  }
0xef: {  	[hbm4b:s30+s3] =	stream.linear.scatter [tilespmem:s15], [sflag:$0x5], $0x2000, $0x38;
	[tilespmem:$0x1C400] =	vst v63  }
0xf0: {  	_ =	swait.ge [sflag:s10], $0x2000  }
0xf1: {  	[sflag:s10] =	ssyncset.done $0x0  }
0xf2: {  	s29 =	rddreg [dreg:$0xc];
	[sflag:s10] =	ssyncadd.s32 $0xFFFFE000  }
0xf3: {  	[tilespmem:s14], [sflag:$0x1] =	stream.indirect.gather [spmem:s2], $0x80, s29, s13, $0xb8;
	[tilespmem:$0x1C400] =	vst v63  }
0xf4: {  	s31 =	rddreg [dreg:$0xd]  }
0xf5: {  	[tilespmem:s15], [sflag:$0x2] =	stream.indirect.gather [spmem:s2], $0x80, s31, s13, $0xb8;
	[tilespmem:$0x1C400] =	vst v63  }
0xf6: {  	_ =	swait.ge [sflag:s20], $0x2000  }
0xf7: {  	[sflag:s20] =	ssyncset.done $0x0  }
0xf8: {  	[sflag:s20] =	ssyncadd.s32 $0xFFFFE000  }
0xf9: {  	_ =	swait.ge [sflag:s21], $0x2000  }
0xfa: {  	[sflag:s21] =	ssyncset.done $0x0  }
0xfb: {  	s31 =	sadd.s32 $0xC00, s26;
	[sflag:s21] =	ssyncadd.s32 $0xFFFFE000  }
0xfc: {  	[hbm4b:s31+s3] =	stream.linear.scatter [tilespmem:s16], [sflag:$0x5], $0x2000, $0x38;
	[tilespmem:$0x1C400] =	vst v63  }
0xfd: {  	_ =	swait.ge [sflag:s10], $0x2000  }
0xfe: {  	[sflag:s10] =	ssyncset.done $0x0  }
0xff: {  	s30 =	sadd.s32 $0xC00, s28;
	[sflag:s10] =	ssyncadd.s32 $0xFFFFE000  }
0x100: {  	[hbm4b:s30+s3] =	stream.linear.scatter [tilespmem:s17], [sflag:$0x5], $0x2000, $0x38;
	[tilespmem:$0x1C400] =	vst v63  }
0x101: {  	_ =	swait.ge [sflag:s10], $0x2000  }
0x102: {  	[sflag:s10] =	ssyncset.done $0x0  }
0x103: {  	s29 =	rddreg [dreg:$0xe];
	[sflag:s10] =	ssyncadd.s32 $0xFFFFE000  }
0x104: {  	[tilespmem:s16], [sflag:$0x3] =	stream.indirect.gather [spmem:s2], $0x80, s29, s13, $0xb8;
	[tilespmem:$0x1C400] =	vst v63  }
0x105: {  	s31 =	rddreg [dreg:$0xf]  }
0x106: {  	[tilespmem:s17], [sflag:$0x4] =	stream.indirect.gather [spmem:s2], $0x80, s31, s13, $0xb8;
	[tilespmem:$0x1C400] =	vst v63  }
0x107: {  	_ =	swait.ge [sflag:s18], $0x2000  }
0x108: {  	[sflag:s18] =	ssyncset.done $0x0  }
0x109: {  	[sflag:s18] =	ssyncadd.s32 $0xFFFFE000  }
0x10a: {  	_ =	swait.ge [sflag:s19], $0x2000  }
0x10b: {  	[sflag:s19] =	ssyncset.done $0x0  }
0x10c: {  	s31 =	sadd.s32 $0x1000, s26;
	[sflag:s19] =	ssyncadd.s32 $0xFFFFE000  }
0x10d: {  	[hbm4b:s31+s3] =	stream.linear.scatter [tilespmem:s14], [sflag:$0x5], $0x2000, $0x38;
	[tilespmem:$0x1C400] =	vst v63  }
0x10e: {  	_ =	swait.ge [sflag:s10], $0x2000  }
0x10f: {  	[sflag:s10] =	ssyncset.done $0x0  }
0x110: {  	s30 =	sadd.s32 $0x1000, s28;
	[sflag:s10] =	ssyncadd.s32 $0xFFFFE000  }
0x111: {  	[hbm4b:s30+s3] =	stream.linear.scatter [tilespmem:s15], [sflag:$0x5], $0x2000, $0x38;
	[tilespmem:$0x1C400] =	vst v63  }
0x112: {  	_ =	swait.ge [sflag:s10], $0x2000  }
0x113: {  	[sflag:s10] =	ssyncset.done $0x0  }
0x114: {  	s29 =	rddreg [dreg:$0x10];
	[sflag:s10] =	ssyncadd.s32 $0xFFFFE000  }
0x115: {  	[tilespmem:s14], [sflag:$0x1] =	stream.indirect.gather [spmem:s2], $0x80, s29, s13, $0xb8;
	[tilespmem:$0x1C400] =	vst v63  }
0x116: {  	s31 =	rddreg [dreg:$0x11]  }
0x117: {  	[tilespmem:s15], [sflag:$0x2] =	stream.indirect.gather [spmem:s2], $0x80, s31, s13, $0xb8;
	[tilespmem:$0x1C400] =	vst v63  }
0x118: {  	_ =	swait.ge [sflag:s20], $0x2000  }
0x119: {  	[sflag:s20] =	ssyncset.done $0x0  }
0x11a: {  	[sflag:s20] =	ssyncadd.s32 $0xFFFFE000  }
0x11b: {  	_ =	swait.ge [sflag:s21], $0x2000  }
0x11c: {  	[sflag:s21] =	ssyncset.done $0x0  }
0x11d: {  	s31 =	sadd.s32 $0x1400, s26;
	[sflag:s21] =	ssyncadd.s32 $0xFFFFE000  }
0x11e: {  	[hbm4b:s31+s3] =	stream.linear.scatter [tilespmem:s16], [sflag:$0x5], $0x2000, $0x38;
	[tilespmem:$0x1C400] =	vst v63  }
0x11f: {  	_ =	swait.ge [sflag:s10], $0x2000  }
0x120: {  	[sflag:s10] =	ssyncset.done $0x0  }
0x121: {  	s30 =	sadd.s32 $0x1400, s28;
	[sflag:s10] =	ssyncadd.s32 $0xFFFFE000  }
0x122: {  	[hbm4b:s30+s3] =	stream.linear.scatter [tilespmem:s17], [sflag:$0x5], $0x2000, $0x38;
	[tilespmem:$0x1C400] =	vst v63  }
0x123: {  	_ =	swait.ge [sflag:s10], $0x2000  }
0x124: {  	[sflag:s10] =	ssyncset.done $0x0  }
0x125: {  	s29 =	rddreg [dreg:$0x12];
	[sflag:s10] =	ssyncadd.s32 $0xFFFFE000  }
0x126: {  	[tilespmem:s16], [sflag:$0x3] =	stream.indirect.gather [spmem:s2], $0x80, s29, s13, $0xb8;
	[tilespmem:$0x1C400] =	vst v63  }
0x127: {  	s31 =	rddreg [dreg:$0x13]  }
0x128: {  	[tilespmem:s17], [sflag:$0x4] =	stream.indirect.gather [spmem:s2], $0x80, s31, s13, $0xb8;
	[tilespmem:$0x1C400] =	vst v63  }
0x129: {  	_ =	swait.ge [sflag:s18], $0x2000  }
0x12a: {  	[sflag:s18] =	ssyncset.done $0x0  }
0x12b: {  	[sflag:s18] =	ssyncadd.s32 $0xFFFFE000  }
0x12c: {  	_ =	swait.ge [sflag:s19], $0x2000  }
0x12d: {  	[sflag:s19] =	ssyncset.done $0x0  }
0x12e: {  	s31 =	sadd.s32 $0x1800, s26;
	[sflag:s19] =	ssyncadd.s32 $0xFFFFE000  }
0x12f: {  	[hbm4b:s31+s3] =	stream.linear.scatter [tilespmem:s14], [sflag:$0x5], $0x2000, $0x38;
	[tilespmem:$0x1C400] =	vst v63  }
0x130: {  	_ =	swait.ge [sflag:s10], $0x2000  }
0x131: {  	[sflag:s10] =	ssyncset.done $0x0  }
0x132: {  	s30 =	sadd.s32 $0x1800, s28;
	[sflag:s10] =	ssyncadd.s32 $0xFFFFE000  }
0x133: {  	[hbm4b:s30+s3] =	stream.linear.scatter [tilespmem:s15], [sflag:$0x5], $0x2000, $0x38;
	[tilespmem:$0x1C400] =	vst v63  }
0x134: {  	_ =	swait.ge [sflag:s10], $0x2000  }
0x135: {  	[sflag:s10] =	ssyncset.done $0x0  }
0x136: {  	[sflag:s10] =	ssyncadd.s32 $0xFFFFE000  }
0x137: {  	_ =	swait.ge [sflag:s20], $0x2000  }
0x138: {  	[sflag:s20] =	ssyncset.done $0x0  }
0x139: {  	[sflag:s20] =	ssyncadd.s32 $0xFFFFE000  }
0x13a: {  	_ =	swait.ge [sflag:s21], $0x2000  }
0x13b: {  	[sflag:s21] =	ssyncset.done $0x0  }
0x13c: {  	s26 =	sadd.s32 $0x1C00, s26;
	[sflag:s21] =	ssyncadd.s32 $0xFFFFE000  }
0x13d: {  	[hbm4b:s26+s3] =	stream.linear.scatter [tilespmem:s16], [sflag:$0x5], $0x2000, $0x38;
	[tilespmem:$0x1C400] =	vst v63  }
0x13e: {  	p0 =	sne.s32 s23, $0x26000;
	_ =	swait.ge [sflag:s10], $0x2000  }
.Ltmp0:
0x13f: {  	[sflag:s10] =	ssyncset.done $0x0;
	(pc) =	sbr.rel @p0 .LBB2_2-.Ltmp0, $4  }
0x140: {  	s31 =	sadd.s32 $0x1C00, s28;
	[sflag:s10] =	ssyncadd.s32 $0xFFFFE000  }
0x141: {  	[hbm4b:s31+s3] =	stream.linear.scatter [tilespmem:s17], [sflag:$0x5], $0x2000, $0x38;
	[tilespmem:$0x1C400] =	vst v63  }
0x142: {  	_ =	swait.ge [sflag:s10], $0x2000  }
0x143: {  	s23 =	sadd.s32 $0x2000, s23;
	[sflag:s10] =	ssyncset.done $0x0  }
0x144: {  	s22 =	sadd.s32 $0x1, s22  }
0x145: {  	p0 =	sne.s32 s22, s6  }
.Ltmp1:
0x146: {  	_ = 	snop;
	(pc) =	sbr.rel @p0 .LBB2_1-.Ltmp1, $2  }
0x147: {  	_ =	sdelay $0x2  }
0x148: {  	[sflag:s10] =	ssyncadd.s32 $0xFFFFE000  }
0x149: {  	_ =	sfence.sel $0x180000  }
0x14a: {  	[bflag:$0x0] =	sbarrier.arrive $0xFFFF  }
0x14b: {  	p0 =	sne.s32 s1, $0x0;
	_ =	strace $0x9000004A  }
0x14c: {  	s0 =	sadd.s32 @!p0 $0x100000, s0;
	[bflag:$0x2] =	sbarrier.arrive $0xFFFF  }
0x14d: {  	[sflag:s0] =	ssyncadd.tile.s32 @!p0 $0x1;
	_ =	shalt  }
.Lfunc_end2:
_tile_overlayer_lowered:
.L_overlay_start_2:
0x14e: {  	(tag) =	ssettag $0x2  }
0x14f: {  	s0 =	rddreg [dreg:$0x0];
	s2 =	stileid.u32  }
0x150: {  	s1 =	rddreg [dreg:$0x1];
	p0 =	sne.s32 s2, $0x0  }
0x151: {  	s3 =	rddreg [dreg:$0x2];
	[bflag:$0x3] =	sbarrier.arrive $0xFFFF;
	s2 =	simm.s32 @!p0 $0x1C05  }
0x152: {  	[timem:s3], [sflag:s2] =	dma.local @!p0 [hbm:s0], s1  }
0x153: {  	s0 =	simm.s32 @!p0 $0x5  }
0x154: {  	_ =	swait.ge @!p0 [sflag:s0], s1  }
0x155: {  	s1 =	ssub.s32 @!p0 $0x0, s1;
	[sflag:s0] =	ssyncset.done @!p0 $0x0  }
0x156: {  	[sflag:s0] =	ssyncadd.s32 @!p0 s1  }
0x157: {  	[bflag:$0x3] =	sbarrier.arrive $0xFFFF  }
0x158: {  	_ =	shalt  }

// kernel: kernel.13.cloned.1.call-start
scs
__scs_entry_jumppad:
0x0: {  	(pc) =	sbr.rel $0x88, $3  }
0x1: {  	(tag) =	ssettag $0x0;
	lr =	simm.s32 $0x1  }
0x2: {  	[smem:$0x3F94] =	sst lr;
	_ =	strace $0xD0000000  }
0x3: {  	_ = 	snop  }
0x4: {  	_ = 	snop  }
0x5: {  	_ = 	snop  }
0x6: {  	_ = 	snop  }
0x7: {  	_ = 	snop  }
__scs_overlays_trampoline_lowered:
0x8: {  	[smem:$0x3FA3] =	sst s0  }
0x9: {  	[smem:$0x3FA4] =	sst s1  }
0xa: {  	[smem:$0x3FA5] =	sst s2  }
0xb: {  	[smem:$0x3FA6] =	sst s3  }
0xc: {  	[smem:$0x3FA7] =	sst s4  }
0xd: {  	[smem:$0x3FA8] =	sst s5  }
0xe: {  	[smem:$0x3FA9] =	sst s6  }
0xf: {  	[smem:$0x3FAA] =	sst s7  }
0x10: {  	[smem:$0x3FAB] =	sst s8  }
0x11: {  	[smem:$0x3FAC] =	sst s9;
	s0 =	simm.s32 @!p0 $0x0  }
0x12: {  	s1 =	sld [smem:$0x3F92];
	s0 =	simm.s32 @p0 $0x1  }
0x13: {  	[smem:$0x3FAD] =	sst s0;
	s0 =	simm.s32 @!p1 $0x0  }
0x14: {  	s2 =	sld [smem:$0x3F91];
	s0 =	simm.s32 @p1 $0x1  }
0x15: {  	[smem:$0x3FAE] =	sst s0;
	s0 =	simm.s32 @!p2 $0x0  }
0x16: {  	s3 =	sld [smem:$0x3FDB];
	s0 =	simm.s32 @p2 $0x1  }
0x17: {  	s4 =	simm.s32 $0x1BF5;
	[smem:$0x3FB0] =	sst s0  }
0x18: {  	s0 =	sld [smem:$0x3F93];
	_ =	swait.ge [sflag:s4], $0x0  }
0x19: {  	s7 =	sld [smem:$0x3F94]  }
0x1a: {  	s8 =	sadd.s32 $0xFFFFE003, lr  }
0x1b: {  	s9 =	sadd.s32 $0xFFFFFEF7, lr;
	s5 =	simm.s32 $0xFFFFFFFF;
	p2 =	slt.u32 s8, $0xFFFFF086  }
0x1c: {  	p1 =	slt.u32 s9, $0xF7A;
	s5 =	simm.s32 @!p2 $0x0  }
0x1d: {  	s5 =	simm.s32 @p1 $0x1;
	p0 =	seq.s32 s7, s2  }
0x1e: {  	s7 =	smul.u32 @!p0 $0xF7A, s2;
	p2 =	seq.s32 @!p0 s5, $0x0  }
0x1f: {  	s9 =	smul.u32 $0xF7A, s1;
	s8 =	simm.s32 @!p0 $0x1BF5;
	p2 =	por !p2, p0  }
0x20: {  	[sflag:s8] =	ssyncset.s32 @!p0 $0xFFFFF086;
	s6 =	sadd.s32 @!p0 s3, s7;
	s7 =	simm.s32 @!p0 $0x108  }
0x21: {  	s3 =	sadd.s32 s3, s9;
	s6 =	sadd.s32 @!p0 $0x88, s6;
	s7 =	simm.s32 @p2 $0x1082  }
0x22: {  	[simem:s7], [sflag:s8] =	dma.local @!p0 [hbm:s6], $0xF7A  }
0x23: {  	s9 =	sor.u32 $0xD0000000, s2;
	s6 =	simm.s32 $0x108;
	_ =	swait.ge @!p0 [sflag:s8], $0x0  }
0x24: {  	s3 =	sadd.s32 $0x88, s3;
	s6 =	simm.s32 @!p1 $0x1082;
	[sflag:s4] =	ssyncset.s32 $0xFFFFF086  }
0x25: {  	[simem:s6], [sflag:s4] =	dma.local [hbm:s3], $0xF7A  }
0x26: {  	[smem:$0x3F94] =	sst s1;
	(tag) =	ssettag s2;
	_ =	strace s9  }
0x27: {  	s1 =	sld [smem:$0x3FA4]  }
0x28: {  	s2 =	sld [smem:$0x3FA5]  }
0x29: {  	s4 =	sld [smem:$0x3FA7]  }
0x2a: {  	p0 =	seq.s32 s5, $0x0;
	s5 =	sld [smem:$0x3FA8]  }
0x2b: {  	s6 =	sld [smem:$0x3FA9]  }
0x2c: {  	s7 =	sld [smem:$0x3FAA]  }
0x2d: {  	s3 =	simm.s32 $0x108;
	s8 =	sld [smem:$0x3FAB]  }
0x2e: {  	s3 =	simm.s32 @!p0 $0x1082;
	s9 =	sld [smem:$0x3FAC]  }
0x2f: {  	lr =	sadd.s32 s0, s3;
	s0 =	sld [smem:$0x3FA3]  }
0x30: {  	s3 =	sld [smem:$0x3FA6]  }
0x31: {  	[smem:$0x3FAF] =	sst s10  }
0x32: {  	s10 =	sld [smem:$0x3FAD];
	_ =	sdelay $0x3  }
0x33: {  	p0 =	seq.s32 s10, $0x1;
	s10 =	sld [smem:$0x3FAF];
	_ =	sdelay $0x3  }
0x34: {  	[smem:$0x3FAF] =	sst s10  }
0x35: {  	s10 =	sld [smem:$0x3FAE];
	_ =	sdelay $0x3  }
0x36: {  	p1 =	seq.s32 s10, $0x1;
	s10 =	sld [smem:$0x3FAF];
	_ =	sdelay $0x3  }
0x37: {  	[smem:$0x3FAF] =	sst s10  }
0x38: {  	s10 =	sld [smem:$0x3FB0]  }
0x39: {  	_ = 	snop;
	(pc) =	sbr.ind lr, $3  }
0x3a: {  	_ = 	snop  }
0x3b: {  	_ = 	snop  }
0x3c: {  	p2 =	seq.s32 s10, $0x1;
	s10 =	sld [smem:$0x3FAF]  }
0x3d: {  	_ =	shalt  }
0x3e: {  	_ =	shalt  }
0x3f: {  	_ =	shalt  }
0x40: {  	_ =	shalt  }
0x41: {  	_ =	shalt  }
0x42: {  	_ =	shalt  }
0x43: {  	_ =	shalt  }
0x44: {  	_ =	shalt  }
0x45: {  	_ =	shalt  }
0x46: {  	_ =	shalt  }
0x47: {  	_ =	shalt  }
0x48: {  	_ =	shalt  }
0x49: {  	_ =	shalt  }
0x4a: {  	_ =	shalt  }
0x4b: {  	_ =	shalt  }
0x4c: {  	_ =	shalt  }
0x4d: {  	_ =	shalt  }
0x4e: {  	_ =	shalt  }
0x4f: {  	_ =	shalt  }
0x50: {  	_ =	shalt  }
0x51: {  	_ =	shalt  }
0x52: {  	_ =	shalt  }
0x53: {  	_ =	shalt  }
0x54: {  	_ =	shalt  }
0x55: {  	_ =	shalt  }
0x56: {  	_ =	shalt  }
0x57: {  	_ =	shalt  }
0x58: {  	_ =	shalt  }
0x59: {  	_ =	shalt  }
0x5a: {  	_ =	shalt  }
0x5b: {  	_ =	shalt  }
0x5c: {  	_ =	shalt  }
0x5d: {  	_ =	shalt  }
0x5e: {  	_ =	shalt  }
0x5f: {  	_ =	shalt  }
0x60: {  	_ =	shalt  }
0x61: {  	_ =	shalt  }
0x62: {  	_ =	shalt  }
0x63: {  	_ =	shalt  }
0x64: {  	_ =	shalt  }
0x65: {  	_ =	shalt  }
0x66: {  	_ =	shalt  }
0x67: {  	_ =	shalt  }
0x68: {  	_ =	shalt  }
0x69: {  	_ =	shalt  }
0x6a: {  	_ =	shalt  }
0x6b: {  	_ =	shalt  }
0x6c: {  	_ =	shalt  }
0x6d: {  	_ =	shalt  }
0x6e: {  	_ =	shalt  }
0x6f: {  	_ =	shalt  }
0x70: {  	_ =	shalt  }
0x71: {  	_ =	shalt  }
0x72: {  	_ =	shalt  }
0x73: {  	_ =	shalt  }
0x74: {  	_ =	shalt  }
0x75: {  	_ =	shalt  }
0x76: {  	_ =	shalt  }
0x77: {  	_ =	shalt  }
0x78: {  	_ =	shalt  }
0x79: {  	_ =	shalt  }
0x7a: {  	_ =	shalt  }
0x7b: {  	_ =	shalt  }
0x7c: {  	_ =	shalt  }
0x7d: {  	_ =	shalt  }
0x7e: {  	_ =	shalt  }
0x7f: {  	_ =	shalt  }
0x80: {  	_ =	shalt  }
0x81: {  	_ =	shalt  }
0x82: {  	_ =	shalt  }
0x83: {  	_ =	shalt  }
0x84: {  	_ =	shalt  }
0x85: {  	_ =	shalt  }
0x86: {  	_ =	shalt  }
0x87: {  	_ =	shalt  }
.Lfunc_end0:
.L_simem_size_0:
called_computation.2_lowered:
.L_overlay_start_0:
0x88: {  	s2 =	sld [smem:$0x3FD9]  }
0x89: {  	s3 =	sld [smem:$0x3FFE];
	_ =	sdelay $0x1  }
0x8a: {  	s1 =	srdreg.scid  }
0x8b: {  	s0 =	sand.u32 $0x1, s1  }
0x8c: {  	s16 =	sshll.u32 s0, $0xA;
	s2 =	sadd.s32 s3, s2  }
0x8d: {  	s2 =	sadd.s32 s2, s16  }
0x8e: {  	[smem:$0x3FBB] =	sst s2  }
0x8f: {  	_ = 	snop  }
0x90: {  	(tm) =	ssettm $0x1  }
0x91: {  	s17 =	sld [smem:$0x3FFB];
	_ =	sdelay $0x3  }
0x92: {  	_ =	strace s17  }
0x93: {  	s2 =	sld [smem:$0x3FFC];
	_ =	sdelay $0x3  }
0x94: {  	_ =	strace s2  }
0x95: {  	s2 =	sld [smem:$0x3FFD];
	_ =	sdelay $0x3  }
0x96: {  	_ =	strace s2  }
0x97: {  	_ =	strace $0x8FFFFFFF  }
0x98: {  	s18 =	sld [smem:$0x3FDB];
	_ =	sdelay $0x1  }
0x99: {  	s19 =	simm.s32 $_scs_section_size  }
0x9a: {  	s4 =	simm.s32 $_size__tile_overlayer_lowered;
	s5 =	simm.s32 $_tile_overlayer_lowered  }
0x9b: {  	s22 =	simm.s32 $0x1BFF;
	s21 =	sshll.u32 s5, $0x1;
	s2 =	sadd.s32 s19, s18  }
0x9c: {  	s6 =	simm.s32 $0x0;
	s20 =	sshll.u32 s4, $0x1;
	s4 =	sadd.s32 s21, s2  }
0x9d: {  	[timem:s6], [sflag:s22] =	dma.local [hbm:s4], s20  }
0x9e: {  	_ =	swait.ge [sflag:s22], s20  }
0x9f: {  	s3 =	ssub.s32 $0x0, s20;
	[sflag:s22] =	ssyncset.done $0x0  }
0xa0: {  	[sflag:s22] =	ssyncadd.s32 s3;
	_ =	sdelay $0x1  }
0xa1: {  	s23 =	simm.s32 $0x1B8B  }
0xa2: {  	_ =	swait.ge [sflag:s23], $0x1  }
0xa3: {  	[sflag:s23] =	ssyncset.done $0x0  }
0xa4: {  	s25 =	simm.s32 $0x1B8E;
	s24 =	sld [smem:$0x3FFE];
	[sflag:s23] =	ssyncadd.s32 $0xFFFFFFFF  }
0xa5: {  	s26 =	simm.s32 $execute0_lowered;
	[smem:$0x3FD2] =	sst s25  }
0xa6: {  	s4 =	sshll.u32 s26, $0x1;
	_ =	strace $0x8000004C;
	[dreg:$0x1] =	wrdreg $0xFFFFFFFF  }
0xa7: {  	s28 =	simm.s32 $_size_execute0_lowered;
	s2 =	sadd.s32 s2, s4;
	[dreg:$0x0] =	wrdreg $0x0  }
0xa8: {  	s4 =	sshll.u32 s28, $0x1;
	[dreg:$0x2] =	wrdreg s2  }
0xa9: {  	[dreg:$0x3] =	wrdreg s4  }
0xaa: {  	[dreg:$0x4] =	wrdreg $0xC0  }
0xab: {  	_ =	task [dreg:s6], $0x5FFFF  }
0xac: {  	[dreg:$0x1] =	wrdreg $0xFFFFFFFF  }
0xad: {  	[dreg:$0x0] =	wrdreg $0x60  }
0xae: {  	[dreg:$0x2] =	wrdreg s24  }
0xaf: {  	[dreg:$0x3] =	wrdreg $0x0  }
0xb0: {  	[dreg:$0x4] =	wrdreg $0x9  }
0xb1: {  	_ =	task.clear_ibuf [dreg:s6], $0x5FFFF;
	_ =	strace $0x9000004C  }
0xb2: {  	s29 =	simm.s32 $0x9;
	_ =	strace $0x8000004E  }
0xb3: {  	_ =	swait.ge [sflag:s29], $0x1  }
0xb4: {  	[sflag:s29] =	ssyncadd.s32 $0xFFFFFFFF  }
0xb5: {  	_ =	strace $0x9000004E  }
0xb6: {  	_ =	sfence  }
0xb7: {  	s30 =	sld [smem:$0x0];
	_ =	sdelay $0x2  }
0xb8: {  	s31 =	sshll.u32 s1, $0xD;
	s1 =	sshrl.u32 s1, $0x2  }
0xb9: {  	s3 =	sand.u32 $0x4000, s31;
	s1 =	sadd.s32 s1, s30  }
0xba: {  	s0 =	sor.u32 s3, s0;
	s1 =	sshll.u32 s1, $0x11  }
0xbb: {  	s0 =	sor.u32 s1, s0  }
0xbc: {  	s0 =	sadd.s32 $0x8F2B, s0  }
0xbd: {  	[sflag:s0] =	ssyncadd.remote.s32 $0x1  }
0xbe: {  	_ =	sfence.sel $0xFFFF  }
0xbf: {  	[dreg:$0x0] =	wrdreg $0xFFFFFFFF;
	(pc) =	sbr.abs _section_cstart, $3  }
0xc0: {  	[dreg:$0x1] =	wrdreg $0xFFFFFFFF  }
0xc1: {  	_ =	task.clear_ibuf [dreg:s6], $0x2FFFF;
	_ =	strace $0x9FFFFFFF  }
0xc2: {  	(tm) =	ssettm $0x7FFFFFFF  }
0xc3: {  	_ =	shalt  }
tec
execute0_lowered:
.L_overlay_start_1:
0x0: {  	(tag) =	ssettag $0x1  }
0x1: {  	s5 =	rddreg [dreg:$0x0]  }
0x2: {  	s0 =	srdreg.scid;
	s2 =	rddreg [dreg:$0x1]  }
0x3: {  	s3 =	simm.s32 $0x0;
	s4 =	sand.u32 $0x1, s0;
	s0 =	stileid.u32  }
0x4: {  	s15 =	simm.s32 $0x1A400;
	s16 =	simm.s32 $0x1;
	s21 =	smul.u32 $0x2780, s0  }
0x5: {  	s17 =	simm.s32 $0x80;
	s18 =	simm.s32 $0x2;
	s9 =	smul.u32 $0x27800, s4  }
0x6: {  	s19 =	simm.s32 $0x16300;
	s20 =	simm.s32 $0x16380;
	s11 =	smul.u32 $0x4F000, s0  }
0x7: {  	[smem:$0x7FF] =	sst s3;
	s8 =	sadd.s32 $0xA5E000, s5;
	s12 =	smul.u32 $0x500, s4  }
0x8: {  	s1 =	sshll.u32 s4, $0x4;
	s26 =	ssub.s32 $0x2, s4;
	s13 =	smul.u32 $0x50, s0  }
0x9: {  	s29 =	sshll.u32 s0, $0x6;
	s6 =	sor.u32 s0, s1;
	s1 =	rddreg [dreg:$0x2]  }
0xa: {  	_ =	strace $0x8000004D;
	s28 =	sshrl.u32 s26, $0x1;
	s7 =	smul.u32 $0x500, s6  }
0xb: {  	s10 =	sadd.s32 s21, s5;
	s9 =	sadd.s32 s9, s5;
	s11 =	sshrl.u32 s11, $0x2  }
0xc: {  	s14 =	ssub.s32 s26, s28;
	s30 =	smul.u32 $0x28000, s6;
	s12 =	sadd.s32 s13, s12  }
0xd: {  	s13 =	simm.s32 $0x13C00;
	s11 =	sadd.s32 s11, s2;
	s4 =	sadd.s32 $0xD200, s10  }
0xe: {  	s12 =	sshll.u32 s12, $0xB;
	s22 =	sadd.s32 $0x34A00, s9;
	s7 =	sadd.s32 s7, s5  }
0xf: {  	s5 =	sor.u32 $0x1C03, s29;
	s31 =	sadd.s32 s12, s8;
	s11 =	sshrl.u32 s11, $0x3  }
0x10: {  	s12 =	simm.s32 $0x3;
	s21 =	sadd.s32 s21, s22;
	s22 =	simm.s32 $0x0  }
0x11: {  	s6 =	sadd.s32 $0x3200, s7;
	s7 =	sadd.s32 s8, s30;
	s8 =	smax.u32 s14, $0x1  }
0x12: {  	s10 =	sadd.s32 $0x1000, s31;
	s14 =	simm.s32 $0x16400;
	s9 =	sadd.s32 $0x27800, s7  }
.LBB2_1:
0x13: {  	[spmem:s11], [sflag:s5] =	dma.local [hbm:s4], $0x2780  }
0x14: {  	_ =	swait.ge [sflag:s12], $0x2780  }
0x15: {  	[sflag:s12] =	ssyncset.done $0x0  }
0x16: {  	[sflag:s12] =	ssyncadd.s32 $0xFFFFD880  }
0x17: {  	[bflag:$0x0] =	sbarrier.arrive $0xFFFF  }
0x18: {  	[tilespmem:s13], [sflag:$0x3] =	stream.linear.gather [hbm4b:s6+s3], $0x2800, $0x38;
	[tilespmem:$0x1E400] =	vst v63  }
0x19: {  	_ =	swait.ge [sflag:s12], $0x2800  }
0x1a: {  	[sflag:s12] =	ssyncset.done $0x0  }
0x1b: {  	[sflag:s12] =	ssyncadd.s32 $0xFFFFD800  }
0x1c: {  	[tilespmem:s14], [sflag:$0x1] =	stream.linear.gather [hbm4b:s7+s3], $0x4000, $0x38;
	[tilespmem:$0x1E400] =	vst v63  }
0x1d: {  	s23 =	sadd.s32 $0xFFFFF800, s10  }
0x1e: {  	[tilespmem:s15], [sflag:$0x2] =	stream.linear.gather [hbm4b:s23+s3], $0x4000, $0x38;
	[tilespmem:$0x1E400] =	vst v63  }
0x1f: {  	_ =	swait.ge [sflag:s16], $0x4000  }
0x20: {  	[sflag:s16] =	ssyncset.done $0x0  }
0x21: {  	s30 =	simm.s32 $0x13C00;
	[sflag:s16] =	ssyncadd.s32 $0xFFFFC000  }
0x22: {  	[spmem:s2] =	stream.indirect.scatter.add.f32 [tilespmem:s14], [sflag:$0x3], $0x80, s30, s17, $0xb8;
	[tilespmem:$0x1E400] =	vst v63  }
0x23: {  	_ =	swait.ge [sflag:s12], $0x4000  }
0x24: {  	[sflag:s12] =	ssyncset.done $0x0  }
0x25: {  	[sflag:s12] =	ssyncadd.s32 $0xFFFFC000  }
0x26: {  	[tilespmem:s14], [sflag:$0x1] =	stream.linear.gather [hbm4b:s10+s3], $0x4000, $0x38;
	[tilespmem:$0x1E400] =	vst v63  }
0x27: {  	_ =	swait.ge [sflag:s18], $0x4000  }
0x28: {  	[sflag:s18] =	ssyncset.done $0x0  }
0x29: {  	s31 =	simm.s32 $0x13C80;
	[sflag:s18] =	ssyncadd.s32 $0xFFFFC000  }
0x2a: {  	[spmem:s2] =	stream.indirect.scatter.add.f32 [tilespmem:s15], [sflag:$0x3], $0x80, s31, s17, $0xb8;
	[tilespmem:$0x1E400] =	vst v63  }
0x2b: {  	s24 =	simm.s32 $0x400;
	_ =	swait.ge [sflag:s12], $0x4000  }
0x2c: {  	s25 =	simm.s32 $0x800;
	s23 =	sadd.s32 $0x1000, s10;
	[sflag:s12] =	ssyncset.done $0x0  }
.LBB2_2:
0x2d: {  	p0 =	sne.s32 s25, $0x9800;
	s26 =	sadd.s32 $0xFFFFF800, s23;
	[sflag:s12] =	ssyncadd.s32 $0xFFFFC000  }
0x2e: {  	[tilespmem:s15], [sflag:$0x2] =	stream.linear.gather [hbm4b:s26+s3], $0x4000, $0x38;
	[tilespmem:$0x1E400] =	vst v63  }
0x2f: {  	s26 =	smov.u32 s25;
	s25 =	sadd.s32 $0x400, s25;
	_ =	swait.ge [sflag:s16], $0x4000  }
0x30: {  	s28 =	sshra.s32 s24, $0x2;
	s24 =	smov.u32 s26;
	[sflag:s16] =	ssyncset.done $0x0  }
0x31: {  	s26 =	sadd.s32 $0x13C00, s28;
	[sflag:s16] =	ssyncadd.s32 $0xFFFFC000  }
0x32: {  	[spmem:s2] =	stream.indirect.scatter.add.f32 [tilespmem:s14], [sflag:$0x3], $0x80, s26, s17, $0xb8;
	[tilespmem:$0x1E400] =	vst v63  }
0x33: {  	_ =	swait.ge [sflag:s12], $0x4000  }
0x34: {  	[sflag:s12] =	ssyncset.done $0x0  }
0x35: {  	[sflag:s12] =	ssyncadd.s32 $0xFFFFC000  }
0x36: {  	[tilespmem:s14], [sflag:$0x1] =	stream.linear.gather [hbm4b:s23+s3], $0x4000, $0x38;
	[tilespmem:$0x1E400] =	vst v63  }
0x37: {  	_ =	swait.ge [sflag:s18], $0x4000  }
.Ltmp0:
0x38: {  	[sflag:s18] =	ssyncset.done $0x0;
	(pc) =	sbr.rel @p0 .LBB2_2-.Ltmp0, $4  }
0x39: {  	s26 =	sadd.s32 $0x13C80, s28;
	[sflag:s18] =	ssyncadd.s32 $0xFFFFC000  }
0x3a: {  	[spmem:s2] =	stream.indirect.scatter.add.f32 [tilespmem:s15], [sflag:$0x3], $0x80, s26, s17, $0xb8;
	[tilespmem:$0x1E400] =	vst v63  }
0x3b: {  	_ =	swait.ge [sflag:s12], $0x4000  }
0x3c: {  	s23 =	sadd.s32 $0x1000, s23;
	[sflag:s12] =	ssyncset.done $0x0  }
0x3d: {  	s25 =	sadd.s32 $0xFFFFF800, s23;
	[sflag:s12] =	ssyncadd.s32 $0xFFFFC000  }
0x3e: {  	[tilespmem:s15], [sflag:$0x2] =	stream.linear.gather [hbm4b:s25+s3], $0x4000, $0x38;
	[tilespmem:$0x1E400] =	vst v63  }
0x3f: {  	_ =	swait.ge [sflag:s16], $0x4000  }
0x40: {  	s24 =	sshra.s32 s24, $0x2;
	[sflag:s16] =	ssyncset.done $0x0  }
0x41: {  	s30 =	sadd.s32 $0x13C00, s24;
	[sflag:s16] =	ssyncadd.s32 $0xFFFFC000  }
0x42: {  	[spmem:s2] =	stream.indirect.scatter.add.f32 [tilespmem:s14], [sflag:$0x3], $0x80, s30, s17, $0xb8;
	[tilespmem:$0x1E400] =	vst v63  }
0x43: {  	_ =	swait.ge [sflag:s12], $0x4000  }
0x44: {  	[sflag:s12] =	ssyncset.done $0x0  }
0x45: {  	[sflag:s12] =	ssyncadd.s32 $0xFFFFC000  }
0x46: {  	[tilespmem:s14], [sflag:$0x1] =	stream.linear.gather [hbm4b:s23+s3], $0x4000, $0x38;
	[tilespmem:$0x1E400] =	vst v63  }
0x47: {  	_ =	swait.ge [sflag:s18], $0x4000  }
0x48: {  	[sflag:s18] =	ssyncset.done $0x0  }
0x49: {  	s31 =	sadd.s32 $0x13C80, s24;
	[sflag:s18] =	ssyncadd.s32 $0xFFFFC000  }
0x4a: {  	[spmem:s2] =	stream.indirect.scatter.add.f32 [tilespmem:s15], [sflag:$0x3], $0x80, s31, s17, $0xb8;
	[tilespmem:$0x1E400] =	vst v63  }
0x4b: {  	_ =	swait.ge [sflag:s12], $0x4000  }
0x4c: {  	[sflag:s12] =	ssyncset.done $0x0  }
0x4d: {  	[sflag:s12] =	ssyncadd.s32 $0xFFFFC000  }
0x4e: {  	[tilespmem:s15], [sflag:$0x2] =	stream.linear.gather [hbm4b:s9+s3], $0x4000, $0x38;
	[tilespmem:$0x1E400] =	vst v63  }
0x4f: {  	_ =	swait.ge [sflag:s16], $0x4000  }
0x50: {  	[sflag:s16] =	ssyncset.done $0x0  }
0x51: {  	[sflag:s16] =	ssyncadd.s32 $0xFFFFC000  }
0x52: {  	[spmem:s2] =	stream.indirect.scatter.add.f32 [tilespmem:s14], [sflag:$0x3], $0x80, s19, s17, $0xb8;
	[tilespmem:$0x1E400] =	vst v63  }
0x53: {  	_ =	swait.ge [sflag:s12], $0x4000  }
0x54: {  	[sflag:s12] =	ssyncset.done $0x0  }
0x55: {  	[sflag:s12] =	ssyncadd.s32 $0xFFFFC000  }
0x56: {  	[tilespmem:s14], [sflag:$0x1] =	stream.linear.gather [hbm4b:s9+s3], $0x4000, $0x38;
	[tilespmem:$0x1E400] =	vst v63  }
0x57: {  	_ =	swait.ge [sflag:s18], $0x4000  }
0x58: {  	[sflag:s18] =	ssyncset.done $0x0  }
0x59: {  	[sflag:s18] =	ssyncadd.s32 $0xFFFFC000  }
0x5a: {  	[spmem:s2] =	stream.indirect.scatter.add.f32 [tilespmem:s15], [sflag:$0x3], $0x80, s20, s17, $0xb8;
	[tilespmem:$0x1E400] =	vst v63  }
0x5b: {  	_ =	swait.ge [sflag:s12], $0x4000  }
0x5c: {  	[sflag:s12] =	ssyncset.done $0x0  }
0x5d: {  	[sflag:s12] =	ssyncadd.s32 $0xFFFFC000  }
0x5e: {  	_ =	swait.ge [sflag:s16], $0x4000  }
0x5f: {  	s22 =	sadd.s32 $0x1, s22;
	[sflag:s16] =	ssyncset.done $0x0  }
0x60: {  	p0 =	sne.s32 s22, s8;
	[sflag:s16] =	ssyncadd.s32 $0xFFFFC000  }
.Ltmp1:
0x61: {  	[bflag:$0x0] =	sbarrier.arrive $0xFFFF;
	(pc) =	sbr.rel @p0 .LBB2_1-.Ltmp1, $4  }
0x62: {  	[hbm:s21], [sflag:s5] =	dma.local [spmem:s11], $0x2780  }
0x63: {  	_ =	swait.ge [sflag:s12], $0x2780  }
0x64: {  	[sflag:s12] =	ssyncset.done $0x0  }
0x65: {  	[sflag:s12] =	ssyncadd.s32 $0xFFFFD880  }
0x66: {  	_ =	sfence.sel $0x180000  }
0x67: {  	[bflag:$0x0] =	sbarrier.arrive $0xFFFF  }
0x68: {  	p0 =	sne.s32 s0, $0x0;
	_ =	strace $0x9000004D  }
0x69: {  	s0 =	sadd.s32 @!p0 $0x100000, s1;
	[bflag:$0x2] =	sbarrier.arrive $0xFFFF  }
0x6a: {  	[sflag:s0] =	ssyncadd.tile.s32 @!p0 $0x1;
	_ =	shalt  }
.Lfunc_end2:
_tile_overlayer_lowered:
.L_overlay_start_2:
0x6b: {  	(tag) =	ssettag $0x2  }
0x6c: {  	s0 =	rddreg [dreg:$0x0];
	s2 =	stileid.u32  }
0x6d: {  	s1 =	rddreg [dreg:$0x1];
	p0 =	sne.s32 s2, $0x0  }
0x6e: {  	s3 =	rddreg [dreg:$0x2];
	[bflag:$0x3] =	sbarrier.arrive $0xFFFF;
	s2 =	simm.s32 @!p0 $0x1C03  }
0x6f: {  	[timem:s3], [sflag:s2] =	dma.local @!p0 [hbm:s0], s1  }
0x70: {  	s0 =	simm.s32 @!p0 $0x3  }
0x71: {  	_ =	swait.ge @!p0 [sflag:s0], s1  }
0x72: {  	s1 =	ssub.s32 @!p0 $0x0, s1;
	[sflag:s0] =	ssyncset.done @!p0 $0x0  }
0x73: {  	[sflag:s0] =	ssyncadd.s32 @!p0 s1  }
0x74: {  	[bflag:$0x3] =	sbarrier.arrive $0xFFFF  }
0x75: {  	_ =	shalt  }

// kernel: kernel.7.cloned.1.call-start
scs
__scs_entry_jumppad:
0x0: {  	(pc) =	sbr.rel $0x88, $3  }
0x1: {  	(tag) =	ssettag $0x0;
	lr =	simm.s32 $0x1  }
0x2: {  	[smem:$0x3F94] =	sst lr;
	_ =	strace $0xD0000000  }
0x3: {  	_ = 	snop  }
0x4: {  	_ = 	snop  }
0x5: {  	_ = 	snop  }
0x6: {  	_ = 	snop  }
0x7: {  	_ = 	snop  }
__scs_overlays_trampoline_lowered:
0x8: {  	[smem:$0x3FA3] =	sst s0  }
0x9: {  	[smem:$0x3FA4] =	sst s1  }
0xa: {  	[smem:$0x3FA5] =	sst s2  }
0xb: {  	[smem:$0x3FA6] =	sst s3  }
0xc: {  	[smem:$0x3FA7] =	sst s4  }
0xd: {  	[smem:$0x3FA8] =	sst s5  }
0xe: {  	[smem:$0x3FA9] =	sst s6  }
0xf: {  	[smem:$0x3FAA] =	sst s7  }
0x10: {  	[smem:$0x3FAB] =	sst s8  }
0x11: {  	[smem:$0x3FAC] =	sst s9;
	s0 =	simm.s32 @!p0 $0x0  }
0x12: {  	s1 =	sld [smem:$0x3F92];
	s0 =	simm.s32 @p0 $0x1  }
0x13: {  	[smem:$0x3FAD] =	sst s0;
	s0 =	simm.s32 @!p1 $0x0  }
0x14: {  	s2 =	sld [smem:$0x3F91];
	s0 =	simm.s32 @p1 $0x1  }
0x15: {  	[smem:$0x3FAE] =	sst s0;
	s0 =	simm.s32 @!p2 $0x0  }
0x16: {  	s3 =	sld [smem:$0x3FDB];
	s0 =	simm.s32 @p2 $0x1  }
0x17: {  	s4 =	simm.s32 $0x1BF5;
	[smem:$0x3FB0] =	sst s0  }
0x18: {  	s0 =	sld [smem:$0x3F93];
	_ =	swait.ge [sflag:s4], $0x0  }
0x19: {  	s7 =	sld [smem:$0x3F94]  }
0x1a: {  	s8 =	sadd.s32 $0xFFFFE003, lr  }
0x1b: {  	s9 =	sadd.s32 $0xFFFFFEF7, lr;
	s5 =	simm.s32 $0xFFFFFFFF;
	p2 =	slt.u32 s8, $0xFFFFF086  }
0x1c: {  	p1 =	slt.u32 s9, $0xF7A;
	s5 =	simm.s32 @!p2 $0x0  }
0x1d: {  	s5 =	simm.s32 @p1 $0x1;
	p0 =	seq.s32 s7, s2  }
0x1e: {  	s7 =	smul.u32 @!p0 $0xF7A, s2;
	p2 =	seq.s32 @!p0 s5, $0x0  }
0x1f: {  	s9 =	smul.u32 $0xF7A, s1;
	s8 =	simm.s32 @!p0 $0x1BF5;
	p2 =	por !p2, p0  }
0x20: {  	[sflag:s8] =	ssyncset.s32 @!p0 $0xFFFFF086;
	s6 =	sadd.s32 @!p0 s3, s7;
	s7 =	simm.s32 @!p0 $0x108  }
0x21: {  	s3 =	sadd.s32 s3, s9;
	s6 =	sadd.s32 @!p0 $0x88, s6;
	s7 =	simm.s32 @p2 $0x1082  }
0x22: {  	[simem:s7], [sflag:s8] =	dma.local @!p0 [hbm:s6], $0xF7A  }
0x23: {  	s9 =	sor.u32 $0xD0000000, s2;
	s6 =	simm.s32 $0x108;
	_ =	swait.ge @!p0 [sflag:s8], $0x0  }
0x24: {  	s3 =	sadd.s32 $0x88, s3;
	s6 =	simm.s32 @!p1 $0x1082;
	[sflag:s4] =	ssyncset.s32 $0xFFFFF086  }
0x25: {  	[simem:s6], [sflag:s4] =	dma.local [hbm:s3], $0xF7A  }
0x26: {  	[smem:$0x3F94] =	sst s1;
	(tag) =	ssettag s2;
	_ =	strace s9  }
0x27: {  	s1 =	sld [smem:$0x3FA4]  }
0x28: {  	s2 =	sld [smem:$0x3FA5]  }
0x29: {  	s4 =	sld [smem:$0x3FA7]  }
0x2a: {  	p0 =	seq.s32 s5, $0x0;
	s5 =	sld [smem:$0x3FA8]  }
0x2b: {  	s6 =	sld [smem:$0x3FA9]  }
0x2c: {  	s7 =	sld [smem:$0x3FAA]  }
0x2d: {  	s3 =	simm.s32 $0x108;
	s8 =	sld [smem:$0x3FAB]  }
0x2e: {  	s3 =	simm.s32 @!p0 $0x1082;
	s9 =	sld [smem:$0x3FAC]  }
0x2f: {  	lr =	sadd.s32 s0, s3;
	s0 =	sld [smem:$0x3FA3]  }
0x30: {  	s3 =	sld [smem:$0x3FA6]  }
0x31: {  	[smem:$0x3FAF] =	sst s10  }
0x32: {  	s10 =	sld [smem:$0x3FAD];
	_ =	sdelay $0x3  }
0x33: {  	p0 =	seq.s32 s10, $0x1;
	s10 =	sld [smem:$0x3FAF];
	_ =	sdelay $0x3  }
0x34: {  	[smem:$0x3FAF] =	sst s10  }
0x35: {  	s10 =	sld [smem:$0x3FAE];
	_ =	sdelay $0x3  }
0x36: {  	p1 =	seq.s32 s10, $0x1;
	s10 =	sld [smem:$0x3FAF];
	_ =	sdelay $0x3  }
0x37: {  	[smem:$0x3FAF] =	sst s10  }
0x38: {  	s10 =	sld [smem:$0x3FB0]  }
0x39: {  	_ = 	snop;
	(pc) =	sbr.ind lr, $3  }
0x3a: {  	_ = 	snop  }
0x3b: {  	_ = 	snop  }
0x3c: {  	p2 =	seq.s32 s10, $0x1;
	s10 =	sld [smem:$0x3FAF]  }
0x3d: {  	_ =	shalt  }
0x3e: {  	_ =	shalt  }
0x3f: {  	_ =	shalt  }
0x40: {  	_ =	shalt  }
0x41: {  	_ =	shalt  }
0x42: {  	_ =	shalt  }
0x43: {  	_ =	shalt  }
0x44: {  	_ =	shalt  }
0x45: {  	_ =	shalt  }
0x46: {  	_ =	shalt  }
0x47: {  	_ =	shalt  }
0x48: {  	_ =	shalt  }
0x49: {  	_ =	shalt  }
0x4a: {  	_ =	shalt  }
0x4b: {  	_ =	shalt  }
0x4c: {  	_ =	shalt  }
0x4d: {  	_ =	shalt  }
0x4e: {  	_ =	shalt  }
0x4f: {  	_ =	shalt  }
0x50: {  	_ =	shalt  }
0x51: {  	_ =	shalt  }
0x52: {  	_ =	shalt  }
0x53: {  	_ =	shalt  }
0x54: {  	_ =	shalt  }
0x55: {  	_ =	shalt  }
0x56: {  	_ =	shalt  }
0x57: {  	_ =	shalt  }
0x58: {  	_ =	shalt  }
0x59: {  	_ =	shalt  }
0x5a: {  	_ =	shalt  }
0x5b: {  	_ =	shalt  }
0x5c: {  	_ =	shalt  }
0x5d: {  	_ =	shalt  }
0x5e: {  	_ =	shalt  }
0x5f: {  	_ =	shalt  }
0x60: {  	_ =	shalt  }
0x61: {  	_ =	shalt  }
0x62: {  	_ =	shalt  }
0x63: {  	_ =	shalt  }
0x64: {  	_ =	shalt  }
0x65: {  	_ =	shalt  }
0x66: {  	_ =	shalt  }
0x67: {  	_ =	shalt  }
0x68: {  	_ =	shalt  }
0x69: {  	_ =	shalt  }
0x6a: {  	_ =	shalt  }
0x6b: {  	_ =	shalt  }
0x6c: {  	_ =	shalt  }
0x6d: {  	_ =	shalt  }
0x6e: {  	_ =	shalt  }
0x6f: {  	_ =	shalt  }
0x70: {  	_ =	shalt  }
0x71: {  	_ =	shalt  }
0x72: {  	_ =	shalt  }
0x73: {  	_ =	shalt  }
0x74: {  	_ =	shalt  }
0x75: {  	_ =	shalt  }
0x76: {  	_ =	shalt  }
0x77: {  	_ =	shalt  }
0x78: {  	_ =	shalt  }
0x79: {  	_ =	shalt  }
0x7a: {  	_ =	shalt  }
0x7b: {  	_ =	shalt  }
0x7c: {  	_ =	shalt  }
0x7d: {  	_ =	shalt  }
0x7e: {  	_ =	shalt  }
0x7f: {  	_ =	shalt  }
0x80: {  	_ =	shalt  }
0x81: {  	_ =	shalt  }
0x82: {  	_ =	shalt  }
0x83: {  	_ =	shalt  }
0x84: {  	_ =	shalt  }
0x85: {  	_ =	shalt  }
0x86: {  	_ =	shalt  }
0x87: {  	_ =	shalt  }
.Lfunc_end0:
.L_simem_size_0:
called_computation_lowered:
.L_overlay_start_0:
0x88: {  	s2 =	sld [smem:$0x3FD9]  }
0x89: {  	s3 =	sld [smem:$0x3FFE];
	_ =	sdelay $0x1  }
0x8a: {  	s1 =	srdreg.scid  }
0x8b: {  	s0 =	sand.u32 $0x1, s1  }
0x8c: {  	s16 =	sshll.u32 s0, $0xA;
	s2 =	sadd.s32 s3, s2  }
0x8d: {  	s2 =	sadd.s32 s2, s16  }
0x8e: {  	[smem:$0x3FBB] =	sst s2  }
0x8f: {  	_ = 	snop  }
0x90: {  	(tm) =	ssettm $0x1  }
0x91: {  	s17 =	sld [smem:$0x3FFB];
	_ =	sdelay $0x3  }
0x92: {  	_ =	strace s17  }
0x93: {  	s2 =	sld [smem:$0x3FFC];
	_ =	sdelay $0x3  }
0x94: {  	_ =	strace s2  }
0x95: {  	s2 =	sld [smem:$0x3FFD];
	_ =	sdelay $0x3  }
0x96: {  	_ =	strace s2  }
0x97: {  	_ =	strace $0x8FFFFFFF  }
0x98: {  	s18 =	sld [smem:$0x3FDB];
	_ =	sdelay $0x1  }
0x99: {  	s19 =	simm.s32 $_scs_section_size  }
0x9a: {  	s4 =	simm.s32 $_size__tile_overlayer_lowered;
	s5 =	simm.s32 $_tile_overlayer_lowered  }
0x9b: {  	s22 =	simm.s32 $0x1BFF;
	s21 =	sshll.u32 s5, $0x1;
	s2 =	sadd.s32 s19, s18  }
0x9c: {  	s6 =	simm.s32 $0x0;
	s20 =	sshll.u32 s4, $0x1;
	s4 =	sadd.s32 s21, s2  }
0x9d: {  	[timem:s6], [sflag:s22] =	dma.local [hbm:s4], s20  }
0x9e: {  	_ =	swait.ge [sflag:s22], s20  }
0x9f: {  	s3 =	ssub.s32 $0x0, s20;
	[sflag:s22] =	ssyncset.done $0x0  }
0xa0: {  	[sflag:s22] =	ssyncadd.s32 s3;
	_ =	sdelay $0x1  }
0xa1: {  	s23 =	simm.s32 $0x1B8B  }
0xa2: {  	_ =	swait.ge [sflag:s23], $0x1  }
0xa3: {  	[sflag:s23] =	ssyncset.done $0x0  }
0xa4: {  	s25 =	simm.s32 $0x1B8E;
	s24 =	sld [smem:$0x3FFE];
	[sflag:s23] =	ssyncadd.s32 $0xFFFFFFFF  }
0xa5: {  	s26 =	simm.s32 $execute0_lowered;
	[smem:$0x3FD2] =	sst s25  }
0xa6: {  	s4 =	sshll.u32 s26, $0x1;
	_ =	strace $0x80000046;
	[dreg:$0x1] =	wrdreg $0xFFFFFFFF  }
0xa7: {  	s28 =	simm.s32 $_size_execute0_lowered;
	s2 =	sadd.s32 s2, s4;
	[dreg:$0x0] =	wrdreg $0x0  }
0xa8: {  	s4 =	sshll.u32 s28, $0x1;
	[dreg:$0x2] =	wrdreg s2  }
0xa9: {  	[dreg:$0x3] =	wrdreg s4  }
0xaa: {  	[dreg:$0x4] =	wrdreg $0xC0  }
0xab: {  	_ =	task [dreg:s6], $0x5FFFF  }
0xac: {  	[dreg:$0x1] =	wrdreg $0xFFFFFFFF  }
0xad: {  	[dreg:$0x0] =	wrdreg $0x60  }
0xae: {  	[dreg:$0x2] =	wrdreg s24  }
0xaf: {  	[dreg:$0x3] =	wrdreg $0x9  }
0xb0: {  	_ =	task.clear_ibuf [dreg:s6], $0x4FFFF;
	_ =	strace $0x90000046  }
0xb1: {  	s29 =	simm.s32 $0x9;
	_ =	strace $0x80000048  }
0xb2: {  	_ =	swait.ge [sflag:s29], $0x1  }
0xb3: {  	[sflag:s29] =	ssyncadd.s32 $0xFFFFFFFF  }
0xb4: {  	_ =	strace $0x90000048  }
0xb5: {  	_ =	sfence  }
0xb6: {  	s30 =	sld [smem:$0x0];
	_ =	sdelay $0x2  }
0xb7: {  	s31 =	sshll.u32 s1, $0xD;
	s1 =	sshrl.u32 s1, $0x2  }
0xb8: {  	s3 =	sand.u32 $0x4000, s31;
	s1 =	sadd.s32 s1, s30  }
0xb9: {  	s0 =	sor.u32 s3, s0;
	s1 =	sshll.u32 s1, $0x11  }
0xba: {  	s0 =	sor.u32 s1, s0  }
0xbb: {  	s0 =	sadd.s32 $0x8F2B, s0  }
0xbc: {  	[sflag:s0] =	ssyncadd.remote.s32 $0x1  }
0xbd: {  	_ =	sfence.sel $0xFFFF  }
0xbe: {  	[dreg:$0x0] =	wrdreg $0xFFFFFFFF;
	(pc) =	sbr.abs _section_cstart, $3  }
0xbf: {  	[dreg:$0x1] =	wrdreg $0xFFFFFFFF  }
0xc0: {  	_ =	task.clear_ibuf [dreg:s6], $0x2FFFF;
	_ =	strace $0x9FFFFFFF  }
0xc1: {  	(tm) =	ssettm $0x7FFFFFFF  }
tec
execute0_lowered:
.L_overlay_start_1:
0x0: {  	(tag) =	ssettag $0x1  }
0x1: {  	s4 =	rddreg [dreg:$0x0];
	s1 =	srdreg.scid  }
0x2: {  	s0 =	rddreg [dreg:$0x1];
	s2 =	simm.s32 $0x0;
	s10 =	simm.s32 $0x5000  }
0x3: {  	s11 =	simm.s32 $0xEC80;
	s12 =	simm.s32 $0x0;
	s5 =	sand.u32 $0x1, s1  }
0x4: {  	s1 =	stileid.u32;
	s3 =	sshll.u32 s5, $0x4;
	s7 =	smul.u32 $0x5000, s5  }
0x5: {  	[smem:$0x7FF] =	sst s2;
	s9 =	smul.u32 $0x500, s1;
	s3 =	sor.u32 s1, s3  }
0x6: {  	_ =	strace $0x80000047;
	s5 =	ssub.s32 $0x2, s5;
	s6 =	smul.u32 $0x500, s3  }
0x7: {  	s8 =	sshrl.u32 s5, $0x1;
	s3 =	sadd.s32 $0x17200, s4;
	s7 =	sadd.s32 s7, s4  }
0x8: {  	s8 =	ssub.s32 s5, s8;
	s7 =	sadd.s32 s9, s7;
	s6 =	sadd.s32 s6, s4  }
0x9: {  	s9 =	simm.s32 $0x2800;
	s7 =	sadd.s32 $0x18600, s7;
	s4 =	sadd.s32 $0x3200, s6  }
0xa: {  	s5 =	sadd.s32 $0xD200, s6;
	s6 =	smax.u32 s8, $0x1;
	s8 =	simm.s32 $0x1  }
.LBB2_1:
0xb: {  	[tilespmem:s2], [sflag:$0x1] =	stream.linear.gather [hbm4b:s4+s2], $0x2800, $0x38;
	[tilespmem:$0xED00] =	vst v63  }
0xc: {  	_ =	swait.ge [sflag:s8], $0x2800  }
0xd: {  	[sflag:s8] =	ssyncset.done $0x0  }
0xe: {  	[sflag:s8] =	ssyncadd.s32 $0xFFFFD800  }
0xf: {  	[tilespmem:s9], [sflag:$0x1] =	stream.linear.gather [hbm4b:s5+s2], $0x2800, $0x38;
	[tilespmem:$0xED00] =	vst v63  }
0x10: {  	_ =	swait.ge [sflag:s8], $0x2800  }
0x11: {  	[sflag:s8] =	ssyncset.done $0x0  }
0x12: {  	[sflag:s8] =	ssyncadd.s32 $0xFFFFD800  }
0x13: {  	[tilespmem:s10], [sflag:$0x1] =	stream.linear.gather [hbm4b:s3+s2], $0x9C80, $0x38;
	[tilespmem:$0xED00] =	vst v63  }
0x14: {  	_ =	swait.ge [sflag:s8], $0x9C80  }
0x15: {  	[sflag:s8] =	ssyncset.done $0x0  }
0x16: {  	s13 =	smov.u32 s7;
	s14 =	simm.s32 $0x0;
	[sflag:s8] =	ssyncadd.s32 $0xFFFF6380  }
.LBB2_2:
0x17: {  	s15 =	sshra.s32 s14, $0x2  }
0x18: {  	v0 =	vld [tilespmem:s15+$0x0]  }
0x19: {  	v1 =	vld [tilespmem:s15+$0x2800];
	_ =	sdelay $0x3  }
0x1a: {  	v0 =	vshll.u32 v0, $0x2  }
0x1b: {  	v1 =	vshll.u32 v1, $0x2  }
0x1c: {  	v2 =	vor.u32 $0x1, v0  }
0x1d: {  	v3 =	vor.u32 $0x1, v1  }
0x1e: {  	v4 =	vor.u32 $0x2, v0  }
0x1f: {  	v5 =	vor.u32 $0x2, v1;
	v0 =	vld.idx.msk [tilespmem:v0+s10+$0x0], $0xffff  }
0x20: {  	v1 =	vld.idx.msk [tilespmem:v1+s10+$0x0], $0xffff  }
0x21: {  	v2 =	vld.idx.msk [tilespmem:v2+s10+$0x0], $0xffff  }
0x22: {  	v3 =	vld.idx.msk [tilespmem:v3+s10+$0x0], $0xffff  }
0x23: {  	v4 =	vld.idx.msk [tilespmem:v4+s10+$0x0], $0xffff  }
0x24: {  	v5 =	vld.idx.msk [tilespmem:v5+s10+$0x0], $0xffff;
	_ =	sdelay $0x2  }
0x25: {  	v0 =	vsub.f32 v0, v1;
	v45 =	vsub.f32 v2, v3;
	_ =	sdelay $0x1  }
0x26: {  	v46 =	vsub.f32 v4, v5;
	v0 =	vmul.f32 v0, v0;
	v1 =	vmul.f32 v45, v45;
	_ =	sdelay $0x1  }
0x27: {  	v47 =	vmul.f32 v46, v46;
	v0 =	vadd.f32 v1, v0;
	_ =	sdelay $0x1  }
0x28: {  	v0 =	vadd.f32 v47, v0;
	_ =	sdelay $0x1  }
0x29: {  	v1 =	vshrl.u32 v0, $0x1;
	v48 =	vmul.f32 $5.000000000e-01, v0  }
0x2a: {  	v1 =	vsub.s32 $0x5F3759DF, v1  }
0x2b: {  	v49 =	vmul.f32 v1, v48;
	_ =	sdelay $0x1  }
0x2c: {  	v3 =	vmul.f32 v1, v49;
	_ =	sdelay $0x1  }
0x2d: {  	v3 =	vsub.f32 $1.500000000e+00, v3;
	_ =	sdelay $0x1  }
0x2e: {  	v1 =	vmul.f32 v1, v3;
	_ =	sdelay $0x1  }
0x2f: {  	v3 =	vmul.f32 v1, v48;
	_ =	sdelay $0x1  }
0x30: {  	v3 =	vmul.f32 v3, v1;
	_ =	sdelay $0x1  }
0x31: {  	v3 =	vsub.f32 $1.500000000e+00, v3;
	_ =	sdelay $0x1  }
0x32: {  	v1 =	vmul.f32 v3, v1;
	_ =	sdelay $0x1  }
0x33: {  	v2 =	vmul.f32 v1, v48;
	_ =	sdelay $0x1  }
0x34: {  	v2 =	vmul.f32 v2, v1;
	_ =	sdelay $0x1  }
0x35: {  	v2 =	vsub.f32 $1.500000000e+00, v2;
	_ =	sdelay $0x1  }
0x36: {  	v1 =	vmul.f32 v2, v1;
	_ =	sdelay $0x1  }
0x37: {  	v1 =	vmul.f32 v1, v0  }
0x38: {  	vm0 =	vgt.f32 v0, $0.0e+00  }
0x39: {  	v0 =	vnsel vm0, $0x0, v1  }
0x3a: {  	[tilespmem:$0xEC80] =	vst v0  }
0x3b: {  	v0 =	vld [tilespmem:s15+$0x10]  }
0x3c: {  	v50 =	vld [tilespmem:s15+$0x2810];
	_ =	sdelay $0x3  }
0x3d: {  	v0 =	vshll.u32 v0, $0x2  }
0x3e: {  	v1 =	vshll.u32 v50, $0x2  }
0x3f: {  	v51 =	vor.u32 $0x1, v0  }
0x40: {  	v52 =	vor.u32 $0x1, v1  }
0x41: {  	v53 =	vor.u32 $0x2, v0  }
0x42: {  	v54 =	vor.u32 $0x2, v1;
	v0 =	vld.idx.msk [tilespmem:v0+s10+$0x0], $0xffff  }
0x43: {  	v1 =	vld.idx.msk [tilespmem:v1+s10+$0x0], $0xffff  }
0x44: {  	v2 =	vld.idx.msk [tilespmem:v51+s10+$0x0], $0xffff  }
0x45: {  	v3 =	vld.idx.msk [tilespmem:v52+s10+$0x0], $0xffff  }
0x46: {  	v4 =	vld.idx.msk [tilespmem:v53+s10+$0x0], $0xffff  }
0x47: {  	v5 =	vld.idx.msk [tilespmem:v54+s10+$0x0], $0xffff;
	_ =	sdelay $0x2  }
0x48: {  	v0 =	vsub.f32 v0, v1;
	v55 =	vsub.f32 v2, v3;
	_ =	sdelay $0x1  }
0x49: {  	v56 =	vsub.f32 v4, v5;
	v0 =	vmul.f32 v0, v0;
	v1 =	vmul.f32 v55, v55;
	_ =	sdelay $0x1  }
0x4a: {  	v57 =	vmul.f32 v56, v56;
	v0 =	vadd.f32 v1, v0;
	_ =	sdelay $0x1  }
0x4b: {  	v0 =	vadd.f32 v57, v0;
	_ =	sdelay $0x1  }
0x4c: {  	v1 =	vshrl.u32 v0, $0x1;
	v58 =	vmul.f32 $5.000000000e-01, v0  }
0x4d: {  	v1 =	vsub.s32 $0x5F3759DF, v1  }
0x4e: {  	v59 =	vmul.f32 v1, v58;
	_ =	sdelay $0x1  }
0x4f: {  	v3 =	vmul.f32 v1, v59;
	_ =	sdelay $0x1  }
0x50: {  	v3 =	vsub.f32 $1.500000000e+00, v3;
	_ =	sdelay $0x1  }
0x51: {  	v1 =	vmul.f32 v1, v3;
	_ =	sdelay $0x1  }
0x52: {  	v3 =	vmul.f32 v1, v58;
	_ =	sdelay $0x1  }
0x53: {  	v3 =	vmul.f32 v3, v1;
	_ =	sdelay $0x1  }
0x54: {  	v3 =	vsub.f32 $1.500000000e+00, v3;
	_ =	sdelay $0x1  }
0x55: {  	v1 =	vmul.f32 v3, v1;
	_ =	sdelay $0x1  }
0x56: {  	v2 =	vmul.f32 v1, v58;
	_ =	sdelay $0x1  }
0x57: {  	v2 =	vmul.f32 v2, v1;
	_ =	sdelay $0x1  }
0x58: {  	v2 =	vsub.f32 $1.500000000e+00, v2;
	_ =	sdelay $0x1  }
0x59: {  	v1 =	vmul.f32 v2, v1;
	_ =	sdelay $0x1  }
0x5a: {  	v1 =	vmul.f32 v1, v0  }
0x5b: {  	vm9 =	vgt.f32 v0, $0.0e+00  }
0x5c: {  	v0 =	vnsel vm9, $0x0, v1  }
0x5d: {  	[tilespmem:$0xEC90] =	vst v0  }
0x5e: {  	v0 =	vld [tilespmem:s15+$0x20]  }
0x5f: {  	v60 =	vld [tilespmem:s15+$0x2820];
	_ =	sdelay $0x3  }
0x60: {  	v0 =	vshll.u32 v0, $0x2  }
0x61: {  	v1 =	vshll.u32 v60, $0x2  }
0x62: {  	v61 =	vor.u32 $0x1, v0  }
0x63: {  	v62 =	vor.u32 $0x1, v1  }
0x64: {  	v63 =	vor.u32 $0x2, v0  }
0x65: {  	v8 =	vor.u32 $0x2, v1;
	v0 =	vld.idx.msk [tilespmem:v0+s10+$0x0], $0xffff  }
0x66: {  	v1 =	vld.idx.msk [tilespmem:v1+s10+$0x0], $0xffff  }
0x67: {  	v2 =	vld.idx.msk [tilespmem:v61+s10+$0x0], $0xffff  }
0x68: {  	v3 =	vld.idx.msk [tilespmem:v62+s10+$0x0], $0xffff  }
0x69: {  	v4 =	vld.idx.msk [tilespmem:v63+s10+$0x0], $0xffff  }
0x6a: {  	v5 =	vld.idx.msk [tilespmem:v8+s10+$0x0], $0xffff;
	_ =	sdelay $0x2  }
0x6b: {  	v0 =	vsub.f32 v0, v1;
	v9 =	vsub.f32 v2, v3;
	_ =	sdelay $0x1  }
0x6c: {  	v10 =	vsub.f32 v4, v5;
	v0 =	vmul.f32 v0, v0;
	v1 =	vmul.f32 v9, v9;
	_ =	sdelay $0x1  }
0x6d: {  	v11 =	vmul.f32 v10, v10;
	v0 =	vadd.f32 v1, v0;
	_ =	sdelay $0x1  }
0x6e: {  	v0 =	vadd.f32 v11, v0;
	_ =	sdelay $0x1  }
0x6f: {  	v1 =	vshrl.u32 v0, $0x1;
	v12 =	vmul.f32 $5.000000000e-01, v0  }
0x70: {  	v1 =	vsub.s32 $0x5F3759DF, v1  }
0x71: {  	v13 =	vmul.f32 v1, v12;
	_ =	sdelay $0x1  }
0x72: {  	v3 =	vmul.f32 v1, v13;
	_ =	sdelay $0x1  }
0x73: {  	v3 =	vsub.f32 $1.500000000e+00, v3;
	_ =	sdelay $0x1  }
0x74: {  	v1 =	vmul.f32 v1, v3;
	_ =	sdelay $0x1  }
0x75: {  	v3 =	vmul.f32 v1, v12;
	_ =	sdelay $0x1  }
0x76: {  	v3 =	vmul.f32 v3, v1;
	_ =	sdelay $0x1  }
0x77: {  	v3 =	vsub.f32 $1.500000000e+00, v3;
	_ =	sdelay $0x1  }
0x78: {  	v1 =	vmul.f32 v3, v1;
	_ =	sdelay $0x1  }
0x79: {  	v2 =	vmul.f32 v1, v12;
	_ =	sdelay $0x1  }
0x7a: {  	v2 =	vmul.f32 v2, v1;
	_ =	sdelay $0x1  }
0x7b: {  	v2 =	vsub.f32 $1.500000000e+00, v2;
	_ =	sdelay $0x1  }
0x7c: {  	v1 =	vmul.f32 v2, v1;
	_ =	sdelay $0x1  }
0x7d: {  	v1 =	vmul.f32 v1, v0  }
0x7e: {  	vm10 =	vgt.f32 v0, $0.0e+00  }
0x7f: {  	v0 =	vnsel vm10, $0x0, v1  }
0x80: {  	[tilespmem:$0xECA0] =	vst v0  }
0x81: {  	v0 =	vld [tilespmem:s15+$0x30]  }
0x82: {  	v14 =	vld [tilespmem:s15+$0x2830];
	_ =	sdelay $0x3  }
0x83: {  	v0 =	vshll.u32 v0, $0x2  }
0x84: {  	v1 =	vshll.u32 v14, $0x2  }
0x85: {  	v15 =	vor.u32 $0x1, v0  }
0x86: {  	v16 =	vor.u32 $0x1, v1  }
0x87: {  	v17 =	vor.u32 $0x2, v0  }
0x88: {  	v18 =	vor.u32 $0x2, v1;
	v0 =	vld.idx.msk [tilespmem:v0+s10+$0x0], $0xffff  }
0x89: {  	v1 =	vld.idx.msk [tilespmem:v1+s10+$0x0], $0xffff  }
0x8a: {  	v2 =	vld.idx.msk [tilespmem:v15+s10+$0x0], $0xffff  }
0x8b: {  	v3 =	vld.idx.msk [tilespmem:v16+s10+$0x0], $0xffff  }
0x8c: {  	v4 =	vld.idx.msk [tilespmem:v17+s10+$0x0], $0xffff  }
0x8d: {  	v5 =	vld.idx.msk [tilespmem:v18+s10+$0x0], $0xffff;
	_ =	sdelay $0x2  }
0x8e: {  	v0 =	vsub.f32 v0, v1;
	v19 =	vsub.f32 v2, v3;
	_ =	sdelay $0x1  }
0x8f: {  	v20 =	vsub.f32 v4, v5;
	v0 =	vmul.f32 v0, v0;
	v1 =	vmul.f32 v19, v19;
	_ =	sdelay $0x1  }
0x90: {  	v21 =	vmul.f32 v20, v20;
	v0 =	vadd.f32 v1, v0;
	_ =	sdelay $0x1  }
0x91: {  	v0 =	vadd.f32 v21, v0;
	_ =	sdelay $0x1  }
0x92: {  	v1 =	vshrl.u32 v0, $0x1;
	v22 =	vmul.f32 $5.000000000e-01, v0  }
0x93: {  	v1 =	vsub.s32 $0x5F3759DF, v1  }
0x94: {  	v23 =	vmul.f32 v1, v22;
	_ =	sdelay $0x1  }
0x95: {  	v3 =	vmul.f32 v1, v23;
	_ =	sdelay $0x1  }
0x96: {  	v3 =	vsub.f32 $1.500000000e+00, v3;
	_ =	sdelay $0x1  }
0x97: {  	v1 =	vmul.f32 v1, v3;
	_ =	sdelay $0x1  }
0x98: {  	v3 =	vmul.f32 v1, v22;
	_ =	sdelay $0x1  }
0x99: {  	v3 =	vmul.f32 v3, v1;
	_ =	sdelay $0x1  }
0x9a: {  	v3 =	vsub.f32 $1.500000000e+00, v3;
	_ =	sdelay $0x1  }
0x9b: {  	v1 =	vmul.f32 v3, v1;
	_ =	sdelay $0x1  }
0x9c: {  	v2 =	vmul.f32 v1, v22;
	_ =	sdelay $0x1  }
0x9d: {  	v2 =	vmul.f32 v2, v1;
	_ =	sdelay $0x1  }
0x9e: {  	v2 =	vsub.f32 $1.500000000e+00, v2;
	_ =	sdelay $0x1  }
0x9f: {  	v1 =	vmul.f32 v2, v1;
	_ =	sdelay $0x1  }
0xa0: {  	v1 =	vmul.f32 v1, v0  }
0xa1: {  	vm11 =	vgt.f32 v0, $0.0e+00  }
0xa2: {  	v0 =	vnsel vm11, $0x0, v1  }
0xa3: {  	[tilespmem:$0xECB0] =	vst v0  }
0xa4: {  	v0 =	vld [tilespmem:s15+$0x40]  }
0xa5: {  	v24 =	vld [tilespmem:s15+$0x2840];
	_ =	sdelay $0x3  }
0xa6: {  	v0 =	vshll.u32 v0, $0x2  }
0xa7: {  	v1 =	vshll.u32 v24, $0x2  }
0xa8: {  	v25 =	vor.u32 $0x1, v0  }
0xa9: {  	v26 =	vor.u32 $0x1, v1  }
0xaa: {  	v27 =	vor.u32 $0x2, v0  }
0xab: {  	v28 =	vor.u32 $0x2, v1;
	v0 =	vld.idx.msk [tilespmem:v0+s10+$0x0], $0xffff  }
0xac: {  	v1 =	vld.idx.msk [tilespmem:v1+s10+$0x0], $0xffff  }
0xad: {  	v2 =	vld.idx.msk [tilespmem:v25+s10+$0x0], $0xffff  }
0xae: {  	v3 =	vld.idx.msk [tilespmem:v26+s10+$0x0], $0xffff  }
0xaf: {  	v4 =	vld.idx.msk [tilespmem:v27+s10+$0x0], $0xffff  }
0xb0: {  	v5 =	vld.idx.msk [tilespmem:v28+s10+$0x0], $0xffff;
	_ =	sdelay $0x2  }
0xb1: {  	v0 =	vsub.f32 v0, v1;
	v29 =	vsub.f32 v2, v3;
	_ =	sdelay $0x1  }
0xb2: {  	v30 =	vsub.f32 v4, v5;
	v0 =	vmul.f32 v0, v0;
	v1 =	vmul.f32 v29, v29;
	_ =	sdelay $0x1  }
0xb3: {  	v31 =	vmul.f32 v30, v30;
	v0 =	vadd.f32 v1, v0;
	_ =	sdelay $0x1  }
0xb4: {  	v0 =	vadd.f32 v31, v0;
	_ =	sdelay $0x1  }
0xb5: {  	v1 =	vshrl.u32 v0, $0x1;
	v32 =	vmul.f32 $5.000000000e-01, v0  }
0xb6: {  	v1 =	vsub.s32 $0x5F3759DF, v1  }
0xb7: {  	v33 =	vmul.f32 v1, v32;
	_ =	sdelay $0x1  }
0xb8: {  	v3 =	vmul.f32 v1, v33;
	_ =	sdelay $0x1  }
0xb9: {  	v3 =	vsub.f32 $1.500000000e+00, v3;
	_ =	sdelay $0x1  }
0xba: {  	v1 =	vmul.f32 v1, v3;
	_ =	sdelay $0x1  }
0xbb: {  	v3 =	vmul.f32 v1, v32;
	_ =	sdelay $0x1  }
0xbc: {  	v3 =	vmul.f32 v3, v1;
	_ =	sdelay $0x1  }
0xbd: {  	v3 =	vsub.f32 $1.500000000e+00, v3;
	_ =	sdelay $0x1  }
0xbe: {  	v1 =	vmul.f32 v3, v1;
	_ =	sdelay $0x1  }
0xbf: {  	v2 =	vmul.f32 v1, v32;
	_ =	sdelay $0x1  }
0xc0: {  	v2 =	vmul.f32 v2, v1;
	_ =	sdelay $0x1  }
0xc1: {  	v2 =	vsub.f32 $1.500000000e+00, v2;
	_ =	sdelay $0x1  }
0xc2: {  	v1 =	vmul.f32 v2, v1;
	_ =	sdelay $0x1  }
0xc3: {  	v1 =	vmul.f32 v1, v0  }
0xc4: {  	vm12 =	vgt.f32 v0, $0.0e+00  }
0xc5: {  	v0 =	vnsel vm12, $0x0, v1  }
0xc6: {  	[tilespmem:$0xECC0] =	vst v0  }
0xc7: {  	v0 =	vld [tilespmem:s15+$0x50]  }
0xc8: {  	v34 =	vld [tilespmem:s15+$0x2850];
	_ =	sdelay $0x3  }
0xc9: {  	v0 =	vshll.u32 v0, $0x2  }
0xca: {  	v1 =	vshll.u32 v34, $0x2  }
0xcb: {  	v35 =	vor.u32 $0x1, v0  }
0xcc: {  	v36 =	vor.u32 $0x1, v1  }
0xcd: {  	v37 =	vor.u32 $0x2, v0  }
0xce: {  	v38 =	vor.u32 $0x2, v1;
	v0 =	vld.idx.msk [tilespmem:v0+s10+$0x0], $0xffff  }
0xcf: {  	v1 =	vld.idx.msk [tilespmem:v1+s10+$0x0], $0xffff  }
0xd0: {  	v2 =	vld.idx.msk [tilespmem:v35+s10+$0x0], $0xffff  }
0xd1: {  	v3 =	vld.idx.msk [tilespmem:v36+s10+$0x0], $0xffff  }
0xd2: {  	v4 =	vld.idx.msk [tilespmem:v37+s10+$0x0], $0xffff  }
0xd3: {  	v5 =	vld.idx.msk [tilespmem:v38+s10+$0x0], $0xffff;
	_ =	sdelay $0x2  }
0xd4: {  	v0 =	vsub.f32 v0, v1;
	v39 =	vsub.f32 v2, v3;
	_ =	sdelay $0x1  }
0xd5: {  	v40 =	vsub.f32 v4, v5;
	v0 =	vmul.f32 v0, v0;
	v1 =	vmul.f32 v39, v39;
	_ =	sdelay $0x1  }
0xd6: {  	v41 =	vmul.f32 v40, v40;
	v0 =	vadd.f32 v1, v0;
	_ =	sdelay $0x1  }
0xd7: {  	v0 =	vadd.f32 v41, v0;
	_ =	sdelay $0x1  }
0xd8: {  	v1 =	vshrl.u32 v0, $0x1;
	v42 =	vmul.f32 $5.000000000e-01, v0  }
0xd9: {  	v1 =	vsub.s32 $0x5F3759DF, v1  }
0xda: {  	v43 =	vmul.f32 v1, v42;
	_ =	sdelay $0x1  }
0xdb: {  	v3 =	vmul.f32 v1, v43;
	_ =	sdelay $0x1  }
0xdc: {  	v3 =	vsub.f32 $1.500000000e+00, v3;
	_ =	sdelay $0x1  }
0xdd: {  	v1 =	vmul.f32 v1, v3;
	_ =	sdelay $0x1  }
0xde: {  	v3 =	vmul.f32 v1, v42;
	_ =	sdelay $0x1  }
0xdf: {  	v3 =	vmul.f32 v3, v1;
	_ =	sdelay $0x1  }
0xe0: {  	v3 =	vsub.f32 $1.500000000e+00, v3;
	_ =	sdelay $0x1  }
0xe1: {  	v1 =	vmul.f32 v3, v1;
	_ =	sdelay $0x1  }
0xe2: {  	v2 =	vmul.f32 v1, v42;
	_ =	sdelay $0x1  }
0xe3: {  	v2 =	vmul.f32 v2, v1;
	_ =	sdelay $0x1  }
0xe4: {  	v2 =	vsub.f32 $1.500000000e+00, v2;
	_ =	sdelay $0x1  }
0xe5: {  	v1 =	vmul.f32 v2, v1;
	_ =	sdelay $0x1  }
0xe6: {  	v1 =	vmul.f32 v1, v0  }
0xe7: {  	vm13 =	vgt.f32 v0, $0.0e+00  }
0xe8: {  	v0 =	vnsel vm13, $0x0, v1  }
0xe9: {  	[tilespmem:$0xECD0] =	vst v0  }
0xea: {  	v0 =	vld [tilespmem:s15+$0x60]  }
0xeb: {  	v44 =	vld [tilespmem:s15+$0x2860];
	_ =	sdelay $0x3  }
0xec: {  	v0 =	vshll.u32 v0, $0x2  }
0xed: {  	v1 =	vshll.u32 v44, $0x2  }
0xee: {  	v45 =	vor.u32 $0x1, v0  }
0xef: {  	v46 =	vor.u32 $0x1, v1  }
0xf0: {  	v47 =	vor.u32 $0x2, v0  }
0xf1: {  	v48 =	vor.u32 $0x2, v1;
	v0 =	vld.idx.msk [tilespmem:v0+s10+$0x0], $0xffff  }
0xf2: {  	v1 =	vld.idx.msk [tilespmem:v1+s10+$0x0], $0xffff  }
0xf3: {  	v2 =	vld.idx.msk [tilespmem:v45+s10+$0x0], $0xffff  }
0xf4: {  	v3 =	vld.idx.msk [tilespmem:v46+s10+$0x0], $0xffff  }
0xf5: {  	v4 =	vld.idx.msk [tilespmem:v47+s10+$0x0], $0xffff  }
0xf6: {  	v5 =	vld.idx.msk [tilespmem:v48+s10+$0x0], $0xffff;
	_ =	sdelay $0x2  }
0xf7: {  	v0 =	vsub.f32 v0, v1;
	v49 =	vsub.f32 v2, v3;
	_ =	sdelay $0x1  }
0xf8: {  	v50 =	vsub.f32 v4, v5;
	v0 =	vmul.f32 v0, v0;
	v1 =	vmul.f32 v49, v49;
	_ =	sdelay $0x1  }
0xf9: {  	v51 =	vmul.f32 v50, v50;
	v0 =	vadd.f32 v1, v0;
	_ =	sdelay $0x1  }
0xfa: {  	v0 =	vadd.f32 v51, v0;
	_ =	sdelay $0x1  }
0xfb: {  	v1 =	vshrl.u32 v0, $0x1;
	v52 =	vmul.f32 $5.000000000e-01, v0  }
0xfc: {  	v1 =	vsub.s32 $0x5F3759DF, v1  }
0xfd: {  	v53 =	vmul.f32 v1, v52;
	_ =	sdelay $0x1  }
0xfe: {  	v3 =	vmul.f32 v1, v53;
	_ =	sdelay $0x1  }
0xff: {  	v3 =	vsub.f32 $1.500000000e+00, v3;
	_ =	sdelay $0x1  }
0x100: {  	v1 =	vmul.f32 v1, v3;
	_ =	sdelay $0x1  }
0x101: {  	v3 =	vmul.f32 v1, v52;
	_ =	sdelay $0x1  }
0x102: {  	v3 =	vmul.f32 v3, v1;
	_ =	sdelay $0x1  }
0x103: {  	v3 =	vsub.f32 $1.500000000e+00, v3;
	_ =	sdelay $0x1  }
0x104: {  	v1 =	vmul.f32 v3, v1;
	_ =	sdelay $0x1  }
0x105: {  	v2 =	vmul.f32 v1, v52;
	_ =	sdelay $0x1  }
0x106: {  	v2 =	vmul.f32 v2, v1;
	_ =	sdelay $0x1  }
0x107: {  	v2 =	vsub.f32 $1.500000000e+00, v2;
	_ =	sdelay $0x1  }
0x108: {  	v1 =	vmul.f32 v2, v1;
	_ =	sdelay $0x1  }
0x109: {  	v1 =	vmul.f32 v1, v0  }
0x10a: {  	vm14 =	vgt.f32 v0, $0.0e+00  }
0x10b: {  	v0 =	vnsel vm14, $0x0, v1  }
0x10c: {  	[tilespmem:$0xECE0] =	vst v0  }
0x10d: {  	v0 =	vld [tilespmem:s15+$0x70]  }
0x10e: {  	v54 =	vld [tilespmem:s15+$0x2870];
	_ =	sdelay $0x3  }
0x10f: {  	v0 =	vshll.u32 v0, $0x2  }
0x110: {  	v1 =	vshll.u32 v54, $0x2  }
0x111: {  	v55 =	vor.u32 $0x1, v0  }
0x112: {  	v56 =	vor.u32 $0x1, v1  }
0x113: {  	v57 =	vor.u32 $0x2, v0  }
0x114: {  	v58 =	vor.u32 $0x2, v1;
	v0 =	vld.idx.msk [tilespmem:v0+s10+$0x0], $0xffff  }
0x115: {  	v1 =	vld.idx.msk [tilespmem:v1+s10+$0x0], $0xffff  }
0x116: {  	v2 =	vld.idx.msk [tilespmem:v55+s10+$0x0], $0xffff  }
0x117: {  	v3 =	vld.idx.msk [tilespmem:v56+s10+$0x0], $0xffff  }
0x118: {  	v4 =	vld.idx.msk [tilespmem:v57+s10+$0x0], $0xffff  }
0x119: {  	v5 =	vld.idx.msk [tilespmem:v58+s10+$0x0], $0xffff;
	_ =	sdelay $0x2  }
0x11a: {  	v0 =	vsub.f32 v0, v1;
	v59 =	vsub.f32 v2, v3;
	_ =	sdelay $0x1  }
0x11b: {  	v60 =	vsub.f32 v4, v5;
	v0 =	vmul.f32 v0, v0;
	v1 =	vmul.f32 v59, v59;
	_ =	sdelay $0x1  }
0x11c: {  	v61 =	vmul.f32 v60, v60;
	v0 =	vadd.f32 v1, v0;
	_ =	sdelay $0x1  }
0x11d: {  	v0 =	vadd.f32 v61, v0;
	_ =	sdelay $0x1  }
0x11e: {  	v1 =	vshrl.u32 v0, $0x1;
	v62 =	vmul.f32 $5.000000000e-01, v0  }
0x11f: {  	v1 =	vsub.s32 $0x5F3759DF, v1  }
0x120: {  	v63 =	vmul.f32 v1, v62;
	_ =	sdelay $0x1  }
0x121: {  	v3 =	vmul.f32 v1, v63;
	_ =	sdelay $0x1  }
0x122: {  	v3 =	vsub.f32 $1.500000000e+00, v3;
	_ =	sdelay $0x1  }
0x123: {  	v1 =	vmul.f32 v1, v3;
	_ =	sdelay $0x1  }
0x124: {  	v3 =	vmul.f32 v1, v62;
	_ =	sdelay $0x1  }
0x125: {  	v3 =	vmul.f32 v3, v1;
	_ =	sdelay $0x1  }
0x126: {  	v3 =	vsub.f32 $1.500000000e+00, v3;
	_ =	sdelay $0x1  }
0x127: {  	v1 =	vmul.f32 v3, v1;
	_ =	sdelay $0x1  }
0x128: {  	v2 =	vmul.f32 v1, v62;
	_ =	sdelay $0x1  }
0x129: {  	v2 =	vmul.f32 v2, v1;
	_ =	sdelay $0x1  }
0x12a: {  	v2 =	vsub.f32 $1.500000000e+00, v2;
	_ =	sdelay $0x1  }
0x12b: {  	v1 =	vmul.f32 v2, v1;
	_ =	sdelay $0x1  }
0x12c: {  	v1 =	vmul.f32 v1, v0  }
0x12d: {  	vm15 =	vgt.f32 v0, $0.0e+00  }
0x12e: {  	p0 =	sne.s32 s14, $0x9E00;
	v0 =	vnsel vm15, $0x0, v1  }
.Ltmp0:
0x12f: {  	[tilespmem:$0xECF0] =	vst v0;
	(pc) =	sbr.rel @p0 .LBB2_2-.Ltmp0, $4  }
0x130: {  	[hbm4b:s13+s2] =	stream.linear.scatter [tilespmem:s11], [sflag:$0x1], $0x80, $0x38;
	[tilespmem:$0xED00] =	vst v63  }
0x131: {  	_ =	swait.ge [sflag:s8], $0x80  }
0x132: {  	[sflag:s8] =	ssyncset.done $0x0  }
0x133: {  	s14 =	sadd.s32 $0x200, s14;
	s13 =	sadd.s32 $0x10, s13;
	[sflag:s8] =	ssyncadd.s32 $0xFFFFFF80  }
0x134: {  	s12 =	sadd.s32 $0x1, s12  }
0x135: {  	p0 =	sne.s32 s12, s6  }
.Ltmp1:
0x136: {  	_ = 	snop;
	(pc) =	sbr.rel @p0 .LBB2_1-.Ltmp1, $1  }
0x137: {  	_ =	sdelay $0x3  }
0x138: {  	_ =	sfence.sel $0x180000  }
0x139: {  	[bflag:$0x0] =	sbarrier.arrive $0xFFFF  }
0x13a: {  	p0 =	sne.s32 s1, $0x0;
	_ =	strace $0x90000047  }
0x13b: {  	s0 =	sadd.s32 @!p0 $0x100000, s0;
	[bflag:$0x2] =	sbarrier.arrive $0xFFFF  }
0x13c: {  	[sflag:s0] =	ssyncadd.tile.s32 @!p0 $0x1;
	_ =	shalt  }
.Lfunc_end2:
_tile_overlayer_lowered:
.L_overlay_start_2:
0x13d: {  	(tag) =	ssettag $0x2  }
0x13e: {  	s0 =	rddreg [dreg:$0x0];
	s2 =	stileid.u32  }
0x13f: {  	s1 =	rddreg [dreg:$0x1];
	p0 =	sne.s32 s2, $0x0  }
0x140: {  	s3 =	rddreg [dreg:$0x2];
	[bflag:$0x3] =	sbarrier.arrive $0xFFFF;
	s2 =	simm.s32 @!p0 $0x1C01  }
0x141: {  	[timem:s3], [sflag:s2] =	dma.local @!p0 [hbm:s0], s1  }
0x142: {  	s0 =	simm.s32 @!p0 $0x1  }
0x143: {  	_ =	swait.ge @!p0 [sflag:s0], s1  }
0x144: {  	s1 =	ssub.s32 @!p0 $0x0, s1;
	[sflag:s0] =	ssyncset.done @!p0 $0x0  }
0x145: {  	[sflag:s0] =	ssyncadd.s32 @!p0 s1  }
0x146: {  	[bflag:$0x3] =	sbarrier.arrive $0xFFFF  }
0x147: {  	_ =	shalt  }

</sc_bundles>
